<compile_context>
chip_gen: v7x
topology: tpu7x:2x2x1
jax: 0.10.2.dev20260603
libtpu: 0.0.44.dev20260713+nightly
codegen_flags: <defaults>
</compile_context>

<pallas_src>
import functools

import jax
import jax.numpy as jnp
from jax import lax
from jax.experimental import pallas as pl
from jax.experimental.pallas import tpu as pltpu
from jax.experimental.pallas import tpu_sc as plsc

N = 10000
NPAD = 10240
E = 320000
G = 64
SUB = 16
LN = 128
NCH = 160
EPAD = SUB * NCH * LN
ROWS_PER_SUB = NPAD // SUB
HPREC = lax.Precision.HIGHEST


def _sc_mesh():
    return plsc.VectorSubcoreMesh(core_axis_name="c", subcore_axis_name="s")


def _agg_body(tbl, comb, i0, i1, g0, g1, acc,
              semi0, semi1, semg0, semg1, base, npairs):
    limit = base + 2 * npairs
    pltpu.async_copy(comb.at[base], i0, semi0)
    pltpu.async_copy(comb.at[base + 1], i1, semi1)
    pltpu.make_async_copy(comb.at[base], i0, semi0).wait()
    pltpu.async_copy(tbl.at[i0.at[0]], g0, semg0)
    pltpu.make_async_copy(comb.at[base + 1], i1, semi1).wait()
    pltpu.async_copy(tbl.at[i1.at[0]], g1, semg1)

    @pl.loop(0, npairs)
    def _(p):
        j0 = base + 2 * p
        j1 = j0 + 1
        pltpu.make_async_copy(tbl.at[i0.at[0]], g0, semg0).wait()
        pltpu.sync_copy(g0, acc.at[i0.at[1]], add=True)

        @pl.when(j0 + 2 < limit)
        def _():
            pltpu.async_copy(comb.at[j0 + 2], i0, semi0)

        pltpu.make_async_copy(tbl.at[i1.at[0]], g1, semg1).wait()
        pltpu.sync_copy(g1, acc.at[i1.at[1]], add=True)

        @pl.when(j1 + 2 < limit)
        def _():
            pltpu.async_copy(comb.at[j1 + 2], i1, semi1)

        @pl.when(j0 + 2 < limit)
        def _():
            pltpu.make_async_copy(comb.at[j0 + 2], i0, semi0).wait()
            pltpu.async_copy(tbl.at[i0.at[0]], g0, semg0)

        @pl.when(j1 + 2 < limit)
        def _():
            pltpu.make_async_copy(comb.at[j1 + 2], i1, semi1).wait()
            pltpu.async_copy(tbl.at[i1.at[0]], g1, semg1)


_SC_SCRATCH = [
    pltpu.VMEM((2, LN), jnp.int32),
    pltpu.VMEM((2, LN), jnp.int32),
    pltpu.VMEM((LN, 128), jnp.float32),
    pltpu.VMEM((LN, 128), jnp.float32),
    pltpu.VMEM_SHARED((NPAD, 128), jnp.float32),
    pltpu.SemaphoreType.DMA,
    pltpu.SemaphoreType.DMA,
    pltpu.SemaphoreType.DMA,
    pltpu.SemaphoreType.DMA,
]


def _sc_agg_halves(table2, comb4, zrows):

    @functools.partial(
        pl.kernel,
        out_type=jax.ShapeDtypeStruct((2, NPAD, 128), jnp.float32),
        mesh=_sc_mesh(),
        scratch_types=list(_SC_SCRATCH),
    )
    def k(tbl_hbm, comb_hbm, z_hbm, out_hbm,
          i0, i1, g0, g1, acc, semi0, semi1, semg0, semg1):
        c = lax.axis_index("c")
        s = lax.axis_index("s")
        pltpu.sync_copy(z_hbm, acc.at[pl.ds(s * ROWS_PER_SUB, ROWS_PER_SUB)])
        plsc.subcore_barrier()
        _agg_body(tbl_hbm.at[c], comb_hbm.at[s], i0, i1, g0, g1, acc,
                  semi0, semi1, semg0, semg1, 0, NCH // 2)
        plsc.subcore_barrier()
        pltpu.sync_copy(acc.at[pl.ds(s * ROWS_PER_SUB, ROWS_PER_SUB)],
                        out_hbm.at[c].at[pl.ds(s * ROWS_PER_SUB, ROWS_PER_SUB)])

    return k(table2, comb4, zrows)


def _sc_agg_partials(table, comb4, zrows):

    @functools.partial(
        pl.kernel,
        out_type=jax.ShapeDtypeStruct((2, NPAD, 128), jnp.float32),
        mesh=_sc_mesh(),
        scratch_types=list(_SC_SCRATCH),
    )
    def k(tbl_hbm, comb_hbm, z_hbm, out_hbm,
          i0, i1, g0, g1, acc, semi0, semi1, semg0, semg1):
        c = lax.axis_index("c")
        s = lax.axis_index("s")
        pltpu.sync_copy(z_hbm, acc.at[pl.ds(s * ROWS_PER_SUB, ROWS_PER_SUB)])
        plsc.subcore_barrier()
        _agg_body(tbl_hbm, comb_hbm.at[s], i0, i1, g0, g1, acc,
                  semi0, semi1, semg0, semg1, c * (NCH // 2), NCH // 4)
        plsc.subcore_barrier()
        pltpu.sync_copy(acc.at[pl.ds(s * ROWS_PER_SUB, ROWS_PER_SUB)],
                        out_hbm.at[c].at[pl.ds(s * ROWS_PER_SUB, ROWS_PER_SUB)])

    return k(table, comb4, zrows)


def _tc_layer0(part, x, WrT, WtT, b):

    def body(p_ref, x_ref, wr_ref, wt_ref, b_ref, o_ref):
        agg = p_ref[0] + p_ref[1]
        out = (jnp.dot(agg, wr_ref[...]) + b_ref[...]
               + jnp.dot(x_ref[...], wt_ref[...]))
        out = jnp.maximum(out, 0.0)
        o_ref[0, :, :] = out[:, :128]
        o_ref[1, :, :] = out[:, 128:]

    return pl.pallas_call(
        body,
        grid=(NPAD // 256,),
        in_specs=[
            pl.BlockSpec((2, 256, 128), lambda i: (0, i, 0)),
            pl.BlockSpec((256, 128), lambda i: (i, 0)),
            pl.BlockSpec((128, 256), lambda i: (0, 0)),
            pl.BlockSpec((128, 256), lambda i: (0, 0)),
            pl.BlockSpec((1, 256), lambda i: (0, 0)),
        ],
        out_specs=pl.BlockSpec((2, 256, 128), lambda i: (0, i, 0)),
        out_shape=jax.ShapeDtypeStruct((2, NPAD, 128), jnp.float32),
    )(part, x, WrT, WtT, b)


def _tc_layer(agg, h, WrT, WtT, b, relu):

    def body(a_ref, h_ref, wr_ref, wt_ref, b_ref, o_ref):
        acat = jnp.concatenate([a_ref[0], a_ref[1]], axis=1)
        hcat = jnp.concatenate([h_ref[0], h_ref[1]], axis=1)
        out = (jnp.dot(acat, wr_ref[...]) + b_ref[...]
               + jnp.dot(hcat, wt_ref[...]))
        if relu:
            out = jnp.maximum(out, 0.0)
        o_ref[0, :, :] = out[:, :128]
        o_ref[1, :, :] = out[:, 128:]

    return pl.pallas_call(
        body,
        grid=(NPAD // 256,),
        in_specs=[
            pl.BlockSpec((2, 256, 128), lambda i: (0, i, 0)),
            pl.BlockSpec((2, 256, 128), lambda i: (0, i, 0)),
            pl.BlockSpec((256, 256), lambda i: (0, 0)),
            pl.BlockSpec((256, 256), lambda i: (0, 0)),
            pl.BlockSpec((1, 256), lambda i: (0, 0)),
        ],
        out_specs=pl.BlockSpec((2, 256, 128), lambda i: (0, i, 0)),
        out_shape=jax.ShapeDtypeStruct((2, NPAD, 128), jnp.float32),
    )(agg, h, WrT, WtT, b)


def _tc_pool(h, batch3, w_out, b_out):
    nblk = NPAD // 256

    def body(h_ref, b_ref, w_ref, bo_ref, o_ref, sums, counts):
        i = pl.program_id(0)

        @pl.when(i == 0)
        def _():
            sums[...] = jnp.zeros_like(sums)
            counts[...] = jnp.zeros_like(counts)

        hcat = jnp.concatenate([h_ref[0], h_ref[1]], axis=1)
        bt = b_ref[0, 0, :]
        gid = lax.broadcasted_iota(jnp.int32, (G, 256), 0)
        onehot = (gid == bt[None, :]).astype(jnp.float32)
        sums[...] += jnp.dot(onehot, hcat, precision=HPREC)
        counts[...] += jnp.sum(onehot, axis=1, keepdims=True)

        @pl.when(i == nblk - 1)
        def _():
            cnt = jnp.maximum(counts[:, 0:1], 1.0)
            pooled = sums[...] / cnt
            pb = pooled.astype(jnp.bfloat16).astype(jnp.float32)
            wb = w_ref[...].astype(jnp.bfloat16).astype(jnp.float32)
            val = jnp.sum(pb * wb, axis=1, keepdims=True)
            o_ref[...] = val + bo_ref[...]

    return pl.pallas_call(
        body,
        grid=(nblk,),
        in_specs=[
            pl.BlockSpec((2, 256, 128), lambda i: (0, i, 0)),
            pl.BlockSpec((1, 1, 256), lambda i: (i, 0, 0)),
            pl.BlockSpec((1, 256), lambda i: (0, 0)),
            pl.BlockSpec((1, 1), lambda i: (0, 0)),
        ],
        out_specs=pl.BlockSpec((G, 1), lambda i: (0, 0)),
        out_shape=jax.ShapeDtypeStruct((G, 1), jnp.float32),
        scratch_shapes=[
            pltpu.VMEM((G, 256), jnp.float32),
            pltpu.VMEM((G, 128), jnp.float32),
        ],
    )(h, batch3, w_out, b_out)


def kernel(x, edge_index, batch, params):
    layers = params["layers"]
    src = edge_index[0]
    dst = edge_index[1]
    src3 = jnp.concatenate(
        [src, jnp.zeros((EPAD - E,), jnp.int32)]).reshape(SUB, NCH, LN)
    dst3 = jnp.concatenate(
        [dst, jnp.full((EPAD - E,), NPAD - 1, jnp.int32)]).reshape(SUB, NCH, LN)
    comb4 = jnp.stack([src3, dst3], axis=2)
    zrows = jnp.zeros((ROWS_PER_SUB, 128), jnp.float32)
    x_pad = jnp.zeros((NPAD, 128), jnp.float32).at[:N].set(x)
    batch3 = jnp.concatenate(
        [batch, jnp.full((NPAD - N,), G, jnp.int32)]).reshape(NPAD // 256, 1, 256)

    W_rel, b_rel, W_root = layers[0]
    part = _sc_agg_partials(x_pad, comb4, zrows)
    h = _tc_layer0(part, x_pad, W_rel.T, W_root.T, b_rel.reshape(1, -1))

    for i in range(1, len(layers)):
        W_rel, b_rel, W_root = layers[i]
        agg = _sc_agg_halves(h, comb4, zrows)
        h = _tc_layer(agg, h, W_rel.T, W_root.T, b_rel.reshape(1, -1),
                      relu=(i < len(layers) - 1))

    out = _tc_pool(h, batch3, params["W_out"], params["b_out"].reshape(1, 1))
    return out.reshape(-1)

# --- scband reference (transcript-rebuilt; emitter-appended) ---
"""Pipeline reference for scband-gcn-21165598834702 (READ-ONLY COPY).

The authoritative reference and input builder live on the scoring server;
editing this copy changes nothing except your own understanding.
"""

import jax, jax.numpy as jnp
import numpy as np

N = 10000
E = 320000
F_IN = 128
H = 256
G = 64  # number of graphs in the batch vector


def _init_linear(key, din, dout, bias=True, uniform_w=False):
    kw, kb = jax.random.split(key)
    bound = 1.0 / np.sqrt(din)
    if uniform_w:
        W = jax.random.uniform(kw, (dout, din), dtype=jnp.float32, minval=0.0, maxval=1.0)
    else:
        W = jax.random.uniform(kw, (dout, din), dtype=jnp.float32, minval=-bound, maxval=bound)
    if bias:
        b = jax.random.uniform(kb, (dout,), dtype=jnp.float32, minval=-bound, maxval=bound)
        return W, b
    return W


def setup_inputs(seed: int = 0) -> dict:
    key = jax.random.key(seed)
    ks = jax.random.split(key, 20)
    x = jax.random.normal(ks[0], (N, F_IN), dtype=jnp.float32)
    edge_index = jax.random.randint(ks[1], (2, E), 0, N, dtype=jnp.int32)
    batch = jnp.sort(jax.random.randint(ks[2], (N,), 0, G, dtype=jnp.int32))
    dims = [(F_IN, H)] + [(H, H)] * 6
    layers = []
    for i, (din, dout) in enumerate(dims):
        k1, k2 = jax.random.split(ks[3 + i])
        W_rel, b_rel = _init_linear(k1, din, dout, bias=True)
        W_root = _init_linear(k2, din, dout, bias=False)
        layers.append((W_rel, b_rel, W_root))
    W_out, b_out = _init_linear(ks[12], H, 1, bias=True, uniform_w=True)
    params = {"layers": layers, "W_out": W_out, "b_out": b_out}
    return {"x": x, "edge_index": edge_index, "batch": batch, "params": params}


def reference(x, edge_index, batch, params):
    # PyG GraphConv (aggr='add'): out_i = W_rel @ sum_{j in N(i)} x_j + b_rel + W_root @ x_i
    src = edge_index[0]
    dst = edge_index[1]
    h = x
    n_layers = len(params["layers"])
    for i, (W_rel, b_rel, W_root) in enumerate(params["layers"]):
        msgs = jnp.take(h, src, axis=0)                      # gather x_j
        agg = jax.ops.segment_sum(msgs, dst, num_segments=N)  # scatter-add to dst
        h = agg @ W_rel.T + b_rel + h @ W_root.T
        if i < n_layers - 1:
            h = jax.nn.relu(h)
    # global_mean_pool over batch ids
    sums = jax.ops.segment_sum(h, batch, num_segments=G)
    counts = jax.ops.segment_sum(jnp.ones((N, 1), dtype=h.dtype), batch, num_segments=G)
    pooled = sums / jnp.maximum(counts, 1.0)
    # dropout with p_drop=0.0 is identity
    out = pooled @ params["W_out"].T + params["b_out"]
    return out.reshape(-1)

if __name__ == "__main__":
    import jax
    _d = setup_inputs()
    print(jax.jit(kernel)(*tuple(_d.values())))

</pallas_src>

<mosaic_0001>
#map = affine_map<(d0, d1) -> (0, 0, 0)>
#map1 = affine_map<(d0, d1) -> (0, 0, 0, 0)>
#map2 = affine_map<(d0, d1) -> (0, 0)>
module attributes {stable_mosaic.version = 14 : i64} {
  func.func @k(%arg0: i32, %arg1: i32, %arg2: memref<2x10240x128xf32, #tpu.memory_space<hbm>>, %arg3: memref<16x160x2x128xi32, #tpu.memory_space<hbm>>, %arg4: memref<640x128xf32, #tpu.memory_space<hbm>>, %arg5: memref<2x10240x128xf32, #tpu.memory_space<hbm>>, %arg6: memref<2x128xi32, #tpu.memory_space<vmem>>, %arg7: memref<2x128xi32, #tpu.memory_space<vmem>>, %arg8: memref<128x128xf32, #tpu.memory_space<vmem>>, %arg9: memref<128x128xf32, #tpu.memory_space<vmem>>, %arg10: memref<10240x128xf32, #tpu.memory_space<vmem_shared>>, %arg11: memref<!tpu.dma_semaphore, #tpu.memory_space<semaphore_mem>>, %arg12: memref<!tpu.dma_semaphore, #tpu.memory_space<semaphore_mem>>, %arg13: memref<!tpu.dma_semaphore, #tpu.memory_space<semaphore_mem>>, %arg14: memref<!tpu.dma_semaphore, #tpu.memory_space<semaphore_mem>>) attributes {dimension_semantics = [#tpu.dimension_semantics<core_parallel>, #tpu.dimension_semantics<subcore_parallel>], iteration_bounds = array<i64: 2, 16>, scalar_prefetch = 0 : i64, scratch_operands = 9 : i64, tpu.core_type = #tpu.core_type<sc_vector_subcore>, window_params = [{transform_indices = #map}, {transform_indices = #map1}, {transform_indices = #map2}, {transform_indices = #map}]} {
    %mul3A = arith.constant 640 : i32
    %mul3A_0 = arith.muli %arg1, %mul3A : i32
    "tpu.region"() ({
      %run_scoped3A = tpu.sem_alloc : memref<!tpu.dma_semaphore, #tpu.memory_space<semaphore_mem>>
      %dma_start3A_106 = arith.constant 0 : i32
      %dma_start3A_107 = tpu.memref_slice %arg10[%mul3A_0, %dma_start3A_106] : memref<10240x128xf32, #tpu.memory_space<vmem_shared>> -> memref<640x128xf32, #tpu.memory_space<vmem_shared>>
      tpu.enqueue_dma source(%arg4 : memref<640x128xf32, #tpu.memory_space<hbm>>) target(%dma_start3A_107 : memref<640x128xf32, #tpu.memory_space<vmem_shared>>) target_semaphore(%run_scoped3A : memref<!tpu.dma_semaphore, #tpu.memory_space<semaphore_mem>>)
      %dma_wait3A_108 = arith.constant 0 : i32
      %dma_wait3A_109 = tpu.memref_slice %arg10[%mul3A_0, %dma_wait3A_108] : memref<10240x128xf32, #tpu.memory_space<vmem_shared>> -> memref<640x128xf32, #tpu.memory_space<vmem_shared>>
      tpu.wait_dma2 semaphore(%run_scoped3A : memref<!tpu.dma_semaphore, #tpu.memory_space<semaphore_mem>>) src(%arg4 : memref<640x128xf32, #tpu.memory_space<hbm>>) dst(%dma_wait3A_109 : memref<640x128xf32, #tpu.memory_space<vmem_shared>>)
      tpu.yield
    }) : () -> ()
    %barrier3A = arith.constant 0 : index
    tpu.barrier barrier_id(%barrier3A)
    %dma_start3A = arith.constant 0 : i32
    %dma_start3A_1 = arith.constant 0 : i32
    %dma_start3A_2 = arith.constant 0 : i32
    %dma_start3A_3 = arith.constant 0 : i32
    %dma_start3A_4 = tpu.memref_slice %arg3[%arg1, %dma_start3A_1, %dma_start3A_2, %dma_start3A_3] : memref<16x160x2x128xi32, #tpu.memory_space<hbm>> -> memref<1x160x2x128xi32, #tpu.memory_space<hbm>>
    %dma_start3A_5 = tpu.memref_squeeze %dma_start3A_4 : memref<1x160x2x128xi32, #tpu.memory_space<hbm>> -> memref<160x2x128xi32, #tpu.memory_space<hbm>>
    %dma_start3A_6 = arith.constant 0 : i32
    %dma_start3A_7 = arith.constant 0 : i32
    %dma_start3A_8 = tpu.memref_slice %dma_start3A_5[%dma_start3A, %dma_start3A_6, %dma_start3A_7] : memref<160x2x128xi32, #tpu.memory_space<hbm>> -> memref<1x2x128xi32, #tpu.memory_space<hbm>>
    %dma_start3A_9 = tpu.memref_squeeze %dma_start3A_8 : memref<1x2x128xi32, #tpu.memory_space<hbm>> -> memref<2x128xi32, #tpu.memory_space<hbm>>
    %dma_start3A_10 = arith.constant 0 : i32
    %dma_start3A_11 = arith.constant 0 : i32
    %dma_start3A_12 = arith.constant 0 : i32
    %dma_start3A_13 = tpu.memref_slice %arg3[%arg1, %dma_start3A_10, %dma_start3A_11, %dma_start3A_12] : memref<16x160x2x128xi32, #tpu.memory_space<hbm>> -> memref<1x160x2x128xi32, #tpu.memory_space<hbm>>
    %dma_start3A_14 = tpu.memref_squeeze %dma_start3A_13 : memref<1x160x2x128xi32, #tpu.memory_space<hbm>> -> memref<160x2x128xi32, #tpu.memory_space<hbm>>
    %dma_start3A_15 = arith.constant 0 : i32
    %dma_start3A_16 = arith.constant 0 : i32
    %dma_start3A_17 = tpu.memref_slice %dma_start3A_14[%dma_start3A, %dma_start3A_15, %dma_start3A_16] : memref<160x2x128xi32, #tpu.memory_space<hbm>> -> memref<1x2x128xi32, #tpu.memory_space<hbm>>
    %dma_start3A_18 = tpu.memref_squeeze %dma_start3A_17 : memref<1x2x128xi32, #tpu.memory_space<hbm>> -> memref<2x128xi32, #tpu.memory_space<hbm>>
    tpu.enqueue_dma source(%dma_start3A_18 : memref<2x128xi32, #tpu.memory_space<hbm>>) target(%arg6 : memref<2x128xi32, #tpu.memory_space<vmem>>) target_semaphore(%arg11 : memref<!tpu.dma_semaphore, #tpu.memory_space<semaphore_mem>>)
    %dma_start3A_19 = arith.constant 1 : i32
    %dma_start3A_20 = arith.constant 0 : i32
    %dma_start3A_21 = arith.constant 0 : i32
    %dma_start3A_22 = arith.constant 0 : i32
    %dma_start3A_23 = tpu.memref_slice %arg3[%arg1, %dma_start3A_20, %dma_start3A_21, %dma_start3A_22] : memref<16x160x2x128xi32, #tpu.memory_space<hbm>> -> memref<1x160x2x128xi32, #tpu.memory_space<hbm>>
    %dma_start3A_24 = tpu.memref_squeeze %dma_start3A_23 : memref<1x160x2x128xi32, #tpu.memory_space<hbm>> -> memref<160x2x128xi32, #tpu.memory_space<hbm>>
    %dma_start3A_25 = arith.constant 0 : i32
    %dma_start3A_26 = arith.constant 0 : i32
    %dma_start3A_27 = tpu.memref_slice %dma_start3A_24[%dma_start3A_19, %dma_start3A_25, %dma_start3A_26] : memref<160x2x128xi32, #tpu.memory_space<hbm>> -> memref<1x2x128xi32, #tpu.memory_space<hbm>>
    %dma_start3A_28 = tpu.memref_squeeze %dma_start3A_27 : memref<1x2x128xi32, #tpu.memory_space<hbm>> -> memref<2x128xi32, #tpu.memory_space<hbm>>
    %dma_start3A_29 = arith.constant 0 : i32
    %dma_start3A_30 = arith.constant 0 : i32
    %dma_start3A_31 = arith.constant 0 : i32
    %dma_start3A_32 = tpu.memref_slice %arg3[%arg1, %dma_start3A_29, %dma_start3A_30, %dma_start3A_31] : memref<16x160x2x128xi32, #tpu.memory_space<hbm>> -> memref<1x160x2x128xi32, #tpu.memory_space<hbm>>
    %dma_start3A_33 = tpu.memref_squeeze %dma_start3A_32 : memref<1x160x2x128xi32, #tpu.memory_space<hbm>> -> memref<160x2x128xi32, #tpu.memory_space<hbm>>
    %dma_start3A_34 = arith.constant 0 : i32
    %dma_start3A_35 = arith.constant 0 : i32
    %dma_start3A_36 = tpu.memref_slice %dma_start3A_33[%dma_start3A_19, %dma_start3A_34, %dma_start3A_35] : memref<160x2x128xi32, #tpu.memory_space<hbm>> -> memref<1x2x128xi32, #tpu.memory_space<hbm>>
    %dma_start3A_37 = tpu.memref_squeeze %dma_start3A_36 : memref<1x2x128xi32, #tpu.memory_space<hbm>> -> memref<2x128xi32, #tpu.memory_space<hbm>>
    tpu.enqueue_dma source(%dma_start3A_37 : memref<2x128xi32, #tpu.memory_space<hbm>>) target(%arg7 : memref<2x128xi32, #tpu.memory_space<vmem>>) target_semaphore(%arg12 : memref<!tpu.dma_semaphore, #tpu.memory_space<semaphore_mem>>)
    %dma_wait3A = arith.constant 0 : i32
    %dma_wait3A_38 = arith.constant 0 : i32
    %dma_wait3A_39 = arith.constant 0 : i32
    %dma_wait3A_40 = arith.constant 0 : i32
    %dma_wait3A_41 = tpu.memref_slice %arg3[%arg1, %dma_wait3A_38, %dma_wait3A_39, %dma_wait3A_40] : memref<16x160x2x128xi32, #tpu.memory_space<hbm>> -> memref<1x160x2x128xi32, #tpu.memory_space<hbm>>
    %dma_wait3A_42 = tpu.memref_squeeze %dma_wait3A_41 : memref<1x160x2x128xi32, #tpu.memory_space<hbm>> -> memref<160x2x128xi32, #tpu.memory_space<hbm>>
    %dma_wait3A_43 = arith.constant 0 : i32
    %dma_wait3A_44 = arith.constant 0 : i32
    %dma_wait3A_45 = tpu.memref_slice %dma_wait3A_42[%dma_wait3A, %dma_wait3A_43, %dma_wait3A_44] : memref<160x2x128xi32, #tpu.memory_space<hbm>> -> memref<1x2x128xi32, #tpu.memory_space<hbm>>
    %dma_wait3A_46 = tpu.memref_squeeze %dma_wait3A_45 : memref<1x2x128xi32, #tpu.memory_space<hbm>> -> memref<2x128xi32, #tpu.memory_space<hbm>>
    %dma_wait3A_47 = arith.constant 0 : i32
    %dma_wait3A_48 = arith.constant 0 : i32
    %dma_wait3A_49 = arith.constant 0 : i32
    %dma_wait3A_50 = tpu.memref_slice %arg3[%arg1, %dma_wait3A_47, %dma_wait3A_48, %dma_wait3A_49] : memref<16x160x2x128xi32, #tpu.memory_space<hbm>> -> memref<1x160x2x128xi32, #tpu.memory_space<hbm>>
    %dma_wait3A_51 = tpu.memref_squeeze %dma_wait3A_50 : memref<1x160x2x128xi32, #tpu.memory_space<hbm>> -> memref<160x2x128xi32, #tpu.memory_space<hbm>>
    %dma_wait3A_52 = arith.constant 0 : i32
    %dma_wait3A_53 = arith.constant 0 : i32
    %dma_wait3A_54 = tpu.memref_slice %dma_wait3A_51[%dma_wait3A, %dma_wait3A_52, %dma_wait3A_53] : memref<160x2x128xi32, #tpu.memory_space<hbm>> -> memref<1x2x128xi32, #tpu.memory_space<hbm>>
    %dma_wait3A_55 = tpu.memref_squeeze %dma_wait3A_54 : memref<1x2x128xi32, #tpu.memory_space<hbm>> -> memref<2x128xi32, #tpu.memory_space<hbm>>
    tpu.wait_dma2 semaphore(%arg11 : memref<!tpu.dma_semaphore, #tpu.memory_space<semaphore_mem>>) src(%dma_wait3A_55 : memref<2x128xi32, #tpu.memory_space<hbm>>) dst(%arg6 : memref<2x128xi32, #tpu.memory_space<vmem>>)
    %dma_start3A_56 = arith.constant 0 : i32
    %dma_start3A_57 = arith.constant 0 : i32
    %dma_start3A_58 = tpu.memref_slice %arg6[%dma_start3A_56, %dma_start3A_57] : memref<2x128xi32, #tpu.memory_space<vmem>> -> memref<1x128xi32, #tpu.memory_space<vmem>>
    %dma_start3A_59 = tpu.memref_squeeze %dma_start3A_58 : memref<1x128xi32, #tpu.memory_space<vmem>> -> memref<128xi32, #tpu.memory_space<vmem>>
    %dma_start3A_60 = arith.constant 0 : i32
    %dma_start3A_61 = arith.constant 0 : i32
    %dma_start3A_62 = tpu.memref_slice %arg2[%arg0, %dma_start3A_60, %dma_start3A_61] : memref<2x10240x128xf32, #tpu.memory_space<hbm>> -> memref<1x10240x128xf32, #tpu.memory_space<hbm>>
    %dma_start3A_63 = tpu.memref_squeeze %dma_start3A_62 : memref<1x10240x128xf32, #tpu.memory_space<hbm>> -> memref<10240x128xf32, #tpu.memory_space<hbm>>
    %dma_start3A_64 = arith.constant 0 : i32
    %dma_start3A_65 = arith.constant 0 : i32
    %dma_start3A_66 = tpu.memref_slice %dma_start3A_63[%dma_start3A_64, %dma_start3A_65] : memref<10240x128xf32, #tpu.memory_space<hbm>> -> memref<10240x128xf32, #tpu.memory_space<hbm>>
    tpu.enqueue_indirect_dma source(%dma_start3A_66 : memref<10240x128xf32, #tpu.memory_space<hbm>>) target(%arg8 : memref<128x128xf32, #tpu.memory_space<vmem>>) offsets(%dma_start3A_59 : memref<128xi32, #tpu.memory_space<vmem>>) semaphore(%arg13 : memref<!tpu.dma_semaphore, #tpu.memory_space<semaphore_mem>>)
    %dma_wait3A_67 = arith.constant 1 : i32
    %dma_wait3A_68 = arith.constant 0 : i32
    %dma_wait3A_69 = arith.constant 0 : i32
    %dma_wait3A_70 = arith.constant 0 : i32
    %dma_wait3A_71 = tpu.memref_slice %arg3[%arg1, %dma_wait3A_68, %dma_wait3A_69, %dma_wait3A_70] : memref<16x160x2x128xi32, #tpu.memory_space<hbm>> -> memref<1x160x2x128xi32, #tpu.memory_space<hbm>>
    %dma_wait3A_72 = tpu.memref_squeeze %dma_wait3A_71 : memref<1x160x2x128xi32, #tpu.memory_space<hbm>> -> memref<160x2x128xi32, #tpu.memory_space<hbm>>
    %dma_wait3A_73 = arith.constant 0 : i32
    %dma_wait3A_74 = arith.constant 0 : i32
    %dma_wait3A_75 = tpu.memref_slice %dma_wait3A_72[%dma_wait3A_67, %dma_wait3A_73, %dma_wait3A_74] : memref<160x2x128xi32, #tpu.memory_space<hbm>> -> memref<1x2x128xi32, #tpu.memory_space<hbm>>
    %dma_wait3A_76 = tpu.memref_squeeze %dma_wait3A_75 : memref<1x2x128xi32, #tpu.memory_space<hbm>> -> memref<2x128xi32, #tpu.memory_space<hbm>>
    %dma_wait3A_77 = arith.constant 0 : i32
    %dma_wait3A_78 = arith.constant 0 : i32
    %dma_wait3A_79 = arith.constant 0 : i32
    %dma_wait3A_80 = tpu.memref_slice %arg3[%arg1, %dma_wait3A_77, %dma_wait3A_78, %dma_wait3A_79] : memref<16x160x2x128xi32, #tpu.memory_space<hbm>> -> memref<1x160x2x128xi32, #tpu.memory_space<hbm>>
    %dma_wait3A_81 = tpu.memref_squeeze %dma_wait3A_80 : memref<1x160x2x128xi32, #tpu.memory_space<hbm>> -> memref<160x2x128xi32, #tpu.memory_space<hbm>>
    %dma_wait3A_82 = arith.constant 0 : i32
    %dma_wait3A_83 = arith.constant 0 : i32
    %dma_wait3A_84 = tpu.memref_slice %dma_wait3A_81[%dma_wait3A_67, %dma_wait3A_82, %dma_wait3A_83] : memref<160x2x128xi32, #tpu.memory_space<hbm>> -> memref<1x2x128xi32, #tpu.memory_space<hbm>>
    %dma_wait3A_85 = tpu.memref_squeeze %dma_wait3A_84 : memref<1x2x128xi32, #tpu.memory_space<hbm>> -> memref<2x128xi32, #tpu.memory_space<hbm>>
    tpu.wait_dma2 semaphore(%arg12 : memref<!tpu.dma_semaphore, #tpu.memory_space<semaphore_mem>>) src(%dma_wait3A_85 : memref<2x128xi32, #tpu.memory_space<hbm>>) dst(%arg7 : memref<2x128xi32, #tpu.memory_space<vmem>>)
    %dma_start3A_86 = arith.constant 0 : i32
    %dma_start3A_87 = arith.constant 0 : i32
    %dma_start3A_88 = tpu.memref_slice %arg7[%dma_start3A_86, %dma_start3A_87] : memref<2x128xi32, #tpu.memory_space<vmem>> -> memref<1x128xi32, #tpu.memory_space<vmem>>
    %dma_start3A_89 = tpu.memref_squeeze %dma_start3A_88 : memref<1x128xi32, #tpu.memory_space<vmem>> -> memref<128xi32, #tpu.memory_space<vmem>>
    %dma_start3A_90 = arith.constant 0 : i32
    %dma_start3A_91 = arith.constant 0 : i32
    %dma_start3A_92 = tpu.memref_slice %arg2[%arg0, %dma_start3A_90, %dma_start3A_91] : memref<2x10240x128xf32, #tpu.memory_space<hbm>> -> memref<1x10240x128xf32, #tpu.memory_space<hbm>>
    %dma_start3A_93 = tpu.memref_squeeze %dma_start3A_92 : memref<1x10240x128xf32, #tpu.memory_space<hbm>> -> memref<10240x128xf32, #tpu.memory_space<hbm>>
    %dma_start3A_94 = arith.constant 0 : i32
    %dma_start3A_95 = arith.constant 0 : i32
    %dma_start3A_96 = tpu.memref_slice %dma_start3A_93[%dma_start3A_94, %dma_start3A_95] : memref<10240x128xf32, #tpu.memory_space<hbm>> -> memref<10240x128xf32, #tpu.memory_space<hbm>>
    tpu.enqueue_indirect_dma source(%dma_start3A_96 : memref<10240x128xf32, #tpu.memory_space<hbm>>) target(%arg9 : memref<128x128xf32, #tpu.memory_space<vmem>>) offsets(%dma_start3A_89 : memref<128xi32, #tpu.memory_space<vmem>>) semaphore(%arg14 : memref<!tpu.dma_semaphore, #tpu.memory_space<semaphore_mem>>)
    %scan3A = arith.constant 0 : i32
    %scan3A_97 = arith.constant 80 : i32
    %scan3A_98 = arith.addi %scan3A, %scan3A_97 : i32
    %scan3A_99 = arith.constant 1 : i32
    scf.for %scan3A_106 = %scan3A to %scan3A_98 step %scan3A_99  : i32 {
      %mul3A_107 = arith.constant 1 : i32
      %mul3A_108 = arith.muli %scan3A_106, %mul3A_107 : i32
      %add3A = arith.constant 0 : i32
      %add3A_109 = arith.addi %add3A, %mul3A_108 : i32
      %mul3A_110 = arith.constant 2 : i32
      %mul3A_111 = arith.muli %mul3A_110, %add3A_109 : i32
      %add3A_112 = arith.constant 0 : i32
      %add3A_113 = arith.addi %add3A_112, %mul3A_111 : i32
      %add3A_114 = arith.constant 1 : i32
      %add3A_115 = arith.addi %add3A_113, %add3A_114 : i32
      %dma_wait3A_116 = arith.constant 0 : i32
      %dma_wait3A_117 = arith.constant 0 : i32
      %dma_wait3A_118 = tpu.memref_slice %arg6[%dma_wait3A_116, %dma_wait3A_117] : memref<2x128xi32, #tpu.memory_space<vmem>> -> memref<1x128xi32, #tpu.memory_space<vmem>>
      %dma_wait3A_119 = tpu.memref_squeeze %dma_wait3A_118 : memref<1x128xi32, #tpu.memory_space<vmem>> -> memref<128xi32, #tpu.memory_space<vmem>>
      %dma_wait3A_120 = arith.constant 0 : i32
      %dma_wait3A_121 = arith.constant 0 : i32
      %dma_wait3A_122 = tpu.memref_slice %arg2[%arg0, %dma_wait3A_120, %dma_wait3A_121] : memref<2x10240x128xf32, #tpu.memory_space<hbm>> -> memref<1x10240x128xf32, #tpu.memory_space<hbm>>
      %dma_wait3A_123 = tpu.memref_squeeze %dma_wait3A_122 : memref<1x10240x128xf32, #tpu.memory_space<hbm>> -> memref<10240x128xf32, #tpu.memory_space<hbm>>
      %dma_wait3A_124 = arith.constant 0 : i32
      %dma_wait3A_125 = arith.constant 0 : i32
      %dma_wait3A_126 = tpu.memref_slice %dma_wait3A_123[%dma_wait3A_124, %dma_wait3A_125] : memref<10240x128xf32, #tpu.memory_space<hbm>> -> memref<10240x128xf32, #tpu.memory_space<hbm>>
      tpu.wait_indirect_dma semaphore(%arg13 : memref<!tpu.dma_semaphore, #tpu.memory_space<semaphore_mem>>) src(%dma_wait3A_126 : memref<10240x128xf32, #tpu.memory_space<hbm>>) dst(%arg8 : memref<128x128xf32, #tpu.memory_space<vmem>>)
      %run_scoped3A = arith.constant 1 : i32
      "tpu.region"() ({
        %run_scoped3A_164 = tpu.sem_alloc : memref<!tpu.dma_semaphore, #tpu.memory_space<semaphore_mem>>
        %dma_start3A_165 = arith.constant 0 : i32
        %dma_start3A_166 = tpu.memref_slice %arg6[%run_scoped3A, %dma_start3A_165] : memref<2x128xi32, #tpu.memory_space<vmem>> -> memref<1x128xi32, #tpu.memory_space<vmem>>
        %dma_start3A_167 = tpu.memref_squeeze %dma_start3A_166 : memref<1x128xi32, #tpu.memory_space<vmem>> -> memref<128xi32, #tpu.memory_space<vmem>>
        %dma_start3A_168 = arith.constant 0 : i32
        %dma_start3A_169 = arith.constant 0 : i32
        %dma_start3A_170 = tpu.memref_slice %arg10[%dma_start3A_168, %dma_start3A_169] : memref<10240x128xf32, #tpu.memory_space<vmem_shared>> -> memref<10240x128xf32, #tpu.memory_space<vmem_shared>>
        tpu.enqueue_indirect_dma source(%arg8 : memref<128x128xf32, #tpu.memory_space<vmem>>) target(%dma_start3A_170 : memref<10240x128xf32, #tpu.memory_space<vmem_shared>>) offsets(%dma_start3A_167 : memref<128xi32, #tpu.memory_space<vmem>>) semaphore(%run_scoped3A_164 : memref<!tpu.dma_semaphore, #tpu.memory_space<semaphore_mem>>) {add = true}
        %dma_wait3A_171 = arith.constant 0 : i32
        %dma_wait3A_172 = tpu.memref_slice %arg6[%run_scoped3A, %dma_wait3A_171] : memref<2x128xi32, #tpu.memory_space<vmem>> -> memref<1x128xi32, #tpu.memory_space<vmem>>
        %dma_wait3A_173 = tpu.memref_squeeze %dma_wait3A_172 : memref<1x128xi32, #tpu.memory_space<vmem>> -> memref<128xi32, #tpu.memory_space<vmem>>
        %dma_wait3A_174 = arith.constant 0 : i32
        %dma_wait3A_175 = arith.constant 0 : i32
        %dma_wait3A_176 = tpu.memref_slice %arg10[%dma_wait3A_174, %dma_wait3A_175] : memref<10240x128xf32, #tpu.memory_space<vmem_shared>> -> memref<10240x128xf32, #tpu.memory_space<vmem_shared>>
        tpu.wait_indirect_dma semaphore(%run_scoped3A_164 : memref<!tpu.dma_semaphore, #tpu.memory_space<semaphore_mem>>) src(%arg8 : memref<128x128xf32, #tpu.memory_space<vmem>>) dst(%dma_wait3A_176 : memref<10240x128xf32, #tpu.memory_space<vmem_shared>>)
        tpu.yield
      }) : () -> ()
      %add3A_127 = arith.constant 2 : i32
      %add3A_128 = arith.addi %add3A_113, %add3A_127 : i32
      %lt3A = arith.constant 160 : i32
      %lt3A_129 = arith.cmpi slt, %add3A_128, %lt3A : i32
      %convert_element_type3A = arith.extui %lt3A_129 : i1 to i32
      %cond3A = arith.constant 0 : i32
      %cond3A_130 = arith.cmpi ne, %convert_element_type3A, %cond3A : i32
      scf.if %cond3A_130 {
        %add3A_164 = arith.constant 2 : i32
        %add3A_165 = arith.addi %add3A_113, %add3A_164 : i32
        %dma_start3A_166 = arith.constant 0 : i32
        %dma_start3A_167 = arith.constant 0 : i32
        %dma_start3A_168 = arith.constant 0 : i32
        %dma_start3A_169 = tpu.memref_slice %arg3[%arg1, %dma_start3A_166, %dma_start3A_167, %dma_start3A_168] : memref<16x160x2x128xi32, #tpu.memory_space<hbm>> -> memref<1x160x2x128xi32, #tpu.memory_space<hbm>>
        %dma_start3A_170 = tpu.memref_squeeze %dma_start3A_169 : memref<1x160x2x128xi32, #tpu.memory_space<hbm>> -> memref<160x2x128xi32, #tpu.memory_space<hbm>>
        %dma_start3A_171 = arith.constant 0 : i32
        %dma_start3A_172 = arith.constant 0 : i32
        %dma_start3A_173 = tpu.memref_slice %dma_start3A_170[%add3A_165, %dma_start3A_171, %dma_start3A_172] : memref<160x2x128xi32, #tpu.memory_space<hbm>> -> memref<1x2x128xi32, #tpu.memory_space<hbm>>
        %dma_start3A_174 = tpu.memref_squeeze %dma_start3A_173 : memref<1x2x128xi32, #tpu.memory_space<hbm>> -> memref<2x128xi32, #tpu.memory_space<hbm>>
        %dma_start3A_175 = arith.constant 0 : i32
        %dma_start3A_176 = arith.constant 0 : i32
        %dma_start3A_177 = arith.constant 0 : i32
        %dma_start3A_178 = tpu.memref_slice %arg3[%arg1, %dma_start3A_175, %dma_start3A_176, %dma_start3A_177] : memref<16x160x2x128xi32, #tpu.memory_space<hbm>> -> memref<1x160x2x128xi32, #tpu.memory_space<hbm>>
        %dma_start3A_179 = tpu.memref_squeeze %dma_start3A_178 : memref<1x160x2x128xi32, #tpu.memory_space<hbm>> -> memref<160x2x128xi32, #tpu.memory_space<hbm>>
        %dma_start3A_180 = arith.constant 0 : i32
        %dma_start3A_181 = arith.constant 0 : i32
        %dma_start3A_182 = tpu.memref_slice %dma_start3A_179[%add3A_165, %dma_start3A_180, %dma_start3A_181] : memref<160x2x128xi32, #tpu.memory_space<hbm>> -> memref<1x2x128xi32, #tpu.memory_space<hbm>>
        %dma_start3A_183 = tpu.memref_squeeze %dma_start3A_182 : memref<1x2x128xi32, #tpu.memory_space<hbm>> -> memref<2x128xi32, #tpu.memory_space<hbm>>
        tpu.enqueue_dma source(%dma_start3A_183 : memref<2x128xi32, #tpu.memory_space<hbm>>) target(%arg6 : memref<2x128xi32, #tpu.memory_space<vmem>>) target_semaphore(%arg11 : memref<!tpu.dma_semaphore, #tpu.memory_space<semaphore_mem>>)
      } else {
      }
      %dma_wait3A_131 = arith.constant 0 : i32
      %dma_wait3A_132 = arith.constant 0 : i32
      %dma_wait3A_133 = tpu.memref_slice %arg7[%dma_wait3A_131, %dma_wait3A_132] : memref<2x128xi32, #tpu.memory_space<vmem>> -> memref<1x128xi32, #tpu.memory_space<vmem>>
      %dma_wait3A_134 = tpu.memref_squeeze %dma_wait3A_133 : memref<1x128xi32, #tpu.memory_space<vmem>> -> memref<128xi32, #tpu.memory_space<vmem>>
      %dma_wait3A_135 = arith.constant 0 : i32
      %dma_wait3A_136 = arith.constant 0 : i32
      %dma_wait3A_137 = tpu.memref_slice %arg2[%arg0, %dma_wait3A_135, %dma_wait3A_136] : memref<2x10240x128xf32, #tpu.memory_space<hbm>> -> memref<1x10240x128xf32, #tpu.memory_space<hbm>>
      %dma_wait3A_138 = tpu.memref_squeeze %dma_wait3A_137 : memref<1x10240x128xf32, #tpu.memory_space<hbm>> -> memref<10240x128xf32, #tpu.memory_space<hbm>>
      %dma_wait3A_139 = arith.constant 0 : i32
      %dma_wait3A_140 = arith.constant 0 : i32
      %dma_wait3A_141 = tpu.memref_slice %dma_wait3A_138[%dma_wait3A_139, %dma_wait3A_140] : memref<10240x128xf32, #tpu.memory_space<hbm>> -> memref<10240x128xf32, #tpu.memory_space<hbm>>
      tpu.wait_indirect_dma semaphore(%arg14 : memref<!tpu.dma_semaphore, #tpu.memory_space<semaphore_mem>>) src(%dma_wait3A_141 : memref<10240x128xf32, #tpu.memory_space<hbm>>) dst(%arg9 : memref<128x128xf32, #tpu.memory_space<vmem>>)
      %run_scoped3A_142 = arith.constant 1 : i32
      "tpu.region"() ({
        %run_scoped3A_164 = tpu.sem_alloc : memref<!tpu.dma_semaphore, #tpu.memory_space<semaphore_mem>>
        %dma_start3A_165 = arith.constant 0 : i32
        %dma_start3A_166 = tpu.memref_slice %arg7[%run_scoped3A_142, %dma_start3A_165] : memref<2x128xi32, #tpu.memory_space<vmem>> -> memref<1x128xi32, #tpu.memory_space<vmem>>
        %dma_start3A_167 = tpu.memref_squeeze %dma_start3A_166 : memref<1x128xi32, #tpu.memory_space<vmem>> -> memref<128xi32, #tpu.memory_space<vmem>>
        %dma_start3A_168 = arith.constant 0 : i32
        %dma_start3A_169 = arith.constant 0 : i32
        %dma_start3A_170 = tpu.memref_slice %arg10[%dma_start3A_168, %dma_start3A_169] : memref<10240x128xf32, #tpu.memory_space<vmem_shared>> -> memref<10240x128xf32, #tpu.memory_space<vmem_shared>>
        tpu.enqueue_indirect_dma source(%arg9 : memref<128x128xf32, #tpu.memory_space<vmem>>) target(%dma_start3A_170 : memref<10240x128xf32, #tpu.memory_space<vmem_shared>>) offsets(%dma_start3A_167 : memref<128xi32, #tpu.memory_space<vmem>>) semaphore(%run_scoped3A_164 : memref<!tpu.dma_semaphore, #tpu.memory_space<semaphore_mem>>) {add = true}
        %dma_wait3A_171 = arith.constant 0 : i32
        %dma_wait3A_172 = tpu.memref_slice %arg7[%run_scoped3A_142, %dma_wait3A_171] : memref<2x128xi32, #tpu.memory_space<vmem>> -> memref<1x128xi32, #tpu.memory_space<vmem>>
        %dma_wait3A_173 = tpu.memref_squeeze %dma_wait3A_172 : memref<1x128xi32, #tpu.memory_space<vmem>> -> memref<128xi32, #tpu.memory_space<vmem>>
        %dma_wait3A_174 = arith.constant 0 : i32
        %dma_wait3A_175 = arith.constant 0 : i32
        %dma_wait3A_176 = tpu.memref_slice %arg10[%dma_wait3A_174, %dma_wait3A_175] : memref<10240x128xf32, #tpu.memory_space<vmem_shared>> -> memref<10240x128xf32, #tpu.memory_space<vmem_shared>>
        tpu.wait_indirect_dma semaphore(%run_scoped3A_164 : memref<!tpu.dma_semaphore, #tpu.memory_space<semaphore_mem>>) src(%arg9 : memref<128x128xf32, #tpu.memory_space<vmem>>) dst(%dma_wait3A_176 : memref<10240x128xf32, #tpu.memory_space<vmem_shared>>)
        tpu.yield
      }) : () -> ()
      %add3A_143 = arith.constant 2 : i32
      %add3A_144 = arith.addi %add3A_115, %add3A_143 : i32
      %lt3A_145 = arith.constant 160 : i32
      %lt3A_146 = arith.cmpi slt, %add3A_144, %lt3A_145 : i32
      %convert_element_type3A_147 = arith.extui %lt3A_146 : i1 to i32
      %cond3A_148 = arith.constant 0 : i32
      %cond3A_149 = arith.cmpi ne, %convert_element_type3A_147, %cond3A_148 : i32
      scf.if %cond3A_149 {
        %add3A_164 = arith.constant 2 : i32
        %add3A_165 = arith.addi %add3A_115, %add3A_164 : i32
        %dma_start3A_166 = arith.constant 0 : i32
        %dma_start3A_167 = arith.constant 0 : i32
        %dma_start3A_168 = arith.constant 0 : i32
        %dma_start3A_169 = tpu.memref_slice %arg3[%arg1, %dma_start3A_166, %dma_start3A_167, %dma_start3A_168] : memref<16x160x2x128xi32, #tpu.memory_space<hbm>> -> memref<1x160x2x128xi32, #tpu.memory_space<hbm>>
        %dma_start3A_170 = tpu.memref_squeeze %dma_start3A_169 : memref<1x160x2x128xi32, #tpu.memory_space<hbm>> -> memref<160x2x128xi32, #tpu.memory_space<hbm>>
        %dma_start3A_171 = arith.constant 0 : i32
        %dma_start3A_172 = arith.constant 0 : i32
        %dma_start3A_173 = tpu.memref_slice %dma_start3A_170[%add3A_165, %dma_start3A_171, %dma_start3A_172] : memref<160x2x128xi32, #tpu.memory_space<hbm>> -> memref<1x2x128xi32, #tpu.memory_space<hbm>>
        %dma_start3A_174 = tpu.memref_squeeze %dma_start3A_173 : memref<1x2x128xi32, #tpu.memory_space<hbm>> -> memref<2x128xi32, #tpu.memory_space<hbm>>
        %dma_start3A_175 = arith.constant 0 : i32
        %dma_start3A_176 = arith.constant 0 : i32
        %dma_start3A_177 = arith.constant 0 : i32
        %dma_start3A_178 = tpu.memref_slice %arg3[%arg1, %dma_start3A_175, %dma_start3A_176, %dma_start3A_177] : memref<16x160x2x128xi32, #tpu.memory_space<hbm>> -> memref<1x160x2x128xi32, #tpu.memory_space<hbm>>
        %dma_start3A_179 = tpu.memref_squeeze %dma_start3A_178 : memref<1x160x2x128xi32, #tpu.memory_space<hbm>> -> memref<160x2x128xi32, #tpu.memory_space<hbm>>
        %dma_start3A_180 = arith.constant 0 : i32
        %dma_start3A_181 = arith.constant 0 : i32
        %dma_start3A_182 = tpu.memref_slice %dma_start3A_179[%add3A_165, %dma_start3A_180, %dma_start3A_181] : memref<160x2x128xi32, #tpu.memory_space<hbm>> -> memref<1x2x128xi32, #tpu.memory_space<hbm>>
        %dma_start3A_183 = tpu.memref_squeeze %dma_start3A_182 : memref<1x2x128xi32, #tpu.memory_space<hbm>> -> memref<2x128xi32, #tpu.memory_space<hbm>>
        tpu.enqueue_dma source(%dma_start3A_183 : memref<2x128xi32, #tpu.memory_space<hbm>>) target(%arg7 : memref<2x128xi32, #tpu.memory_space<vmem>>) target_semaphore(%arg12 : memref<!tpu.dma_semaphore, #tpu.memory_space<semaphore_mem>>)
      } else {
      }
      %add3A_150 = arith.constant 2 : i32
      %add3A_151 = arith.addi %add3A_113, %add3A_150 : i32
      %lt3A_152 = arith.constant 160 : i32
      %lt3A_153 = arith.cmpi slt, %add3A_151, %lt3A_152 : i32
      %convert_element_type3A_154 = arith.extui %lt3A_153 : i1 to i32
      %cond3A_155 = arith.constant 0 : i32
      %cond3A_156 = arith.cmpi ne, %convert_element_type3A_154, %cond3A_155 : i32
      scf.if %cond3A_156 {
        %add3A_164 = arith.constant 2 : i32
        %add3A_165 = arith.addi %add3A_113, %add3A_164 : i32
        %dma_wait3A_166 = arith.constant 0 : i32
        %dma_wait3A_167 = arith.constant 0 : i32
        %dma_wait3A_168 = arith.constant 0 : i32
        %dma_wait3A_169 = tpu.memref_slice %arg3[%arg1, %dma_wait3A_166, %dma_wait3A_167, %dma_wait3A_168] : memref<16x160x2x128xi32, #tpu.memory_space<hbm>> -> memref<1x160x2x128xi32, #tpu.memory_space<hbm>>
        %dma_wait3A_170 = tpu.memref_squeeze %dma_wait3A_169 : memref<1x160x2x128xi32, #tpu.memory_space<hbm>> -> memref<160x2x128xi32, #tpu.memory_space<hbm>>
        %dma_wait3A_171 = arith.constant 0 : i32
        %dma_wait3A_172 = arith.constant 0 : i32
        %dma_wait3A_173 = tpu.memref_slice %dma_wait3A_170[%add3A_165, %dma_wait3A_171, %dma_wait3A_172] : memref<160x2x128xi32, #tpu.memory_space<hbm>> -> memref<1x2x128xi32, #tpu.memory_space<hbm>>
        %dma_wait3A_174 = tpu.memref_squeeze %dma_wait3A_173 : memref<1x2x128xi32, #tpu.memory_space<hbm>> -> memref<2x128xi32, #tpu.memory_space<hbm>>
        %dma_wait3A_175 = arith.constant 0 : i32
        %dma_wait3A_176 = arith.constant 0 : i32
        %dma_wait3A_177 = arith.constant 0 : i32
        %dma_wait3A_178 = tpu.memref_slice %arg3[%arg1, %dma_wait3A_175, %dma_wait3A_176, %dma_wait3A_177] : memref<16x160x2x128xi32, #tpu.memory_space<hbm>> -> memref<1x160x2x128xi32, #tpu.memory_space<hbm>>
        %dma_wait3A_179 = tpu.memref_squeeze %dma_wait3A_178 : memref<1x160x2x128xi32, #tpu.memory_space<hbm>> -> memref<160x2x128xi32, #tpu.memory_space<hbm>>
        %dma_wait3A_180 = arith.constant 0 : i32
        %dma_wait3A_181 = arith.constant 0 : i32
        %dma_wait3A_182 = tpu.memref_slice %dma_wait3A_179[%add3A_165, %dma_wait3A_180, %dma_wait3A_181] : memref<160x2x128xi32, #tpu.memory_space<hbm>> -> memref<1x2x128xi32, #tpu.memory_space<hbm>>
        %dma_wait3A_183 = tpu.memref_squeeze %dma_wait3A_182 : memref<1x2x128xi32, #tpu.memory_space<hbm>> -> memref<2x128xi32, #tpu.memory_space<hbm>>
        tpu.wait_dma2 semaphore(%arg11 : memref<!tpu.dma_semaphore, #tpu.memory_space<semaphore_mem>>) src(%dma_wait3A_183 : memref<2x128xi32, #tpu.memory_space<hbm>>) dst(%arg6 : memref<2x128xi32, #tpu.memory_space<vmem>>)
        %dma_start3A_184 = arith.constant 0 : i32
        %dma_start3A_185 = arith.constant 0 : i32
        %dma_start3A_186 = tpu.memref_slice %arg6[%dma_start3A_184, %dma_start3A_185] : memref<2x128xi32, #tpu.memory_space<vmem>> -> memref<1x128xi32, #tpu.memory_space<vmem>>
        %dma_start3A_187 = tpu.memref_squeeze %dma_start3A_186 : memref<1x128xi32, #tpu.memory_space<vmem>> -> memref<128xi32, #tpu.memory_space<vmem>>
        %dma_start3A_188 = arith.constant 0 : i32
        %dma_start3A_189 = arith.constant 0 : i32
        %dma_start3A_190 = tpu.memref_slice %arg2[%arg0, %dma_start3A_188, %dma_start3A_189] : memref<2x10240x128xf32, #tpu.memory_space<hbm>> -> memref<1x10240x128xf32, #tpu.memory_space<hbm>>
        %dma_start3A_191 = tpu.memref_squeeze %dma_start3A_190 : memref<1x10240x128xf32, #tpu.memory_space<hbm>> -> memref<10240x128xf32, #tpu.memory_space<hbm>>
        %dma_start3A_192 = arith.constant 0 : i32
        %dma_start3A_193 = arith.constant 0 : i32
        %dma_start3A_194 = tpu.memref_slice %dma_start3A_191[%dma_start3A_192, %dma_start3A_193] : memref<10240x128xf32, #tpu.memory_space<hbm>> -> memref<10240x128xf32, #tpu.memory_space<hbm>>
        tpu.enqueue_indirect_dma source(%dma_start3A_194 : memref<10240x128xf32, #tpu.memory_space<hbm>>) target(%arg8 : memref<128x128xf32, #tpu.memory_space<vmem>>) offsets(%dma_start3A_187 : memref<128xi32, #tpu.memory_space<vmem>>) semaphore(%arg13 : memref<!tpu.dma_semaphore, #tpu.memory_space<semaphore_mem>>)
      } else {
      }
      %add3A_157 = arith.constant 2 : i32
      %add3A_158 = arith.addi %add3A_115, %add3A_157 : i32
      %lt3A_159 = arith.constant 160 : i32
      %lt3A_160 = arith.cmpi slt, %add3A_158, %lt3A_159 : i32
      %convert_element_type3A_161 = arith.extui %lt3A_160 : i1 to i32
      %cond3A_162 = arith.constant 0 : i32
      %cond3A_163 = arith.cmpi ne, %convert_element_type3A_161, %cond3A_162 : i32
      scf.if %cond3A_163 {
        %add3A_164 = arith.constant 2 : i32
        %add3A_165 = arith.addi %add3A_115, %add3A_164 : i32
        %dma_wait3A_166 = arith.constant 0 : i32
        %dma_wait3A_167 = arith.constant 0 : i32
        %dma_wait3A_168 = arith.constant 0 : i32
        %dma_wait3A_169 = tpu.memref_slice %arg3[%arg1, %dma_wait3A_166, %dma_wait3A_167, %dma_wait3A_168] : memref<16x160x2x128xi32, #tpu.memory_space<hbm>> -> memref<1x160x2x128xi32, #tpu.memory_space<hbm>>
        %dma_wait3A_170 = tpu.memref_squeeze %dma_wait3A_169 : memref<1x160x2x128xi32, #tpu.memory_space<hbm>> -> memref<160x2x128xi32, #tpu.memory_space<hbm>>
        %dma_wait3A_171 = arith.constant 0 : i32
        %dma_wait3A_172 = arith.constant 0 : i32
        %dma_wait3A_173 = tpu.memref_slice %dma_wait3A_170[%add3A_165, %dma_wait3A_171, %dma_wait3A_172] : memref<160x2x128xi32, #tpu.memory_space<hbm>> -> memref<1x2x128xi32, #tpu.memory_space<hbm>>
        %dma_wait3A_174 = tpu.memref_squeeze %dma_wait3A_173 : memref<1x2x128xi32, #tpu.memory_space<hbm>> -> memref<2x128xi32, #tpu.memory_space<hbm>>
        %dma_wait3A_175 = arith.constant 0 : i32
        %dma_wait3A_176 = arith.constant 0 : i32
        %dma_wait3A_177 = arith.constant 0 : i32
        %dma_wait3A_178 = tpu.memref_slice %arg3[%arg1, %dma_wait3A_175, %dma_wait3A_176, %dma_wait3A_177] : memref<16x160x2x128xi32, #tpu.memory_space<hbm>> -> memref<1x160x2x128xi32, #tpu.memory_space<hbm>>
        %dma_wait3A_179 = tpu.memref_squeeze %dma_wait3A_178 : memref<1x160x2x128xi32, #tpu.memory_space<hbm>> -> memref<160x2x128xi32, #tpu.memory_space<hbm>>
        %dma_wait3A_180 = arith.constant 0 : i32
        %dma_wait3A_181 = arith.constant 0 : i32
        %dma_wait3A_182 = tpu.memref_slice %dma_wait3A_179[%add3A_165, %dma_wait3A_180, %dma_wait3A_181] : memref<160x2x128xi32, #tpu.memory_space<hbm>> -> memref<1x2x128xi32, #tpu.memory_space<hbm>>
        %dma_wait3A_183 = tpu.memref_squeeze %dma_wait3A_182 : memref<1x2x128xi32, #tpu.memory_space<hbm>> -> memref<2x128xi32, #tpu.memory_space<hbm>>
        tpu.wait_dma2 semaphore(%arg12 : memref<!tpu.dma_semaphore, #tpu.memory_space<semaphore_mem>>) src(%dma_wait3A_183 : memref<2x128xi32, #tpu.memory_space<hbm>>) dst(%arg7 : memref<2x128xi32, #tpu.memory_space<vmem>>)
        %dma_start3A_184 = arith.constant 0 : i32
        %dma_start3A_185 = arith.constant 0 : i32
        %dma_start3A_186 = tpu.memref_slice %arg7[%dma_start3A_184, %dma_start3A_185] : memref<2x128xi32, #tpu.memory_space<vmem>> -> memref<1x128xi32, #tpu.memory_space<vmem>>
        %dma_start3A_187 = tpu.memref_squeeze %dma_start3A_186 : memref<1x128xi32, #tpu.memory_space<vmem>> -> memref<128xi32, #tpu.memory_space<vmem>>
        %dma_start3A_188 = arith.constant 0 : i32
        %dma_start3A_189 = arith.constant 0 : i32
        %dma_start3A_190 = tpu.memref_slice %arg2[%arg0, %dma_start3A_188, %dma_start3A_189] : memref<2x10240x128xf32, #tpu.memory_space<hbm>> -> memref<1x10240x128xf32, #tpu.memory_space<hbm>>
        %dma_start3A_191 = tpu.memref_squeeze %dma_start3A_190 : memref<1x10240x128xf32, #tpu.memory_space<hbm>> -> memref<10240x128xf32, #tpu.memory_space<hbm>>
        %dma_start3A_192 = arith.constant 0 : i32
        %dma_start3A_193 = arith.constant 0 : i32
        %dma_start3A_194 = tpu.memref_slice %dma_start3A_191[%dma_start3A_192, %dma_start3A_193] : memref<10240x128xf32, #tpu.memory_space<hbm>> -> memref<10240x128xf32, #tpu.memory_space<hbm>>
        tpu.enqueue_indirect_dma source(%dma_start3A_194 : memref<10240x128xf32, #tpu.memory_space<hbm>>) target(%arg9 : memref<128x128xf32, #tpu.memory_space<vmem>>) offsets(%dma_start3A_187 : memref<128xi32, #tpu.memory_space<vmem>>) semaphore(%arg14 : memref<!tpu.dma_semaphore, #tpu.memory_space<semaphore_mem>>)
      } else {
      }
    }
    %scan3A_100 = arith.constant 80 : i32
    %barrier3A_101 = arith.constant 0 : index
    tpu.barrier barrier_id(%barrier3A_101)
    %mul3A_102 = arith.constant 640 : i32
    %mul3A_103 = arith.muli %arg1, %mul3A_102 : i32
    %mul3A_104 = arith.constant 640 : i32
    %mul3A_105 = arith.muli %arg1, %mul3A_104 : i32
    "tpu.region"() ({
      %run_scoped3A = tpu.sem_alloc : memref<!tpu.dma_semaphore, #tpu.memory_space<semaphore_mem>>
      %dma_start3A_106 = arith.constant 0 : i32
      %dma_start3A_107 = arith.constant 0 : i32
      %dma_start3A_108 = tpu.memref_slice %arg5[%arg0, %dma_start3A_106, %dma_start3A_107] : memref<2x10240x128xf32, #tpu.memory_space<hbm>> -> memref<1x10240x128xf32, #tpu.memory_space<hbm>>
      %dma_start3A_109 = tpu.memref_squeeze %dma_start3A_108 : memref<1x10240x128xf32, #tpu.memory_space<hbm>> -> memref<10240x128xf32, #tpu.memory_space<hbm>>
      %dma_start3A_110 = arith.constant 0 : i32
      %dma_start3A_111 = tpu.memref_slice %dma_start3A_109[%mul3A_105, %dma_start3A_110] : memref<10240x128xf32, #tpu.memory_space<hbm>> -> memref<640x128xf32, #tpu.memory_space<hbm>>
      %dma_start3A_112 = arith.constant 0 : i32
      %dma_start3A_113 = tpu.memref_slice %arg10[%mul3A_103, %dma_start3A_112] : memref<10240x128xf32, #tpu.memory_space<vmem_shared>> -> memref<640x128xf32, #tpu.memory_space<vmem_shared>>
      tpu.enqueue_dma source(%dma_start3A_113 : memref<640x128xf32, #tpu.memory_space<vmem_shared>>) target(%dma_start3A_111 : memref<640x128xf32, #tpu.memory_space<hbm>>) target_semaphore(%run_scoped3A : memref<!tpu.dma_semaphore, #tpu.memory_space<semaphore_mem>>)
      %dma_wait3A_114 = arith.constant 0 : i32
      %dma_wait3A_115 = arith.constant 0 : i32
      %dma_wait3A_116 = tpu.memref_slice %arg5[%arg0, %dma_wait3A_114, %dma_wait3A_115] : memref<2x10240x128xf32, #tpu.memory_space<hbm>> -> memref<1x10240x128xf32, #tpu.memory_space<hbm>>
      %dma_wait3A_117 = tpu.memref_squeeze %dma_wait3A_116 : memref<1x10240x128xf32, #tpu.memory_space<hbm>> -> memref<10240x128xf32, #tpu.memory_space<hbm>>
      %dma_wait3A_118 = arith.constant 0 : i32
      %dma_wait3A_119 = tpu.memref_slice %dma_wait3A_117[%mul3A_105, %dma_wait3A_118] : memref<10240x128xf32, #tpu.memory_space<hbm>> -> memref<640x128xf32, #tpu.memory_space<hbm>>
      %dma_wait3A_120 = arith.constant 0 : i32
      %dma_wait3A_121 = tpu.memref_slice %arg10[%mul3A_103, %dma_wait3A_120] : memref<10240x128xf32, #tpu.memory_space<vmem_shared>> -> memref<640x128xf32, #tpu.memory_space<vmem_shared>>
      tpu.wait_dma2 semaphore(%run_scoped3A : memref<!tpu.dma_semaphore, #tpu.memory_space<semaphore_mem>>) src(%dma_wait3A_121 : memref<640x128xf32, #tpu.memory_space<vmem_shared>>) dst(%dma_wait3A_119 : memref<640x128xf32, #tpu.memory_space<hbm>>)
      tpu.yield
    }) : () -> ()
    return
  }
}

#map = affine_map<(d0, d1) -> (0, 0, 0)>
#map1 = affine_map<(d0, d1) -> (0, 0, 0, 0)>
#map2 = affine_map<(d0, d1) -> (0, 0)>
module attributes {stable_mosaic.version = 14 : i64} {
  func.func @k(%arg0: i32, %arg1: i32, %arg2: memref<2x10240x128xf32, #tpu.memory_space<hbm>>, %arg3: memref<16x160x2x128xi32, #tpu.memory_space<hbm>>, %arg4: memref<640x128xf32, #tpu.memory_space<hbm>>, %arg5: memref<2x10240x128xf32, #tpu.memory_space<hbm>>, %arg6: memref<2x128xi32, #tpu.memory_space<vmem>>, %arg7: memref<2x128xi32, #tpu.memory_space<vmem>>, %arg8: memref<128x128xf32, #tpu.memory_space<vmem>>, %arg9: memref<128x128xf32, #tpu.memory_space<vmem>>, %arg10: memref<10240x128xf32, #tpu.memory_space<vmem_shared>>, %arg11: memref<!tpu.dma_semaphore, #tpu.memory_space<semaphore_mem>>, %arg12: memref<!tpu.dma_semaphore, #tpu.memory_space<semaphore_mem>>, %arg13: memref<!tpu.dma_semaphore, #tpu.memory_space<semaphore_mem>>, %arg14: memref<!tpu.dma_semaphore, #tpu.memory_space<semaphore_mem>>) attributes {dimension_semantics = [#tpu.dimension_semantics<core_parallel>, #tpu.dimension_semantics<subcore_parallel>], iteration_bounds = array<i64: 2, 16>, scalar_prefetch = 0 : i64, scratch_operands = 9 : i64, tpu.core_type = #tpu.core_type<sc_vector_subcore>, window_params = [{transform_indices = #map}, {transform_indices = #map1}, {transform_indices = #map2}, {transform_indices = #map}]} {
    %mul3A = arith.constant 640 : i32
    %mul3A_0 = arith.muli %arg1, %mul3A : i32
    "tpu.region"() ({
      %run_scoped3A = tpu.sem_alloc : memref<!tpu.dma_semaphore, #tpu.memory_space<semaphore_mem>>
      %dma_start3A_106 = arith.constant 0 : i32
      %dma_start3A_107 = tpu.memref_slice %arg10[%mul3A_0, %dma_start3A_106] : memref<10240x128xf32, #tpu.memory_space<vmem_shared>> -> memref<640x128xf32, #tpu.memory_space<vmem_shared>>
      tpu.enqueue_dma source(%arg4 : memref<640x128xf32, #tpu.memory_space<hbm>>) target(%dma_start3A_107 : memref<640x128xf32, #tpu.memory_space<vmem_shared>>) target_semaphore(%run_scoped3A : memref<!tpu.dma_semaphore, #tpu.memory_space<semaphore_mem>>)
      %dma_wait3A_108 = arith.constant 0 : i32
      %dma_wait3A_109 = tpu.memref_slice %arg10[%mul3A_0, %dma_wait3A_108] : memref<10240x128xf32, #tpu.memory_space<vmem_shared>> -> memref<640x128xf32, #tpu.memory_space<vmem_shared>>
      tpu.wait_dma2 semaphore(%run_scoped3A : memref<!tpu.dma_semaphore, #tpu.memory_space<semaphore_mem>>) src(%arg4 : memref<640x128xf32, #tpu.memory_space<hbm>>) dst(%dma_wait3A_109 : memref<640x128xf32, #tpu.memory_space<vmem_shared>>)
      tpu.yield
    }) : () -> ()
    %barrier3A = arith.constant 0 : index
    tpu.barrier barrier_id(%barrier3A)
    %dma_start3A = arith.constant 0 : i32
    %dma_start3A_1 = arith.constant 0 : i32
    %dma_start3A_2 = arith.constant 0 : i32
    %dma_start3A_3 = arith.constant 0 : i32
    %dma_start3A_4 = tpu.memref_slice %arg3[%arg1, %dma_start3A_1, %dma_start3A_2, %dma_start3A_3] : memref<16x160x2x128xi32, #tpu.memory_space<hbm>> -> memref<1x160x2x128xi32, #tpu.memory_space<hbm>>
    %dma_start3A_5 = tpu.memref_squeeze %dma_start3A_4 : memref<1x160x2x128xi32, #tpu.memory_space<hbm>> -> memref<160x2x128xi32, #tpu.memory_space<hbm>>
    %dma_start3A_6 = arith.constant 0 : i32
    %dma_start3A_7 = arith.constant 0 : i32
    %dma_start3A_8 = tpu.memref_slice %dma_start3A_5[%dma_start3A, %dma_start3A_6, %dma_start3A_7] : memref<160x2x128xi32, #tpu.memory_space<hbm>> -> memref<1x2x128xi32, #tpu.memory_space<hbm>>
    %dma_start3A_9 = tpu.memref_squeeze %dma_start3A_8 : memref<1x2x128xi32, #tpu.memory_space<hbm>> -> memref<2x128xi32, #tpu.memory_space<hbm>>
    %dma_start3A_10 = arith.constant 0 : i32
    %dma_start3A_11 = arith.constant 0 : i32
    %dma_start3A_12 = arith.constant 0 : i32
    %dma_start3A_13 = tpu.memref_slice %arg3[%arg1, %dma_start3A_10, %dma_start3A_11, %dma_start3A_12] : memref<16x160x2x128xi32, #tpu.memory_space<hbm>> -> memref<1x160x2x128xi32, #tpu.memory_space<hbm>>
    %dma_start3A_14 = tpu.memref_squeeze %dma_start3A_13 : memref<1x160x2x128xi32, #tpu.memory_space<hbm>> -> memref<160x2x128xi32, #tpu.memory_space<hbm>>
    %dma_start3A_15 = arith.constant 0 : i32
    %dma_start3A_16 = arith.constant 0 : i32
    %dma_start3A_17 = tpu.memref_slice %dma_start3A_14[%dma_start3A, %dma_start3A_15, %dma_start3A_16] : memref<160x2x128xi32, #tpu.memory_space<hbm>> -> memref<1x2x128xi32, #tpu.memory_space<hbm>>
    %dma_start3A_18 = tpu.memref_squeeze %dma_start3A_17 : memref<1x2x128xi32, #tpu.memory_space<hbm>> -> memref<2x128xi32, #tpu.memory_space<hbm>>
    tpu.enqueue_dma source(%dma_start3A_18 : memref<2x128xi32, #tpu.memory_space<hbm>>) target(%arg6 : memref<2x128xi32, #tpu.memory_space<vmem>>) target_semaphore(%arg11 : memref<!tpu.dma_semaphore, #tpu.memory_space<semaphore_mem>>)
    %dma_start3A_19 = arith.constant 1 : i32
    %dma_start3A_20 = arith.constant 0 : i32
    %dma_start3A_21 = arith.constant 0 : i32
    %dma_start3A_22 = arith.constant 0 : i32
    %dma_start3A_23 = tpu.memref_slice %arg3[%arg1, %dma_start3A_20, %dma_start3A_21, %dma_start3A_22] : memref<16x160x2x128xi32, #tpu.memory_space<hbm>> -> memref<1x160x2x128xi32, #tpu.memory_space<hbm>>
    %dma_start3A_24 = tpu.memref_squeeze %dma_start3A_23 : memref<1x160x2x128xi32, #tpu.memory_space<hbm>> -> memref<160x2x128xi32, #tpu.memory_space<hbm>>
    %dma_start3A_25 = arith.constant 0 : i32
    %dma_start3A_26 = arith.constant 0 : i32
    %dma_start3A_27 = tpu.memref_slice %dma_start3A_24[%dma_start3A_19, %dma_start3A_25, %dma_start3A_26] : memref<160x2x128xi32, #tpu.memory_space<hbm>> -> memref<1x2x128xi32, #tpu.memory_space<hbm>>
    %dma_start3A_28 = tpu.memref_squeeze %dma_start3A_27 : memref<1x2x128xi32, #tpu.memory_space<hbm>> -> memref<2x128xi32, #tpu.memory_space<hbm>>
    %dma_start3A_29 = arith.constant 0 : i32
    %dma_start3A_30 = arith.constant 0 : i32
    %dma_start3A_31 = arith.constant 0 : i32
    %dma_start3A_32 = tpu.memref_slice %arg3[%arg1, %dma_start3A_29, %dma_start3A_30, %dma_start3A_31] : memref<16x160x2x128xi32, #tpu.memory_space<hbm>> -> memref<1x160x2x128xi32, #tpu.memory_space<hbm>>
    %dma_start3A_33 = tpu.memref_squeeze %dma_start3A_32 : memref<1x160x2x128xi32, #tpu.memory_space<hbm>> -> memref<160x2x128xi32, #tpu.memory_space<hbm>>
    %dma_start3A_34 = arith.constant 0 : i32
    %dma_start3A_35 = arith.constant 0 : i32
    %dma_start3A_36 = tpu.memref_slice %dma_start3A_33[%dma_start3A_19, %dma_start3A_34, %dma_start3A_35] : memref<160x2x128xi32, #tpu.memory_space<hbm>> -> memref<1x2x128xi32, #tpu.memory_space<hbm>>
    %dma_start3A_37 = tpu.memref_squeeze %dma_start3A_36 : memref<1x2x128xi32, #tpu.memory_space<hbm>> -> memref<2x128xi32, #tpu.memory_space<hbm>>
    tpu.enqueue_dma source(%dma_start3A_37 : memref<2x128xi32, #tpu.memory_space<hbm>>) target(%arg7 : memref<2x128xi32, #tpu.memory_space<vmem>>) target_semaphore(%arg12 : memref<!tpu.dma_semaphore, #tpu.memory_space<semaphore_mem>>)
    %dma_wait3A = arith.constant 0 : i32
    %dma_wait3A_38 = arith.constant 0 : i32
    %dma_wait3A_39 = arith.constant 0 : i32
    %dma_wait3A_40 = arith.constant 0 : i32
    %dma_wait3A_41 = tpu.memref_slice %arg3[%arg1, %dma_wait3A_38, %dma_wait3A_39, %dma_wait3A_40] : memref<16x160x2x128xi32, #tpu.memory_space<hbm>> -> memref<1x160x2x128xi32, #tpu.memory_space<hbm>>
    %dma_wait3A_42 = tpu.memref_squeeze %dma_wait3A_41 : memref<1x160x2x128xi32, #tpu.memory_space<hbm>> -> memref<160x2x128xi32, #tpu.memory_space<hbm>>
    %dma_wait3A_43 = arith.constant 0 : i32
    %dma_wait3A_44 = arith.constant 0 : i32
    %dma_wait3A_45 = tpu.memref_slice %dma_wait3A_42[%dma_wait3A, %dma_wait3A_43, %dma_wait3A_44] : memref<160x2x128xi32, #tpu.memory_space<hbm>> -> memref<1x2x128xi32, #tpu.memory_space<hbm>>
    %dma_wait3A_46 = tpu.memref_squeeze %dma_wait3A_45 : memref<1x2x128xi32, #tpu.memory_space<hbm>> -> memref<2x128xi32, #tpu.memory_space<hbm>>
    %dma_wait3A_47 = arith.constant 0 : i32
    %dma_wait3A_48 = arith.constant 0 : i32
    %dma_wait3A_49 = arith.constant 0 : i32
    %dma_wait3A_50 = tpu.memref_slice %arg3[%arg1, %dma_wait3A_47, %dma_wait3A_48, %dma_wait3A_49] : memref<16x160x2x128xi32, #tpu.memory_space<hbm>> -> memref<1x160x2x128xi32, #tpu.memory_space<hbm>>
    %dma_wait3A_51 = tpu.memref_squeeze %dma_wait3A_50 : memref<1x160x2x128xi32, #tpu.memory_space<hbm>> -> memref<160x2x128xi32, #tpu.memory_space<hbm>>
    %dma_wait3A_52 = arith.constant 0 : i32
    %dma_wait3A_53 = arith.constant 0 : i32
    %dma_wait3A_54 = tpu.memref_slice %dma_wait3A_51[%dma_wait3A, %dma_wait3A_52, %dma_wait3A_53] : memref<160x2x128xi32, #tpu.memory_space<hbm>> -> memref<1x2x128xi32, #tpu.memory_space<hbm>>
    %dma_wait3A_55 = tpu.memref_squeeze %dma_wait3A_54 : memref<1x2x128xi32, #tpu.memory_space<hbm>> -> memref<2x128xi32, #tpu.memory_space<hbm>>
    tpu.wait_dma2 semaphore(%arg11 : memref<!tpu.dma_semaphore, #tpu.memory_space<semaphore_mem>>) src(%dma_wait3A_55 : memref<2x128xi32, #tpu.memory_space<hbm>>) dst(%arg6 : memref<2x128xi32, #tpu.memory_space<vmem>>)
    %dma_start3A_56 = arith.constant 0 : i32
    %dma_start3A_57 = arith.constant 0 : i32
    %dma_start3A_58 = tpu.memref_slice %arg6[%dma_start3A_56, %dma_start3A_57] : memref<2x128xi32, #tpu.memory_space<vmem>> -> memref<1x128xi32, #tpu.memory_space<vmem>>
    %dma_start3A_59 = tpu.memref_squeeze %dma_start3A_58 : memref<1x128xi32, #tpu.memory_space<vmem>> -> memref<128xi32, #tpu.memory_space<vmem>>
    %dma_start3A_60 = arith.constant 0 : i32
    %dma_start3A_61 = arith.constant 0 : i32
    %dma_start3A_62 = tpu.memref_slice %arg2[%arg0, %dma_start3A_60, %dma_start3A_61] : memref<2x10240x128xf32, #tpu.memory_space<hbm>> -> memref<1x10240x128xf32, #tpu.memory_space<hbm>>
    %dma_start3A_63 = tpu.memref_squeeze %dma_start3A_62 : memref<1x10240x128xf32, #tpu.memory_space<hbm>> -> memref<10240x128xf32, #tpu.memory_space<hbm>>
    %dma_start3A_64 = arith.constant 0 : i32
    %dma_start3A_65 = arith.constant 0 : i32
    %dma_start3A_66 = tpu.memref_slice %dma_start3A_63[%dma_start3A_64, %dma_start3A_65] : memref<10240x128xf32, #tpu.memory_space<hbm>> -> memref<10240x128xf32, #tpu.memory_space<hbm>>
    tpu.enqueue_indirect_dma source(%dma_start3A_66 : memref<10240x128xf32, #tpu.memory_space<hbm>>) target(%arg8 : memref<128x128xf32, #tpu.memory_space<vmem>>) offsets(%dma_start3A_59 : memref<128xi32, #tpu.memory_space<vmem>>) semaphore(%arg13 : memref<!tpu.dma_semaphore, #tpu.memory_space<semaphore_mem>>)
    %dma_wait3A_67 = arith.constant 1 : i32
    %dma_wait3A_68 = arith.constant 0 : i32
    %dma_wait3A_69 = arith.constant 0 : i32
    %dma_wait3A_70 = arith.constant 0 : i32
    %dma_wait3A_71 = tpu.memref_slice %arg3[%arg1, %dma_wait3A_68, %dma_wait3A_69, %dma_wait3A_70] : memref<16x160x2x128xi32, #tpu.memory_space<hbm>> -> memref<1x160x2x128xi32, #tpu.memory_space<hbm>>
    %dma_wait3A_72 = tpu.memref_squeeze %dma_wait3A_71 : memref<1x160x2x128xi32, #tpu.memory_space<hbm>> -> memref<160x2x128xi32, #tpu.memory_space<hbm>>
    %dma_wait3A_73 = arith.constant 0 : i32
    %dma_wait3A_74 = arith.constant 0 : i32
    %dma_wait3A_75 = tpu.memref_slice %dma_wait3A_72[%dma_wait3A_67, %dma_wait3A_73, %dma_wait3A_74] : memref<160x2x128xi32, #tpu.memory_space<hbm>> -> memref<1x2x128xi32, #tpu.memory_space<hbm>>
    %dma_wait3A_76 = tpu.memref_squeeze %dma_wait3A_75 : memref<1x2x128xi32, #tpu.memory_space<hbm>> -> memref<2x128xi32, #tpu.memory_space<hbm>>
    %dma_wait3A_77 = arith.constant 0 : i32
    %dma_wait3A_78 = arith.constant 0 : i32
    %dma_wait3A_79 = arith.constant 0 : i32
    %dma_wait3A_80 = tpu.memref_slice %arg3[%arg1, %dma_wait3A_77, %dma_wait3A_78, %dma_wait3A_79] : memref<16x160x2x128xi32, #tpu.memory_space<hbm>> -> memref<1x160x2x128xi32, #tpu.memory_space<hbm>>
    %dma_wait3A_81 = tpu.memref_squeeze %dma_wait3A_80 : memref<1x160x2x128xi32, #tpu.memory_space<hbm>> -> memref<160x2x128xi32, #tpu.memory_space<hbm>>
    %dma_wait3A_82 = arith.constant 0 : i32
    %dma_wait3A_83 = arith.constant 0 : i32
    %dma_wait3A_84 = tpu.memref_slice %dma_wait3A_81[%dma_wait3A_67, %dma_wait3A_82, %dma_wait3A_83] : memref<160x2x128xi32, #tpu.memory_space<hbm>> -> memref<1x2x128xi32, #tpu.memory_space<hbm>>
    %dma_wait3A_85 = tpu.memref_squeeze %dma_wait3A_84 : memref<1x2x128xi32, #tpu.memory_space<hbm>> -> memref<2x128xi32, #tpu.memory_space<hbm>>
    tpu.wait_dma2 semaphore(%arg12 : memref<!tpu.dma_semaphore, #tpu.memory_space<semaphore_mem>>) src(%dma_wait3A_85 : memref<2x128xi32, #tpu.memory_space<hbm>>) dst(%arg7 : memref<2x128xi32, #tpu.memory_space<vmem>>)
    %dma_start3A_86 = arith.constant 0 : i32
    %dma_start3A_87 = arith.constant 0 : i32
    %dma_start3A_88 = tpu.memref_slice %arg7[%dma_start3A_86, %dma_start3A_87] : memref<2x128xi32, #tpu.memory_space<vmem>> -> memref<1x128xi32, #tpu.memory_space<vmem>>
    %dma_start3A_89 = tpu.memref_squeeze %dma_start3A_88 : memref<1x128xi32, #tpu.memory_space<vmem>> -> memref<128xi32, #tpu.memory_space<vmem>>
    %dma_start3A_90 = arith.constant 0 : i32
    %dma_start3A_91 = arith.constant 0 : i32
    %dma_start3A_92 = tpu.memref_slice %arg2[%arg0, %dma_start3A_90, %dma_start3A_91] : memref<2x10240x128xf32, #tpu.memory_space<hbm>> -> memref<1x10240x128xf32, #tpu.memory_space<hbm>>
    %dma_start3A_93 = tpu.memref_squeeze %dma_start3A_92 : memref<1x10240x128xf32, #tpu.memory_space<hbm>> -> memref<10240x128xf32, #tpu.memory_space<hbm>>
    %dma_start3A_94 = arith.constant 0 : i32
    %dma_start3A_95 = arith.constant 0 : i32
    %dma_start3A_96 = tpu.memref_slice %dma_start3A_93[%dma_start3A_94, %dma_start3A_95] : memref<10240x128xf32, #tpu.memory_space<hbm>> -> memref<10240x128xf32, #tpu.memory_space<hbm>>
    tpu.enqueue_indirect_dma source(%dma_start3A_96 : memref<10240x128xf32, #tpu.memory_space<hbm>>) target(%arg9 : memref<128x128xf32, #tpu.memory_space<vmem>>) offsets(%dma_start3A_89 : memref<128xi32, #tpu.memory_space<vmem>>) semaphore(%arg14 : memref<!tpu.dma_semaphore, #tpu.memory_space<semaphore_mem>>)
    %scan3A = arith.constant 0 : i32
    %scan3A_97 = arith.constant 80 : i32
    %scan3A_98 = arith.addi %scan3A, %scan3A_97 : i32
    %scan3A_99 = arith.constant 1 : i32
    scf.for %scan3A_106 = %scan3A to %scan3A_98 step %scan3A_99  : i32 {
      %mul3A_107 = arith.constant 1 : i32
      %mul3A_108 = arith.muli %scan3A_106, %mul3A_107 : i32
      %add3A = arith.constant 0 : i32
      %add3A_109 = arith.addi %add3A, %mul3A_108 : i32
      %mul3A_110 = arith.constant 2 : i32
      %mul3A_111 = arith.muli %mul3A_110, %add3A_109 : i32
      %add3A_112 = arith.constant 0 : i32
      %add3A_113 = arith.addi %add3A_112, %mul3A_111 : i32
      %add3A_114 = arith.constant 1 : i32
      %add3A_115 = arith.addi %add3A_113, %add3A_114 : i32
      %dma_wait3A_116 = arith.constant 0 : i32
      %dma_wait3A_117 = arith.constant 0 : i32
      %dma_wait3A_118 = tpu.memref_slice %arg6[%dma_wait3A_116, %dma_wait3A_117] : memref<2x128xi32, #tpu.memory_space<vmem>> -> memref<1x128xi32, #tpu.memory_space<vmem>>
      %dma_wait3A_119 = tpu.memref_squeeze %dma_wait3A_118 : memref<1x128xi32, #tpu.memory_space<vmem>> -> memref<128xi32, #tpu.memory_space<vmem>>
      %dma_wait3A_120 = arith.constant 0 : i32
      %dma_wait3A_121 = arith.constant 0 : i32
      %dma_wait3A_122 = tpu.memref_slice %arg2[%arg0, %dma_wait3A_120, %dma_wait3A_121] : memref<2x10240x128xf32, #tpu.memory_space<hbm>> -> memref<1x10240x128xf32, #tpu.memory_space<hbm>>
      %dma_wait3A_123 = tpu.memref_squeeze %dma_wait3A_122 : memref<1x10240x128xf32, #tpu.memory_space<hbm>> -> memref<10240x128xf32, #tpu.memory_space<hbm>>
      %dma_wait3A_124 = arith.constant 0 : i32
      %dma_wait3A_125 = arith.constant 0 : i32
      %dma_wait3A_126 = tpu.memref_slice %dma_wait3A_123[%dma_wait3A_124, %dma_wait3A_125] : memref<10240x128xf32, #tpu.memory_space<hbm>> -> memref<10240x128xf32, #tpu.memory_space<hbm>>
      tpu.wait_indirect_dma semaphore(%arg13 : memref<!tpu.dma_semaphore, #tpu.memory_space<semaphore_mem>>) src(%dma_wait3A_126 : memref<10240x128xf32, #tpu.memory_space<hbm>>) dst(%arg8 : memref<128x128xf32, #tpu.memory_space<vmem>>)
      %run_scoped3A = arith.constant 1 : i32
      "tpu.region"() ({
        %run_scoped3A_164 = tpu.sem_alloc : memref<!tpu.dma_semaphore, #tpu.memory_space<semaphore_mem>>
        %dma_start3A_165 = arith.constant 0 : i32
        %dma_start3A_166 = tpu.memref_slice %arg6[%run_scoped3A, %dma_start3A_165] : memref<2x128xi32, #tpu.memory_space<vmem>> -> memref<1x128xi32, #tpu.memory_space<vmem>>
        %dma_start3A_167 = tpu.memref_squeeze %dma_start3A_166 : memref<1x128xi32, #tpu.memory_space<vmem>> -> memref<128xi32, #tpu.memory_space<vmem>>
        %dma_start3A_168 = arith.constant 0 : i32
        %dma_start3A_169 = arith.constant 0 : i32
        %dma_start3A_170 = tpu.memref_slice %arg10[%dma_start3A_168, %dma_start3A_169] : memref<10240x128xf32, #tpu.memory_space<vmem_shared>> -> memref<10240x128xf32, #tpu.memory_space<vmem_shared>>
        tpu.enqueue_indirect_dma source(%arg8 : memref<128x128xf32, #tpu.memory_space<vmem>>) target(%dma_start3A_170 : memref<10240x128xf32, #tpu.memory_space<vmem_shared>>) offsets(%dma_start3A_167 : memref<128xi32, #tpu.memory_space<vmem>>) semaphore(%run_scoped3A_164 : memref<!tpu.dma_semaphore, #tpu.memory_space<semaphore_mem>>) {add = true}
        %dma_wait3A_171 = arith.constant 0 : i32
        %dma_wait3A_172 = tpu.memref_slice %arg6[%run_scoped3A, %dma_wait3A_171] : memref<2x128xi32, #tpu.memory_space<vmem>> -> memref<1x128xi32, #tpu.memory_space<vmem>>
        %dma_wait3A_173 = tpu.memref_squeeze %dma_wait3A_172 : memref<1x128xi32, #tpu.memory_space<vmem>> -> memref<128xi32, #tpu.memory_space<vmem>>
        %dma_wait3A_174 = arith.constant 0 : i32
        %dma_wait3A_175 = arith.constant 0 : i32
        %dma_wait3A_176 = tpu.memref_slice %arg10[%dma_wait3A_174, %dma_wait3A_175] : memref<10240x128xf32, #tpu.memory_space<vmem_shared>> -> memref<10240x128xf32, #tpu.memory_space<vmem_shared>>
        tpu.wait_indirect_dma semaphore(%run_scoped3A_164 : memref<!tpu.dma_semaphore, #tpu.memory_space<semaphore_mem>>) src(%arg8 : memref<128x128xf32, #tpu.memory_space<vmem>>) dst(%dma_wait3A_176 : memref<10240x128xf32, #tpu.memory_space<vmem_shared>>)
        tpu.yield
      }) : () -> ()
      %add3A_127 = arith.constant 2 : i32
      %add3A_128 = arith.addi %add3A_113, %add3A_127 : i32
      %lt3A = arith.constant 160 : i32
      %lt3A_129 = arith.cmpi slt, %add3A_128, %lt3A : i32
      %convert_element_type3A = arith.extui %lt3A_129 : i1 to i32
      %cond3A = arith.constant 0 : i32
      %cond3A_130 = arith.cmpi ne, %convert_element_type3A, %cond3A : i32
      scf.if %cond3A_130 {
        %add3A_164 = arith.constant 2 : i32
        %add3A_165 = arith.addi %add3A_113, %add3A_164 : i32
        %dma_start3A_166 = arith.constant 0 : i32
        %dma_start3A_167 = arith.constant 0 : i32
        %dma_start3A_168 = arith.constant 0 : i32
        %dma_start3A_169 = tpu.memref_slice %arg3[%arg1, %dma_start3A_166, %dma_start3A_167, %dma_start3A_168] : memref<16x160x2x128xi32, #tpu.memory_space<hbm>> -> memref<1x160x2x128xi32, #tpu.memory_space<hbm>>
        %dma_start3A_170 = tpu.memref_squeeze %dma_start3A_169 : memref<1x160x2x128xi32, #tpu.memory_space<hbm>> -> memref<160x2x128xi32, #tpu.memory_space<hbm>>
        %dma_start3A_171 = arith.constant 0 : i32
        %dma_start3A_172 = arith.constant 0 : i32
        %dma_start3A_173 = tpu.memref_slice %dma_start3A_170[%add3A_165, %dma_start3A_171, %dma_start3A_172] : memref<160x2x128xi32, #tpu.memory_space<hbm>> -> memref<1x2x128xi32, #tpu.memory_space<hbm>>
        %dma_start3A_174 = tpu.memref_squeeze %dma_start3A_173 : memref<1x2x128xi32, #tpu.memory_space<hbm>> -> memref<2x128xi32, #tpu.memory_space<hbm>>
        %dma_start3A_175 = arith.constant 0 : i32
        %dma_start3A_176 = arith.constant 0 : i32
        %dma_start3A_177 = arith.constant 0 : i32
        %dma_start3A_178 = tpu.memref_slice %arg3[%arg1, %dma_start3A_175, %dma_start3A_176, %dma_start3A_177] : memref<16x160x2x128xi32, #tpu.memory_space<hbm>> -> memref<1x160x2x128xi32, #tpu.memory_space<hbm>>
        %dma_start3A_179 = tpu.memref_squeeze %dma_start3A_178 : memref<1x160x2x128xi32, #tpu.memory_space<hbm>> -> memref<160x2x128xi32, #tpu.memory_space<hbm>>
        %dma_start3A_180 = arith.constant 0 : i32
        %dma_start3A_181 = arith.constant 0 : i32
        %dma_start3A_182 = tpu.memref_slice %dma_start3A_179[%add3A_165, %dma_start3A_180, %dma_start3A_181] : memref<160x2x128xi32, #tpu.memory_space<hbm>> -> memref<1x2x128xi32, #tpu.memory_space<hbm>>
        %dma_start3A_183 = tpu.memref_squeeze %dma_start3A_182 : memref<1x2x128xi32, #tpu.memory_space<hbm>> -> memref<2x128xi32, #tpu.memory_space<hbm>>
        tpu.enqueue_dma source(%dma_start3A_183 : memref<2x128xi32, #tpu.memory_space<hbm>>) target(%arg6 : memref<2x128xi32, #tpu.memory_space<vmem>>) target_semaphore(%arg11 : memref<!tpu.dma_semaphore, #tpu.memory_space<semaphore_mem>>)
      } else {
      }
      %dma_wait3A_131 = arith.constant 0 : i32
      %dma_wait3A_132 = arith.constant 0 : i32
      %dma_wait3A_133 = tpu.memref_slice %arg7[%dma_wait3A_131, %dma_wait3A_132] : memref<2x128xi32, #tpu.memory_space<vmem>> -> memref<1x128xi32, #tpu.memory_space<vmem>>
      %dma_wait3A_134 = tpu.memref_squeeze %dma_wait3A_133 : memref<1x128xi32, #tpu.memory_space<vmem>> -> memref<128xi32, #tpu.memory_space<vmem>>
      %dma_wait3A_135 = arith.constant 0 : i32
      %dma_wait3A_136 = arith.constant 0 : i32
      %dma_wait3A_137 = tpu.memref_slice %arg2[%arg0, %dma_wait3A_135, %dma_wait3A_136] : memref<2x10240x128xf32, #tpu.memory_space<hbm>> -> memref<1x10240x128xf32, #tpu.memory_space<hbm>>
      %dma_wait3A_138 = tpu.memref_squeeze %dma_wait3A_137 : memref<1x10240x128xf32, #tpu.memory_space<hbm>> -> memref<10240x128xf32, #tpu.memory_space<hbm>>
      %dma_wait3A_139 = arith.constant 0 : i32
      %dma_wait3A_140 = arith.constant 0 : i32
      %dma_wait3A_141 = tpu.memref_slice %dma_wait3A_138[%dma_wait3A_139, %dma_wait3A_140] : memref<10240x128xf32, #tpu.memory_space<hbm>> -> memref<10240x128xf32, #tpu.memory_space<hbm>>
      tpu.wait_indirect_dma semaphore(%arg14 : memref<!tpu.dma_semaphore, #tpu.memory_space<semaphore_mem>>) src(%dma_wait3A_141 : memref<10240x128xf32, #tpu.memory_space<hbm>>) dst(%arg9 : memref<128x128xf32, #tpu.memory_space<vmem>>)
      %run_scoped3A_142 = arith.constant 1 : i32
      "tpu.region"() ({
        %run_scoped3A_164 = tpu.sem_alloc : memref<!tpu.dma_semaphore, #tpu.memory_space<semaphore_mem>>
        %dma_start3A_165 = arith.constant 0 : i32
        %dma_start3A_166 = tpu.memref_slice %arg7[%run_scoped3A_142, %dma_start3A_165] : memref<2x128xi32, #tpu.memory_space<vmem>> -> memref<1x128xi32, #tpu.memory_space<vmem>>
        %dma_start3A_167 = tpu.memref_squeeze %dma_start3A_166 : memref<1x128xi32, #tpu.memory_space<vmem>> -> memref<128xi32, #tpu.memory_space<vmem>>
        %dma_start3A_168 = arith.constant 0 : i32
        %dma_start3A_169 = arith.constant 0 : i32
        %dma_start3A_170 = tpu.memref_slice %arg10[%dma_start3A_168, %dma_start3A_169] : memref<10240x128xf32, #tpu.memory_space<vmem_shared>> -> memref<10240x128xf32, #tpu.memory_space<vmem_shared>>
        tpu.enqueue_indirect_dma source(%arg9 : memref<128x128xf32, #tpu.memory_space<vmem>>) target(%dma_start3A_170 : memref<10240x128xf32, #tpu.memory_space<vmem_shared>>) offsets(%dma_start3A_167 : memref<128xi32, #tpu.memory_space<vmem>>) semaphore(%run_scoped3A_164 : memref<!tpu.dma_semaphore, #tpu.memory_space<semaphore_mem>>) {add = true}
        %dma_wait3A_171 = arith.constant 0 : i32
        %dma_wait3A_172 = tpu.memref_slice %arg7[%run_scoped3A_142, %dma_wait3A_171] : memref<2x128xi32, #tpu.memory_space<vmem>> -> memref<1x128xi32, #tpu.memory_space<vmem>>
        %dma_wait3A_173 = tpu.memref_squeeze %dma_wait3A_172 : memref<1x128xi32, #tpu.memory_space<vmem>> -> memref<128xi32, #tpu.memory_space<vmem>>
        %dma_wait3A_174 = arith.constant 0 : i32
        %dma_wait3A_175 = arith.constant 0 : i32
        %dma_wait3A_176 = tpu.memref_slice %arg10[%dma_wait3A_174, %dma_wait3A_175] : memref<10240x128xf32, #tpu.memory_space<vmem_shared>> -> memref<10240x128xf32, #tpu.memory_space<vmem_shared>>
        tpu.wait_indirect_dma semaphore(%run_scoped3A_164 : memref<!tpu.dma_semaphore, #tpu.memory_space<semaphore_mem>>) src(%arg9 : memref<128x128xf32, #tpu.memory_space<vmem>>) dst(%dma_wait3A_176 : memref<10240x128xf32, #tpu.memory_space<vmem_shared>>)
        tpu.yield
      }) : () -> ()
      %add3A_143 = arith.constant 2 : i32
      %add3A_144 = arith.addi %add3A_115, %add3A_143 : i32
      %lt3A_145 = arith.constant 160 : i32
      %lt3A_146 = arith.cmpi slt, %add3A_144, %lt3A_145 : i32
      %convert_element_type3A_147 = arith.extui %lt3A_146 : i1 to i32
      %cond3A_148 = arith.constant 0 : i32
      %cond3A_149 = arith.cmpi ne, %convert_element_type3A_147, %cond3A_148 : i32
      scf.if %cond3A_149 {
        %add3A_164 = arith.constant 2 : i32
        %add3A_165 = arith.addi %add3A_115, %add3A_164 : i32
        %dma_start3A_166 = arith.constant 0 : i32
        %dma_start3A_167 = arith.constant 0 : i32
        %dma_start3A_168 = arith.constant 0 : i32
        %dma_start3A_169 = tpu.memref_slice %arg3[%arg1, %dma_start3A_166, %dma_start3A_167, %dma_start3A_168] : memref<16x160x2x128xi32, #tpu.memory_space<hbm>> -> memref<1x160x2x128xi32, #tpu.memory_space<hbm>>
        %dma_start3A_170 = tpu.memref_squeeze %dma_start3A_169 : memref<1x160x2x128xi32, #tpu.memory_space<hbm>> -> memref<160x2x128xi32, #tpu.memory_space<hbm>>
        %dma_start3A_171 = arith.constant 0 : i32
        %dma_start3A_172 = arith.constant 0 : i32
        %dma_start3A_173 = tpu.memref_slice %dma_start3A_170[%add3A_165, %dma_start3A_171, %dma_start3A_172] : memref<160x2x128xi32, #tpu.memory_space<hbm>> -> memref<1x2x128xi32, #tpu.memory_space<hbm>>
        %dma_start3A_174 = tpu.memref_squeeze %dma_start3A_173 : memref<1x2x128xi32, #tpu.memory_space<hbm>> -> memref<2x128xi32, #tpu.memory_space<hbm>>
        %dma_start3A_175 = arith.constant 0 : i32
        %dma_start3A_176 = arith.constant 0 : i32
        %dma_start3A_177 = arith.constant 0 : i32
        %dma_start3A_178 = tpu.memref_slice %arg3[%arg1, %dma_start3A_175, %dma_start3A_176, %dma_start3A_177] : memref<16x160x2x128xi32, #tpu.memory_space<hbm>> -> memref<1x160x2x128xi32, #tpu.memory_space<hbm>>
        %dma_start3A_179 = tpu.memref_squeeze %dma_start3A_178 : memref<1x160x2x128xi32, #tpu.memory_space<hbm>> -> memref<160x2x128xi32, #tpu.memory_space<hbm>>
        %dma_start3A_180 = arith.constant 0 : i32
        %dma_start3A_181 = arith.constant 0 : i32
        %dma_start3A_182 = tpu.memref_slice %dma_start3A_179[%add3A_165, %dma_start3A_180, %dma_start3A_181] : memref<160x2x128xi32, #tpu.memory_space<hbm>> -> memref<1x2x128xi32, #tpu.memory_space<hbm>>
        %dma_start3A_183 = tpu.memref_squeeze %dma_start3A_182 : memref<1x2x128xi32, #tpu.memory_space<hbm>> -> memref<2x128xi32, #tpu.memory_space<hbm>>
        tpu.enqueue_dma source(%dma_start3A_183 : memref<2x128xi32, #tpu.memory_space<hbm>>) target(%arg7 : memref<2x128xi32, #tpu.memory_space<vmem>>) target_semaphore(%arg12 : memref<!tpu.dma_semaphore, #tpu.memory_space<semaphore_mem>>)
      } else {
      }
      %add3A_150 = arith.constant 2 : i32
      %add3A_151 = arith.addi %add3A_113, %add3A_150 : i32
      %lt3A_152 = arith.constant 160 : i32
      %lt3A_153 = arith.cmpi slt, %add3A_151, %lt3A_152 : i32
      %convert_element_type3A_154 = arith.extui %lt3A_153 : i1 to i32
      %cond3A_155 = arith.constant 0 : i32
      %cond3A_156 = arith.cmpi ne, %convert_element_type3A_154, %cond3A_155 : i32
      scf.if %cond3A_156 {
        %add3A_164 = arith.constant 2 : i32
        %add3A_165 = arith.addi %add3A_113, %add3A_164 : i32
        %dma_wait3A_166 = arith.constant 0 : i32
        %dma_wait3A_167 = arith.constant 0 : i32
        %dma_wait3A_168 = arith.constant 0 : i32
        %dma_wait3A_169 = tpu.memref_slice %arg3[%arg1, %dma_wait3A_166, %dma_wait3A_167, %dma_wait3A_168] : memref<16x160x2x128xi32, #tpu.memory_space<hbm>> -> memref<1x160x2x128xi32, #tpu.memory_space<hbm>>
        %dma_wait3A_170 = tpu.memref_squeeze %dma_wait3A_169 : memref<1x160x2x128xi32, #tpu.memory_space<hbm>> -> memref<160x2x128xi32, #tpu.memory_space<hbm>>
        %dma_wait3A_171 = arith.constant 0 : i32
        %dma_wait3A_172 = arith.constant 0 : i32
        %dma_wait3A_173 = tpu.memref_slice %dma_wait3A_170[%add3A_165, %dma_wait3A_171, %dma_wait3A_172] : memref<160x2x128xi32, #tpu.memory_space<hbm>> -> memref<1x2x128xi32, #tpu.memory_space<hbm>>
        %dma_wait3A_174 = tpu.memref_squeeze %dma_wait3A_173 : memref<1x2x128xi32, #tpu.memory_space<hbm>> -> memref<2x128xi32, #tpu.memory_space<hbm>>
        %dma_wait3A_175 = arith.constant 0 : i32
        %dma_wait3A_176 = arith.constant 0 : i32
        %dma_wait3A_177 = arith.constant 0 : i32
        %dma_wait3A_178 = tpu.memref_slice %arg3[%arg1, %dma_wait3A_175, %dma_wait3A_176, %dma_wait3A_177] : memref<16x160x2x128xi32, #tpu.memory_space<hbm>> -> memref<1x160x2x128xi32, #tpu.memory_space<hbm>>
        %dma_wait3A_179 = tpu.memref_squeeze %dma_wait3A_178 : memref<1x160x2x128xi32, #tpu.memory_space<hbm>> -> memref<160x2x128xi32, #tpu.memory_space<hbm>>
        %dma_wait3A_180 = arith.constant 0 : i32
        %dma_wait3A_181 = arith.constant 0 : i32
        %dma_wait3A_182 = tpu.memref_slice %dma_wait3A_179[%add3A_165, %dma_wait3A_180, %dma_wait3A_181] : memref<160x2x128xi32, #tpu.memory_space<hbm>> -> memref<1x2x128xi32, #tpu.memory_space<hbm>>
        %dma_wait3A_183 = tpu.memref_squeeze %dma_wait3A_182 : memref<1x2x128xi32, #tpu.memory_space<hbm>> -> memref<2x128xi32, #tpu.memory_space<hbm>>
        tpu.wait_dma2 semaphore(%arg11 : memref<!tpu.dma_semaphore, #tpu.memory_space<semaphore_mem>>) src(%dma_wait3A_183 : memref<2x128xi32, #tpu.memory_space<hbm>>) dst(%arg6 : memref<2x128xi32, #tpu.memory_space<vmem>>)
        %dma_start3A_184 = arith.constant 0 : i32
        %dma_start3A_185 = arith.constant 0 : i32
        %dma_start3A_186 = tpu.memref_slice %arg6[%dma_start3A_184, %dma_start3A_185] : memref<2x128xi32, #tpu.memory_space<vmem>> -> memref<1x128xi32, #tpu.memory_space<vmem>>
        %dma_start3A_187 = tpu.memref_squeeze %dma_start3A_186 : memref<1x128xi32, #tpu.memory_space<vmem>> -> memref<128xi32, #tpu.memory_space<vmem>>
        %dma_start3A_188 = arith.constant 0 : i32
        %dma_start3A_189 = arith.constant 0 : i32
        %dma_start3A_190 = tpu.memref_slice %arg2[%arg0, %dma_start3A_188, %dma_start3A_189] : memref<2x10240x128xf32, #tpu.memory_space<hbm>> -> memref<1x10240x128xf32, #tpu.memory_space<hbm>>
        %dma_start3A_191 = tpu.memref_squeeze %dma_start3A_190 : memref<1x10240x128xf32, #tpu.memory_space<hbm>> -> memref<10240x128xf32, #tpu.memory_space<hbm>>
        %dma_start3A_192 = arith.constant 0 : i32
        %dma_start3A_193 = arith.constant 0 : i32
        %dma_start3A_194 = tpu.memref_slice %dma_start3A_191[%dma_start3A_192, %dma_start3A_193] : memref<10240x128xf32, #tpu.memory_space<hbm>> -> memref<10240x128xf32, #tpu.memory_space<hbm>>
        tpu.enqueue_indirect_dma source(%dma_start3A_194 : memref<10240x128xf32, #tpu.memory_space<hbm>>) target(%arg8 : memref<128x128xf32, #tpu.memory_space<vmem>>) offsets(%dma_start3A_187 : memref<128xi32, #tpu.memory_space<vmem>>) semaphore(%arg13 : memref<!tpu.dma_semaphore, #tpu.memory_space<semaphore_mem>>)
      } else {
      }
      %add3A_157 = arith.constant 2 : i32
      %add3A_158 = arith.addi %add3A_115, %add3A_157 : i32
      %lt3A_159 = arith.constant 160 : i32
      %lt3A_160 = arith.cmpi slt, %add3A_158, %lt3A_159 : i32
      %convert_element_type3A_161 = arith.extui %lt3A_160 : i1 to i32
      %cond3A_162 = arith.constant 0 : i32
      %cond3A_163 = arith.cmpi ne, %convert_element_type3A_161, %cond3A_162 : i32
      scf.if %cond3A_163 {
        %add3A_164 = arith.constant 2 : i32
        %add3A_165 = arith.addi %add3A_115, %add3A_164 : i32
        %dma_wait3A_166 = arith.constant 0 : i32
        %dma_wait3A_167 = arith.constant 0 : i32
        %dma_wait3A_168 = arith.constant 0 : i32
        %dma_wait3A_169 = tpu.memref_slice %arg3[%arg1, %dma_wait3A_166, %dma_wait3A_167, %dma_wait3A_168] : memref<16x160x2x128xi32, #tpu.memory_space<hbm>> -> memref<1x160x2x128xi32, #tpu.memory_space<hbm>>
        %dma_wait3A_170 = tpu.memref_squeeze %dma_wait3A_169 : memref<1x160x2x128xi32, #tpu.memory_space<hbm>> -> memref<160x2x128xi32, #tpu.memory_space<hbm>>
        %dma_wait3A_171 = arith.constant 0 : i32
        %dma_wait3A_172 = arith.constant 0 : i32
        %dma_wait3A_173 = tpu.memref_slice %dma_wait3A_170[%add3A_165, %dma_wait3A_171, %dma_wait3A_172] : memref<160x2x128xi32, #tpu.memory_space<hbm>> -> memref<1x2x128xi32, #tpu.memory_space<hbm>>
        %dma_wait3A_174 = tpu.memref_squeeze %dma_wait3A_173 : memref<1x2x128xi32, #tpu.memory_space<hbm>> -> memref<2x128xi32, #tpu.memory_space<hbm>>
        %dma_wait3A_175 = arith.constant 0 : i32
        %dma_wait3A_176 = arith.constant 0 : i32
        %dma_wait3A_177 = arith.constant 0 : i32
        %dma_wait3A_178 = tpu.memref_slice %arg3[%arg1, %dma_wait3A_175, %dma_wait3A_176, %dma_wait3A_177] : memref<16x160x2x128xi32, #tpu.memory_space<hbm>> -> memref<1x160x2x128xi32, #tpu.memory_space<hbm>>
        %dma_wait3A_179 = tpu.memref_squeeze %dma_wait3A_178 : memref<1x160x2x128xi32, #tpu.memory_space<hbm>> -> memref<160x2x128xi32, #tpu.memory_space<hbm>>
        %dma_wait3A_180 = arith.constant 0 : i32
        %dma_wait3A_181 = arith.constant 0 : i32
        %dma_wait3A_182 = tpu.memref_slice %dma_wait3A_179[%add3A_165, %dma_wait3A_180, %dma_wait3A_181] : memref<160x2x128xi32, #tpu.memory_space<hbm>> -> memref<1x2x128xi32, #tpu.memory_space<hbm>>
        %dma_wait3A_183 = tpu.memref_squeeze %dma_wait3A_182 : memref<1x2x128xi32, #tpu.memory_space<hbm>> -> memref<2x128xi32, #tpu.memory_space<hbm>>
        tpu.wait_dma2 semaphore(%arg12 : memref<!tpu.dma_semaphore, #tpu.memory_space<semaphore_mem>>) src(%dma_wait3A_183 : memref<2x128xi32, #tpu.memory_space<hbm>>) dst(%arg7 : memref<2x128xi32, #tpu.memory_space<vmem>>)
        %dma_start3A_184 = arith.constant 0 : i32
        %dma_start3A_185 = arith.constant 0 : i32
        %dma_start3A_186 = tpu.memref_slice %arg7[%dma_start3A_184, %dma_start3A_185] : memref<2x128xi32, #tpu.memory_space<vmem>> -> memref<1x128xi32, #tpu.memory_space<vmem>>
        %dma_start3A_187 = tpu.memref_squeeze %dma_start3A_186 : memref<1x128xi32, #tpu.memory_space<vmem>> -> memref<128xi32, #tpu.memory_space<vmem>>
        %dma_start3A_188 = arith.constant 0 : i32
        %dma_start3A_189 = arith.constant 0 : i32
        %dma_start3A_190 = tpu.memref_slice %arg2[%arg0, %dma_start3A_188, %dma_start3A_189] : memref<2x10240x128xf32, #tpu.memory_space<hbm>> -> memref<1x10240x128xf32, #tpu.memory_space<hbm>>
        %dma_start3A_191 = tpu.memref_squeeze %dma_start3A_190 : memref<1x10240x128xf32, #tpu.memory_space<hbm>> -> memref<10240x128xf32, #tpu.memory_space<hbm>>
        %dma_start3A_192 = arith.constant 0 : i32
        %dma_start3A_193 = arith.constant 0 : i32
        %dma_start3A_194 = tpu.memref_slice %dma_start3A_191[%dma_start3A_192, %dma_start3A_193] : memref<10240x128xf32, #tpu.memory_space<hbm>> -> memref<10240x128xf32, #tpu.memory_space<hbm>>
        tpu.enqueue_indirect_dma source(%dma_start3A_194 : memref<10240x128xf32, #tpu.memory_space<hbm>>) target(%arg9 : memref<128x128xf32, #tpu.memory_space<vmem>>) offsets(%dma_start3A_187 : memref<128xi32, #tpu.memory_space<vmem>>) semaphore(%arg14 : memref<!tpu.dma_semaphore, #tpu.memory_space<semaphore_mem>>)
      } else {
      }
    }
    %scan3A_100 = arith.constant 80 : i32
    %barrier3A_101 = arith.constant 0 : index
    tpu.barrier barrier_id(%barrier3A_101)
    %mul3A_102 = arith.constant 640 : i32
    %mul3A_103 = arith.muli %arg1, %mul3A_102 : i32
    %mul3A_104 = arith.constant 640 : i32
    %mul3A_105 = arith.muli %arg1, %mul3A_104 : i32
    "tpu.region"() ({
      %run_scoped3A = tpu.sem_alloc : memref<!tpu.dma_semaphore, #tpu.memory_space<semaphore_mem>>
      %dma_start3A_106 = arith.constant 0 : i32
      %dma_start3A_107 = arith.constant 0 : i32
      %dma_start3A_108 = tpu.memref_slice %arg5[%arg0, %dma_start3A_106, %dma_start3A_107] : memref<2x10240x128xf32, #tpu.memory_space<hbm>> -> memref<1x10240x128xf32, #tpu.memory_space<hbm>>
      %dma_start3A_109 = tpu.memref_squeeze %dma_start3A_108 : memref<1x10240x128xf32, #tpu.memory_space<hbm>> -> memref<10240x128xf32, #tpu.memory_space<hbm>>
      %dma_start3A_110 = arith.constant 0 : i32
      %dma_start3A_111 = tpu.memref_slice %dma_start3A_109[%mul3A_105, %dma_start3A_110] : memref<10240x128xf32, #tpu.memory_space<hbm>> -> memref<640x128xf32, #tpu.memory_space<hbm>>
      %dma_start3A_112 = arith.constant 0 : i32
      %dma_start3A_113 = tpu.memref_slice %arg10[%mul3A_103, %dma_start3A_112] : memref<10240x128xf32, #tpu.memory_space<vmem_shared>> -> memref<640x128xf32, #tpu.memory_space<vmem_shared>>
      tpu.enqueue_dma source(%dma_start3A_113 : memref<640x128xf32, #tpu.memory_space<vmem_shared>>) target(%dma_start3A_111 : memref<640x128xf32, #tpu.memory_space<hbm>>) target_semaphore(%run_scoped3A : memref<!tpu.dma_semaphore, #tpu.memory_space<semaphore_mem>>)
      %dma_wait3A_114 = arith.constant 0 : i32
      %dma_wait3A_115 = arith.constant 0 : i32
      %dma_wait3A_116 = tpu.memref_slice %arg5[%arg0, %dma_wait3A_114, %dma_wait3A_115] : memref<2x10240x128xf32, #tpu.memory_space<hbm>> -> memref<1x10240x128xf32, #tpu.memory_space<hbm>>
      %dma_wait3A_117 = tpu.memref_squeeze %dma_wait3A_116 : memref<1x10240x128xf32, #tpu.memory_space<hbm>> -> memref<10240x128xf32, #tpu.memory_space<hbm>>
      %dma_wait3A_118 = arith.constant 0 : i32
      %dma_wait3A_119 = tpu.memref_slice %dma_wait3A_117[%mul3A_105, %dma_wait3A_118] : memref<10240x128xf32, #tpu.memory_space<hbm>> -> memref<640x128xf32, #tpu.memory_space<hbm>>
      %dma_wait3A_120 = arith.constant 0 : i32
      %dma_wait3A_121 = tpu.memref_slice %arg10[%mul3A_103, %dma_wait3A_120] : memref<10240x128xf32, #tpu.memory_space<vmem_shared>> -> memref<640x128xf32, #tpu.memory_space<vmem_shared>>
      tpu.wait_dma2 semaphore(%run_scoped3A : memref<!tpu.dma_semaphore, #tpu.memory_space<semaphore_mem>>) src(%dma_wait3A_121 : memref<640x128xf32, #tpu.memory_space<vmem_shared>>) dst(%dma_wait3A_119 : memref<640x128xf32, #tpu.memory_space<hbm>>)
      tpu.yield
    }) : () -> ()
    return
  }
}

#map = affine_map<(d0, d1) -> (0, 0)>
#map1 = affine_map<(d0, d1) -> (0, 0, 0, 0)>
#map2 = affine_map<(d0, d1) -> (0, 0, 0)>
module attributes {stable_mosaic.version = 14 : i64} {
  func.func @k(%arg0: i32, %arg1: i32, %arg2: memref<10240x128xf32, #tpu.memory_space<hbm>>, %arg3: memref<16x160x2x128xi32, #tpu.memory_space<hbm>>, %arg4: memref<640x128xf32, #tpu.memory_space<hbm>>, %arg5: memref<2x10240x128xf32, #tpu.memory_space<hbm>>, %arg6: memref<2x128xi32, #tpu.memory_space<vmem>>, %arg7: memref<2x128xi32, #tpu.memory_space<vmem>>, %arg8: memref<128x128xf32, #tpu.memory_space<vmem>>, %arg9: memref<128x128xf32, #tpu.memory_space<vmem>>, %arg10: memref<10240x128xf32, #tpu.memory_space<vmem_shared>>, %arg11: memref<!tpu.dma_semaphore, #tpu.memory_space<semaphore_mem>>, %arg12: memref<!tpu.dma_semaphore, #tpu.memory_space<semaphore_mem>>, %arg13: memref<!tpu.dma_semaphore, #tpu.memory_space<semaphore_mem>>, %arg14: memref<!tpu.dma_semaphore, #tpu.memory_space<semaphore_mem>>) attributes {dimension_semantics = [#tpu.dimension_semantics<core_parallel>, #tpu.dimension_semantics<subcore_parallel>], iteration_bounds = array<i64: 2, 16>, scalar_prefetch = 0 : i64, scratch_operands = 9 : i64, tpu.core_type = #tpu.core_type<sc_vector_subcore>, window_params = [{transform_indices = #map}, {transform_indices = #map1}, {transform_indices = #map}, {transform_indices = #map2}]} {
    %mul3A = arith.constant 640 : i32
    %mul3A_0 = arith.muli %arg1, %mul3A : i32
    "tpu.region"() ({
      %run_scoped3A = tpu.sem_alloc : memref<!tpu.dma_semaphore, #tpu.memory_space<semaphore_mem>>
      %dma_start3A_101 = arith.constant 0 : i32
      %dma_start3A_102 = tpu.memref_slice %arg10[%mul3A_0, %dma_start3A_101] : memref<10240x128xf32, #tpu.memory_space<vmem_shared>> -> memref<640x128xf32, #tpu.memory_space<vmem_shared>>
      tpu.enqueue_dma source(%arg4 : memref<640x128xf32, #tpu.memory_space<hbm>>) target(%dma_start3A_102 : memref<640x128xf32, #tpu.memory_space<vmem_shared>>) target_semaphore(%run_scoped3A : memref<!tpu.dma_semaphore, #tpu.memory_space<semaphore_mem>>)
      %dma_wait3A_103 = arith.constant 0 : i32
      %dma_wait3A_104 = tpu.memref_slice %arg10[%mul3A_0, %dma_wait3A_103] : memref<10240x128xf32, #tpu.memory_space<vmem_shared>> -> memref<640x128xf32, #tpu.memory_space<vmem_shared>>
      tpu.wait_dma2 semaphore(%run_scoped3A : memref<!tpu.dma_semaphore, #tpu.memory_space<semaphore_mem>>) src(%arg4 : memref<640x128xf32, #tpu.memory_space<hbm>>) dst(%dma_wait3A_104 : memref<640x128xf32, #tpu.memory_space<vmem_shared>>)
      tpu.yield
    }) : () -> ()
    %barrier3A = arith.constant 0 : index
    tpu.barrier barrier_id(%barrier3A)
    %mul3A_1 = arith.constant 80 : i32
    %mul3A_2 = arith.muli %arg0, %mul3A_1 : i32
    %add3A = arith.constant 80 : i32
    %add3A_3 = arith.addi %mul3A_2, %add3A : i32
    %dma_start3A = arith.constant 0 : i32
    %dma_start3A_4 = arith.constant 0 : i32
    %dma_start3A_5 = arith.constant 0 : i32
    %dma_start3A_6 = tpu.memref_slice %arg3[%arg1, %dma_start3A, %dma_start3A_4, %dma_start3A_5] : memref<16x160x2x128xi32, #tpu.memory_space<hbm>> -> memref<1x160x2x128xi32, #tpu.memory_space<hbm>>
    %dma_start3A_7 = tpu.memref_squeeze %dma_start3A_6 : memref<1x160x2x128xi32, #tpu.memory_space<hbm>> -> memref<160x2x128xi32, #tpu.memory_space<hbm>>
    %dma_start3A_8 = arith.constant 0 : i32
    %dma_start3A_9 = arith.constant 0 : i32
    %dma_start3A_10 = tpu.memref_slice %dma_start3A_7[%mul3A_2, %dma_start3A_8, %dma_start3A_9] : memref<160x2x128xi32, #tpu.memory_space<hbm>> -> memref<1x2x128xi32, #tpu.memory_space<hbm>>
    %dma_start3A_11 = tpu.memref_squeeze %dma_start3A_10 : memref<1x2x128xi32, #tpu.memory_space<hbm>> -> memref<2x128xi32, #tpu.memory_space<hbm>>
    %dma_start3A_12 = arith.constant 0 : i32
    %dma_start3A_13 = arith.constant 0 : i32
    %dma_start3A_14 = arith.constant 0 : i32
    %dma_start3A_15 = tpu.memref_slice %arg3[%arg1, %dma_start3A_12, %dma_start3A_13, %dma_start3A_14] : memref<16x160x2x128xi32, #tpu.memory_space<hbm>> -> memref<1x160x2x128xi32, #tpu.memory_space<hbm>>
    %dma_start3A_16 = tpu.memref_squeeze %dma_start3A_15 : memref<1x160x2x128xi32, #tpu.memory_space<hbm>> -> memref<160x2x128xi32, #tpu.memory_space<hbm>>
    %dma_start3A_17 = arith.constant 0 : i32
    %dma_start3A_18 = arith.constant 0 : i32
    %dma_start3A_19 = tpu.memref_slice %dma_start3A_16[%mul3A_2, %dma_start3A_17, %dma_start3A_18] : memref<160x2x128xi32, #tpu.memory_space<hbm>> -> memref<1x2x128xi32, #tpu.memory_space<hbm>>
    %dma_start3A_20 = tpu.memref_squeeze %dma_start3A_19 : memref<1x2x128xi32, #tpu.memory_space<hbm>> -> memref<2x128xi32, #tpu.memory_space<hbm>>
    tpu.enqueue_dma source(%dma_start3A_20 : memref<2x128xi32, #tpu.memory_space<hbm>>) target(%arg6 : memref<2x128xi32, #tpu.memory_space<vmem>>) target_semaphore(%arg11 : memref<!tpu.dma_semaphore, #tpu.memory_space<semaphore_mem>>)
    %add3A_21 = arith.constant 1 : i32
    %add3A_22 = arith.addi %mul3A_2, %add3A_21 : i32
    %dma_start3A_23 = arith.constant 0 : i32
    %dma_start3A_24 = arith.constant 0 : i32
    %dma_start3A_25 = arith.constant 0 : i32
    %dma_start3A_26 = tpu.memref_slice %arg3[%arg1, %dma_start3A_23, %dma_start3A_24, %dma_start3A_25] : memref<16x160x2x128xi32, #tpu.memory_space<hbm>> -> memref<1x160x2x128xi32, #tpu.memory_space<hbm>>
    %dma_start3A_27 = tpu.memref_squeeze %dma_start3A_26 : memref<1x160x2x128xi32, #tpu.memory_space<hbm>> -> memref<160x2x128xi32, #tpu.memory_space<hbm>>
    %dma_start3A_28 = arith.constant 0 : i32
    %dma_start3A_29 = arith.constant 0 : i32
    %dma_start3A_30 = tpu.memref_slice %dma_start3A_27[%add3A_22, %dma_start3A_28, %dma_start3A_29] : memref<160x2x128xi32, #tpu.memory_space<hbm>> -> memref<1x2x128xi32, #tpu.memory_space<hbm>>
    %dma_start3A_31 = tpu.memref_squeeze %dma_start3A_30 : memref<1x2x128xi32, #tpu.memory_space<hbm>> -> memref<2x128xi32, #tpu.memory_space<hbm>>
    %dma_start3A_32 = arith.constant 0 : i32
    %dma_start3A_33 = arith.constant 0 : i32
    %dma_start3A_34 = arith.constant 0 : i32
    %dma_start3A_35 = tpu.memref_slice %arg3[%arg1, %dma_start3A_32, %dma_start3A_33, %dma_start3A_34] : memref<16x160x2x128xi32, #tpu.memory_space<hbm>> -> memref<1x160x2x128xi32, #tpu.memory_space<hbm>>
    %dma_start3A_36 = tpu.memref_squeeze %dma_start3A_35 : memref<1x160x2x128xi32, #tpu.memory_space<hbm>> -> memref<160x2x128xi32, #tpu.memory_space<hbm>>
    %dma_start3A_37 = arith.constant 0 : i32
    %dma_start3A_38 = arith.constant 0 : i32
    %dma_start3A_39 = tpu.memref_slice %dma_start3A_36[%add3A_22, %dma_start3A_37, %dma_start3A_38] : memref<160x2x128xi32, #tpu.memory_space<hbm>> -> memref<1x2x128xi32, #tpu.memory_space<hbm>>
    %dma_start3A_40 = tpu.memref_squeeze %dma_start3A_39 : memref<1x2x128xi32, #tpu.memory_space<hbm>> -> memref<2x128xi32, #tpu.memory_space<hbm>>
    tpu.enqueue_dma source(%dma_start3A_40 : memref<2x128xi32, #tpu.memory_space<hbm>>) target(%arg7 : memref<2x128xi32, #tpu.memory_space<vmem>>) target_semaphore(%arg12 : memref<!tpu.dma_semaphore, #tpu.memory_space<semaphore_mem>>)
    %dma_wait3A = arith.constant 0 : i32
    %dma_wait3A_41 = arith.constant 0 : i32
    %dma_wait3A_42 = arith.constant 0 : i32
    %dma_wait3A_43 = tpu.memref_slice %arg3[%arg1, %dma_wait3A, %dma_wait3A_41, %dma_wait3A_42] : memref<16x160x2x128xi32, #tpu.memory_space<hbm>> -> memref<1x160x2x128xi32, #tpu.memory_space<hbm>>
    %dma_wait3A_44 = tpu.memref_squeeze %dma_wait3A_43 : memref<1x160x2x128xi32, #tpu.memory_space<hbm>> -> memref<160x2x128xi32, #tpu.memory_space<hbm>>
    %dma_wait3A_45 = arith.constant 0 : i32
    %dma_wait3A_46 = arith.constant 0 : i32
    %dma_wait3A_47 = tpu.memref_slice %dma_wait3A_44[%mul3A_2, %dma_wait3A_45, %dma_wait3A_46] : memref<160x2x128xi32, #tpu.memory_space<hbm>> -> memref<1x2x128xi32, #tpu.memory_space<hbm>>
    %dma_wait3A_48 = tpu.memref_squeeze %dma_wait3A_47 : memref<1x2x128xi32, #tpu.memory_space<hbm>> -> memref<2x128xi32, #tpu.memory_space<hbm>>
    %dma_wait3A_49 = arith.constant 0 : i32
    %dma_wait3A_50 = arith.constant 0 : i32
    %dma_wait3A_51 = arith.constant 0 : i32
    %dma_wait3A_52 = tpu.memref_slice %arg3[%arg1, %dma_wait3A_49, %dma_wait3A_50, %dma_wait3A_51] : memref<16x160x2x128xi32, #tpu.memory_space<hbm>> -> memref<1x160x2x128xi32, #tpu.memory_space<hbm>>
    %dma_wait3A_53 = tpu.memref_squeeze %dma_wait3A_52 : memref<1x160x2x128xi32, #tpu.memory_space<hbm>> -> memref<160x2x128xi32, #tpu.memory_space<hbm>>
    %dma_wait3A_54 = arith.constant 0 : i32
    %dma_wait3A_55 = arith.constant 0 : i32
    %dma_wait3A_56 = tpu.memref_slice %dma_wait3A_53[%mul3A_2, %dma_wait3A_54, %dma_wait3A_55] : memref<160x2x128xi32, #tpu.memory_space<hbm>> -> memref<1x2x128xi32, #tpu.memory_space<hbm>>
    %dma_wait3A_57 = tpu.memref_squeeze %dma_wait3A_56 : memref<1x2x128xi32, #tpu.memory_space<hbm>> -> memref<2x128xi32, #tpu.memory_space<hbm>>
    tpu.wait_dma2 semaphore(%arg11 : memref<!tpu.dma_semaphore, #tpu.memory_space<semaphore_mem>>) src(%dma_wait3A_57 : memref<2x128xi32, #tpu.memory_space<hbm>>) dst(%arg6 : memref<2x128xi32, #tpu.memory_space<vmem>>)
    %dma_start3A_58 = arith.constant 0 : i32
    %dma_start3A_59 = arith.constant 0 : i32
    %dma_start3A_60 = tpu.memref_slice %arg6[%dma_start3A_58, %dma_start3A_59] : memref<2x128xi32, #tpu.memory_space<vmem>> -> memref<1x128xi32, #tpu.memory_space<vmem>>
    %dma_start3A_61 = tpu.memref_squeeze %dma_start3A_60 : memref<1x128xi32, #tpu.memory_space<vmem>> -> memref<128xi32, #tpu.memory_space<vmem>>
    %dma_start3A_62 = arith.constant 0 : i32
    %dma_start3A_63 = arith.constant 0 : i32
    %dma_start3A_64 = tpu.memref_slice %arg2[%dma_start3A_62, %dma_start3A_63] : memref<10240x128xf32, #tpu.memory_space<hbm>> -> memref<10240x128xf32, #tpu.memory_space<hbm>>
    tpu.enqueue_indirect_dma source(%dma_start3A_64 : memref<10240x128xf32, #tpu.memory_space<hbm>>) target(%arg8 : memref<128x128xf32, #tpu.memory_space<vmem>>) offsets(%dma_start3A_61 : memref<128xi32, #tpu.memory_space<vmem>>) semaphore(%arg13 : memref<!tpu.dma_semaphore, #tpu.memory_space<semaphore_mem>>)
    %add3A_65 = arith.constant 1 : i32
    %add3A_66 = arith.addi %mul3A_2, %add3A_65 : i32
    %dma_wait3A_67 = arith.constant 0 : i32
    %dma_wait3A_68 = arith.constant 0 : i32
    %dma_wait3A_69 = arith.constant 0 : i32
    %dma_wait3A_70 = tpu.memref_slice %arg3[%arg1, %dma_wait3A_67, %dma_wait3A_68, %dma_wait3A_69] : memref<16x160x2x128xi32, #tpu.memory_space<hbm>> -> memref<1x160x2x128xi32, #tpu.memory_space<hbm>>
    %dma_wait3A_71 = tpu.memref_squeeze %dma_wait3A_70 : memref<1x160x2x128xi32, #tpu.memory_space<hbm>> -> memref<160x2x128xi32, #tpu.memory_space<hbm>>
    %dma_wait3A_72 = arith.constant 0 : i32
    %dma_wait3A_73 = arith.constant 0 : i32
    %dma_wait3A_74 = tpu.memref_slice %dma_wait3A_71[%add3A_66, %dma_wait3A_72, %dma_wait3A_73] : memref<160x2x128xi32, #tpu.memory_space<hbm>> -> memref<1x2x128xi32, #tpu.memory_space<hbm>>
    %dma_wait3A_75 = tpu.memref_squeeze %dma_wait3A_74 : memref<1x2x128xi32, #tpu.memory_space<hbm>> -> memref<2x128xi32, #tpu.memory_space<hbm>>
    %dma_wait3A_76 = arith.constant 0 : i32
    %dma_wait3A_77 = arith.constant 0 : i32
    %dma_wait3A_78 = arith.constant 0 : i32
    %dma_wait3A_79 = tpu.memref_slice %arg3[%arg1, %dma_wait3A_76, %dma_wait3A_77, %dma_wait3A_78] : memref<16x160x2x128xi32, #tpu.memory_space<hbm>> -> memref<1x160x2x128xi32, #tpu.memory_space<hbm>>
    %dma_wait3A_80 = tpu.memref_squeeze %dma_wait3A_79 : memref<1x160x2x128xi32, #tpu.memory_space<hbm>> -> memref<160x2x128xi32, #tpu.memory_space<hbm>>
    %dma_wait3A_81 = arith.constant 0 : i32
    %dma_wait3A_82 = arith.constant 0 : i32
    %dma_wait3A_83 = tpu.memref_slice %dma_wait3A_80[%add3A_66, %dma_wait3A_81, %dma_wait3A_82] : memref<160x2x128xi32, #tpu.memory_space<hbm>> -> memref<1x2x128xi32, #tpu.memory_space<hbm>>
    %dma_wait3A_84 = tpu.memref_squeeze %dma_wait3A_83 : memref<1x2x128xi32, #tpu.memory_space<hbm>> -> memref<2x128xi32, #tpu.memory_space<hbm>>
    tpu.wait_dma2 semaphore(%arg12 : memref<!tpu.dma_semaphore, #tpu.memory_space<semaphore_mem>>) src(%dma_wait3A_84 : memref<2x128xi32, #tpu.memory_space<hbm>>) dst(%arg7 : memref<2x128xi32, #tpu.memory_space<vmem>>)
    %dma_start3A_85 = arith.constant 0 : i32
    %dma_start3A_86 = arith.constant 0 : i32
    %dma_start3A_87 = tpu.memref_slice %arg7[%dma_start3A_85, %dma_start3A_86] : memref<2x128xi32, #tpu.memory_space<vmem>> -> memref<1x128xi32, #tpu.memory_space<vmem>>
    %dma_start3A_88 = tpu.memref_squeeze %dma_start3A_87 : memref<1x128xi32, #tpu.memory_space<vmem>> -> memref<128xi32, #tpu.memory_space<vmem>>
    %dma_start3A_89 = arith.constant 0 : i32
    %dma_start3A_90 = arith.constant 0 : i32
    %dma_start3A_91 = tpu.memref_slice %arg2[%dma_start3A_89, %dma_start3A_90] : memref<10240x128xf32, #tpu.memory_space<hbm>> -> memref<10240x128xf32, #tpu.memory_space<hbm>>
    tpu.enqueue_indirect_dma source(%dma_start3A_91 : memref<10240x128xf32, #tpu.memory_space<hbm>>) target(%arg9 : memref<128x128xf32, #tpu.memory_space<vmem>>) offsets(%dma_start3A_88 : memref<128xi32, #tpu.memory_space<vmem>>) semaphore(%arg14 : memref<!tpu.dma_semaphore, #tpu.memory_space<semaphore_mem>>)
    %scan3A = arith.constant 0 : i32
    %scan3A_92 = arith.constant 40 : i32
    %scan3A_93 = arith.addi %scan3A, %scan3A_92 : i32
    %scan3A_94 = arith.constant 1 : i32
    scf.for %scan3A_101 = %scan3A to %scan3A_93 step %scan3A_94  : i32 {
      %mul3A_102 = arith.constant 1 : i32
      %mul3A_103 = arith.muli %scan3A_101, %mul3A_102 : i32
      %add3A_104 = arith.constant 0 : i32
      %add3A_105 = arith.addi %add3A_104, %mul3A_103 : i32
      %mul3A_106 = arith.constant 2 : i32
      %mul3A_107 = arith.muli %mul3A_106, %add3A_105 : i32
      %add3A_108 = arith.addi %mul3A_2, %mul3A_107 : i32
      %add3A_109 = arith.constant 1 : i32
      %add3A_110 = arith.addi %add3A_108, %add3A_109 : i32
      %dma_wait3A_111 = arith.constant 0 : i32
      %dma_wait3A_112 = arith.constant 0 : i32
      %dma_wait3A_113 = tpu.memref_slice %arg6[%dma_wait3A_111, %dma_wait3A_112] : memref<2x128xi32, #tpu.memory_space<vmem>> -> memref<1x128xi32, #tpu.memory_space<vmem>>
      %dma_wait3A_114 = tpu.memref_squeeze %dma_wait3A_113 : memref<1x128xi32, #tpu.memory_space<vmem>> -> memref<128xi32, #tpu.memory_space<vmem>>
      %dma_wait3A_115 = arith.constant 0 : i32
      %dma_wait3A_116 = arith.constant 0 : i32
      %dma_wait3A_117 = tpu.memref_slice %arg2[%dma_wait3A_115, %dma_wait3A_116] : memref<10240x128xf32, #tpu.memory_space<hbm>> -> memref<10240x128xf32, #tpu.memory_space<hbm>>
      tpu.wait_indirect_dma semaphore(%arg13 : memref<!tpu.dma_semaphore, #tpu.memory_space<semaphore_mem>>) src(%dma_wait3A_117 : memref<10240x128xf32, #tpu.memory_space<hbm>>) dst(%arg8 : memref<128x128xf32, #tpu.memory_space<vmem>>)
      %run_scoped3A = arith.constant 1 : i32
      "tpu.region"() ({
        %run_scoped3A_147 = tpu.sem_alloc : memref<!tpu.dma_semaphore, #tpu.memory_space<semaphore_mem>>
        %dma_start3A_148 = arith.constant 0 : i32
        %dma_start3A_149 = tpu.memref_slice %arg6[%run_scoped3A, %dma_start3A_148] : memref<2x128xi32, #tpu.memory_space<vmem>> -> memref<1x128xi32, #tpu.memory_space<vmem>>
        %dma_start3A_150 = tpu.memref_squeeze %dma_start3A_149 : memref<1x128xi32, #tpu.memory_space<vmem>> -> memref<128xi32, #tpu.memory_space<vmem>>
        %dma_start3A_151 = arith.constant 0 : i32
        %dma_start3A_152 = arith.constant 0 : i32
        %dma_start3A_153 = tpu.memref_slice %arg10[%dma_start3A_151, %dma_start3A_152] : memref<10240x128xf32, #tpu.memory_space<vmem_shared>> -> memref<10240x128xf32, #tpu.memory_space<vmem_shared>>
        tpu.enqueue_indirect_dma source(%arg8 : memref<128x128xf32, #tpu.memory_space<vmem>>) target(%dma_start3A_153 : memref<10240x128xf32, #tpu.memory_space<vmem_shared>>) offsets(%dma_start3A_150 : memref<128xi32, #tpu.memory_space<vmem>>) semaphore(%run_scoped3A_147 : memref<!tpu.dma_semaphore, #tpu.memory_space<semaphore_mem>>) {add = true}
        %dma_wait3A_154 = arith.constant 0 : i32
        %dma_wait3A_155 = tpu.memref_slice %arg6[%run_scoped3A, %dma_wait3A_154] : memref<2x128xi32, #tpu.memory_space<vmem>> -> memref<1x128xi32, #tpu.memory_space<vmem>>
        %dma_wait3A_156 = tpu.memref_squeeze %dma_wait3A_155 : memref<1x128xi32, #tpu.memory_space<vmem>> -> memref<128xi32, #tpu.memory_space<vmem>>
        %dma_wait3A_157 = arith.constant 0 : i32
        %dma_wait3A_158 = arith.constant 0 : i32
        %dma_wait3A_159 = tpu.memref_slice %arg10[%dma_wait3A_157, %dma_wait3A_158] : memref<10240x128xf32, #tpu.memory_space<vmem_shared>> -> memref<10240x128xf32, #tpu.memory_space<vmem_shared>>
        tpu.wait_indirect_dma semaphore(%run_scoped3A_147 : memref<!tpu.dma_semaphore, #tpu.memory_space<semaphore_mem>>) src(%arg8 : memref<128x128xf32, #tpu.memory_space<vmem>>) dst(%dma_wait3A_159 : memref<10240x128xf32, #tpu.memory_space<vmem_shared>>)
        tpu.yield
      }) : () -> ()
      %add3A_118 = arith.constant 2 : i32
      %add3A_119 = arith.addi %add3A_108, %add3A_118 : i32
      %lt3A = arith.cmpi slt, %add3A_119, %add3A_3 : i32
      %convert_element_type3A = arith.extui %lt3A : i1 to i32
      %cond3A = arith.constant 0 : i32
      %cond3A_120 = arith.cmpi ne, %convert_element_type3A, %cond3A : i32
      scf.if %cond3A_120 {
        %add3A_147 = arith.constant 2 : i32
        %add3A_148 = arith.addi %add3A_108, %add3A_147 : i32
        %dma_start3A_149 = arith.constant 0 : i32
        %dma_start3A_150 = arith.constant 0 : i32
        %dma_start3A_151 = arith.constant 0 : i32
        %dma_start3A_152 = tpu.memref_slice %arg3[%arg1, %dma_start3A_149, %dma_start3A_150, %dma_start3A_151] : memref<16x160x2x128xi32, #tpu.memory_space<hbm>> -> memref<1x160x2x128xi32, #tpu.memory_space<hbm>>
        %dma_start3A_153 = tpu.memref_squeeze %dma_start3A_152 : memref<1x160x2x128xi32, #tpu.memory_space<hbm>> -> memref<160x2x128xi32, #tpu.memory_space<hbm>>
        %dma_start3A_154 = arith.constant 0 : i32
        %dma_start3A_155 = arith.constant 0 : i32
        %dma_start3A_156 = tpu.memref_slice %dma_start3A_153[%add3A_148, %dma_start3A_154, %dma_start3A_155] : memref<160x2x128xi32, #tpu.memory_space<hbm>> -> memref<1x2x128xi32, #tpu.memory_space<hbm>>
        %dma_start3A_157 = tpu.memref_squeeze %dma_start3A_156 : memref<1x2x128xi32, #tpu.memory_space<hbm>> -> memref<2x128xi32, #tpu.memory_space<hbm>>
        %dma_start3A_158 = arith.constant 0 : i32
        %dma_start3A_159 = arith.constant 0 : i32
        %dma_start3A_160 = arith.constant 0 : i32
        %dma_start3A_161 = tpu.memref_slice %arg3[%arg1, %dma_start3A_158, %dma_start3A_159, %dma_start3A_160] : memref<16x160x2x128xi32, #tpu.memory_space<hbm>> -> memref<1x160x2x128xi32, #tpu.memory_space<hbm>>
        %dma_start3A_162 = tpu.memref_squeeze %dma_start3A_161 : memref<1x160x2x128xi32, #tpu.memory_space<hbm>> -> memref<160x2x128xi32, #tpu.memory_space<hbm>>
        %dma_start3A_163 = arith.constant 0 : i32
        %dma_start3A_164 = arith.constant 0 : i32
        %dma_start3A_165 = tpu.memref_slice %dma_start3A_162[%add3A_148, %dma_start3A_163, %dma_start3A_164] : memref<160x2x128xi32, #tpu.memory_space<hbm>> -> memref<1x2x128xi32, #tpu.memory_space<hbm>>
        %dma_start3A_166 = tpu.memref_squeeze %dma_start3A_165 : memref<1x2x128xi32, #tpu.memory_space<hbm>> -> memref<2x128xi32, #tpu.memory_space<hbm>>
        tpu.enqueue_dma source(%dma_start3A_166 : memref<2x128xi32, #tpu.memory_space<hbm>>) target(%arg6 : memref<2x128xi32, #tpu.memory_space<vmem>>) target_semaphore(%arg11 : memref<!tpu.dma_semaphore, #tpu.memory_space<semaphore_mem>>)
      } else {
      }
      %dma_wait3A_121 = arith.constant 0 : i32
      %dma_wait3A_122 = arith.constant 0 : i32
      %dma_wait3A_123 = tpu.memref_slice %arg7[%dma_wait3A_121, %dma_wait3A_122] : memref<2x128xi32, #tpu.memory_space<vmem>> -> memref<1x128xi32, #tpu.memory_space<vmem>>
      %dma_wait3A_124 = tpu.memref_squeeze %dma_wait3A_123 : memref<1x128xi32, #tpu.memory_space<vmem>> -> memref<128xi32, #tpu.memory_space<vmem>>
      %dma_wait3A_125 = arith.constant 0 : i32
      %dma_wait3A_126 = arith.constant 0 : i32
      %dma_wait3A_127 = tpu.memref_slice %arg2[%dma_wait3A_125, %dma_wait3A_126] : memref<10240x128xf32, #tpu.memory_space<hbm>> -> memref<10240x128xf32, #tpu.memory_space<hbm>>
      tpu.wait_indirect_dma semaphore(%arg14 : memref<!tpu.dma_semaphore, #tpu.memory_space<semaphore_mem>>) src(%dma_wait3A_127 : memref<10240x128xf32, #tpu.memory_space<hbm>>) dst(%arg9 : memref<128x128xf32, #tpu.memory_space<vmem>>)
      %run_scoped3A_128 = arith.constant 1 : i32
      "tpu.region"() ({
        %run_scoped3A_147 = tpu.sem_alloc : memref<!tpu.dma_semaphore, #tpu.memory_space<semaphore_mem>>
        %dma_start3A_148 = arith.constant 0 : i32
        %dma_start3A_149 = tpu.memref_slice %arg7[%run_scoped3A_128, %dma_start3A_148] : memref<2x128xi32, #tpu.memory_space<vmem>> -> memref<1x128xi32, #tpu.memory_space<vmem>>
        %dma_start3A_150 = tpu.memref_squeeze %dma_start3A_149 : memref<1x128xi32, #tpu.memory_space<vmem>> -> memref<128xi32, #tpu.memory_space<vmem>>
        %dma_start3A_151 = arith.constant 0 : i32
        %dma_start3A_152 = arith.constant 0 : i32
        %dma_start3A_153 = tpu.memref_slice %arg10[%dma_start3A_151, %dma_start3A_152] : memref<10240x128xf32, #tpu.memory_space<vmem_shared>> -> memref<10240x128xf32, #tpu.memory_space<vmem_shared>>
        tpu.enqueue_indirect_dma source(%arg9 : memref<128x128xf32, #tpu.memory_space<vmem>>) target(%dma_start3A_153 : memref<10240x128xf32, #tpu.memory_space<vmem_shared>>) offsets(%dma_start3A_150 : memref<128xi32, #tpu.memory_space<vmem>>) semaphore(%run_scoped3A_147 : memref<!tpu.dma_semaphore, #tpu.memory_space<semaphore_mem>>) {add = true}
        %dma_wait3A_154 = arith.constant 0 : i32
        %dma_wait3A_155 = tpu.memref_slice %arg7[%run_scoped3A_128, %dma_wait3A_154] : memref<2x128xi32, #tpu.memory_space<vmem>> -> memref<1x128xi32, #tpu.memory_space<vmem>>
        %dma_wait3A_156 = tpu.memref_squeeze %dma_wait3A_155 : memref<1x128xi32, #tpu.memory_space<vmem>> -> memref<128xi32, #tpu.memory_space<vmem>>
        %dma_wait3A_157 = arith.constant 0 : i32
        %dma_wait3A_158 = arith.constant 0 : i32
        %dma_wait3A_159 = tpu.memref_slice %arg10[%dma_wait3A_157, %dma_wait3A_158] : memref<10240x128xf32, #tpu.memory_space<vmem_shared>> -> memref<10240x128xf32, #tpu.memory_space<vmem_shared>>
        tpu.wait_indirect_dma semaphore(%run_scoped3A_147 : memref<!tpu.dma_semaphore, #tpu.memory_space<semaphore_mem>>) src(%arg9 : memref<128x128xf32, #tpu.memory_space<vmem>>) dst(%dma_wait3A_159 : memref<10240x128xf32, #tpu.memory_space<vmem_shared>>)
        tpu.yield
      }) : () -> ()
      %add3A_129 = arith.constant 2 : i32
      %add3A_130 = arith.addi %add3A_110, %add3A_129 : i32
      %lt3A_131 = arith.cmpi slt, %add3A_130, %add3A_3 : i32
      %convert_element_type3A_132 = arith.extui %lt3A_131 : i1 to i32
      %cond3A_133 = arith.constant 0 : i32
      %cond3A_134 = arith.cmpi ne, %convert_element_type3A_132, %cond3A_133 : i32
      scf.if %cond3A_134 {
        %add3A_147 = arith.constant 2 : i32
        %add3A_148 = arith.addi %add3A_110, %add3A_147 : i32
        %dma_start3A_149 = arith.constant 0 : i32
        %dma_start3A_150 = arith.constant 0 : i32
        %dma_start3A_151 = arith.constant 0 : i32
        %dma_start3A_152 = tpu.memref_slice %arg3[%arg1, %dma_start3A_149, %dma_start3A_150, %dma_start3A_151] : memref<16x160x2x128xi32, #tpu.memory_space<hbm>> -> memref<1x160x2x128xi32, #tpu.memory_space<hbm>>
        %dma_start3A_153 = tpu.memref_squeeze %dma_start3A_152 : memref<1x160x2x128xi32, #tpu.memory_space<hbm>> -> memref<160x2x128xi32, #tpu.memory_space<hbm>>
        %dma_start3A_154 = arith.constant 0 : i32
        %dma_start3A_155 = arith.constant 0 : i32
        %dma_start3A_156 = tpu.memref_slice %dma_start3A_153[%add3A_148, %dma_start3A_154, %dma_start3A_155] : memref<160x2x128xi32, #tpu.memory_space<hbm>> -> memref<1x2x128xi32, #tpu.memory_space<hbm>>
        %dma_start3A_157 = tpu.memref_squeeze %dma_start3A_156 : memref<1x2x128xi32, #tpu.memory_space<hbm>> -> memref<2x128xi32, #tpu.memory_space<hbm>>
        %dma_start3A_158 = arith.constant 0 : i32
        %dma_start3A_159 = arith.constant 0 : i32
        %dma_start3A_160 = arith.constant 0 : i32
        %dma_start3A_161 = tpu.memref_slice %arg3[%arg1, %dma_start3A_158, %dma_start3A_159, %dma_start3A_160] : memref<16x160x2x128xi32, #tpu.memory_space<hbm>> -> memref<1x160x2x128xi32, #tpu.memory_space<hbm>>
        %dma_start3A_162 = tpu.memref_squeeze %dma_start3A_161 : memref<1x160x2x128xi32, #tpu.memory_space<hbm>> -> memref<160x2x128xi32, #tpu.memory_space<hbm>>
        %dma_start3A_163 = arith.constant 0 : i32
        %dma_start3A_164 = arith.constant 0 : i32
        %dma_start3A_165 = tpu.memref_slice %dma_start3A_162[%add3A_148, %dma_start3A_163, %dma_start3A_164] : memref<160x2x128xi32, #tpu.memory_space<hbm>> -> memref<1x2x128xi32, #tpu.memory_space<hbm>>
        %dma_start3A_166 = tpu.memref_squeeze %dma_start3A_165 : memref<1x2x128xi32, #tpu.memory_space<hbm>> -> memref<2x128xi32, #tpu.memory_space<hbm>>
        tpu.enqueue_dma source(%dma_start3A_166 : memref<2x128xi32, #tpu.memory_space<hbm>>) target(%arg7 : memref<2x128xi32, #tpu.memory_space<vmem>>) target_semaphore(%arg12 : memref<!tpu.dma_semaphore, #tpu.memory_space<semaphore_mem>>)
      } else {
      }
      %add3A_135 = arith.constant 2 : i32
      %add3A_136 = arith.addi %add3A_108, %add3A_135 : i32
      %lt3A_137 = arith.cmpi slt, %add3A_136, %add3A_3 : i32
      %convert_element_type3A_138 = arith.extui %lt3A_137 : i1 to i32
      %cond3A_139 = arith.constant 0 : i32
      %cond3A_140 = arith.cmpi ne, %convert_element_type3A_138, %cond3A_139 : i32
      scf.if %cond3A_140 {
        %add3A_147 = arith.constant 2 : i32
        %add3A_148 = arith.addi %add3A_108, %add3A_147 : i32
        %dma_wait3A_149 = arith.constant 0 : i32
        %dma_wait3A_150 = arith.constant 0 : i32
        %dma_wait3A_151 = arith.constant 0 : i32
        %dma_wait3A_152 = tpu.memref_slice %arg3[%arg1, %dma_wait3A_149, %dma_wait3A_150, %dma_wait3A_151] : memref<16x160x2x128xi32, #tpu.memory_space<hbm>> -> memref<1x160x2x128xi32, #tpu.memory_space<hbm>>
        %dma_wait3A_153 = tpu.memref_squeeze %dma_wait3A_152 : memref<1x160x2x128xi32, #tpu.memory_space<hbm>> -> memref<160x2x128xi32, #tpu.memory_space<hbm>>
        %dma_wait3A_154 = arith.constant 0 : i32
        %dma_wait3A_155 = arith.constant 0 : i32
        %dma_wait3A_156 = tpu.memref_slice %dma_wait3A_153[%add3A_148, %dma_wait3A_154, %dma_wait3A_155] : memref<160x2x128xi32, #tpu.memory_space<hbm>> -> memref<1x2x128xi32, #tpu.memory_space<hbm>>
        %dma_wait3A_157 = tpu.memref_squeeze %dma_wait3A_156 : memref<1x2x128xi32, #tpu.memory_space<hbm>> -> memref<2x128xi32, #tpu.memory_space<hbm>>
        %dma_wait3A_158 = arith.constant 0 : i32
        %dma_wait3A_159 = arith.constant 0 : i32
        %dma_wait3A_160 = arith.constant 0 : i32
        %dma_wait3A_161 = tpu.memref_slice %arg3[%arg1, %dma_wait3A_158, %dma_wait3A_159, %dma_wait3A_160] : memref<16x160x2x128xi32, #tpu.memory_space<hbm>> -> memref<1x160x2x128xi32, #tpu.memory_space<hbm>>
        %dma_wait3A_162 = tpu.memref_squeeze %dma_wait3A_161 : memref<1x160x2x128xi32, #tpu.memory_space<hbm>> -> memref<160x2x128xi32, #tpu.memory_space<hbm>>
        %dma_wait3A_163 = arith.constant 0 : i32
        %dma_wait3A_164 = arith.constant 0 : i32
        %dma_wait3A_165 = tpu.memref_slice %dma_wait3A_162[%add3A_148, %dma_wait3A_163, %dma_wait3A_164] : memref<160x2x128xi32, #tpu.memory_space<hbm>> -> memref<1x2x128xi32, #tpu.memory_space<hbm>>
        %dma_wait3A_166 = tpu.memref_squeeze %dma_wait3A_165 : memref<1x2x128xi32, #tpu.memory_space<hbm>> -> memref<2x128xi32, #tpu.memory_space<hbm>>
        tpu.wait_dma2 semaphore(%arg11 : memref<!tpu.dma_semaphore, #tpu.memory_space<semaphore_mem>>) src(%dma_wait3A_166 : memref<2x128xi32, #tpu.memory_space<hbm>>) dst(%arg6 : memref<2x128xi32, #tpu.memory_space<vmem>>)
        %dma_start3A_167 = arith.constant 0 : i32
        %dma_start3A_168 = arith.constant 0 : i32
        %dma_start3A_169 = tpu.memref_slice %arg6[%dma_start3A_167, %dma_start3A_168] : memref<2x128xi32, #tpu.memory_space<vmem>> -> memref<1x128xi32, #tpu.memory_space<vmem>>
        %dma_start3A_170 = tpu.memref_squeeze %dma_start3A_169 : memref<1x128xi32, #tpu.memory_space<vmem>> -> memref<128xi32, #tpu.memory_space<vmem>>
        %dma_start3A_171 = arith.constant 0 : i32
        %dma_start3A_172 = arith.constant 0 : i32
        %dma_start3A_173 = tpu.memref_slice %arg2[%dma_start3A_171, %dma_start3A_172] : memref<10240x128xf32, #tpu.memory_space<hbm>> -> memref<10240x128xf32, #tpu.memory_space<hbm>>
        tpu.enqueue_indirect_dma source(%dma_start3A_173 : memref<10240x128xf32, #tpu.memory_space<hbm>>) target(%arg8 : memref<128x128xf32, #tpu.memory_space<vmem>>) offsets(%dma_start3A_170 : memref<128xi32, #tpu.memory_space<vmem>>) semaphore(%arg13 : memref<!tpu.dma_semaphore, #tpu.memory_space<semaphore_mem>>)
      } else {
      }
      %add3A_141 = arith.constant 2 : i32
      %add3A_142 = arith.addi %add3A_110, %add3A_141 : i32
      %lt3A_143 = arith.cmpi slt, %add3A_142, %add3A_3 : i32
      %convert_element_type3A_144 = arith.extui %lt3A_143 : i1 to i32
      %cond3A_145 = arith.constant 0 : i32
      %cond3A_146 = arith.cmpi ne, %convert_element_type3A_144, %cond3A_145 : i32
      scf.if %cond3A_146 {
        %add3A_147 = arith.constant 2 : i32
        %add3A_148 = arith.addi %add3A_110, %add3A_147 : i32
        %dma_wait3A_149 = arith.constant 0 : i32
        %dma_wait3A_150 = arith.constant 0 : i32
        %dma_wait3A_151 = arith.constant 0 : i32
        %dma_wait3A_152 = tpu.memref_slice %arg3[%arg1, %dma_wait3A_149, %dma_wait3A_150, %dma_wait3A_151] : memref<16x160x2x128xi32, #tpu.memory_space<hbm>> -> memref<1x160x2x128xi32, #tpu.memory_space<hbm>>
        %dma_wait3A_153 = tpu.memref_squeeze %dma_wait3A_152 : memref<1x160x2x128xi32, #tpu.memory_space<hbm>> -> memref<160x2x128xi32, #tpu.memory_space<hbm>>
        %dma_wait3A_154 = arith.constant 0 : i32
        %dma_wait3A_155 = arith.constant 0 : i32
        %dma_wait3A_156 = tpu.memref_slice %dma_wait3A_153[%add3A_148, %dma_wait3A_154, %dma_wait3A_155] : memref<160x2x128xi32, #tpu.memory_space<hbm>> -> memref<1x2x128xi32, #tpu.memory_space<hbm>>
        %dma_wait3A_157 = tpu.memref_squeeze %dma_wait3A_156 : memref<1x2x128xi32, #tpu.memory_space<hbm>> -> memref<2x128xi32, #tpu.memory_space<hbm>>
        %dma_wait3A_158 = arith.constant 0 : i32
        %dma_wait3A_159 = arith.constant 0 : i32
        %dma_wait3A_160 = arith.constant 0 : i32
        %dma_wait3A_161 = tpu.memref_slice %arg3[%arg1, %dma_wait3A_158, %dma_wait3A_159, %dma_wait3A_160] : memref<16x160x2x128xi32, #tpu.memory_space<hbm>> -> memref<1x160x2x128xi32, #tpu.memory_space<hbm>>
        %dma_wait3A_162 = tpu.memref_squeeze %dma_wait3A_161 : memref<1x160x2x128xi32, #tpu.memory_space<hbm>> -> memref<160x2x128xi32, #tpu.memory_space<hbm>>
        %dma_wait3A_163 = arith.constant 0 : i32
        %dma_wait3A_164 = arith.constant 0 : i32
        %dma_wait3A_165 = tpu.memref_slice %dma_wait3A_162[%add3A_148, %dma_wait3A_163, %dma_wait3A_164] : memref<160x2x128xi32, #tpu.memory_space<hbm>> -> memref<1x2x128xi32, #tpu.memory_space<hbm>>
        %dma_wait3A_166 = tpu.memref_squeeze %dma_wait3A_165 : memref<1x2x128xi32, #tpu.memory_space<hbm>> -> memref<2x128xi32, #tpu.memory_space<hbm>>
        tpu.wait_dma2 semaphore(%arg12 : memref<!tpu.dma_semaphore, #tpu.memory_space<semaphore_mem>>) src(%dma_wait3A_166 : memref<2x128xi32, #tpu.memory_space<hbm>>) dst(%arg7 : memref<2x128xi32, #tpu.memory_space<vmem>>)
        %dma_start3A_167 = arith.constant 0 : i32
        %dma_start3A_168 = arith.constant 0 : i32
        %dma_start3A_169 = tpu.memref_slice %arg7[%dma_start3A_167, %dma_start3A_168] : memref<2x128xi32, #tpu.memory_space<vmem>> -> memref<1x128xi32, #tpu.memory_space<vmem>>
        %dma_start3A_170 = tpu.memref_squeeze %dma_start3A_169 : memref<1x128xi32, #tpu.memory_space<vmem>> -> memref<128xi32, #tpu.memory_space<vmem>>
        %dma_start3A_171 = arith.constant 0 : i32
        %dma_start3A_172 = arith.constant 0 : i32
        %dma_start3A_173 = tpu.memref_slice %arg2[%dma_start3A_171, %dma_start3A_172] : memref<10240x128xf32, #tpu.memory_space<hbm>> -> memref<10240x128xf32, #tpu.memory_space<hbm>>
        tpu.enqueue_indirect_dma source(%dma_start3A_173 : memref<10240x128xf32, #tpu.memory_space<hbm>>) target(%arg9 : memref<128x128xf32, #tpu.memory_space<vmem>>) offsets(%dma_start3A_170 : memref<128xi32, #tpu.memory_space<vmem>>) semaphore(%arg14 : memref<!tpu.dma_semaphore, #tpu.memory_space<semaphore_mem>>)
      } else {
      }
    }
    %scan3A_95 = arith.constant 40 : i32
    %barrier3A_96 = arith.constant 0 : index
    tpu.barrier barrier_id(%barrier3A_96)
    %mul3A_97 = arith.constant 640 : i32
    %mul3A_98 = arith.muli %arg1, %mul3A_97 : i32
    %mul3A_99 = arith.constant 640 : i32
    %mul3A_100 = arith.muli %arg1, %mul3A_99 : i32
    "tpu.region"() ({
      %run_scoped3A = tpu.sem_alloc : memref<!tpu.dma_semaphore, #tpu.memory_space<semaphore_mem>>
      %dma_start3A_101 = arith.constant 0 : i32
      %dma_start3A_102 = arith.constant 0 : i32
      %dma_start3A_103 = tpu.memref_slice %arg5[%arg0, %dma_start3A_101, %dma_start3A_102] : memref<2x10240x128xf32, #tpu.memory_space<hbm>> -> memref<1x10240x128xf32, #tpu.memory_space<hbm>>
      %dma_start3A_104 = tpu.memref_squeeze %dma_start3A_103 : memref<1x10240x128xf32, #tpu.memory_space<hbm>> -> memref<10240x128xf32, #tpu.memory_space<hbm>>
      %dma_start3A_105 = arith.constant 0 : i32
      %dma_start3A_106 = tpu.memref_slice %dma_start3A_104[%mul3A_100, %dma_start3A_105] : memref<10240x128xf32, #tpu.memory_space<hbm>> -> memref<640x128xf32, #tpu.memory_space<hbm>>
      %dma_start3A_107 = arith.constant 0 : i32
      %dma_start3A_108 = tpu.memref_slice %arg10[%mul3A_98, %dma_start3A_107] : memref<10240x128xf32, #tpu.memory_space<vmem_shared>> -> memref<640x128xf32, #tpu.memory_space<vmem_shared>>
      tpu.enqueue_dma source(%dma_start3A_108 : memref<640x128xf32, #tpu.memory_space<vmem_shared>>) target(%dma_start3A_106 : memref<640x128xf32, #tpu.memory_space<hbm>>) target_semaphore(%run_scoped3A : memref<!tpu.dma_semaphore, #tpu.memory_space<semaphore_mem>>)
      %dma_wait3A_109 = arith.constant 0 : i32
      %dma_wait3A_110 = arith.constant 0 : i32
      %dma_wait3A_111 = tpu.memref_slice %arg5[%arg0, %dma_wait3A_109, %dma_wait3A_110] : memref<2x10240x128xf32, #tpu.memory_space<hbm>> -> memref<1x10240x128xf32, #tpu.memory_space<hbm>>
      %dma_wait3A_112 = tpu.memref_squeeze %dma_wait3A_111 : memref<1x10240x128xf32, #tpu.memory_space<hbm>> -> memref<10240x128xf32, #tpu.memory_space<hbm>>
      %dma_wait3A_113 = arith.constant 0 : i32
      %dma_wait3A_114 = tpu.memref_slice %dma_wait3A_112[%mul3A_100, %dma_wait3A_113] : memref<10240x128xf32, #tpu.memory_space<hbm>> -> memref<640x128xf32, #tpu.memory_space<hbm>>
      %dma_wait3A_115 = arith.constant 0 : i32
      %dma_wait3A_116 = tpu.memref_slice %arg10[%mul3A_98, %dma_wait3A_115] : memref<10240x128xf32, #tpu.memory_space<vmem_shared>> -> memref<640x128xf32, #tpu.memory_space<vmem_shared>>
      tpu.wait_dma2 semaphore(%run_scoped3A : memref<!tpu.dma_semaphore, #tpu.memory_space<semaphore_mem>>) src(%dma_wait3A_116 : memref<640x128xf32, #tpu.memory_space<vmem_shared>>) dst(%dma_wait3A_114 : memref<640x128xf32, #tpu.memory_space<hbm>>)
      tpu.yield
    }) : () -> ()
    return
  }
}

#map = affine_map<(d0, d1) -> (0, 0, 0)>
#map1 = affine_map<(d0, d1) -> (0, 0, 0, 0)>
#map2 = affine_map<(d0, d1) -> (0, 0)>
module attributes {stable_mosaic.version = 14 : i64} {
  func.func @k(%arg0: i32, %arg1: i32, %arg2: memref<2x10240x128xf32, #tpu.memory_space<hbm>>, %arg3: memref<16x160x2x128xi32, #tpu.memory_space<hbm>>, %arg4: memref<640x128xf32, #tpu.memory_space<hbm>>, %arg5: memref<2x10240x128xf32, #tpu.memory_space<hbm>>, %arg6: memref<2x128xi32, #tpu.memory_space<vmem>>, %arg7: memref<2x128xi32, #tpu.memory_space<vmem>>, %arg8: memref<128x128xf32, #tpu.memory_space<vmem>>, %arg9: memref<128x128xf32, #tpu.memory_space<vmem>>, %arg10: memref<10240x128xf32, #tpu.memory_space<vmem_shared>>, %arg11: memref<!tpu.dma_semaphore, #tpu.memory_space<semaphore_mem>>, %arg12: memref<!tpu.dma_semaphore, #tpu.memory_space<semaphore_mem>>, %arg13: memref<!tpu.dma_semaphore, #tpu.memory_space<semaphore_mem>>, %arg14: memref<!tpu.dma_semaphore, #tpu.memory_space<semaphore_mem>>) attributes {dimension_semantics = [#tpu.dimension_semantics<core_parallel>, #tpu.dimension_semantics<subcore_parallel>], iteration_bounds = array<i64: 2, 16>, scalar_prefetch = 0 : i64, scratch_operands = 9 : i64, tpu.core_type = #tpu.core_type<sc_vector_subcore>, window_params = [{transform_indices = #map}, {transform_indices = #map1}, {transform_indices = #map2}, {transform_indices = #map}]} {
    %mul3A = arith.constant 640 : i32
    %mul3A_0 = arith.muli %arg1, %mul3A : i32
    "tpu.region"() ({
      %run_scoped3A = tpu.sem_alloc : memref<!tpu.dma_semaphore, #tpu.memory_space<semaphore_mem>>
      %dma_start3A_106 = arith.constant 0 : i32
      %dma_start3A_107 = tpu.memref_slice %arg10[%mul3A_0, %dma_start3A_106] : memref<10240x128xf32, #tpu.memory_space<vmem_shared>> -> memref<640x128xf32, #tpu.memory_space<vmem_shared>>
      tpu.enqueue_dma source(%arg4 : memref<640x128xf32, #tpu.memory_space<hbm>>) target(%dma_start3A_107 : memref<640x128xf32, #tpu.memory_space<vmem_shared>>) target_semaphore(%run_scoped3A : memref<!tpu.dma_semaphore, #tpu.memory_space<semaphore_mem>>)
      %dma_wait3A_108 = arith.constant 0 : i32
      %dma_wait3A_109 = tpu.memref_slice %arg10[%mul3A_0, %dma_wait3A_108] : memref<10240x128xf32, #tpu.memory_space<vmem_shared>> -> memref<640x128xf32, #tpu.memory_space<vmem_shared>>
      tpu.wait_dma2 semaphore(%run_scoped3A : memref<!tpu.dma_semaphore, #tpu.memory_space<semaphore_mem>>) src(%arg4 : memref<640x128xf32, #tpu.memory_space<hbm>>) dst(%dma_wait3A_109 : memref<640x128xf32, #tpu.memory_space<vmem_shared>>)
      tpu.yield
    }) : () -> ()
    %barrier3A = arith.constant 0 : index
    tpu.barrier barrier_id(%barrier3A)
    %dma_start3A = arith.constant 0 : i32
    %dma_start3A_1 = arith.constant 0 : i32
    %dma_start3A_2 = arith.constant 0 : i32
    %dma_start3A_3 = arith.constant 0 : i32
    %dma_start3A_4 = tpu.memref_slice %arg3[%arg1, %dma_start3A_1, %dma_start3A_2, %dma_start3A_3] : memref<16x160x2x128xi32, #tpu.memory_space<hbm>> -> memref<1x160x2x128xi32, #tpu.memory_space<hbm>>
    %dma_start3A_5 = tpu.memref_squeeze %dma_start3A_4 : memref<1x160x2x128xi32, #tpu.memory_space<hbm>> -> memref<160x2x128xi32, #tpu.memory_space<hbm>>
    %dma_start3A_6 = arith.constant 0 : i32
    %dma_start3A_7 = arith.constant 0 : i32
    %dma_start3A_8 = tpu.memref_slice %dma_start3A_5[%dma_start3A, %dma_start3A_6, %dma_start3A_7] : memref<160x2x128xi32, #tpu.memory_space<hbm>> -> memref<1x2x128xi32, #tpu.memory_space<hbm>>
    %dma_start3A_9 = tpu.memref_squeeze %dma_start3A_8 : memref<1x2x128xi32, #tpu.memory_space<hbm>> -> memref<2x128xi32, #tpu.memory_space<hbm>>
    %dma_start3A_10 = arith.constant 0 : i32
    %dma_start3A_11 = arith.constant 0 : i32
    %dma_start3A_12 = arith.constant 0 : i32
    %dma_start3A_13 = tpu.memref_slice %arg3[%arg1, %dma_start3A_10, %dma_start3A_11, %dma_start3A_12] : memref<16x160x2x128xi32, #tpu.memory_space<hbm>> -> memref<1x160x2x128xi32, #tpu.memory_space<hbm>>
    %dma_start3A_14 = tpu.memref_squeeze %dma_start3A_13 : memref<1x160x2x128xi32, #tpu.memory_space<hbm>> -> memref<160x2x128xi32, #tpu.memory_space<hbm>>
    %dma_start3A_15 = arith.constant 0 : i32
    %dma_start3A_16 = arith.constant 0 : i32
    %dma_start3A_17 = tpu.memref_slice %dma_start3A_14[%dma_start3A, %dma_start3A_15, %dma_start3A_16] : memref<160x2x128xi32, #tpu.memory_space<hbm>> -> memref<1x2x128xi32, #tpu.memory_space<hbm>>
    %dma_start3A_18 = tpu.memref_squeeze %dma_start3A_17 : memref<1x2x128xi32, #tpu.memory_space<hbm>> -> memref<2x128xi32, #tpu.memory_space<hbm>>
    tpu.enqueue_dma source(%dma_start3A_18 : memref<2x128xi32, #tpu.memory_space<hbm>>) target(%arg6 : memref<2x128xi32, #tpu.memory_space<vmem>>) target_semaphore(%arg11 : memref<!tpu.dma_semaphore, #tpu.memory_space<semaphore_mem>>)
    %dma_start3A_19 = arith.constant 1 : i32
    %dma_start3A_20 = arith.constant 0 : i32
    %dma_start3A_21 = arith.constant 0 : i32
    %dma_start3A_22 = arith.constant 0 : i32
    %dma_start3A_23 = tpu.memref_slice %arg3[%arg1, %dma_start3A_20, %dma_start3A_21, %dma_start3A_22] : memref<16x160x2x128xi32, #tpu.memory_space<hbm>> -> memref<1x160x2x128xi32, #tpu.memory_space<hbm>>
    %dma_start3A_24 = tpu.memref_squeeze %dma_start3A_23 : memref<1x160x2x128xi32, #tpu.memory_space<hbm>> -> memref<160x2x128xi32, #tpu.memory_space<hbm>>
    %dma_start3A_25 = arith.constant 0 : i32
    %dma_start3A_26 = arith.constant 0 : i32
    %dma_start3A_27 = tpu.memref_slice %dma_start3A_24[%dma_start3A_19, %dma_start3A_25, %dma_start3A_26] : memref<160x2x128xi32, #tpu.memory_space<hbm>> -> memref<1x2x128xi32, #tpu.memory_space<hbm>>
    %dma_start3A_28 = tpu.memref_squeeze %dma_start3A_27 : memref<1x2x128xi32, #tpu.memory_space<hbm>> -> memref<2x128xi32, #tpu.memory_space<hbm>>
    %dma_start3A_29 = arith.constant 0 : i32
    %dma_start3A_30 = arith.constant 0 : i32
    %dma_start3A_31 = arith.constant 0 : i32
    %dma_start3A_32 = tpu.memref_slice %arg3[%arg1, %dma_start3A_29, %dma_start3A_30, %dma_start3A_31] : memref<16x160x2x128xi32, #tpu.memory_space<hbm>> -> memref<1x160x2x128xi32, #tpu.memory_space<hbm>>
    %dma_start3A_33 = tpu.memref_squeeze %dma_start3A_32 : memref<1x160x2x128xi32, #tpu.memory_space<hbm>> -> memref<160x2x128xi32, #tpu.memory_space<hbm>>
    %dma_start3A_34 = arith.constant 0 : i32
    %dma_start3A_35 = arith.constant 0 : i32
    %dma_start3A_36 = tpu.memref_slice %dma_start3A_33[%dma_start3A_19, %dma_start3A_34, %dma_start3A_35] : memref<160x2x128xi32, #tpu.memory_space<hbm>> -> memref<1x2x128xi32, #tpu.memory_space<hbm>>
    %dma_start3A_37 = tpu.memref_squeeze %dma_start3A_36 : memref<1x2x128xi32, #tpu.memory_space<hbm>> -> memref<2x128xi32, #tpu.memory_space<hbm>>
    tpu.enqueue_dma source(%dma_start3A_37 : memref<2x128xi32, #tpu.memory_space<hbm>>) target(%arg7 : memref<2x128xi32, #tpu.memory_space<vmem>>) target_semaphore(%arg12 : memref<!tpu.dma_semaphore, #tpu.memory_space<semaphore_mem>>)
    %dma_wait3A = arith.constant 0 : i32
    %dma_wait3A_38 = arith.constant 0 : i32
    %dma_wait3A_39 = arith.constant 0 : i32
    %dma_wait3A_40 = arith.constant 0 : i32
    %dma_wait3A_41 = tpu.memref_slice %arg3[%arg1, %dma_wait3A_38, %dma_wait3A_39, %dma_wait3A_40] : memref<16x160x2x128xi32, #tpu.memory_space<hbm>> -> memref<1x160x2x128xi32, #tpu.memory_space<hbm>>
    %dma_wait3A_42 = tpu.memref_squeeze %dma_wait3A_41 : memref<1x160x2x128xi32, #tpu.memory_space<hbm>> -> memref<160x2x128xi32, #tpu.memory_space<hbm>>
    %dma_wait3A_43 = arith.constant 0 : i32
    %dma_wait3A_44 = arith.constant 0 : i32
    %dma_wait3A_45 = tpu.memref_slice %dma_wait3A_42[%dma_wait3A, %dma_wait3A_43, %dma_wait3A_44] : memref<160x2x128xi32, #tpu.memory_space<hbm>> -> memref<1x2x128xi32, #tpu.memory_space<hbm>>
    %dma_wait3A_46 = tpu.memref_squeeze %dma_wait3A_45 : memref<1x2x128xi32, #tpu.memory_space<hbm>> -> memref<2x128xi32, #tpu.memory_space<hbm>>
    %dma_wait3A_47 = arith.constant 0 : i32
    %dma_wait3A_48 = arith.constant 0 : i32
    %dma_wait3A_49 = arith.constant 0 : i32
    %dma_wait3A_50 = tpu.memref_slice %arg3[%arg1, %dma_wait3A_47, %dma_wait3A_48, %dma_wait3A_49] : memref<16x160x2x128xi32, #tpu.memory_space<hbm>> -> memref<1x160x2x128xi32, #tpu.memory_space<hbm>>
    %dma_wait3A_51 = tpu.memref_squeeze %dma_wait3A_50 : memref<1x160x2x128xi32, #tpu.memory_space<hbm>> -> memref<160x2x128xi32, #tpu.memory_space<hbm>>
    %dma_wait3A_52 = arith.constant 0 : i32
    %dma_wait3A_53 = arith.constant 0 : i32
    %dma_wait3A_54 = tpu.memref_slice %dma_wait3A_51[%dma_wait3A, %dma_wait3A_52, %dma_wait3A_53] : memref<160x2x128xi32, #tpu.memory_space<hbm>> -> memref<1x2x128xi32, #tpu.memory_space<hbm>>
    %dma_wait3A_55 = tpu.memref_squeeze %dma_wait3A_54 : memref<1x2x128xi32, #tpu.memory_space<hbm>> -> memref<2x128xi32, #tpu.memory_space<hbm>>
    tpu.wait_dma2 semaphore(%arg11 : memref<!tpu.dma_semaphore, #tpu.memory_space<semaphore_mem>>) src(%dma_wait3A_55 : memref<2x128xi32, #tpu.memory_space<hbm>>) dst(%arg6 : memref<2x128xi32, #tpu.memory_space<vmem>>)
    %dma_start3A_56 = arith.constant 0 : i32
    %dma_start3A_57 = arith.constant 0 : i32
    %dma_start3A_58 = tpu.memref_slice %arg6[%dma_start3A_56, %dma_start3A_57] : memref<2x128xi32, #tpu.memory_space<vmem>> -> memref<1x128xi32, #tpu.memory_space<vmem>>
    %dma_start3A_59 = tpu.memref_squeeze %dma_start3A_58 : memref<1x128xi32, #tpu.memory_space<vmem>> -> memref<128xi32, #tpu.memory_space<vmem>>
    %dma_start3A_60 = arith.constant 0 : i32
    %dma_start3A_61 = arith.constant 0 : i32
    %dma_start3A_62 = tpu.memref_slice %arg2[%arg0, %dma_start3A_60, %dma_start3A_61] : memref<2x10240x128xf32, #tpu.memory_space<hbm>> -> memref<1x10240x128xf32, #tpu.memory_space<hbm>>
    %dma_start3A_63 = tpu.memref_squeeze %dma_start3A_62 : memref<1x10240x128xf32, #tpu.memory_space<hbm>> -> memref<10240x128xf32, #tpu.memory_space<hbm>>
    %dma_start3A_64 = arith.constant 0 : i32
    %dma_start3A_65 = arith.constant 0 : i32
    %dma_start3A_66 = tpu.memref_slice %dma_start3A_63[%dma_start3A_64, %dma_start3A_65] : memref<10240x128xf32, #tpu.memory_space<hbm>> -> memref<10240x128xf32, #tpu.memory_space<hbm>>
    tpu.enqueue_indirect_dma source(%dma_start3A_66 : memref<10240x128xf32, #tpu.memory_space<hbm>>) target(%arg8 : memref<128x128xf32, #tpu.memory_space<vmem>>) offsets(%dma_start3A_59 : memref<128xi32, #tpu.memory_space<vmem>>) semaphore(%arg13 : memref<!tpu.dma_semaphore, #tpu.memory_space<semaphore_mem>>)
    %dma_wait3A_67 = arith.constant 1 : i32
    %dma_wait3A_68 = arith.constant 0 : i32
    %dma_wait3A_69 = arith.constant 0 : i32
    %dma_wait3A_70 = arith.constant 0 : i32
    %dma_wait3A_71 = tpu.memref_slice %arg3[%arg1, %dma_wait3A_68, %dma_wait3A_69, %dma_wait3A_70] : memref<16x160x2x128xi32, #tpu.memory_space<hbm>> -> memref<1x160x2x128xi32, #tpu.memory_space<hbm>>
    %dma_wait3A_72 = tpu.memref_squeeze %dma_wait3A_71 : memref<1x160x2x128xi32, #tpu.memory_space<hbm>> -> memref<160x2x128xi32, #tpu.memory_space<hbm>>
    %dma_wait3A_73 = arith.constant 0 : i32
    %dma_wait3A_74 = arith.constant 0 : i32
    %dma_wait3A_75 = tpu.memref_slice %dma_wait3A_72[%dma_wait3A_67, %dma_wait3A_73, %dma_wait3A_74] : memref<160x2x128xi32, #tpu.memory_space<hbm>> -> memref<1x2x128xi32, #tpu.memory_space<hbm>>
    %dma_wait3A_76 = tpu.memref_squeeze %dma_wait3A_75 : memref<1x2x128xi32, #tpu.memory_space<hbm>> -> memref<2x128xi32, #tpu.memory_space<hbm>>
    %dma_wait3A_77 = arith.constant 0 : i32
    %dma_wait3A_78 = arith.constant 0 : i32
    %dma_wait3A_79 = arith.constant 0 : i32
    %dma_wait3A_80 = tpu.memref_slice %arg3[%arg1, %dma_wait3A_77, %dma_wait3A_78, %dma_wait3A_79] : memref<16x160x2x128xi32, #tpu.memory_space<hbm>> -> memref<1x160x2x128xi32, #tpu.memory_space<hbm>>
    %dma_wait3A_81 = tpu.memref_squeeze %dma_wait3A_80 : memref<1x160x2x128xi32, #tpu.memory_space<hbm>> -> memref<160x2x128xi32, #tpu.memory_space<hbm>>
    %dma_wait3A_82 = arith.constant 0 : i32
    %dma_wait3A_83 = arith.constant 0 : i32
    %dma_wait3A_84 = tpu.memref_slice %dma_wait3A_81[%dma_wait3A_67, %dma_wait3A_82, %dma_wait3A_83] : memref<160x2x128xi32, #tpu.memory_space<hbm>> -> memref<1x2x128xi32, #tpu.memory_space<hbm>>
    %dma_wait3A_85 = tpu.memref_squeeze %dma_wait3A_84 : memref<1x2x128xi32, #tpu.memory_space<hbm>> -> memref<2x128xi32, #tpu.memory_space<hbm>>
    tpu.wait_dma2 semaphore(%arg12 : memref<!tpu.dma_semaphore, #tpu.memory_space<semaphore_mem>>) src(%dma_wait3A_85 : memref<2x128xi32, #tpu.memory_space<hbm>>) dst(%arg7 : memref<2x128xi32, #tpu.memory_space<vmem>>)
    %dma_start3A_86 = arith.constant 0 : i32
    %dma_start3A_87 = arith.constant 0 : i32
    %dma_start3A_88 = tpu.memref_slice %arg7[%dma_start3A_86, %dma_start3A_87] : memref<2x128xi32, #tpu.memory_space<vmem>> -> memref<1x128xi32, #tpu.memory_space<vmem>>
    %dma_start3A_89 = tpu.memref_squeeze %dma_start3A_88 : memref<1x128xi32, #tpu.memory_space<vmem>> -> memref<128xi32, #tpu.memory_space<vmem>>
    %dma_start3A_90 = arith.constant 0 : i32
    %dma_start3A_91 = arith.constant 0 : i32
    %dma_start3A_92 = tpu.memref_slice %arg2[%arg0, %dma_start3A_90, %dma_start3A_91] : memref<2x10240x128xf32, #tpu.memory_space<hbm>> -> memref<1x10240x128xf32, #tpu.memory_space<hbm>>
    %dma_start3A_93 = tpu.memref_squeeze %dma_start3A_92 : memref<1x10240x128xf32, #tpu.memory_space<hbm>> -> memref<10240x128xf32, #tpu.memory_space<hbm>>
    %dma_start3A_94 = arith.constant 0 : i32
    %dma_start3A_95 = arith.constant 0 : i32
    %dma_start3A_96 = tpu.memref_slice %dma_start3A_93[%dma_start3A_94, %dma_start3A_95] : memref<10240x128xf32, #tpu.memory_space<hbm>> -> memref<10240x128xf32, #tpu.memory_space<hbm>>
    tpu.enqueue_indirect_dma source(%dma_start3A_96 : memref<10240x128xf32, #tpu.memory_space<hbm>>) target(%arg9 : memref<128x128xf32, #tpu.memory_space<vmem>>) offsets(%dma_start3A_89 : memref<128xi32, #tpu.memory_space<vmem>>) semaphore(%arg14 : memref<!tpu.dma_semaphore, #tpu.memory_space<semaphore_mem>>)
    %scan3A = arith.constant 0 : i32
    %scan3A_97 = arith.constant 80 : i32
    %scan3A_98 = arith.addi %scan3A, %scan3A_97 : i32
    %scan3A_99 = arith.constant 1 : i32
    scf.for %scan3A_106 = %scan3A to %scan3A_98 step %scan3A_99  : i32 {
      %mul3A_107 = arith.constant 1 : i32
      %mul3A_108 = arith.muli %scan3A_106, %mul3A_107 : i32
      %add3A = arith.constant 0 : i32
      %add3A_109 = arith.addi %add3A, %mul3A_108 : i32
      %mul3A_110 = arith.constant 2 : i32
      %mul3A_111 = arith.muli %mul3A_110, %add3A_109 : i32
      %add3A_112 = arith.constant 0 : i32
      %add3A_113 = arith.addi %add3A_112, %mul3A_111 : i32
      %add3A_114 = arith.constant 1 : i32
      %add3A_115 = arith.addi %add3A_113, %add3A_114 : i32
      %dma_wait3A_116 = arith.constant 0 : i32
      %dma_wait3A_117 = arith.constant 0 : i32
      %dma_wait3A_118 = tpu.memref_slice %arg6[%dma_wait3A_116, %dma_wait3A_117] : memref<2x128xi32, #tpu.memory_space<vmem>> -> memref<1x128xi32, #tpu.memory_space<vmem>>
      %dma_wait3A_119 = tpu.memref_squeeze %dma_wait3A_118 : memref<1x128xi32, #tpu.memory_space<vmem>> -> memref<128xi32, #tpu.memory_space<vmem>>
      %dma_wait3A_120 = arith.constant 0 : i32
      %dma_wait3A_121 = arith.constant 0 : i32
      %dma_wait3A_122 = tpu.memref_slice %arg2[%arg0, %dma_wait3A_120, %dma_wait3A_121] : memref<2x10240x128xf32, #tpu.memory_space<hbm>> -> memref<1x10240x128xf32, #tpu.memory_space<hbm>>
      %dma_wait3A_123 = tpu.memref_squeeze %dma_wait3A_122 : memref<1x10240x128xf32, #tpu.memory_space<hbm>> -> memref<10240x128xf32, #tpu.memory_space<hbm>>
      %dma_wait3A_124 = arith.constant 0 : i32
      %dma_wait3A_125 = arith.constant 0 : i32
      %dma_wait3A_126 = tpu.memref_slice %dma_wait3A_123[%dma_wait3A_124, %dma_wait3A_125] : memref<10240x128xf32, #tpu.memory_space<hbm>> -> memref<10240x128xf32, #tpu.memory_space<hbm>>
      tpu.wait_indirect_dma semaphore(%arg13 : memref<!tpu.dma_semaphore, #tpu.memory_space<semaphore_mem>>) src(%dma_wait3A_126 : memref<10240x128xf32, #tpu.memory_space<hbm>>) dst(%arg8 : memref<128x128xf32, #tpu.memory_space<vmem>>)
      %run_scoped3A = arith.constant 1 : i32
      "tpu.region"() ({
        %run_scoped3A_164 = tpu.sem_alloc : memref<!tpu.dma_semaphore, #tpu.memory_space<semaphore_mem>>
        %dma_start3A_165 = arith.constant 0 : i32
        %dma_start3A_166 = tpu.memref_slice %arg6[%run_scoped3A, %dma_start3A_165] : memref<2x128xi32, #tpu.memory_space<vmem>> -> memref<1x128xi32, #tpu.memory_space<vmem>>
        %dma_start3A_167 = tpu.memref_squeeze %dma_start3A_166 : memref<1x128xi32, #tpu.memory_space<vmem>> -> memref<128xi32, #tpu.memory_space<vmem>>
        %dma_start3A_168 = arith.constant 0 : i32
        %dma_start3A_169 = arith.constant 0 : i32
        %dma_start3A_170 = tpu.memref_slice %arg10[%dma_start3A_168, %dma_start3A_169] : memref<10240x128xf32, #tpu.memory_space<vmem_shared>> -> memref<10240x128xf32, #tpu.memory_space<vmem_shared>>
        tpu.enqueue_indirect_dma source(%arg8 : memref<128x128xf32, #tpu.memory_space<vmem>>) target(%dma_start3A_170 : memref<10240x128xf32, #tpu.memory_space<vmem_shared>>) offsets(%dma_start3A_167 : memref<128xi32, #tpu.memory_space<vmem>>) semaphore(%run_scoped3A_164 : memref<!tpu.dma_semaphore, #tpu.memory_space<semaphore_mem>>) {add = true}
        %dma_wait3A_171 = arith.constant 0 : i32
        %dma_wait3A_172 = tpu.memref_slice %arg6[%run_scoped3A, %dma_wait3A_171] : memref<2x128xi32, #tpu.memory_space<vmem>> -> memref<1x128xi32, #tpu.memory_space<vmem>>
        %dma_wait3A_173 = tpu.memref_squeeze %dma_wait3A_172 : memref<1x128xi32, #tpu.memory_space<vmem>> -> memref<128xi32, #tpu.memory_space<vmem>>
        %dma_wait3A_174 = arith.constant 0 : i32
        %dma_wait3A_175 = arith.constant 0 : i32
        %dma_wait3A_176 = tpu.memref_slice %arg10[%dma_wait3A_174, %dma_wait3A_175] : memref<10240x128xf32, #tpu.memory_space<vmem_shared>> -> memref<10240x128xf32, #tpu.memory_space<vmem_shared>>
        tpu.wait_indirect_dma semaphore(%run_scoped3A_164 : memref<!tpu.dma_semaphore, #tpu.memory_space<semaphore_mem>>) src(%arg8 : memref<128x128xf32, #tpu.memory_space<vmem>>) dst(%dma_wait3A_176 : memref<10240x128xf32, #tpu.memory_space<vmem_shared>>)
        tpu.yield
      }) : () -> ()
      %add3A_127 = arith.constant 2 : i32
      %add3A_128 = arith.addi %add3A_113, %add3A_127 : i32
      %lt3A = arith.constant 160 : i32
      %lt3A_129 = arith.cmpi slt, %add3A_128, %lt3A : i32
      %convert_element_type3A = arith.extui %lt3A_129 : i1 to i32
      %cond3A = arith.constant 0 : i32
      %cond3A_130 = arith.cmpi ne, %convert_element_type3A, %cond3A : i32
      scf.if %cond3A_130 {
        %add3A_164 = arith.constant 2 : i32
        %add3A_165 = arith.addi %add3A_113, %add3A_164 : i32
        %dma_start3A_166 = arith.constant 0 : i32
        %dma_start3A_167 = arith.constant 0 : i32
        %dma_start3A_168 = arith.constant 0 : i32
        %dma_start3A_169 = tpu.memref_slice %arg3[%arg1, %dma_start3A_166, %dma_start3A_167, %dma_start3A_168] : memref<16x160x2x128xi32, #tpu.memory_space<hbm>> -> memref<1x160x2x128xi32, #tpu.memory_space<hbm>>
        %dma_start3A_170 = tpu.memref_squeeze %dma_start3A_169 : memref<1x160x2x128xi32, #tpu.memory_space<hbm>> -> memref<160x2x128xi32, #tpu.memory_space<hbm>>
        %dma_start3A_171 = arith.constant 0 : i32
        %dma_start3A_172 = arith.constant 0 : i32
        %dma_start3A_173 = tpu.memref_slice %dma_start3A_170[%add3A_165, %dma_start3A_171, %dma_start3A_172] : memref<160x2x128xi32, #tpu.memory_space<hbm>> -> memref<1x2x128xi32, #tpu.memory_space<hbm>>
        %dma_start3A_174 = tpu.memref_squeeze %dma_start3A_173 : memref<1x2x128xi32, #tpu.memory_space<hbm>> -> memref<2x128xi32, #tpu.memory_space<hbm>>
        %dma_start3A_175 = arith.constant 0 : i32
        %dma_start3A_176 = arith.constant 0 : i32
        %dma_start3A_177 = arith.constant 0 : i32
        %dma_start3A_178 = tpu.memref_slice %arg3[%arg1, %dma_start3A_175, %dma_start3A_176, %dma_start3A_177] : memref<16x160x2x128xi32, #tpu.memory_space<hbm>> -> memref<1x160x2x128xi32, #tpu.memory_space<hbm>>
        %dma_start3A_179 = tpu.memref_squeeze %dma_start3A_178 : memref<1x160x2x128xi32, #tpu.memory_space<hbm>> -> memref<160x2x128xi32, #tpu.memory_space<hbm>>
        %dma_start3A_180 = arith.constant 0 : i32
        %dma_start3A_181 = arith.constant 0 : i32
        %dma_start3A_182 = tpu.memref_slice %dma_start3A_179[%add3A_165, %dma_start3A_180, %dma_start3A_181] : memref<160x2x128xi32, #tpu.memory_space<hbm>> -> memref<1x2x128xi32, #tpu.memory_space<hbm>>
        %dma_start3A_183 = tpu.memref_squeeze %dma_start3A_182 : memref<1x2x128xi32, #tpu.memory_space<hbm>> -> memref<2x128xi32, #tpu.memory_space<hbm>>
        tpu.enqueue_dma source(%dma_start3A_183 : memref<2x128xi32, #tpu.memory_space<hbm>>) target(%arg6 : memref<2x128xi32, #tpu.memory_space<vmem>>) target_semaphore(%arg11 : memref<!tpu.dma_semaphore, #tpu.memory_space<semaphore_mem>>)
      } else {
      }
      %dma_wait3A_131 = arith.constant 0 : i32
      %dma_wait3A_132 = arith.constant 0 : i32
      %dma_wait3A_133 = tpu.memref_slice %arg7[%dma_wait3A_131, %dma_wait3A_132] : memref<2x128xi32, #tpu.memory_space<vmem>> -> memref<1x128xi32, #tpu.memory_space<vmem>>
      %dma_wait3A_134 = tpu.memref_squeeze %dma_wait3A_133 : memref<1x128xi32, #tpu.memory_space<vmem>> -> memref<128xi32, #tpu.memory_space<vmem>>
      %dma_wait3A_135 = arith.constant 0 : i32
      %dma_wait3A_136 = arith.constant 0 : i32
      %dma_wait3A_137 = tpu.memref_slice %arg2[%arg0, %dma_wait3A_135, %dma_wait3A_136] : memref<2x10240x128xf32, #tpu.memory_space<hbm>> -> memref<1x10240x128xf32, #tpu.memory_space<hbm>>
      %dma_wait3A_138 = tpu.memref_squeeze %dma_wait3A_137 : memref<1x10240x128xf32, #tpu.memory_space<hbm>> -> memref<10240x128xf32, #tpu.memory_space<hbm>>
      %dma_wait3A_139 = arith.constant 0 : i32
      %dma_wait3A_140 = arith.constant 0 : i32
      %dma_wait3A_141 = tpu.memref_slice %dma_wait3A_138[%dma_wait3A_139, %dma_wait3A_140] : memref<10240x128xf32, #tpu.memory_space<hbm>> -> memref<10240x128xf32, #tpu.memory_space<hbm>>
      tpu.wait_indirect_dma semaphore(%arg14 : memref<!tpu.dma_semaphore, #tpu.memory_space<semaphore_mem>>) src(%dma_wait3A_141 : memref<10240x128xf32, #tpu.memory_space<hbm>>) dst(%arg9 : memref<128x128xf32, #tpu.memory_space<vmem>>)
      %run_scoped3A_142 = arith.constant 1 : i32
      "tpu.region"() ({
        %run_scoped3A_164 = tpu.sem_alloc : memref<!tpu.dma_semaphore, #tpu.memory_space<semaphore_mem>>
        %dma_start3A_165 = arith.constant 0 : i32
        %dma_start3A_166 = tpu.memref_slice %arg7[%run_scoped3A_142, %dma_start3A_165] : memref<2x128xi32, #tpu.memory_space<vmem>> -> memref<1x128xi32, #tpu.memory_space<vmem>>
        %dma_start3A_167 = tpu.memref_squeeze %dma_start3A_166 : memref<1x128xi32, #tpu.memory_space<vmem>> -> memref<128xi32, #tpu.memory_space<vmem>>
        %dma_start3A_168 = arith.constant 0 : i32
        %dma_start3A_169 = arith.constant 0 : i32
        %dma_start3A_170 = tpu.memref_slice %arg10[%dma_start3A_168, %dma_start3A_169] : memref<10240x128xf32, #tpu.memory_space<vmem_shared>> -> memref<10240x128xf32, #tpu.memory_space<vmem_shared>>
        tpu.enqueue_indirect_dma source(%arg9 : memref<128x128xf32, #tpu.memory_space<vmem>>) target(%dma_start3A_170 : memref<10240x128xf32, #tpu.memory_space<vmem_shared>>) offsets(%dma_start3A_167 : memref<128xi32, #tpu.memory_space<vmem>>) semaphore(%run_scoped3A_164 : memref<!tpu.dma_semaphore, #tpu.memory_space<semaphore_mem>>) {add = true}
        %dma_wait3A_171 = arith.constant 0 : i32
        %dma_wait3A_172 = tpu.memref_slice %arg7[%run_scoped3A_142, %dma_wait3A_171] : memref<2x128xi32, #tpu.memory_space<vmem>> -> memref<1x128xi32, #tpu.memory_space<vmem>>
        %dma_wait3A_173 = tpu.memref_squeeze %dma_wait3A_172 : memref<1x128xi32, #tpu.memory_space<vmem>> -> memref<128xi32, #tpu.memory_space<vmem>>
        %dma_wait3A_174 = arith.constant 0 : i32
        %dma_wait3A_175 = arith.constant 0 : i32
        %dma_wait3A_176 = tpu.memref_slice %arg10[%dma_wait3A_174, %dma_wait3A_175] : memref<10240x128xf32, #tpu.memory_space<vmem_shared>> -> memref<10240x128xf32, #tpu.memory_space<vmem_shared>>
        tpu.wait_indirect_dma semaphore(%run_scoped3A_164 : memref<!tpu.dma_semaphore, #tpu.memory_space<semaphore_mem>>) src(%arg9 : memref<128x128xf32, #tpu.memory_space<vmem>>) dst(%dma_wait3A_176 : memref<10240x128xf32, #tpu.memory_space<vmem_shared>>)
        tpu.yield
      }) : () -> ()
      %add3A_143 = arith.constant 2 : i32
      %add3A_144 = arith.addi %add3A_115, %add3A_143 : i32
      %lt3A_145 = arith.constant 160 : i32
      %lt3A_146 = arith.cmpi slt, %add3A_144, %lt3A_145 : i32
      %convert_element_type3A_147 = arith.extui %lt3A_146 : i1 to i32
      %cond3A_148 = arith.constant 0 : i32
      %cond3A_149 = arith.cmpi ne, %convert_element_type3A_147, %cond3A_148 : i32
      scf.if %cond3A_149 {
        %add3A_164 = arith.constant 2 : i32
        %add3A_165 = arith.addi %add3A_115, %add3A_164 : i32
        %dma_start3A_166 = arith.constant 0 : i32
        %dma_start3A_167 = arith.constant 0 : i32
        %dma_start3A_168 = arith.constant 0 : i32
        %dma_start3A_169 = tpu.memref_slice %arg3[%arg1, %dma_start3A_166, %dma_start3A_167, %dma_start3A_168] : memref<16x160x2x128xi32, #tpu.memory_space<hbm>> -> memref<1x160x2x128xi32, #tpu.memory_space<hbm>>
        %dma_start3A_170 = tpu.memref_squeeze %dma_start3A_169 : memref<1x160x2x128xi32, #tpu.memory_space<hbm>> -> memref<160x2x128xi32, #tpu.memory_space<hbm>>
        %dma_start3A_171 = arith.constant 0 : i32
        %dma_start3A_172 = arith.constant 0 : i32
        %dma_start3A_173 = tpu.memref_slice %dma_start3A_170[%add3A_165, %dma_start3A_171, %dma_start3A_172] : memref<160x2x128xi32, #tpu.memory_space<hbm>> -> memref<1x2x128xi32, #tpu.memory_space<hbm>>
        %dma_start3A_174 = tpu.memref_squeeze %dma_start3A_173 : memref<1x2x128xi32, #tpu.memory_space<hbm>> -> memref<2x128xi32, #tpu.memory_space<hbm>>
        %dma_start3A_175 = arith.constant 0 : i32
        %dma_start3A_176 = arith.constant 0 : i32
        %dma_start3A_177 = arith.constant 0 : i32
        %dma_start3A_178 = tpu.memref_slice %arg3[%arg1, %dma_start3A_175, %dma_start3A_176, %dma_start3A_177] : memref<16x160x2x128xi32, #tpu.memory_space<hbm>> -> memref<1x160x2x128xi32, #tpu.memory_space<hbm>>
        %dma_start3A_179 = tpu.memref_squeeze %dma_start3A_178 : memref<1x160x2x128xi32, #tpu.memory_space<hbm>> -> memref<160x2x128xi32, #tpu.memory_space<hbm>>
        %dma_start3A_180 = arith.constant 0 : i32
        %dma_start3A_181 = arith.constant 0 : i32
        %dma_start3A_182 = tpu.memref_slice %dma_start3A_179[%add3A_165, %dma_start3A_180, %dma_start3A_181] : memref<160x2x128xi32, #tpu.memory_space<hbm>> -> memref<1x2x128xi32, #tpu.memory_space<hbm>>
        %dma_start3A_183 = tpu.memref_squeeze %dma_start3A_182 : memref<1x2x128xi32, #tpu.memory_space<hbm>> -> memref<2x128xi32, #tpu.memory_space<hbm>>
        tpu.enqueue_dma source(%dma_start3A_183 : memref<2x128xi32, #tpu.memory_space<hbm>>) target(%arg7 : memref<2x128xi32, #tpu.memory_space<vmem>>) target_semaphore(%arg12 : memref<!tpu.dma_semaphore, #tpu.memory_space<semaphore_mem>>)
      } else {
      }
      %add3A_150 = arith.constant 2 : i32
      %add3A_151 = arith.addi %add3A_113, %add3A_150 : i32
      %lt3A_152 = arith.constant 160 : i32
      %lt3A_153 = arith.cmpi slt, %add3A_151, %lt3A_152 : i32
      %convert_element_type3A_154 = arith.extui %lt3A_153 : i1 to i32
      %cond3A_155 = arith.constant 0 : i32
      %cond3A_156 = arith.cmpi ne, %convert_element_type3A_154, %cond3A_155 : i32
      scf.if %cond3A_156 {
        %add3A_164 = arith.constant 2 : i32
        %add3A_165 = arith.addi %add3A_113, %add3A_164 : i32
        %dma_wait3A_166 = arith.constant 0 : i32
        %dma_wait3A_167 = arith.constant 0 : i32
        %dma_wait3A_168 = arith.constant 0 : i32
        %dma_wait3A_169 = tpu.memref_slice %arg3[%arg1, %dma_wait3A_166, %dma_wait3A_167, %dma_wait3A_168] : memref<16x160x2x128xi32, #tpu.memory_space<hbm>> -> memref<1x160x2x128xi32, #tpu.memory_space<hbm>>
        %dma_wait3A_170 = tpu.memref_squeeze %dma_wait3A_169 : memref<1x160x2x128xi32, #tpu.memory_space<hbm>> -> memref<160x2x128xi32, #tpu.memory_space<hbm>>
        %dma_wait3A_171 = arith.constant 0 : i32
        %dma_wait3A_172 = arith.constant 0 : i32
        %dma_wait3A_173 = tpu.memref_slice %dma_wait3A_170[%add3A_165, %dma_wait3A_171, %dma_wait3A_172] : memref<160x2x128xi32, #tpu.memory_space<hbm>> -> memref<1x2x128xi32, #tpu.memory_space<hbm>>
        %dma_wait3A_174 = tpu.memref_squeeze %dma_wait3A_173 : memref<1x2x128xi32, #tpu.memory_space<hbm>> -> memref<2x128xi32, #tpu.memory_space<hbm>>
        %dma_wait3A_175 = arith.constant 0 : i32
        %dma_wait3A_176 = arith.constant 0 : i32
        %dma_wait3A_177 = arith.constant 0 : i32
        %dma_wait3A_178 = tpu.memref_slice %arg3[%arg1, %dma_wait3A_175, %dma_wait3A_176, %dma_wait3A_177] : memref<16x160x2x128xi32, #tpu.memory_space<hbm>> -> memref<1x160x2x128xi32, #tpu.memory_space<hbm>>
        %dma_wait3A_179 = tpu.memref_squeeze %dma_wait3A_178 : memref<1x160x2x128xi32, #tpu.memory_space<hbm>> -> memref<160x2x128xi32, #tpu.memory_space<hbm>>
        %dma_wait3A_180 = arith.constant 0 : i32
        %dma_wait3A_181 = arith.constant 0 : i32
        %dma_wait3A_182 = tpu.memref_slice %dma_wait3A_179[%add3A_165, %dma_wait3A_180, %dma_wait3A_181] : memref<160x2x128xi32, #tpu.memory_space<hbm>> -> memref<1x2x128xi32, #tpu.memory_space<hbm>>
        %dma_wait3A_183 = tpu.memref_squeeze %dma_wait3A_182 : memref<1x2x128xi32, #tpu.memory_space<hbm>> -> memref<2x128xi32, #tpu.memory_space<hbm>>
        tpu.wait_dma2 semaphore(%arg11 : memref<!tpu.dma_semaphore, #tpu.memory_space<semaphore_mem>>) src(%dma_wait3A_183 : memref<2x128xi32, #tpu.memory_space<hbm>>) dst(%arg6 : memref<2x128xi32, #tpu.memory_space<vmem>>)
        %dma_start3A_184 = arith.constant 0 : i32
        %dma_start3A_185 = arith.constant 0 : i32
        %dma_start3A_186 = tpu.memref_slice %arg6[%dma_start3A_184, %dma_start3A_185] : memref<2x128xi32, #tpu.memory_space<vmem>> -> memref<1x128xi32, #tpu.memory_space<vmem>>
        %dma_start3A_187 = tpu.memref_squeeze %dma_start3A_186 : memref<1x128xi32, #tpu.memory_space<vmem>> -> memref<128xi32, #tpu.memory_space<vmem>>
        %dma_start3A_188 = arith.constant 0 : i32
        %dma_start3A_189 = arith.constant 0 : i32
        %dma_start3A_190 = tpu.memref_slice %arg2[%arg0, %dma_start3A_188, %dma_start3A_189] : memref<2x10240x128xf32, #tpu.memory_space<hbm>> -> memref<1x10240x128xf32, #tpu.memory_space<hbm>>
        %dma_start3A_191 = tpu.memref_squeeze %dma_start3A_190 : memref<1x10240x128xf32, #tpu.memory_space<hbm>> -> memref<10240x128xf32, #tpu.memory_space<hbm>>
        %dma_start3A_192 = arith.constant 0 : i32
        %dma_start3A_193 = arith.constant 0 : i32
        %dma_start3A_194 = tpu.memref_slice %dma_start3A_191[%dma_start3A_192, %dma_start3A_193] : memref<10240x128xf32, #tpu.memory_space<hbm>> -> memref<10240x128xf32, #tpu.memory_space<hbm>>
        tpu.enqueue_indirect_dma source(%dma_start3A_194 : memref<10240x128xf32, #tpu.memory_space<hbm>>) target(%arg8 : memref<128x128xf32, #tpu.memory_space<vmem>>) offsets(%dma_start3A_187 : memref<128xi32, #tpu.memory_space<vmem>>) semaphore(%arg13 : memref<!tpu.dma_semaphore, #tpu.memory_space<semaphore_mem>>)
      } else {
      }
      %add3A_157 = arith.constant 2 : i32
      %add3A_158 = arith.addi %add3A_115, %add3A_157 : i32
      %lt3A_159 = arith.constant 160 : i32
      %lt3A_160 = arith.cmpi slt, %add3A_158, %lt3A_159 : i32
      %convert_element_type3A_161 = arith.extui %lt3A_160 : i1 to i32
      %cond3A_162 = arith.constant 0 : i32
      %cond3A_163 = arith.cmpi ne, %convert_element_type3A_161, %cond3A_162 : i32
      scf.if %cond3A_163 {
        %add3A_164 = arith.constant 2 : i32
        %add3A_165 = arith.addi %add3A_115, %add3A_164 : i32
        %dma_wait3A_166 = arith.constant 0 : i32
        %dma_wait3A_167 = arith.constant 0 : i32
        %dma_wait3A_168 = arith.constant 0 : i32
        %dma_wait3A_169 = tpu.memref_slice %arg3[%arg1, %dma_wait3A_166, %dma_wait3A_167, %dma_wait3A_168] : memref<16x160x2x128xi32, #tpu.memory_space<hbm>> -> memref<1x160x2x128xi32, #tpu.memory_space<hbm>>
        %dma_wait3A_170 = tpu.memref_squeeze %dma_wait3A_169 : memref<1x160x2x128xi32, #tpu.memory_space<hbm>> -> memref<160x2x128xi32, #tpu.memory_space<hbm>>
        %dma_wait3A_171 = arith.constant 0 : i32
        %dma_wait3A_172 = arith.constant 0 : i32
        %dma_wait3A_173 = tpu.memref_slice %dma_wait3A_170[%add3A_165, %dma_wait3A_171, %dma_wait3A_172] : memref<160x2x128xi32, #tpu.memory_space<hbm>> -> memref<1x2x128xi32, #tpu.memory_space<hbm>>
        %dma_wait3A_174 = tpu.memref_squeeze %dma_wait3A_173 : memref<1x2x128xi32, #tpu.memory_space<hbm>> -> memref<2x128xi32, #tpu.memory_space<hbm>>
        %dma_wait3A_175 = arith.constant 0 : i32
        %dma_wait3A_176 = arith.constant 0 : i32
        %dma_wait3A_177 = arith.constant 0 : i32
        %dma_wait3A_178 = tpu.memref_slice %arg3[%arg1, %dma_wait3A_175, %dma_wait3A_176, %dma_wait3A_177] : memref<16x160x2x128xi32, #tpu.memory_space<hbm>> -> memref<1x160x2x128xi32, #tpu.memory_space<hbm>>
        %dma_wait3A_179 = tpu.memref_squeeze %dma_wait3A_178 : memref<1x160x2x128xi32, #tpu.memory_space<hbm>> -> memref<160x2x128xi32, #tpu.memory_space<hbm>>
        %dma_wait3A_180 = arith.constant 0 : i32
        %dma_wait3A_181 = arith.constant 0 : i32
        %dma_wait3A_182 = tpu.memref_slice %dma_wait3A_179[%add3A_165, %dma_wait3A_180, %dma_wait3A_181] : memref<160x2x128xi32, #tpu.memory_space<hbm>> -> memref<1x2x128xi32, #tpu.memory_space<hbm>>
        %dma_wait3A_183 = tpu.memref_squeeze %dma_wait3A_182 : memref<1x2x128xi32, #tpu.memory_space<hbm>> -> memref<2x128xi32, #tpu.memory_space<hbm>>
        tpu.wait_dma2 semaphore(%arg12 : memref<!tpu.dma_semaphore, #tpu.memory_space<semaphore_mem>>) src(%dma_wait3A_183 : memref<2x128xi32, #tpu.memory_space<hbm>>) dst(%arg7 : memref<2x128xi32, #tpu.memory_space<vmem>>)
        %dma_start3A_184 = arith.constant 0 : i32
        %dma_start3A_185 = arith.constant 0 : i32
        %dma_start3A_186 = tpu.memref_slice %arg7[%dma_start3A_184, %dma_start3A_185] : memref<2x128xi32, #tpu.memory_space<vmem>> -> memref<1x128xi32, #tpu.memory_space<vmem>>
        %dma_start3A_187 = tpu.memref_squeeze %dma_start3A_186 : memref<1x128xi32, #tpu.memory_space<vmem>> -> memref<128xi32, #tpu.memory_space<vmem>>
        %dma_start3A_188 = arith.constant 0 : i32
        %dma_start3A_189 = arith.constant 0 : i32
        %dma_start3A_190 = tpu.memref_slice %arg2[%arg0, %dma_start3A_188, %dma_start3A_189] : memref<2x10240x128xf32, #tpu.memory_space<hbm>> -> memref<1x10240x128xf32, #tpu.memory_space<hbm>>
        %dma_start3A_191 = tpu.memref_squeeze %dma_start3A_190 : memref<1x10240x128xf32, #tpu.memory_space<hbm>> -> memref<10240x128xf32, #tpu.memory_space<hbm>>
        %dma_start3A_192 = arith.constant 0 : i32
        %dma_start3A_193 = arith.constant 0 : i32
        %dma_start3A_194 = tpu.memref_slice %dma_start3A_191[%dma_start3A_192, %dma_start3A_193] : memref<10240x128xf32, #tpu.memory_space<hbm>> -> memref<10240x128xf32, #tpu.memory_space<hbm>>
        tpu.enqueue_indirect_dma source(%dma_start3A_194 : memref<10240x128xf32, #tpu.memory_space<hbm>>) target(%arg9 : memref<128x128xf32, #tpu.memory_space<vmem>>) offsets(%dma_start3A_187 : memref<128xi32, #tpu.memory_space<vmem>>) semaphore(%arg14 : memref<!tpu.dma_semaphore, #tpu.memory_space<semaphore_mem>>)
      } else {
      }
    }
    %scan3A_100 = arith.constant 80 : i32
    %barrier3A_101 = arith.constant 0 : index
    tpu.barrier barrier_id(%barrier3A_101)
    %mul3A_102 = arith.constant 640 : i32
    %mul3A_103 = arith.muli %arg1, %mul3A_102 : i32
    %mul3A_104 = arith.constant 640 : i32
    %mul3A_105 = arith.muli %arg1, %mul3A_104 : i32
    "tpu.region"() ({
      %run_scoped3A = tpu.sem_alloc : memref<!tpu.dma_semaphore, #tpu.memory_space<semaphore_mem>>
      %dma_start3A_106 = arith.constant 0 : i32
      %dma_start3A_107 = arith.constant 0 : i32
      %dma_start3A_108 = tpu.memref_slice %arg5[%arg0, %dma_start3A_106, %dma_start3A_107] : memref<2x10240x128xf32, #tpu.memory_space<hbm>> -> memref<1x10240x128xf32, #tpu.memory_space<hbm>>
      %dma_start3A_109 = tpu.memref_squeeze %dma_start3A_108 : memref<1x10240x128xf32, #tpu.memory_space<hbm>> -> memref<10240x128xf32, #tpu.memory_space<hbm>>
      %dma_start3A_110 = arith.constant 0 : i32
      %dma_start3A_111 = tpu.memref_slice %dma_start3A_109[%mul3A_105, %dma_start3A_110] : memref<10240x128xf32, #tpu.memory_space<hbm>> -> memref<640x128xf32, #tpu.memory_space<hbm>>
      %dma_start3A_112 = arith.constant 0 : i32
      %dma_start3A_113 = tpu.memref_slice %arg10[%mul3A_103, %dma_start3A_112] : memref<10240x128xf32, #tpu.memory_space<vmem_shared>> -> memref<640x128xf32, #tpu.memory_space<vmem_shared>>
      tpu.enqueue_dma source(%dma_start3A_113 : memref<640x128xf32, #tpu.memory_space<vmem_shared>>) target(%dma_start3A_111 : memref<640x128xf32, #tpu.memory_space<hbm>>) target_semaphore(%run_scoped3A : memref<!tpu.dma_semaphore, #tpu.memory_space<semaphore_mem>>)
      %dma_wait3A_114 = arith.constant 0 : i32
      %dma_wait3A_115 = arith.constant 0 : i32
      %dma_wait3A_116 = tpu.memref_slice %arg5[%arg0, %dma_wait3A_114, %dma_wait3A_115] : memref<2x10240x128xf32, #tpu.memory_space<hbm>> -> memref<1x10240x128xf32, #tpu.memory_space<hbm>>
      %dma_wait3A_117 = tpu.memref_squeeze %dma_wait3A_116 : memref<1x10240x128xf32, #tpu.memory_space<hbm>> -> memref<10240x128xf32, #tpu.memory_space<hbm>>
      %dma_wait3A_118 = arith.constant 0 : i32
      %dma_wait3A_119 = tpu.memref_slice %dma_wait3A_117[%mul3A_105, %dma_wait3A_118] : memref<10240x128xf32, #tpu.memory_space<hbm>> -> memref<640x128xf32, #tpu.memory_space<hbm>>
      %dma_wait3A_120 = arith.constant 0 : i32
      %dma_wait3A_121 = tpu.memref_slice %arg10[%mul3A_103, %dma_wait3A_120] : memref<10240x128xf32, #tpu.memory_space<vmem_shared>> -> memref<640x128xf32, #tpu.memory_space<vmem_shared>>
      tpu.wait_dma2 semaphore(%run_scoped3A : memref<!tpu.dma_semaphore, #tpu.memory_space<semaphore_mem>>) src(%dma_wait3A_121 : memref<640x128xf32, #tpu.memory_space<vmem_shared>>) dst(%dma_wait3A_119 : memref<640x128xf32, #tpu.memory_space<hbm>>)
      tpu.yield
    }) : () -> ()
    return
  }
}

#map = affine_map<(d0, d1) -> (0, 0, 0)>
#map1 = affine_map<(d0, d1) -> (0, 0, 0, 0)>
#map2 = affine_map<(d0, d1) -> (0, 0)>
module attributes {stable_mosaic.version = 14 : i64} {
  func.func @k(%arg0: i32, %arg1: i32, %arg2: memref<2x10240x128xf32, #tpu.memory_space<hbm>>, %arg3: memref<16x160x2x128xi32, #tpu.memory_space<hbm>>, %arg4: memref<640x128xf32, #tpu.memory_space<hbm>>, %arg5: memref<2x10240x128xf32, #tpu.memory_space<hbm>>, %arg6: memref<2x128xi32, #tpu.memory_space<vmem>>, %arg7: memref<2x128xi32, #tpu.memory_space<vmem>>, %arg8: memref<128x128xf32, #tpu.memory_space<vmem>>, %arg9: memref<128x128xf32, #tpu.memory_space<vmem>>, %arg10: memref<10240x128xf32, #tpu.memory_space<vmem_shared>>, %arg11: memref<!tpu.dma_semaphore, #tpu.memory_space<semaphore_mem>>, %arg12: memref<!tpu.dma_semaphore, #tpu.memory_space<semaphore_mem>>, %arg13: memref<!tpu.dma_semaphore, #tpu.memory_space<semaphore_mem>>, %arg14: memref<!tpu.dma_semaphore, #tpu.memory_space<semaphore_mem>>) attributes {dimension_semantics = [#tpu.dimension_semantics<core_parallel>, #tpu.dimension_semantics<subcore_parallel>], iteration_bounds = array<i64: 2, 16>, scalar_prefetch = 0 : i64, scratch_operands = 9 : i64, tpu.core_type = #tpu.core_type<sc_vector_subcore>, window_params = [{transform_indices = #map}, {transform_indices = #map1}, {transform_indices = #map2}, {transform_indices = #map}]} {
    %mul3A = arith.constant 640 : i32
    %mul3A_0 = arith.muli %arg1, %mul3A : i32
    "tpu.region"() ({
      %run_scoped3A = tpu.sem_alloc : memref<!tpu.dma_semaphore, #tpu.memory_space<semaphore_mem>>
      %dma_start3A_106 = arith.constant 0 : i32
      %dma_start3A_107 = tpu.memref_slice %arg10[%mul3A_0, %dma_start3A_106] : memref<10240x128xf32, #tpu.memory_space<vmem_shared>> -> memref<640x128xf32, #tpu.memory_space<vmem_shared>>
      tpu.enqueue_dma source(%arg4 : memref<640x128xf32, #tpu.memory_space<hbm>>) target(%dma_start3A_107 : memref<640x128xf32, #tpu.memory_space<vmem_shared>>) target_semaphore(%run_scoped3A : memref<!tpu.dma_semaphore, #tpu.memory_space<semaphore_mem>>)
      %dma_wait3A_108 = arith.constant 0 : i32
      %dma_wait3A_109 = tpu.memref_slice %arg10[%mul3A_0, %dma_wait3A_108] : memref<10240x128xf32, #tpu.memory_space<vmem_shared>> -> memref<640x128xf32, #tpu.memory_space<vmem_shared>>
      tpu.wait_dma2 semaphore(%run_scoped3A : memref<!tpu.dma_semaphore, #tpu.memory_space<semaphore_mem>>) src(%arg4 : memref<640x128xf32, #tpu.memory_space<hbm>>) dst(%dma_wait3A_109 : memref<640x128xf32, #tpu.memory_space<vmem_shared>>)
      tpu.yield
    }) : () -> ()
    %barrier3A = arith.constant 0 : index
    tpu.barrier barrier_id(%barrier3A)
    %dma_start3A = arith.constant 0 : i32
    %dma_start3A_1 = arith.constant 0 : i32
    %dma_start3A_2 = arith.constant 0 : i32
    %dma_start3A_3 = arith.constant 0 : i32
    %dma_start3A_4 = tpu.memref_slice %arg3[%arg1, %dma_start3A_1, %dma_start3A_2, %dma_start3A_3] : memref<16x160x2x128xi32, #tpu.memory_space<hbm>> -> memref<1x160x2x128xi32, #tpu.memory_space<hbm>>
    %dma_start3A_5 = tpu.memref_squeeze %dma_start3A_4 : memref<1x160x2x128xi32, #tpu.memory_space<hbm>> -> memref<160x2x128xi32, #tpu.memory_space<hbm>>
    %dma_start3A_6 = arith.constant 0 : i32
    %dma_start3A_7 = arith.constant 0 : i32
    %dma_start3A_8 = tpu.memref_slice %dma_start3A_5[%dma_start3A, %dma_start3A_6, %dma_start3A_7] : memref<160x2x128xi32, #tpu.memory_space<hbm>> -> memref<1x2x128xi32, #tpu.memory_space<hbm>>
    %dma_start3A_9 = tpu.memref_squeeze %dma_start3A_8 : memref<1x2x128xi32, #tpu.memory_space<hbm>> -> memref<2x128xi32, #tpu.memory_space<hbm>>
    %dma_start3A_10 = arith.constant 0 : i32
    %dma_start3A_11 = arith.constant 0 : i32
    %dma_start3A_12 = arith.constant 0 : i32
    %dma_start3A_13 = tpu.memref_slice %arg3[%arg1, %dma_start3A_10, %dma_start3A_11, %dma_start3A_12] : memref<16x160x2x128xi32, #tpu.memory_space<hbm>> -> memref<1x160x2x128xi32, #tpu.memory_space<hbm>>
    %dma_start3A_14 = tpu.memref_squeeze %dma_start3A_13 : memref<1x160x2x128xi32, #tpu.memory_space<hbm>> -> memref<160x2x128xi32, #tpu.memory_space<hbm>>
    %dma_start3A_15 = arith.constant 0 : i32
    %dma_start3A_16 = arith.constant 0 : i32
    %dma_start3A_17 = tpu.memref_slice %dma_start3A_14[%dma_start3A, %dma_start3A_15, %dma_start3A_16] : memref<160x2x128xi32, #tpu.memory_space<hbm>> -> memref<1x2x128xi32, #tpu.memory_space<hbm>>
    %dma_start3A_18 = tpu.memref_squeeze %dma_start3A_17 : memref<1x2x128xi32, #tpu.memory_space<hbm>> -> memref<2x128xi32, #tpu.memory_space<hbm>>
    tpu.enqueue_dma source(%dma_start3A_18 : memref<2x128xi32, #tpu.memory_space<hbm>>) target(%arg6 : memref<2x128xi32, #tpu.memory_space<vmem>>) target_semaphore(%arg11 : memref<!tpu.dma_semaphore, #tpu.memory_space<semaphore_mem>>)
    %dma_start3A_19 = arith.constant 1 : i32
    %dma_start3A_20 = arith.constant 0 : i32
    %dma_start3A_21 = arith.constant 0 : i32
    %dma_start3A_22 = arith.constant 0 : i32
    %dma_start3A_23 = tpu.memref_slice %arg3[%arg1, %dma_start3A_20, %dma_start3A_21, %dma_start3A_22] : memref<16x160x2x128xi32, #tpu.memory_space<hbm>> -> memref<1x160x2x128xi32, #tpu.memory_space<hbm>>
    %dma_start3A_24 = tpu.memref_squeeze %dma_start3A_23 : memref<1x160x2x128xi32, #tpu.memory_space<hbm>> -> memref<160x2x128xi32, #tpu.memory_space<hbm>>
    %dma_start3A_25 = arith.constant 0 : i32
    %dma_start3A_26 = arith.constant 0 : i32
    %dma_start3A_27 = tpu.memref_slice %dma_start3A_24[%dma_start3A_19, %dma_start3A_25, %dma_start3A_26] : memref<160x2x128xi32, #tpu.memory_space<hbm>> -> memref<1x2x128xi32, #tpu.memory_space<hbm>>
    %dma_start3A_28 = tpu.memref_squeeze %dma_start3A_27 : memref<1x2x128xi32, #tpu.memory_space<hbm>> -> memref<2x128xi32, #tpu.memory_space<hbm>>
    %dma_start3A_29 = arith.constant 0 : i32
    %dma_start3A_30 = arith.constant 0 : i32
    %dma_start3A_31 = arith.constant 0 : i32
    %dma_start3A_32 = tpu.memref_slice %arg3[%arg1, %dma_start3A_29, %dma_start3A_30, %dma_start3A_31] : memref<16x160x2x128xi32, #tpu.memory_space<hbm>> -> memref<1x160x2x128xi32, #tpu.memory_space<hbm>>
    %dma_start3A_33 = tpu.memref_squeeze %dma_start3A_32 : memref<1x160x2x128xi32, #tpu.memory_space<hbm>> -> memref<160x2x128xi32, #tpu.memory_space<hbm>>
    %dma_start3A_34 = arith.constant 0 : i32
    %dma_start3A_35 = arith.constant 0 : i32
    %dma_start3A_36 = tpu.memref_slice %dma_start3A_33[%dma_start3A_19, %dma_start3A_34, %dma_start3A_35] : memref<160x2x128xi32, #tpu.memory_space<hbm>> -> memref<1x2x128xi32, #tpu.memory_space<hbm>>
    %dma_start3A_37 = tpu.memref_squeeze %dma_start3A_36 : memref<1x2x128xi32, #tpu.memory_space<hbm>> -> memref<2x128xi32, #tpu.memory_space<hbm>>
    tpu.enqueue_dma source(%dma_start3A_37 : memref<2x128xi32, #tpu.memory_space<hbm>>) target(%arg7 : memref<2x128xi32, #tpu.memory_space<vmem>>) target_semaphore(%arg12 : memref<!tpu.dma_semaphore, #tpu.memory_space<semaphore_mem>>)
    %dma_wait3A = arith.constant 0 : i32
    %dma_wait3A_38 = arith.constant 0 : i32
    %dma_wait3A_39 = arith.constant 0 : i32
    %dma_wait3A_40 = arith.constant 0 : i32
    %dma_wait3A_41 = tpu.memref_slice %arg3[%arg1, %dma_wait3A_38, %dma_wait3A_39, %dma_wait3A_40] : memref<16x160x2x128xi32, #tpu.memory_space<hbm>> -> memref<1x160x2x128xi32, #tpu.memory_space<hbm>>
    %dma_wait3A_42 = tpu.memref_squeeze %dma_wait3A_41 : memref<1x160x2x128xi32, #tpu.memory_space<hbm>> -> memref<160x2x128xi32, #tpu.memory_space<hbm>>
    %dma_wait3A_43 = arith.constant 0 : i32
    %dma_wait3A_44 = arith.constant 0 : i32
    %dma_wait3A_45 = tpu.memref_slice %dma_wait3A_42[%dma_wait3A, %dma_wait3A_43, %dma_wait3A_44] : memref<160x2x128xi32, #tpu.memory_space<hbm>> -> memref<1x2x128xi32, #tpu.memory_space<hbm>>
    %dma_wait3A_46 = tpu.memref_squeeze %dma_wait3A_45 : memref<1x2x128xi32, #tpu.memory_space<hbm>> -> memref<2x128xi32, #tpu.memory_space<hbm>>
    %dma_wait3A_47 = arith.constant 0 : i32
    %dma_wait3A_48 = arith.constant 0 : i32
    %dma_wait3A_49 = arith.constant 0 : i32
    %dma_wait3A_50 = tpu.memref_slice %arg3[%arg1, %dma_wait3A_47, %dma_wait3A_48, %dma_wait3A_49] : memref<16x160x2x128xi32, #tpu.memory_space<hbm>> -> memref<1x160x2x128xi32, #tpu.memory_space<hbm>>
    %dma_wait3A_51 = tpu.memref_squeeze %dma_wait3A_50 : memref<1x160x2x128xi32, #tpu.memory_space<hbm>> -> memref<160x2x128xi32, #tpu.memory_space<hbm>>
    %dma_wait3A_52 = arith.constant 0 : i32
    %dma_wait3A_53 = arith.constant 0 : i32
    %dma_wait3A_54 = tpu.memref_slice %dma_wait3A_51[%dma_wait3A, %dma_wait3A_52, %dma_wait3A_53] : memref<160x2x128xi32, #tpu.memory_space<hbm>> -> memref<1x2x128xi32, #tpu.memory_space<hbm>>
    %dma_wait3A_55 = tpu.memref_squeeze %dma_wait3A_54 : memref<1x2x128xi32, #tpu.memory_space<hbm>> -> memref<2x128xi32, #tpu.memory_space<hbm>>
    tpu.wait_dma2 semaphore(%arg11 : memref<!tpu.dma_semaphore, #tpu.memory_space<semaphore_mem>>) src(%dma_wait3A_55 : memref<2x128xi32, #tpu.memory_space<hbm>>) dst(%arg6 : memref<2x128xi32, #tpu.memory_space<vmem>>)
    %dma_start3A_56 = arith.constant 0 : i32
    %dma_start3A_57 = arith.constant 0 : i32
    %dma_start3A_58 = tpu.memref_slice %arg6[%dma_start3A_56, %dma_start3A_57] : memref<2x128xi32, #tpu.memory_space<vmem>> -> memref<1x128xi32, #tpu.memory_space<vmem>>
    %dma_start3A_59 = tpu.memref_squeeze %dma_start3A_58 : memref<1x128xi32, #tpu.memory_space<vmem>> -> memref<128xi32, #tpu.memory_space<vmem>>
    %dma_start3A_60 = arith.constant 0 : i32
    %dma_start3A_61 = arith.constant 0 : i32
    %dma_start3A_62 = tpu.memref_slice %arg2[%arg0, %dma_start3A_60, %dma_start3A_61] : memref<2x10240x128xf32, #tpu.memory_space<hbm>> -> memref<1x10240x128xf32, #tpu.memory_space<hbm>>
    %dma_start3A_63 = tpu.memref_squeeze %dma_start3A_62 : memref<1x10240x128xf32, #tpu.memory_space<hbm>> -> memref<10240x128xf32, #tpu.memory_space<hbm>>
    %dma_start3A_64 = arith.constant 0 : i32
    %dma_start3A_65 = arith.constant 0 : i32
    %dma_start3A_66 = tpu.memref_slice %dma_start3A_63[%dma_start3A_64, %dma_start3A_65] : memref<10240x128xf32, #tpu.memory_space<hbm>> -> memref<10240x128xf32, #tpu.memory_space<hbm>>
    tpu.enqueue_indirect_dma source(%dma_start3A_66 : memref<10240x128xf32, #tpu.memory_space<hbm>>) target(%arg8 : memref<128x128xf32, #tpu.memory_space<vmem>>) offsets(%dma_start3A_59 : memref<128xi32, #tpu.memory_space<vmem>>) semaphore(%arg13 : memref<!tpu.dma_semaphore, #tpu.memory_space<semaphore_mem>>)
    %dma_wait3A_67 = arith.constant 1 : i32
    %dma_wait3A_68 = arith.constant 0 : i32
    %dma_wait3A_69 = arith.constant 0 : i32
    %dma_wait3A_70 = arith.constant 0 : i32
    %dma_wait3A_71 = tpu.memref_slice %arg3[%arg1, %dma_wait3A_68, %dma_wait3A_69, %dma_wait3A_70] : memref<16x160x2x128xi32, #tpu.memory_space<hbm>> -> memref<1x160x2x128xi32, #tpu.memory_space<hbm>>
    %dma_wait3A_72 = tpu.memref_squeeze %dma_wait3A_71 : memref<1x160x2x128xi32, #tpu.memory_space<hbm>> -> memref<160x2x128xi32, #tpu.memory_space<hbm>>
    %dma_wait3A_73 = arith.constant 0 : i32
    %dma_wait3A_74 = arith.constant 0 : i32
    %dma_wait3A_75 = tpu.memref_slice %dma_wait3A_72[%dma_wait3A_67, %dma_wait3A_73, %dma_wait3A_74] : memref<160x2x128xi32, #tpu.memory_space<hbm>> -> memref<1x2x128xi32, #tpu.memory_space<hbm>>
    %dma_wait3A_76 = tpu.memref_squeeze %dma_wait3A_75 : memref<1x2x128xi32, #tpu.memory_space<hbm>> -> memref<2x128xi32, #tpu.memory_space<hbm>>
    %dma_wait3A_77 = arith.constant 0 : i32
    %dma_wait3A_78 = arith.constant 0 : i32
    %dma_wait3A_79 = arith.constant 0 : i32
    %dma_wait3A_80 = tpu.memref_slice %arg3[%arg1, %dma_wait3A_77, %dma_wait3A_78, %dma_wait3A_79] : memref<16x160x2x128xi32, #tpu.memory_space<hbm>> -> memref<1x160x2x128xi32, #tpu.memory_space<hbm>>
    %dma_wait3A_81 = tpu.memref_squeeze %dma_wait3A_80 : memref<1x160x2x128xi32, #tpu.memory_space<hbm>> -> memref<160x2x128xi32, #tpu.memory_space<hbm>>
    %dma_wait3A_82 = arith.constant 0 : i32
    %dma_wait3A_83 = arith.constant 0 : i32
    %dma_wait3A_84 = tpu.memref_slice %dma_wait3A_81[%dma_wait3A_67, %dma_wait3A_82, %dma_wait3A_83] : memref<160x2x128xi32, #tpu.memory_space<hbm>> -> memref<1x2x128xi32, #tpu.memory_space<hbm>>
    %dma_wait3A_85 = tpu.memref_squeeze %dma_wait3A_84 : memref<1x2x128xi32, #tpu.memory_space<hbm>> -> memref<2x128xi32, #tpu.memory_space<hbm>>
    tpu.wait_dma2 semaphore(%arg12 : memref<!tpu.dma_semaphore, #tpu.memory_space<semaphore_mem>>) src(%dma_wait3A_85 : memref<2x128xi32, #tpu.memory_space<hbm>>) dst(%arg7 : memref<2x128xi32, #tpu.memory_space<vmem>>)
    %dma_start3A_86 = arith.constant 0 : i32
    %dma_start3A_87 = arith.constant 0 : i32
    %dma_start3A_88 = tpu.memref_slice %arg7[%dma_start3A_86, %dma_start3A_87] : memref<2x128xi32, #tpu.memory_space<vmem>> -> memref<1x128xi32, #tpu.memory_space<vmem>>
    %dma_start3A_89 = tpu.memref_squeeze %dma_start3A_88 : memref<1x128xi32, #tpu.memory_space<vmem>> -> memref<128xi32, #tpu.memory_space<vmem>>
    %dma_start3A_90 = arith.constant 0 : i32
    %dma_start3A_91 = arith.constant 0 : i32
    %dma_start3A_92 = tpu.memref_slice %arg2[%arg0, %dma_start3A_90, %dma_start3A_91] : memref<2x10240x128xf32, #tpu.memory_space<hbm>> -> memref<1x10240x128xf32, #tpu.memory_space<hbm>>
    %dma_start3A_93 = tpu.memref_squeeze %dma_start3A_92 : memref<1x10240x128xf32, #tpu.memory_space<hbm>> -> memref<10240x128xf32, #tpu.memory_space<hbm>>
    %dma_start3A_94 = arith.constant 0 : i32
    %dma_start3A_95 = arith.constant 0 : i32
    %dma_start3A_96 = tpu.memref_slice %dma_start3A_93[%dma_start3A_94, %dma_start3A_95] : memref<10240x128xf32, #tpu.memory_space<hbm>> -> memref<10240x128xf32, #tpu.memory_space<hbm>>
    tpu.enqueue_indirect_dma source(%dma_start3A_96 : memref<10240x128xf32, #tpu.memory_space<hbm>>) target(%arg9 : memref<128x128xf32, #tpu.memory_space<vmem>>) offsets(%dma_start3A_89 : memref<128xi32, #tpu.memory_space<vmem>>) semaphore(%arg14 : memref<!tpu.dma_semaphore, #tpu.memory_space<semaphore_mem>>)
    %scan3A = arith.constant 0 : i32
    %scan3A_97 = arith.constant 80 : i32
    %scan3A_98 = arith.addi %scan3A, %scan3A_97 : i32
    %scan3A_99 = arith.constant 1 : i32
    scf.for %scan3A_106 = %scan3A to %scan3A_98 step %scan3A_99  : i32 {
      %mul3A_107 = arith.constant 1 : i32
      %mul3A_108 = arith.muli %scan3A_106, %mul3A_107 : i32
      %add3A = arith.constant 0 : i32
      %add3A_109 = arith.addi %add3A, %mul3A_108 : i32
      %mul3A_110 = arith.constant 2 : i32
      %mul3A_111 = arith.muli %mul3A_110, %add3A_109 : i32
      %add3A_112 = arith.constant 0 : i32
      %add3A_113 = arith.addi %add3A_112, %mul3A_111 : i32
      %add3A_114 = arith.constant 1 : i32
      %add3A_115 = arith.addi %add3A_113, %add3A_114 : i32
      %dma_wait3A_116 = arith.constant 0 : i32
      %dma_wait3A_117 = arith.constant 0 : i32
      %dma_wait3A_118 = tpu.memref_slice %arg6[%dma_wait3A_116, %dma_wait3A_117] : memref<2x128xi32, #tpu.memory_space<vmem>> -> memref<1x128xi32, #tpu.memory_space<vmem>>
      %dma_wait3A_119 = tpu.memref_squeeze %dma_wait3A_118 : memref<1x128xi32, #tpu.memory_space<vmem>> -> memref<128xi32, #tpu.memory_space<vmem>>
      %dma_wait3A_120 = arith.constant 0 : i32
      %dma_wait3A_121 = arith.constant 0 : i32
      %dma_wait3A_122 = tpu.memref_slice %arg2[%arg0, %dma_wait3A_120, %dma_wait3A_121] : memref<2x10240x128xf32, #tpu.memory_space<hbm>> -> memref<1x10240x128xf32, #tpu.memory_space<hbm>>
      %dma_wait3A_123 = tpu.memref_squeeze %dma_wait3A_122 : memref<1x10240x128xf32, #tpu.memory_space<hbm>> -> memref<10240x128xf32, #tpu.memory_space<hbm>>
      %dma_wait3A_124 = arith.constant 0 : i32
      %dma_wait3A_125 = arith.constant 0 : i32
      %dma_wait3A_126 = tpu.memref_slice %dma_wait3A_123[%dma_wait3A_124, %dma_wait3A_125] : memref<10240x128xf32, #tpu.memory_space<hbm>> -> memref<10240x128xf32, #tpu.memory_space<hbm>>
      tpu.wait_indirect_dma semaphore(%arg13 : memref<!tpu.dma_semaphore, #tpu.memory_space<semaphore_mem>>) src(%dma_wait3A_126 : memref<10240x128xf32, #tpu.memory_space<hbm>>) dst(%arg8 : memref<128x128xf32, #tpu.memory_space<vmem>>)
      %run_scoped3A = arith.constant 1 : i32
      "tpu.region"() ({
        %run_scoped3A_164 = tpu.sem_alloc : memref<!tpu.dma_semaphore, #tpu.memory_space<semaphore_mem>>
        %dma_start3A_165 = arith.constant 0 : i32
        %dma_start3A_166 = tpu.memref_slice %arg6[%run_scoped3A, %dma_start3A_165] : memref<2x128xi32, #tpu.memory_space<vmem>> -> memref<1x128xi32, #tpu.memory_space<vmem>>
        %dma_start3A_167 = tpu.memref_squeeze %dma_start3A_166 : memref<1x128xi32, #tpu.memory_space<vmem>> -> memref<128xi32, #tpu.memory_space<vmem>>
        %dma_start3A_168 = arith.constant 0 : i32
        %dma_start3A_169 = arith.constant 0 : i32
        %dma_start3A_170 = tpu.memref_slice %arg10[%dma_start3A_168, %dma_start3A_169] : memref<10240x128xf32, #tpu.memory_space<vmem_shared>> -> memref<10240x128xf32, #tpu.memory_space<vmem_shared>>
        tpu.enqueue_indirect_dma source(%arg8 : memref<128x128xf32, #tpu.memory_space<vmem>>) target(%dma_start3A_170 : memref<10240x128xf32, #tpu.memory_space<vmem_shared>>) offsets(%dma_start3A_167 : memref<128xi32, #tpu.memory_space<vmem>>) semaphore(%run_scoped3A_164 : memref<!tpu.dma_semaphore, #tpu.memory_space<semaphore_mem>>) {add = true}
        %dma_wait3A_171 = arith.constant 0 : i32
        %dma_wait3A_172 = tpu.memref_slice %arg6[%run_scoped3A, %dma_wait3A_171] : memref<2x128xi32, #tpu.memory_space<vmem>> -> memref<1x128xi32, #tpu.memory_space<vmem>>
        %dma_wait3A_173 = tpu.memref_squeeze %dma_wait3A_172 : memref<1x128xi32, #tpu.memory_space<vmem>> -> memref<128xi32, #tpu.memory_space<vmem>>
        %dma_wait3A_174 = arith.constant 0 : i32
        %dma_wait3A_175 = arith.constant 0 : i32
        %dma_wait3A_176 = tpu.memref_slice %arg10[%dma_wait3A_174, %dma_wait3A_175] : memref<10240x128xf32, #tpu.memory_space<vmem_shared>> -> memref<10240x128xf32, #tpu.memory_space<vmem_shared>>
        tpu.wait_indirect_dma semaphore(%run_scoped3A_164 : memref<!tpu.dma_semaphore, #tpu.memory_space<semaphore_mem>>) src(%arg8 : memref<128x128xf32, #tpu.memory_space<vmem>>) dst(%dma_wait3A_176 : memref<10240x128xf32, #tpu.memory_space<vmem_shared>>)
        tpu.yield
      }) : () -> ()
      %add3A_127 = arith.constant 2 : i32
      %add3A_128 = arith.addi %add3A_113, %add3A_127 : i32
      %lt3A = arith.constant 160 : i32
      %lt3A_129 = arith.cmpi slt, %add3A_128, %lt3A : i32
      %convert_element_type3A = arith.extui %lt3A_129 : i1 to i32
      %cond3A = arith.constant 0 : i32
      %cond3A_130 = arith.cmpi ne, %convert_element_type3A, %cond3A : i32
      scf.if %cond3A_130 {
        %add3A_164 = arith.constant 2 : i32
        %add3A_165 = arith.addi %add3A_113, %add3A_164 : i32
        %dma_start3A_166 = arith.constant 0 : i32
        %dma_start3A_167 = arith.constant 0 : i32
        %dma_start3A_168 = arith.constant 0 : i32
        %dma_start3A_169 = tpu.memref_slice %arg3[%arg1, %dma_start3A_166, %dma_start3A_167, %dma_start3A_168] : memref<16x160x2x128xi32, #tpu.memory_space<hbm>> -> memref<1x160x2x128xi32, #tpu.memory_space<hbm>>
        %dma_start3A_170 = tpu.memref_squeeze %dma_start3A_169 : memref<1x160x2x128xi32, #tpu.memory_space<hbm>> -> memref<160x2x128xi32, #tpu.memory_space<hbm>>
        %dma_start3A_171 = arith.constant 0 : i32
        %dma_start3A_172 = arith.constant 0 : i32
        %dma_start3A_173 = tpu.memref_slice %dma_start3A_170[%add3A_165, %dma_start3A_171, %dma_start3A_172] : memref<160x2x128xi32, #tpu.memory_space<hbm>> -> memref<1x2x128xi32, #tpu.memory_space<hbm>>
        %dma_start3A_174 = tpu.memref_squeeze %dma_start3A_173 : memref<1x2x128xi32, #tpu.memory_space<hbm>> -> memref<2x128xi32, #tpu.memory_space<hbm>>
        %dma_start3A_175 = arith.constant 0 : i32
        %dma_start3A_176 = arith.constant 0 : i32
        %dma_start3A_177 = arith.constant 0 : i32
        %dma_start3A_178 = tpu.memref_slice %arg3[%arg1, %dma_start3A_175, %dma_start3A_176, %dma_start3A_177] : memref<16x160x2x128xi32, #tpu.memory_space<hbm>> -> memref<1x160x2x128xi32, #tpu.memory_space<hbm>>
        %dma_start3A_179 = tpu.memref_squeeze %dma_start3A_178 : memref<1x160x2x128xi32, #tpu.memory_space<hbm>> -> memref<160x2x128xi32, #tpu.memory_space<hbm>>
        %dma_start3A_180 = arith.constant 0 : i32
        %dma_start3A_181 = arith.constant 0 : i32
        %dma_start3A_182 = tpu.memref_slice %dma_start3A_179[%add3A_165, %dma_start3A_180, %dma_start3A_181] : memref<160x2x128xi32, #tpu.memory_space<hbm>> -> memref<1x2x128xi32, #tpu.memory_space<hbm>>
        %dma_start3A_183 = tpu.memref_squeeze %dma_start3A_182 : memref<1x2x128xi32, #tpu.memory_space<hbm>> -> memref<2x128xi32, #tpu.memory_space<hbm>>
        tpu.enqueue_dma source(%dma_start3A_183 : memref<2x128xi32, #tpu.memory_space<hbm>>) target(%arg6 : memref<2x128xi32, #tpu.memory_space<vmem>>) target_semaphore(%arg11 : memref<!tpu.dma_semaphore, #tpu.memory_space<semaphore_mem>>)
      } else {
      }
      %dma_wait3A_131 = arith.constant 0 : i32
      %dma_wait3A_132 = arith.constant 0 : i32
      %dma_wait3A_133 = tpu.memref_slice %arg7[%dma_wait3A_131, %dma_wait3A_132] : memref<2x128xi32, #tpu.memory_space<vmem>> -> memref<1x128xi32, #tpu.memory_space<vmem>>
      %dma_wait3A_134 = tpu.memref_squeeze %dma_wait3A_133 : memref<1x128xi32, #tpu.memory_space<vmem>> -> memref<128xi32, #tpu.memory_space<vmem>>
      %dma_wait3A_135 = arith.constant 0 : i32
      %dma_wait3A_136 = arith.constant 0 : i32
      %dma_wait3A_137 = tpu.memref_slice %arg2[%arg0, %dma_wait3A_135, %dma_wait3A_136] : memref<2x10240x128xf32, #tpu.memory_space<hbm>> -> memref<1x10240x128xf32, #tpu.memory_space<hbm>>
      %dma_wait3A_138 = tpu.memref_squeeze %dma_wait3A_137 : memref<1x10240x128xf32, #tpu.memory_space<hbm>> -> memref<10240x128xf32, #tpu.memory_space<hbm>>
      %dma_wait3A_139 = arith.constant 0 : i32
      %dma_wait3A_140 = arith.constant 0 : i32
      %dma_wait3A_141 = tpu.memref_slice %dma_wait3A_138[%dma_wait3A_139, %dma_wait3A_140] : memref<10240x128xf32, #tpu.memory_space<hbm>> -> memref<10240x128xf32, #tpu.memory_space<hbm>>
      tpu.wait_indirect_dma semaphore(%arg14 : memref<!tpu.dma_semaphore, #tpu.memory_space<semaphore_mem>>) src(%dma_wait3A_141 : memref<10240x128xf32, #tpu.memory_space<hbm>>) dst(%arg9 : memref<128x128xf32, #tpu.memory_space<vmem>>)
      %run_scoped3A_142 = arith.constant 1 : i32
      "tpu.region"() ({
        %run_scoped3A_164 = tpu.sem_alloc : memref<!tpu.dma_semaphore, #tpu.memory_space<semaphore_mem>>
        %dma_start3A_165 = arith.constant 0 : i32
        %dma_start3A_166 = tpu.memref_slice %arg7[%run_scoped3A_142, %dma_start3A_165] : memref<2x128xi32, #tpu.memory_space<vmem>> -> memref<1x128xi32, #tpu.memory_space<vmem>>
        %dma_start3A_167 = tpu.memref_squeeze %dma_start3A_166 : memref<1x128xi32, #tpu.memory_space<vmem>> -> memref<128xi32, #tpu.memory_space<vmem>>
        %dma_start3A_168 = arith.constant 0 : i32
        %dma_start3A_169 = arith.constant 0 : i32
        %dma_start3A_170 = tpu.memref_slice %arg10[%dma_start3A_168, %dma_start3A_169] : memref<10240x128xf32, #tpu.memory_space<vmem_shared>> -> memref<10240x128xf32, #tpu.memory_space<vmem_shared>>
        tpu.enqueue_indirect_dma source(%arg9 : memref<128x128xf32, #tpu.memory_space<vmem>>) target(%dma_start3A_170 : memref<10240x128xf32, #tpu.memory_space<vmem_shared>>) offsets(%dma_start3A_167 : memref<128xi32, #tpu.memory_space<vmem>>) semaphore(%run_scoped3A_164 : memref<!tpu.dma_semaphore, #tpu.memory_space<semaphore_mem>>) {add = true}
        %dma_wait3A_171 = arith.constant 0 : i32
        %dma_wait3A_172 = tpu.memref_slice %arg7[%run_scoped3A_142, %dma_wait3A_171] : memref<2x128xi32, #tpu.memory_space<vmem>> -> memref<1x128xi32, #tpu.memory_space<vmem>>
        %dma_wait3A_173 = tpu.memref_squeeze %dma_wait3A_172 : memref<1x128xi32, #tpu.memory_space<vmem>> -> memref<128xi32, #tpu.memory_space<vmem>>
        %dma_wait3A_174 = arith.constant 0 : i32
        %dma_wait3A_175 = arith.constant 0 : i32
        %dma_wait3A_176 = tpu.memref_slice %arg10[%dma_wait3A_174, %dma_wait3A_175] : memref<10240x128xf32, #tpu.memory_space<vmem_shared>> -> memref<10240x128xf32, #tpu.memory_space<vmem_shared>>
        tpu.wait_indirect_dma semaphore(%run_scoped3A_164 : memref<!tpu.dma_semaphore, #tpu.memory_space<semaphore_mem>>) src(%arg9 : memref<128x128xf32, #tpu.memory_space<vmem>>) dst(%dma_wait3A_176 : memref<10240x128xf32, #tpu.memory_space<vmem_shared>>)
        tpu.yield
      }) : () -> ()
      %add3A_143 = arith.constant 2 : i32
      %add3A_144 = arith.addi %add3A_115, %add3A_143 : i32
      %lt3A_145 = arith.constant 160 : i32
      %lt3A_146 = arith.cmpi slt, %add3A_144, %lt3A_145 : i32
      %convert_element_type3A_147 = arith.extui %lt3A_146 : i1 to i32
      %cond3A_148 = arith.constant 0 : i32
      %cond3A_149 = arith.cmpi ne, %convert_element_type3A_147, %cond3A_148 : i32
      scf.if %cond3A_149 {
        %add3A_164 = arith.constant 2 : i32
        %add3A_165 = arith.addi %add3A_115, %add3A_164 : i32
        %dma_start3A_166 = arith.constant 0 : i32
        %dma_start3A_167 = arith.constant 0 : i32
        %dma_start3A_168 = arith.constant 0 : i32
        %dma_start3A_169 = tpu.memref_slice %arg3[%arg1, %dma_start3A_166, %dma_start3A_167, %dma_start3A_168] : memref<16x160x2x128xi32, #tpu.memory_space<hbm>> -> memref<1x160x2x128xi32, #tpu.memory_space<hbm>>
        %dma_start3A_170 = tpu.memref_squeeze %dma_start3A_169 : memref<1x160x2x128xi32, #tpu.memory_space<hbm>> -> memref<160x2x128xi32, #tpu.memory_space<hbm>>
        %dma_start3A_171 = arith.constant 0 : i32
        %dma_start3A_172 = arith.constant 0 : i32
        %dma_start3A_173 = tpu.memref_slice %dma_start3A_170[%add3A_165, %dma_start3A_171, %dma_start3A_172] : memref<160x2x128xi32, #tpu.memory_space<hbm>> -> memref<1x2x128xi32, #tpu.memory_space<hbm>>
        %dma_start3A_174 = tpu.memref_squeeze %dma_start3A_173 : memref<1x2x128xi32, #tpu.memory_space<hbm>> -> memref<2x128xi32, #tpu.memory_space<hbm>>
        %dma_start3A_175 = arith.constant 0 : i32
        %dma_start3A_176 = arith.constant 0 : i32
        %dma_start3A_177 = arith.constant 0 : i32
        %dma_start3A_178 = tpu.memref_slice %arg3[%arg1, %dma_start3A_175, %dma_start3A_176, %dma_start3A_177] : memref<16x160x2x128xi32, #tpu.memory_space<hbm>> -> memref<1x160x2x128xi32, #tpu.memory_space<hbm>>
        %dma_start3A_179 = tpu.memref_squeeze %dma_start3A_178 : memref<1x160x2x128xi32, #tpu.memory_space<hbm>> -> memref<160x2x128xi32, #tpu.memory_space<hbm>>
        %dma_start3A_180 = arith.constant 0 : i32
        %dma_start3A_181 = arith.constant 0 : i32
        %dma_start3A_182 = tpu.memref_slice %dma_start3A_179[%add3A_165, %dma_start3A_180, %dma_start3A_181] : memref<160x2x128xi32, #tpu.memory_space<hbm>> -> memref<1x2x128xi32, #tpu.memory_space<hbm>>
        %dma_start3A_183 = tpu.memref_squeeze %dma_start3A_182 : memref<1x2x128xi32, #tpu.memory_space<hbm>> -> memref<2x128xi32, #tpu.memory_space<hbm>>
        tpu.enqueue_dma source(%dma_start3A_183 : memref<2x128xi32, #tpu.memory_space<hbm>>) target(%arg7 : memref<2x128xi32, #tpu.memory_space<vmem>>) target_semaphore(%arg12 : memref<!tpu.dma_semaphore, #tpu.memory_space<semaphore_mem>>)
      } else {
      }
      %add3A_150 = arith.constant 2 : i32
      %add3A_151 = arith.addi %add3A_113, %add3A_150 : i32
      %lt3A_152 = arith.constant 160 : i32
      %lt3A_153 = arith.cmpi slt, %add3A_151, %lt3A_152 : i32
      %convert_element_type3A_154 = arith.extui %lt3A_153 : i1 to i32
      %cond3A_155 = arith.constant 0 : i32
      %cond3A_156 = arith.cmpi ne, %convert_element_type3A_154, %cond3A_155 : i32
      scf.if %cond3A_156 {
        %add3A_164 = arith.constant 2 : i32
        %add3A_165 = arith.addi %add3A_113, %add3A_164 : i32
        %dma_wait3A_166 = arith.constant 0 : i32
        %dma_wait3A_167 = arith.constant 0 : i32
        %dma_wait3A_168 = arith.constant 0 : i32
        %dma_wait3A_169 = tpu.memref_slice %arg3[%arg1, %dma_wait3A_166, %dma_wait3A_167, %dma_wait3A_168] : memref<16x160x2x128xi32, #tpu.memory_space<hbm>> -> memref<1x160x2x128xi32, #tpu.memory_space<hbm>>
        %dma_wait3A_170 = tpu.memref_squeeze %dma_wait3A_169 : memref<1x160x2x128xi32, #tpu.memory_space<hbm>> -> memref<160x2x128xi32, #tpu.memory_space<hbm>>
        %dma_wait3A_171 = arith.constant 0 : i32
        %dma_wait3A_172 = arith.constant 0 : i32
        %dma_wait3A_173 = tpu.memref_slice %dma_wait3A_170[%add3A_165, %dma_wait3A_171, %dma_wait3A_172] : memref<160x2x128xi32, #tpu.memory_space<hbm>> -> memref<1x2x128xi32, #tpu.memory_space<hbm>>
        %dma_wait3A_174 = tpu.memref_squeeze %dma_wait3A_173 : memref<1x2x128xi32, #tpu.memory_space<hbm>> -> memref<2x128xi32, #tpu.memory_space<hbm>>
        %dma_wait3A_175 = arith.constant 0 : i32
        %dma_wait3A_176 = arith.constant 0 : i32
        %dma_wait3A_177 = arith.constant 0 : i32
        %dma_wait3A_178 = tpu.memref_slice %arg3[%arg1, %dma_wait3A_175, %dma_wait3A_176, %dma_wait3A_177] : memref<16x160x2x128xi32, #tpu.memory_space<hbm>> -> memref<1x160x2x128xi32, #tpu.memory_space<hbm>>
        %dma_wait3A_179 = tpu.memref_squeeze %dma_wait3A_178 : memref<1x160x2x128xi32, #tpu.memory_space<hbm>> -> memref<160x2x128xi32, #tpu.memory_space<hbm>>
        %dma_wait3A_180 = arith.constant 0 : i32
        %dma_wait3A_181 = arith.constant 0 : i32
        %dma_wait3A_182 = tpu.memref_slice %dma_wait3A_179[%add3A_165, %dma_wait3A_180, %dma_wait3A_181] : memref<160x2x128xi32, #tpu.memory_space<hbm>> -> memref<1x2x128xi32, #tpu.memory_space<hbm>>
        %dma_wait3A_183 = tpu.memref_squeeze %dma_wait3A_182 : memref<1x2x128xi32, #tpu.memory_space<hbm>> -> memref<2x128xi32, #tpu.memory_space<hbm>>
        tpu.wait_dma2 semaphore(%arg11 : memref<!tpu.dma_semaphore, #tpu.memory_space<semaphore_mem>>) src(%dma_wait3A_183 : memref<2x128xi32, #tpu.memory_space<hbm>>) dst(%arg6 : memref<2x128xi32, #tpu.memory_space<vmem>>)
        %dma_start3A_184 = arith.constant 0 : i32
        %dma_start3A_185 = arith.constant 0 : i32
        %dma_start3A_186 = tpu.memref_slice %arg6[%dma_start3A_184, %dma_start3A_185] : memref<2x128xi32, #tpu.memory_space<vmem>> -> memref<1x128xi32, #tpu.memory_space<vmem>>
        %dma_start3A_187 = tpu.memref_squeeze %dma_start3A_186 : memref<1x128xi32, #tpu.memory_space<vmem>> -> memref<128xi32, #tpu.memory_space<vmem>>
        %dma_start3A_188 = arith.constant 0 : i32
        %dma_start3A_189 = arith.constant 0 : i32
        %dma_start3A_190 = tpu.memref_slice %arg2[%arg0, %dma_start3A_188, %dma_start3A_189] : memref<2x10240x128xf32, #tpu.memory_space<hbm>> -> memref<1x10240x128xf32, #tpu.memory_space<hbm>>
        %dma_start3A_191 = tpu.memref_squeeze %dma_start3A_190 : memref<1x10240x128xf32, #tpu.memory_space<hbm>> -> memref<10240x128xf32, #tpu.memory_space<hbm>>
        %dma_start3A_192 = arith.constant 0 : i32
        %dma_start3A_193 = arith.constant 0 : i32
        %dma_start3A_194 = tpu.memref_slice %dma_start3A_191[%dma_start3A_192, %dma_start3A_193] : memref<10240x128xf32, #tpu.memory_space<hbm>> -> memref<10240x128xf32, #tpu.memory_space<hbm>>
        tpu.enqueue_indirect_dma source(%dma_start3A_194 : memref<10240x128xf32, #tpu.memory_space<hbm>>) target(%arg8 : memref<128x128xf32, #tpu.memory_space<vmem>>) offsets(%dma_start3A_187 : memref<128xi32, #tpu.memory_space<vmem>>) semaphore(%arg13 : memref<!tpu.dma_semaphore, #tpu.memory_space<semaphore_mem>>)
      } else {
      }
      %add3A_157 = arith.constant 2 : i32
      %add3A_158 = arith.addi %add3A_115, %add3A_157 : i32
      %lt3A_159 = arith.constant 160 : i32
      %lt3A_160 = arith.cmpi slt, %add3A_158, %lt3A_159 : i32
      %convert_element_type3A_161 = arith.extui %lt3A_160 : i1 to i32
      %cond3A_162 = arith.constant 0 : i32
      %cond3A_163 = arith.cmpi ne, %convert_element_type3A_161, %cond3A_162 : i32
      scf.if %cond3A_163 {
        %add3A_164 = arith.constant 2 : i32
        %add3A_165 = arith.addi %add3A_115, %add3A_164 : i32
        %dma_wait3A_166 = arith.constant 0 : i32
        %dma_wait3A_167 = arith.constant 0 : i32
        %dma_wait3A_168 = arith.constant 0 : i32
        %dma_wait3A_169 = tpu.memref_slice %arg3[%arg1, %dma_wait3A_166, %dma_wait3A_167, %dma_wait3A_168] : memref<16x160x2x128xi32, #tpu.memory_space<hbm>> -> memref<1x160x2x128xi32, #tpu.memory_space<hbm>>
        %dma_wait3A_170 = tpu.memref_squeeze %dma_wait3A_169 : memref<1x160x2x128xi32, #tpu.memory_space<hbm>> -> memref<160x2x128xi32, #tpu.memory_space<hbm>>
        %dma_wait3A_171 = arith.constant 0 : i32
        %dma_wait3A_172 = arith.constant 0 : i32
        %dma_wait3A_173 = tpu.memref_slice %dma_wait3A_170[%add3A_165, %dma_wait3A_171, %dma_wait3A_172] : memref<160x2x128xi32, #tpu.memory_space<hbm>> -> memref<1x2x128xi32, #tpu.memory_space<hbm>>
        %dma_wait3A_174 = tpu.memref_squeeze %dma_wait3A_173 : memref<1x2x128xi32, #tpu.memory_space<hbm>> -> memref<2x128xi32, #tpu.memory_space<hbm>>
        %dma_wait3A_175 = arith.constant 0 : i32
        %dma_wait3A_176 = arith.constant 0 : i32
        %dma_wait3A_177 = arith.constant 0 : i32
        %dma_wait3A_178 = tpu.memref_slice %arg3[%arg1, %dma_wait3A_175, %dma_wait3A_176, %dma_wait3A_177] : memref<16x160x2x128xi32, #tpu.memory_space<hbm>> -> memref<1x160x2x128xi32, #tpu.memory_space<hbm>>
        %dma_wait3A_179 = tpu.memref_squeeze %dma_wait3A_178 : memref<1x160x2x128xi32, #tpu.memory_space<hbm>> -> memref<160x2x128xi32, #tpu.memory_space<hbm>>
        %dma_wait3A_180 = arith.constant 0 : i32
        %dma_wait3A_181 = arith.constant 0 : i32
        %dma_wait3A_182 = tpu.memref_slice %dma_wait3A_179[%add3A_165, %dma_wait3A_180, %dma_wait3A_181] : memref<160x2x128xi32, #tpu.memory_space<hbm>> -> memref<1x2x128xi32, #tpu.memory_space<hbm>>
        %dma_wait3A_183 = tpu.memref_squeeze %dma_wait3A_182 : memref<1x2x128xi32, #tpu.memory_space<hbm>> -> memref<2x128xi32, #tpu.memory_space<hbm>>
        tpu.wait_dma2 semaphore(%arg12 : memref<!tpu.dma_semaphore, #tpu.memory_space<semaphore_mem>>) src(%dma_wait3A_183 : memref<2x128xi32, #tpu.memory_space<hbm>>) dst(%arg7 : memref<2x128xi32, #tpu.memory_space<vmem>>)
        %dma_start3A_184 = arith.constant 0 : i32
        %dma_start3A_185 = arith.constant 0 : i32
        %dma_start3A_186 = tpu.memref_slice %arg7[%dma_start3A_184, %dma_start3A_185] : memref<2x128xi32, #tpu.memory_space<vmem>> -> memref<1x128xi32, #tpu.memory_space<vmem>>
        %dma_start3A_187 = tpu.memref_squeeze %dma_start3A_186 : memref<1x128xi32, #tpu.memory_space<vmem>> -> memref<128xi32, #tpu.memory_space<vmem>>
        %dma_start3A_188 = arith.constant 0 : i32
        %dma_start3A_189 = arith.constant 0 : i32
        %dma_start3A_190 = tpu.memref_slice %arg2[%arg0, %dma_start3A_188, %dma_start3A_189] : memref<2x10240x128xf32, #tpu.memory_space<hbm>> -> memref<1x10240x128xf32, #tpu.memory_space<hbm>>
        %dma_start3A_191 = tpu.memref_squeeze %dma_start3A_190 : memref<1x10240x128xf32, #tpu.memory_space<hbm>> -> memref<10240x128xf32, #tpu.memory_space<hbm>>
        %dma_start3A_192 = arith.constant 0 : i32
        %dma_start3A_193 = arith.constant 0 : i32
        %dma_start3A_194 = tpu.memref_slice %dma_start3A_191[%dma_start3A_192, %dma_start3A_193] : memref<10240x128xf32, #tpu.memory_space<hbm>> -> memref<10240x128xf32, #tpu.memory_space<hbm>>
        tpu.enqueue_indirect_dma source(%dma_start3A_194 : memref<10240x128xf32, #tpu.memory_space<hbm>>) target(%arg9 : memref<128x128xf32, #tpu.memory_space<vmem>>) offsets(%dma_start3A_187 : memref<128xi32, #tpu.memory_space<vmem>>) semaphore(%arg14 : memref<!tpu.dma_semaphore, #tpu.memory_space<semaphore_mem>>)
      } else {
      }
    }
    %scan3A_100 = arith.constant 80 : i32
    %barrier3A_101 = arith.constant 0 : index
    tpu.barrier barrier_id(%barrier3A_101)
    %mul3A_102 = arith.constant 640 : i32
    %mul3A_103 = arith.muli %arg1, %mul3A_102 : i32
    %mul3A_104 = arith.constant 640 : i32
    %mul3A_105 = arith.muli %arg1, %mul3A_104 : i32
    "tpu.region"() ({
      %run_scoped3A = tpu.sem_alloc : memref<!tpu.dma_semaphore, #tpu.memory_space<semaphore_mem>>
      %dma_start3A_106 = arith.constant 0 : i32
      %dma_start3A_107 = arith.constant 0 : i32
      %dma_start3A_108 = tpu.memref_slice %arg5[%arg0, %dma_start3A_106, %dma_start3A_107] : memref<2x10240x128xf32, #tpu.memory_space<hbm>> -> memref<1x10240x128xf32, #tpu.memory_space<hbm>>
      %dma_start3A_109 = tpu.memref_squeeze %dma_start3A_108 : memref<1x10240x128xf32, #tpu.memory_space<hbm>> -> memref<10240x128xf32, #tpu.memory_space<hbm>>
      %dma_start3A_110 = arith.constant 0 : i32
      %dma_start3A_111 = tpu.memref_slice %dma_start3A_109[%mul3A_105, %dma_start3A_110] : memref<10240x128xf32, #tpu.memory_space<hbm>> -> memref<640x128xf32, #tpu.memory_space<hbm>>
      %dma_start3A_112 = arith.constant 0 : i32
      %dma_start3A_113 = tpu.memref_slice %arg10[%mul3A_103, %dma_start3A_112] : memref<10240x128xf32, #tpu.memory_space<vmem_shared>> -> memref<640x128xf32, #tpu.memory_space<vmem_shared>>
      tpu.enqueue_dma source(%dma_start3A_113 : memref<640x128xf32, #tpu.memory_space<vmem_shared>>) target(%dma_start3A_111 : memref<640x128xf32, #tpu.memory_space<hbm>>) target_semaphore(%run_scoped3A : memref<!tpu.dma_semaphore, #tpu.memory_space<semaphore_mem>>)
      %dma_wait3A_114 = arith.constant 0 : i32
      %dma_wait3A_115 = arith.constant 0 : i32
      %dma_wait3A_116 = tpu.memref_slice %arg5[%arg0, %dma_wait3A_114, %dma_wait3A_115] : memref<2x10240x128xf32, #tpu.memory_space<hbm>> -> memref<1x10240x128xf32, #tpu.memory_space<hbm>>
      %dma_wait3A_117 = tpu.memref_squeeze %dma_wait3A_116 : memref<1x10240x128xf32, #tpu.memory_space<hbm>> -> memref<10240x128xf32, #tpu.memory_space<hbm>>
      %dma_wait3A_118 = arith.constant 0 : i32
      %dma_wait3A_119 = tpu.memref_slice %dma_wait3A_117[%mul3A_105, %dma_wait3A_118] : memref<10240x128xf32, #tpu.memory_space<hbm>> -> memref<640x128xf32, #tpu.memory_space<hbm>>
      %dma_wait3A_120 = arith.constant 0 : i32
      %dma_wait3A_121 = tpu.memref_slice %arg10[%mul3A_103, %dma_wait3A_120] : memref<10240x128xf32, #tpu.memory_space<vmem_shared>> -> memref<640x128xf32, #tpu.memory_space<vmem_shared>>
      tpu.wait_dma2 semaphore(%run_scoped3A : memref<!tpu.dma_semaphore, #tpu.memory_space<semaphore_mem>>) src(%dma_wait3A_121 : memref<640x128xf32, #tpu.memory_space<vmem_shared>>) dst(%dma_wait3A_119 : memref<640x128xf32, #tpu.memory_space<hbm>>)
      tpu.yield
    }) : () -> ()
    return
  }
}

#map = affine_map<(d0, d1) -> (0, 0, 0)>
#map1 = affine_map<(d0, d1) -> (0, 0, 0, 0)>
#map2 = affine_map<(d0, d1) -> (0, 0)>
module attributes {stable_mosaic.version = 14 : i64} {
  func.func @k(%arg0: i32, %arg1: i32, %arg2: memref<2x10240x128xf32, #tpu.memory_space<hbm>>, %arg3: memref<16x160x2x128xi32, #tpu.memory_space<hbm>>, %arg4: memref<640x128xf32, #tpu.memory_space<hbm>>, %arg5: memref<2x10240x128xf32, #tpu.memory_space<hbm>>, %arg6: memref<2x128xi32, #tpu.memory_space<vmem>>, %arg7: memref<2x128xi32, #tpu.memory_space<vmem>>, %arg8: memref<128x128xf32, #tpu.memory_space<vmem>>, %arg9: memref<128x128xf32, #tpu.memory_space<vmem>>, %arg10: memref<10240x128xf32, #tpu.memory_space<vmem_shared>>, %arg11: memref<!tpu.dma_semaphore, #tpu.memory_space<semaphore_mem>>, %arg12: memref<!tpu.dma_semaphore, #tpu.memory_space<semaphore_mem>>, %arg13: memref<!tpu.dma_semaphore, #tpu.memory_space<semaphore_mem>>, %arg14: memref<!tpu.dma_semaphore, #tpu.memory_space<semaphore_mem>>) attributes {dimension_semantics = [#tpu.dimension_semantics<core_parallel>, #tpu.dimension_semantics<subcore_parallel>], iteration_bounds = array<i64: 2, 16>, scalar_prefetch = 0 : i64, scratch_operands = 9 : i64, tpu.core_type = #tpu.core_type<sc_vector_subcore>, window_params = [{transform_indices = #map}, {transform_indices = #map1}, {transform_indices = #map2}, {transform_indices = #map}]} {
    %mul3A = arith.constant 640 : i32
    %mul3A_0 = arith.muli %arg1, %mul3A : i32
    "tpu.region"() ({
      %run_scoped3A = tpu.sem_alloc : memref<!tpu.dma_semaphore, #tpu.memory_space<semaphore_mem>>
      %dma_start3A_106 = arith.constant 0 : i32
      %dma_start3A_107 = tpu.memref_slice %arg10[%mul3A_0, %dma_start3A_106] : memref<10240x128xf32, #tpu.memory_space<vmem_shared>> -> memref<640x128xf32, #tpu.memory_space<vmem_shared>>
      tpu.enqueue_dma source(%arg4 : memref<640x128xf32, #tpu.memory_space<hbm>>) target(%dma_start3A_107 : memref<640x128xf32, #tpu.memory_space<vmem_shared>>) target_semaphore(%run_scoped3A : memref<!tpu.dma_semaphore, #tpu.memory_space<semaphore_mem>>)
      %dma_wait3A_108 = arith.constant 0 : i32
      %dma_wait3A_109 = tpu.memref_slice %arg10[%mul3A_0, %dma_wait3A_108] : memref<10240x128xf32, #tpu.memory_space<vmem_shared>> -> memref<640x128xf32, #tpu.memory_space<vmem_shared>>
      tpu.wait_dma2 semaphore(%run_scoped3A : memref<!tpu.dma_semaphore, #tpu.memory_space<semaphore_mem>>) src(%arg4 : memref<640x128xf32, #tpu.memory_space<hbm>>) dst(%dma_wait3A_109 : memref<640x128xf32, #tpu.memory_space<vmem_shared>>)
      tpu.yield
    }) : () -> ()
    %barrier3A = arith.constant 0 : index
    tpu.barrier barrier_id(%barrier3A)
    %dma_start3A = arith.constant 0 : i32
    %dma_start3A_1 = arith.constant 0 : i32
    %dma_start3A_2 = arith.constant 0 : i32
    %dma_start3A_3 = arith.constant 0 : i32
    %dma_start3A_4 = tpu.memref_slice %arg3[%arg1, %dma_start3A_1, %dma_start3A_2, %dma_start3A_3] : memref<16x160x2x128xi32, #tpu.memory_space<hbm>> -> memref<1x160x2x128xi32, #tpu.memory_space<hbm>>
    %dma_start3A_5 = tpu.memref_squeeze %dma_start3A_4 : memref<1x160x2x128xi32, #tpu.memory_space<hbm>> -> memref<160x2x128xi32, #tpu.memory_space<hbm>>
    %dma_start3A_6 = arith.constant 0 : i32
    %dma_start3A_7 = arith.constant 0 : i32
    %dma_start3A_8 = tpu.memref_slice %dma_start3A_5[%dma_start3A, %dma_start3A_6, %dma_start3A_7] : memref<160x2x128xi32, #tpu.memory_space<hbm>> -> memref<1x2x128xi32, #tpu.memory_space<hbm>>
    %dma_start3A_9 = tpu.memref_squeeze %dma_start3A_8 : memref<1x2x128xi32, #tpu.memory_space<hbm>> -> memref<2x128xi32, #tpu.memory_space<hbm>>
    %dma_start3A_10 = arith.constant 0 : i32
    %dma_start3A_11 = arith.constant 0 : i32
    %dma_start3A_12 = arith.constant 0 : i32
    %dma_start3A_13 = tpu.memref_slice %arg3[%arg1, %dma_start3A_10, %dma_start3A_11, %dma_start3A_12] : memref<16x160x2x128xi32, #tpu.memory_space<hbm>> -> memref<1x160x2x128xi32, #tpu.memory_space<hbm>>
    %dma_start3A_14 = tpu.memref_squeeze %dma_start3A_13 : memref<1x160x2x128xi32, #tpu.memory_space<hbm>> -> memref<160x2x128xi32, #tpu.memory_space<hbm>>
    %dma_start3A_15 = arith.constant 0 : i32
    %dma_start3A_16 = arith.constant 0 : i32
    %dma_start3A_17 = tpu.memref_slice %dma_start3A_14[%dma_start3A, %dma_start3A_15, %dma_start3A_16] : memref<160x2x128xi32, #tpu.memory_space<hbm>> -> memref<1x2x128xi32, #tpu.memory_space<hbm>>
    %dma_start3A_18 = tpu.memref_squeeze %dma_start3A_17 : memref<1x2x128xi32, #tpu.memory_space<hbm>> -> memref<2x128xi32, #tpu.memory_space<hbm>>
    tpu.enqueue_dma source(%dma_start3A_18 : memref<2x128xi32, #tpu.memory_space<hbm>>) target(%arg6 : memref<2x128xi32, #tpu.memory_space<vmem>>) target_semaphore(%arg11 : memref<!tpu.dma_semaphore, #tpu.memory_space<semaphore_mem>>)
    %dma_start3A_19 = arith.constant 1 : i32
    %dma_start3A_20 = arith.constant 0 : i32
    %dma_start3A_21 = arith.constant 0 : i32
    %dma_start3A_22 = arith.constant 0 : i32
    %dma_start3A_23 = tpu.memref_slice %arg3[%arg1, %dma_start3A_20, %dma_start3A_21, %dma_start3A_22] : memref<16x160x2x128xi32, #tpu.memory_space<hbm>> -> memref<1x160x2x128xi32, #tpu.memory_space<hbm>>
    %dma_start3A_24 = tpu.memref_squeeze %dma_start3A_23 : memref<1x160x2x128xi32, #tpu.memory_space<hbm>> -> memref<160x2x128xi32, #tpu.memory_space<hbm>>
    %dma_start3A_25 = arith.constant 0 : i32
    %dma_start3A_26 = arith.constant 0 : i32
    %dma_start3A_27 = tpu.memref_slice %dma_start3A_24[%dma_start3A_19, %dma_start3A_25, %dma_start3A_26] : memref<160x2x128xi32, #tpu.memory_space<hbm>> -> memref<1x2x128xi32, #tpu.memory_space<hbm>>
    %dma_start3A_28 = tpu.memref_squeeze %dma_start3A_27 : memref<1x2x128xi32, #tpu.memory_space<hbm>> -> memref<2x128xi32, #tpu.memory_space<hbm>>
    %dma_start3A_29 = arith.constant 0 : i32
    %dma_start3A_30 = arith.constant 0 : i32
    %dma_start3A_31 = arith.constant 0 : i32
    %dma_start3A_32 = tpu.memref_slice %arg3[%arg1, %dma_start3A_29, %dma_start3A_30, %dma_start3A_31] : memref<16x160x2x128xi32, #tpu.memory_space<hbm>> -> memref<1x160x2x128xi32, #tpu.memory_space<hbm>>
    %dma_start3A_33 = tpu.memref_squeeze %dma_start3A_32 : memref<1x160x2x128xi32, #tpu.memory_space<hbm>> -> memref<160x2x128xi32, #tpu.memory_space<hbm>>
    %dma_start3A_34 = arith.constant 0 : i32
    %dma_start3A_35 = arith.constant 0 : i32
    %dma_start3A_36 = tpu.memref_slice %dma_start3A_33[%dma_start3A_19, %dma_start3A_34, %dma_start3A_35] : memref<160x2x128xi32, #tpu.memory_space<hbm>> -> memref<1x2x128xi32, #tpu.memory_space<hbm>>
    %dma_start3A_37 = tpu.memref_squeeze %dma_start3A_36 : memref<1x2x128xi32, #tpu.memory_space<hbm>> -> memref<2x128xi32, #tpu.memory_space<hbm>>
    tpu.enqueue_dma source(%dma_start3A_37 : memref<2x128xi32, #tpu.memory_space<hbm>>) target(%arg7 : memref<2x128xi32, #tpu.memory_space<vmem>>) target_semaphore(%arg12 : memref<!tpu.dma_semaphore, #tpu.memory_space<semaphore_mem>>)
    %dma_wait3A = arith.constant 0 : i32
    %dma_wait3A_38 = arith.constant 0 : i32
    %dma_wait3A_39 = arith.constant 0 : i32
    %dma_wait3A_40 = arith.constant 0 : i32
    %dma_wait3A_41 = tpu.memref_slice %arg3[%arg1, %dma_wait3A_38, %dma_wait3A_39, %dma_wait3A_40] : memref<16x160x2x128xi32, #tpu.memory_space<hbm>> -> memref<1x160x2x128xi32, #tpu.memory_space<hbm>>
    %dma_wait3A_42 = tpu.memref_squeeze %dma_wait3A_41 : memref<1x160x2x128xi32, #tpu.memory_space<hbm>> -> memref<160x2x128xi32, #tpu.memory_space<hbm>>
    %dma_wait3A_43 = arith.constant 0 : i32
    %dma_wait3A_44 = arith.constant 0 : i32
    %dma_wait3A_45 = tpu.memref_slice %dma_wait3A_42[%dma_wait3A, %dma_wait3A_43, %dma_wait3A_44] : memref<160x2x128xi32, #tpu.memory_space<hbm>> -> memref<1x2x128xi32, #tpu.memory_space<hbm>>
    %dma_wait3A_46 = tpu.memref_squeeze %dma_wait3A_45 : memref<1x2x128xi32, #tpu.memory_space<hbm>> -> memref<2x128xi32, #tpu.memory_space<hbm>>
    %dma_wait3A_47 = arith.constant 0 : i32
    %dma_wait3A_48 = arith.constant 0 : i32
    %dma_wait3A_49 = arith.constant 0 : i32
    %dma_wait3A_50 = tpu.memref_slice %arg3[%arg1, %dma_wait3A_47, %dma_wait3A_48, %dma_wait3A_49] : memref<16x160x2x128xi32, #tpu.memory_space<hbm>> -> memref<1x160x2x128xi32, #tpu.memory_space<hbm>>
    %dma_wait3A_51 = tpu.memref_squeeze %dma_wait3A_50 : memref<1x160x2x128xi32, #tpu.memory_space<hbm>> -> memref<160x2x128xi32, #tpu.memory_space<hbm>>
    %dma_wait3A_52 = arith.constant 0 : i32
    %dma_wait3A_53 = arith.constant 0 : i32
    %dma_wait3A_54 = tpu.memref_slice %dma_wait3A_51[%dma_wait3A, %dma_wait3A_52, %dma_wait3A_53] : memref<160x2x128xi32, #tpu.memory_space<hbm>> -> memref<1x2x128xi32, #tpu.memory_space<hbm>>
    %dma_wait3A_55 = tpu.memref_squeeze %dma_wait3A_54 : memref<1x2x128xi32, #tpu.memory_space<hbm>> -> memref<2x128xi32, #tpu.memory_space<hbm>>
    tpu.wait_dma2 semaphore(%arg11 : memref<!tpu.dma_semaphore, #tpu.memory_space<semaphore_mem>>) src(%dma_wait3A_55 : memref<2x128xi32, #tpu.memory_space<hbm>>) dst(%arg6 : memref<2x128xi32, #tpu.memory_space<vmem>>)
    %dma_start3A_56 = arith.constant 0 : i32
    %dma_start3A_57 = arith.constant 0 : i32
    %dma_start3A_58 = tpu.memref_slice %arg6[%dma_start3A_56, %dma_start3A_57] : memref<2x128xi32, #tpu.memory_space<vmem>> -> memref<1x128xi32, #tpu.memory_space<vmem>>
    %dma_start3A_59 = tpu.memref_squeeze %dma_start3A_58 : memref<1x128xi32, #tpu.memory_space<vmem>> -> memref<128xi32, #tpu.memory_space<vmem>>
    %dma_start3A_60 = arith.constant 0 : i32
    %dma_start3A_61 = arith.constant 0 : i32
    %dma_start3A_62 = tpu.memref_slice %arg2[%arg0, %dma_start3A_60, %dma_start3A_61] : memref<2x10240x128xf32, #tpu.memory_space<hbm>> -> memref<1x10240x128xf32, #tpu.memory_space<hbm>>
    %dma_start3A_63 = tpu.memref_squeeze %dma_start3A_62 : memref<1x10240x128xf32, #tpu.memory_space<hbm>> -> memref<10240x128xf32, #tpu.memory_space<hbm>>
    %dma_start3A_64 = arith.constant 0 : i32
    %dma_start3A_65 = arith.constant 0 : i32
    %dma_start3A_66 = tpu.memref_slice %dma_start3A_63[%dma_start3A_64, %dma_start3A_65] : memref<10240x128xf32, #tpu.memory_space<hbm>> -> memref<10240x128xf32, #tpu.memory_space<hbm>>
    tpu.enqueue_indirect_dma source(%dma_start3A_66 : memref<10240x128xf32, #tpu.memory_space<hbm>>) target(%arg8 : memref<128x128xf32, #tpu.memory_space<vmem>>) offsets(%dma_start3A_59 : memref<128xi32, #tpu.memory_space<vmem>>) semaphore(%arg13 : memref<!tpu.dma_semaphore, #tpu.memory_space<semaphore_mem>>)
    %dma_wait3A_67 = arith.constant 1 : i32
    %dma_wait3A_68 = arith.constant 0 : i32
    %dma_wait3A_69 = arith.constant 0 : i32
    %dma_wait3A_70 = arith.constant 0 : i32
    %dma_wait3A_71 = tpu.memref_slice %arg3[%arg1, %dma_wait3A_68, %dma_wait3A_69, %dma_wait3A_70] : memref<16x160x2x128xi32, #tpu.memory_space<hbm>> -> memref<1x160x2x128xi32, #tpu.memory_space<hbm>>
    %dma_wait3A_72 = tpu.memref_squeeze %dma_wait3A_71 : memref<1x160x2x128xi32, #tpu.memory_space<hbm>> -> memref<160x2x128xi32, #tpu.memory_space<hbm>>
    %dma_wait3A_73 = arith.constant 0 : i32
    %dma_wait3A_74 = arith.constant 0 : i32
    %dma_wait3A_75 = tpu.memref_slice %dma_wait3A_72[%dma_wait3A_67, %dma_wait3A_73, %dma_wait3A_74] : memref<160x2x128xi32, #tpu.memory_space<hbm>> -> memref<1x2x128xi32, #tpu.memory_space<hbm>>
    %dma_wait3A_76 = tpu.memref_squeeze %dma_wait3A_75 : memref<1x2x128xi32, #tpu.memory_space<hbm>> -> memref<2x128xi32, #tpu.memory_space<hbm>>
    %dma_wait3A_77 = arith.constant 0 : i32
    %dma_wait3A_78 = arith.constant 0 : i32
    %dma_wait3A_79 = arith.constant 0 : i32
    %dma_wait3A_80 = tpu.memref_slice %arg3[%arg1, %dma_wait3A_77, %dma_wait3A_78, %dma_wait3A_79] : memref<16x160x2x128xi32, #tpu.memory_space<hbm>> -> memref<1x160x2x128xi32, #tpu.memory_space<hbm>>
    %dma_wait3A_81 = tpu.memref_squeeze %dma_wait3A_80 : memref<1x160x2x128xi32, #tpu.memory_space<hbm>> -> memref<160x2x128xi32, #tpu.memory_space<hbm>>
    %dma_wait3A_82 = arith.constant 0 : i32
    %dma_wait3A_83 = arith.constant 0 : i32
    %dma_wait3A_84 = tpu.memref_slice %dma_wait3A_81[%dma_wait3A_67, %dma_wait3A_82, %dma_wait3A_83] : memref<160x2x128xi32, #tpu.memory_space<hbm>> -> memref<1x2x128xi32, #tpu.memory_space<hbm>>
    %dma_wait3A_85 = tpu.memref_squeeze %dma_wait3A_84 : memref<1x2x128xi32, #tpu.memory_space<hbm>> -> memref<2x128xi32, #tpu.memory_space<hbm>>
    tpu.wait_dma2 semaphore(%arg12 : memref<!tpu.dma_semaphore, #tpu.memory_space<semaphore_mem>>) src(%dma_wait3A_85 : memref<2x128xi32, #tpu.memory_space<hbm>>) dst(%arg7 : memref<2x128xi32, #tpu.memory_space<vmem>>)
    %dma_start3A_86 = arith.constant 0 : i32
    %dma_start3A_87 = arith.constant 0 : i32
    %dma_start3A_88 = tpu.memref_slice %arg7[%dma_start3A_86, %dma_start3A_87] : memref<2x128xi32, #tpu.memory_space<vmem>> -> memref<1x128xi32, #tpu.memory_space<vmem>>
    %dma_start3A_89 = tpu.memref_squeeze %dma_start3A_88 : memref<1x128xi32, #tpu.memory_space<vmem>> -> memref<128xi32, #tpu.memory_space<vmem>>
    %dma_start3A_90 = arith.constant 0 : i32
    %dma_start3A_91 = arith.constant 0 : i32
    %dma_start3A_92 = tpu.memref_slice %arg2[%arg0, %dma_start3A_90, %dma_start3A_91] : memref<2x10240x128xf32, #tpu.memory_space<hbm>> -> memref<1x10240x128xf32, #tpu.memory_space<hbm>>
    %dma_start3A_93 = tpu.memref_squeeze %dma_start3A_92 : memref<1x10240x128xf32, #tpu.memory_space<hbm>> -> memref<10240x128xf32, #tpu.memory_space<hbm>>
    %dma_start3A_94 = arith.constant 0 : i32
    %dma_start3A_95 = arith.constant 0 : i32
    %dma_start3A_96 = tpu.memref_slice %dma_start3A_93[%dma_start3A_94, %dma_start3A_95] : memref<10240x128xf32, #tpu.memory_space<hbm>> -> memref<10240x128xf32, #tpu.memory_space<hbm>>
    tpu.enqueue_indirect_dma source(%dma_start3A_96 : memref<10240x128xf32, #tpu.memory_space<hbm>>) target(%arg9 : memref<128x128xf32, #tpu.memory_space<vmem>>) offsets(%dma_start3A_89 : memref<128xi32, #tpu.memory_space<vmem>>) semaphore(%arg14 : memref<!tpu.dma_semaphore, #tpu.memory_space<semaphore_mem>>)
    %scan3A = arith.constant 0 : i32
    %scan3A_97 = arith.constant 80 : i32
    %scan3A_98 = arith.addi %scan3A, %scan3A_97 : i32
    %scan3A_99 = arith.constant 1 : i32
    scf.for %scan3A_106 = %scan3A to %scan3A_98 step %scan3A_99  : i32 {
      %mul3A_107 = arith.constant 1 : i32
      %mul3A_108 = arith.muli %scan3A_106, %mul3A_107 : i32
      %add3A = arith.constant 0 : i32
      %add3A_109 = arith.addi %add3A, %mul3A_108 : i32
      %mul3A_110 = arith.constant 2 : i32
      %mul3A_111 = arith.muli %mul3A_110, %add3A_109 : i32
      %add3A_112 = arith.constant 0 : i32
      %add3A_113 = arith.addi %add3A_112, %mul3A_111 : i32
      %add3A_114 = arith.constant 1 : i32
      %add3A_115 = arith.addi %add3A_113, %add3A_114 : i32
      %dma_wait3A_116 = arith.constant 0 : i32
      %dma_wait3A_117 = arith.constant 0 : i32
      %dma_wait3A_118 = tpu.memref_slice %arg6[%dma_wait3A_116, %dma_wait3A_117] : memref<2x128xi32, #tpu.memory_space<vmem>> -> memref<1x128xi32, #tpu.memory_space<vmem>>
      %dma_wait3A_119 = tpu.memref_squeeze %dma_wait3A_118 : memref<1x128xi32, #tpu.memory_space<vmem>> -> memref<128xi32, #tpu.memory_space<vmem>>
      %dma_wait3A_120 = arith.constant 0 : i32
      %dma_wait3A_121 = arith.constant 0 : i32
      %dma_wait3A_122 = tpu.memref_slice %arg2[%arg0, %dma_wait3A_120, %dma_wait3A_121] : memref<2x10240x128xf32, #tpu.memory_space<hbm>> -> memref<1x10240x128xf32, #tpu.memory_space<hbm>>
      %dma_wait3A_123 = tpu.memref_squeeze %dma_wait3A_122 : memref<1x10240x128xf32, #tpu.memory_space<hbm>> -> memref<10240x128xf32, #tpu.memory_space<hbm>>
      %dma_wait3A_124 = arith.constant 0 : i32
      %dma_wait3A_125 = arith.constant 0 : i32
      %dma_wait3A_126 = tpu.memref_slice %dma_wait3A_123[%dma_wait3A_124, %dma_wait3A_125] : memref<10240x128xf32, #tpu.memory_space<hbm>> -> memref<10240x128xf32, #tpu.memory_space<hbm>>
      tpu.wait_indirect_dma semaphore(%arg13 : memref<!tpu.dma_semaphore, #tpu.memory_space<semaphore_mem>>) src(%dma_wait3A_126 : memref<10240x128xf32, #tpu.memory_space<hbm>>) dst(%arg8 : memref<128x128xf32, #tpu.memory_space<vmem>>)
      %run_scoped3A = arith.constant 1 : i32
      "tpu.region"() ({
        %run_scoped3A_164 = tpu.sem_alloc : memref<!tpu.dma_semaphore, #tpu.memory_space<semaphore_mem>>
        %dma_start3A_165 = arith.constant 0 : i32
        %dma_start3A_166 = tpu.memref_slice %arg6[%run_scoped3A, %dma_start3A_165] : memref<2x128xi32, #tpu.memory_space<vmem>> -> memref<1x128xi32, #tpu.memory_space<vmem>>
        %dma_start3A_167 = tpu.memref_squeeze %dma_start3A_166 : memref<1x128xi32, #tpu.memory_space<vmem>> -> memref<128xi32, #tpu.memory_space<vmem>>
        %dma_start3A_168 = arith.constant 0 : i32
        %dma_start3A_169 = arith.constant 0 : i32
        %dma_start3A_170 = tpu.memref_slice %arg10[%dma_start3A_168, %dma_start3A_169] : memref<10240x128xf32, #tpu.memory_space<vmem_shared>> -> memref<10240x128xf32, #tpu.memory_space<vmem_shared>>
        tpu.enqueue_indirect_dma source(%arg8 : memref<128x128xf32, #tpu.memory_space<vmem>>) target(%dma_start3A_170 : memref<10240x128xf32, #tpu.memory_space<vmem_shared>>) offsets(%dma_start3A_167 : memref<128xi32, #tpu.memory_space<vmem>>) semaphore(%run_scoped3A_164 : memref<!tpu.dma_semaphore, #tpu.memory_space<semaphore_mem>>) {add = true}
        %dma_wait3A_171 = arith.constant 0 : i32
        %dma_wait3A_172 = tpu.memref_slice %arg6[%run_scoped3A, %dma_wait3A_171] : memref<2x128xi32, #tpu.memory_space<vmem>> -> memref<1x128xi32, #tpu.memory_space<vmem>>
        %dma_wait3A_173 = tpu.memref_squeeze %dma_wait3A_172 : memref<1x128xi32, #tpu.memory_space<vmem>> -> memref<128xi32, #tpu.memory_space<vmem>>
        %dma_wait3A_174 = arith.constant 0 : i32
        %dma_wait3A_175 = arith.constant 0 : i32
        %dma_wait3A_176 = tpu.memref_slice %arg10[%dma_wait3A_174, %dma_wait3A_175] : memref<10240x128xf32, #tpu.memory_space<vmem_shared>> -> memref<10240x128xf32, #tpu.memory_space<vmem_shared>>
        tpu.wait_indirect_dma semaphore(%run_scoped3A_164 : memref<!tpu.dma_semaphore, #tpu.memory_space<semaphore_mem>>) src(%arg8 : memref<128x128xf32, #tpu.memory_space<vmem>>) dst(%dma_wait3A_176 : memref<10240x128xf32, #tpu.memory_space<vmem_shared>>)
        tpu.yield
      }) : () -> ()
      %add3A_127 = arith.constant 2 : i32
      %add3A_128 = arith.addi %add3A_113, %add3A_127 : i32
      %lt3A = arith.constant 160 : i32
      %lt3A_129 = arith.cmpi slt, %add3A_128, %lt3A : i32
      %convert_element_type3A = arith.extui %lt3A_129 : i1 to i32
      %cond3A = arith.constant 0 : i32
      %cond3A_130 = arith.cmpi ne, %convert_element_type3A, %cond3A : i32
      scf.if %cond3A_130 {
        %add3A_164 = arith.constant 2 : i32
        %add3A_165 = arith.addi %add3A_113, %add3A_164 : i32
        %dma_start3A_166 = arith.constant 0 : i32
        %dma_start3A_167 = arith.constant 0 : i32
        %dma_start3A_168 = arith.constant 0 : i32
        %dma_start3A_169 = tpu.memref_slice %arg3[%arg1, %dma_start3A_166, %dma_start3A_167, %dma_start3A_168] : memref<16x160x2x128xi32, #tpu.memory_space<hbm>> -> memref<1x160x2x128xi32, #tpu.memory_space<hbm>>
        %dma_start3A_170 = tpu.memref_squeeze %dma_start3A_169 : memref<1x160x2x128xi32, #tpu.memory_space<hbm>> -> memref<160x2x128xi32, #tpu.memory_space<hbm>>
        %dma_start3A_171 = arith.constant 0 : i32
        %dma_start3A_172 = arith.constant 0 : i32
        %dma_start3A_173 = tpu.memref_slice %dma_start3A_170[%add3A_165, %dma_start3A_171, %dma_start3A_172] : memref<160x2x128xi32, #tpu.memory_space<hbm>> -> memref<1x2x128xi32, #tpu.memory_space<hbm>>
        %dma_start3A_174 = tpu.memref_squeeze %dma_start3A_173 : memref<1x2x128xi32, #tpu.memory_space<hbm>> -> memref<2x128xi32, #tpu.memory_space<hbm>>
        %dma_start3A_175 = arith.constant 0 : i32
        %dma_start3A_176 = arith.constant 0 : i32
        %dma_start3A_177 = arith.constant 0 : i32
        %dma_start3A_178 = tpu.memref_slice %arg3[%arg1, %dma_start3A_175, %dma_start3A_176, %dma_start3A_177] : memref<16x160x2x128xi32, #tpu.memory_space<hbm>> -> memref<1x160x2x128xi32, #tpu.memory_space<hbm>>
        %dma_start3A_179 = tpu.memref_squeeze %dma_start3A_178 : memref<1x160x2x128xi32, #tpu.memory_space<hbm>> -> memref<160x2x128xi32, #tpu.memory_space<hbm>>
        %dma_start3A_180 = arith.constant 0 : i32
        %dma_start3A_181 = arith.constant 0 : i32
        %dma_start3A_182 = tpu.memref_slice %dma_start3A_179[%add3A_165, %dma_start3A_180, %dma_start3A_181] : memref<160x2x128xi32, #tpu.memory_space<hbm>> -> memref<1x2x128xi32, #tpu.memory_space<hbm>>
        %dma_start3A_183 = tpu.memref_squeeze %dma_start3A_182 : memref<1x2x128xi32, #tpu.memory_space<hbm>> -> memref<2x128xi32, #tpu.memory_space<hbm>>
        tpu.enqueue_dma source(%dma_start3A_183 : memref<2x128xi32, #tpu.memory_space<hbm>>) target(%arg6 : memref<2x128xi32, #tpu.memory_space<vmem>>) target_semaphore(%arg11 : memref<!tpu.dma_semaphore, #tpu.memory_space<semaphore_mem>>)
      } else {
      }
      %dma_wait3A_131 = arith.constant 0 : i32
      %dma_wait3A_132 = arith.constant 0 : i32
      %dma_wait3A_133 = tpu.memref_slice %arg7[%dma_wait3A_131, %dma_wait3A_132] : memref<2x128xi32, #tpu.memory_space<vmem>> -> memref<1x128xi32, #tpu.memory_space<vmem>>
      %dma_wait3A_134 = tpu.memref_squeeze %dma_wait3A_133 : memref<1x128xi32, #tpu.memory_space<vmem>> -> memref<128xi32, #tpu.memory_space<vmem>>
      %dma_wait3A_135 = arith.constant 0 : i32
      %dma_wait3A_136 = arith.constant 0 : i32
      %dma_wait3A_137 = tpu.memref_slice %arg2[%arg0, %dma_wait3A_135, %dma_wait3A_136] : memref<2x10240x128xf32, #tpu.memory_space<hbm>> -> memref<1x10240x128xf32, #tpu.memory_space<hbm>>
      %dma_wait3A_138 = tpu.memref_squeeze %dma_wait3A_137 : memref<1x10240x128xf32, #tpu.memory_space<hbm>> -> memref<10240x128xf32, #tpu.memory_space<hbm>>
      %dma_wait3A_139 = arith.constant 0 : i32
      %dma_wait3A_140 = arith.constant 0 : i32
      %dma_wait3A_141 = tpu.memref_slice %dma_wait3A_138[%dma_wait3A_139, %dma_wait3A_140] : memref<10240x128xf32, #tpu.memory_space<hbm>> -> memref<10240x128xf32, #tpu.memory_space<hbm>>
      tpu.wait_indirect_dma semaphore(%arg14 : memref<!tpu.dma_semaphore, #tpu.memory_space<semaphore_mem>>) src(%dma_wait3A_141 : memref<10240x128xf32, #tpu.memory_space<hbm>>) dst(%arg9 : memref<128x128xf32, #tpu.memory_space<vmem>>)
      %run_scoped3A_142 = arith.constant 1 : i32
      "tpu.region"() ({
        %run_scoped3A_164 = tpu.sem_alloc : memref<!tpu.dma_semaphore, #tpu.memory_space<semaphore_mem>>
        %dma_start3A_165 = arith.constant 0 : i32
        %dma_start3A_166 = tpu.memref_slice %arg7[%run_scoped3A_142, %dma_start3A_165] : memref<2x128xi32, #tpu.memory_space<vmem>> -> memref<1x128xi32, #tpu.memory_space<vmem>>
        %dma_start3A_167 = tpu.memref_squeeze %dma_start3A_166 : memref<1x128xi32, #tpu.memory_space<vmem>> -> memref<128xi32, #tpu.memory_space<vmem>>
        %dma_start3A_168 = arith.constant 0 : i32
        %dma_start3A_169 = arith.constant 0 : i32
        %dma_start3A_170 = tpu.memref_slice %arg10[%dma_start3A_168, %dma_start3A_169] : memref<10240x128xf32, #tpu.memory_space<vmem_shared>> -> memref<10240x128xf32, #tpu.memory_space<vmem_shared>>
        tpu.enqueue_indirect_dma source(%arg9 : memref<128x128xf32, #tpu.memory_space<vmem>>) target(%dma_start3A_170 : memref<10240x128xf32, #tpu.memory_space<vmem_shared>>) offsets(%dma_start3A_167 : memref<128xi32, #tpu.memory_space<vmem>>) semaphore(%run_scoped3A_164 : memref<!tpu.dma_semaphore, #tpu.memory_space<semaphore_mem>>) {add = true}
        %dma_wait3A_171 = arith.constant 0 : i32
        %dma_wait3A_172 = tpu.memref_slice %arg7[%run_scoped3A_142, %dma_wait3A_171] : memref<2x128xi32, #tpu.memory_space<vmem>> -> memref<1x128xi32, #tpu.memory_space<vmem>>
        %dma_wait3A_173 = tpu.memref_squeeze %dma_wait3A_172 : memref<1x128xi32, #tpu.memory_space<vmem>> -> memref<128xi32, #tpu.memory_space<vmem>>
        %dma_wait3A_174 = arith.constant 0 : i32
        %dma_wait3A_175 = arith.constant 0 : i32
        %dma_wait3A_176 = tpu.memref_slice %arg10[%dma_wait3A_174, %dma_wait3A_175] : memref<10240x128xf32, #tpu.memory_space<vmem_shared>> -> memref<10240x128xf32, #tpu.memory_space<vmem_shared>>
        tpu.wait_indirect_dma semaphore(%run_scoped3A_164 : memref<!tpu.dma_semaphore, #tpu.memory_space<semaphore_mem>>) src(%arg9 : memref<128x128xf32, #tpu.memory_space<vmem>>) dst(%dma_wait3A_176 : memref<10240x128xf32, #tpu.memory_space<vmem_shared>>)
        tpu.yield
      }) : () -> ()
      %add3A_143 = arith.constant 2 : i32
      %add3A_144 = arith.addi %add3A_115, %add3A_143 : i32
      %lt3A_145 = arith.constant 160 : i32
      %lt3A_146 = arith.cmpi slt, %add3A_144, %lt3A_145 : i32
      %convert_element_type3A_147 = arith.extui %lt3A_146 : i1 to i32
      %cond3A_148 = arith.constant 0 : i32
      %cond3A_149 = arith.cmpi ne, %convert_element_type3A_147, %cond3A_148 : i32
      scf.if %cond3A_149 {
        %add3A_164 = arith.constant 2 : i32
        %add3A_165 = arith.addi %add3A_115, %add3A_164 : i32
        %dma_start3A_166 = arith.constant 0 : i32
        %dma_start3A_167 = arith.constant 0 : i32
        %dma_start3A_168 = arith.constant 0 : i32
        %dma_start3A_169 = tpu.memref_slice %arg3[%arg1, %dma_start3A_166, %dma_start3A_167, %dma_start3A_168] : memref<16x160x2x128xi32, #tpu.memory_space<hbm>> -> memref<1x160x2x128xi32, #tpu.memory_space<hbm>>
        %dma_start3A_170 = tpu.memref_squeeze %dma_start3A_169 : memref<1x160x2x128xi32, #tpu.memory_space<hbm>> -> memref<160x2x128xi32, #tpu.memory_space<hbm>>
        %dma_start3A_171 = arith.constant 0 : i32
        %dma_start3A_172 = arith.constant 0 : i32
        %dma_start3A_173 = tpu.memref_slice %dma_start3A_170[%add3A_165, %dma_start3A_171, %dma_start3A_172] : memref<160x2x128xi32, #tpu.memory_space<hbm>> -> memref<1x2x128xi32, #tpu.memory_space<hbm>>
        %dma_start3A_174 = tpu.memref_squeeze %dma_start3A_173 : memref<1x2x128xi32, #tpu.memory_space<hbm>> -> memref<2x128xi32, #tpu.memory_space<hbm>>
        %dma_start3A_175 = arith.constant 0 : i32
        %dma_start3A_176 = arith.constant 0 : i32
        %dma_start3A_177 = arith.constant 0 : i32
        %dma_start3A_178 = tpu.memref_slice %arg3[%arg1, %dma_start3A_175, %dma_start3A_176, %dma_start3A_177] : memref<16x160x2x128xi32, #tpu.memory_space<hbm>> -> memref<1x160x2x128xi32, #tpu.memory_space<hbm>>
        %dma_start3A_179 = tpu.memref_squeeze %dma_start3A_178 : memref<1x160x2x128xi32, #tpu.memory_space<hbm>> -> memref<160x2x128xi32, #tpu.memory_space<hbm>>
        %dma_start3A_180 = arith.constant 0 : i32
        %dma_start3A_181 = arith.constant 0 : i32
        %dma_start3A_182 = tpu.memref_slice %dma_start3A_179[%add3A_165, %dma_start3A_180, %dma_start3A_181] : memref<160x2x128xi32, #tpu.memory_space<hbm>> -> memref<1x2x128xi32, #tpu.memory_space<hbm>>
        %dma_start3A_183 = tpu.memref_squeeze %dma_start3A_182 : memref<1x2x128xi32, #tpu.memory_space<hbm>> -> memref<2x128xi32, #tpu.memory_space<hbm>>
        tpu.enqueue_dma source(%dma_start3A_183 : memref<2x128xi32, #tpu.memory_space<hbm>>) target(%arg7 : memref<2x128xi32, #tpu.memory_space<vmem>>) target_semaphore(%arg12 : memref<!tpu.dma_semaphore, #tpu.memory_space<semaphore_mem>>)
      } else {
      }
      %add3A_150 = arith.constant 2 : i32
      %add3A_151 = arith.addi %add3A_113, %add3A_150 : i32
      %lt3A_152 = arith.constant 160 : i32
      %lt3A_153 = arith.cmpi slt, %add3A_151, %lt3A_152 : i32
      %convert_element_type3A_154 = arith.extui %lt3A_153 : i1 to i32
      %cond3A_155 = arith.constant 0 : i32
      %cond3A_156 = arith.cmpi ne, %convert_element_type3A_154, %cond3A_155 : i32
      scf.if %cond3A_156 {
        %add3A_164 = arith.constant 2 : i32
        %add3A_165 = arith.addi %add3A_113, %add3A_164 : i32
        %dma_wait3A_166 = arith.constant 0 : i32
        %dma_wait3A_167 = arith.constant 0 : i32
        %dma_wait3A_168 = arith.constant 0 : i32
        %dma_wait3A_169 = tpu.memref_slice %arg3[%arg1, %dma_wait3A_166, %dma_wait3A_167, %dma_wait3A_168] : memref<16x160x2x128xi32, #tpu.memory_space<hbm>> -> memref<1x160x2x128xi32, #tpu.memory_space<hbm>>
        %dma_wait3A_170 = tpu.memref_squeeze %dma_wait3A_169 : memref<1x160x2x128xi32, #tpu.memory_space<hbm>> -> memref<160x2x128xi32, #tpu.memory_space<hbm>>
        %dma_wait3A_171 = arith.constant 0 : i32
        %dma_wait3A_172 = arith.constant 0 : i32
        %dma_wait3A_173 = tpu.memref_slice %dma_wait3A_170[%add3A_165, %dma_wait3A_171, %dma_wait3A_172] : memref<160x2x128xi32, #tpu.memory_space<hbm>> -> memref<1x2x128xi32, #tpu.memory_space<hbm>>
        %dma_wait3A_174 = tpu.memref_squeeze %dma_wait3A_173 : memref<1x2x128xi32, #tpu.memory_space<hbm>> -> memref<2x128xi32, #tpu.memory_space<hbm>>
        %dma_wait3A_175 = arith.constant 0 : i32
        %dma_wait3A_176 = arith.constant 0 : i32
        %dma_wait3A_177 = arith.constant 0 : i32
        %dma_wait3A_178 = tpu.memref_slice %arg3[%arg1, %dma_wait3A_175, %dma_wait3A_176, %dma_wait3A_177] : memref<16x160x2x128xi32, #tpu.memory_space<hbm>> -> memref<1x160x2x128xi32, #tpu.memory_space<hbm>>
        %dma_wait3A_179 = tpu.memref_squeeze %dma_wait3A_178 : memref<1x160x2x128xi32, #tpu.memory_space<hbm>> -> memref<160x2x128xi32, #tpu.memory_space<hbm>>
        %dma_wait3A_180 = arith.constant 0 : i32
        %dma_wait3A_181 = arith.constant 0 : i32
        %dma_wait3A_182 = tpu.memref_slice %dma_wait3A_179[%add3A_165, %dma_wait3A_180, %dma_wait3A_181] : memref<160x2x128xi32, #tpu.memory_space<hbm>> -> memref<1x2x128xi32, #tpu.memory_space<hbm>>
        %dma_wait3A_183 = tpu.memref_squeeze %dma_wait3A_182 : memref<1x2x128xi32, #tpu.memory_space<hbm>> -> memref<2x128xi32, #tpu.memory_space<hbm>>
        tpu.wait_dma2 semaphore(%arg11 : memref<!tpu.dma_semaphore, #tpu.memory_space<semaphore_mem>>) src(%dma_wait3A_183 : memref<2x128xi32, #tpu.memory_space<hbm>>) dst(%arg6 : memref<2x128xi32, #tpu.memory_space<vmem>>)
        %dma_start3A_184 = arith.constant 0 : i32
        %dma_start3A_185 = arith.constant 0 : i32
        %dma_start3A_186 = tpu.memref_slice %arg6[%dma_start3A_184, %dma_start3A_185] : memref<2x128xi32, #tpu.memory_space<vmem>> -> memref<1x128xi32, #tpu.memory_space<vmem>>
        %dma_start3A_187 = tpu.memref_squeeze %dma_start3A_186 : memref<1x128xi32, #tpu.memory_space<vmem>> -> memref<128xi32, #tpu.memory_space<vmem>>
        %dma_start3A_188 = arith.constant 0 : i32
        %dma_start3A_189 = arith.constant 0 : i32
        %dma_start3A_190 = tpu.memref_slice %arg2[%arg0, %dma_start3A_188, %dma_start3A_189] : memref<2x10240x128xf32, #tpu.memory_space<hbm>> -> memref<1x10240x128xf32, #tpu.memory_space<hbm>>
        %dma_start3A_191 = tpu.memref_squeeze %dma_start3A_190 : memref<1x10240x128xf32, #tpu.memory_space<hbm>> -> memref<10240x128xf32, #tpu.memory_space<hbm>>
        %dma_start3A_192 = arith.constant 0 : i32
        %dma_start3A_193 = arith.constant 0 : i32
        %dma_start3A_194 = tpu.memref_slice %dma_start3A_191[%dma_start3A_192, %dma_start3A_193] : memref<10240x128xf32, #tpu.memory_space<hbm>> -> memref<10240x128xf32, #tpu.memory_space<hbm>>
        tpu.enqueue_indirect_dma source(%dma_start3A_194 : memref<10240x128xf32, #tpu.memory_space<hbm>>) target(%arg8 : memref<128x128xf32, #tpu.memory_space<vmem>>) offsets(%dma_start3A_187 : memref<128xi32, #tpu.memory_space<vmem>>) semaphore(%arg13 : memref<!tpu.dma_semaphore, #tpu.memory_space<semaphore_mem>>)
      } else {
      }
      %add3A_157 = arith.constant 2 : i32
      %add3A_158 = arith.addi %add3A_115, %add3A_157 : i32
      %lt3A_159 = arith.constant 160 : i32
      %lt3A_160 = arith.cmpi slt, %add3A_158, %lt3A_159 : i32
      %convert_element_type3A_161 = arith.extui %lt3A_160 : i1 to i32
      %cond3A_162 = arith.constant 0 : i32
      %cond3A_163 = arith.cmpi ne, %convert_element_type3A_161, %cond3A_162 : i32
      scf.if %cond3A_163 {
        %add3A_164 = arith.constant 2 : i32
        %add3A_165 = arith.addi %add3A_115, %add3A_164 : i32
        %dma_wait3A_166 = arith.constant 0 : i32
        %dma_wait3A_167 = arith.constant 0 : i32
        %dma_wait3A_168 = arith.constant 0 : i32
        %dma_wait3A_169 = tpu.memref_slice %arg3[%arg1, %dma_wait3A_166, %dma_wait3A_167, %dma_wait3A_168] : memref<16x160x2x128xi32, #tpu.memory_space<hbm>> -> memref<1x160x2x128xi32, #tpu.memory_space<hbm>>
        %dma_wait3A_170 = tpu.memref_squeeze %dma_wait3A_169 : memref<1x160x2x128xi32, #tpu.memory_space<hbm>> -> memref<160x2x128xi32, #tpu.memory_space<hbm>>
        %dma_wait3A_171 = arith.constant 0 : i32
        %dma_wait3A_172 = arith.constant 0 : i32
        %dma_wait3A_173 = tpu.memref_slice %dma_wait3A_170[%add3A_165, %dma_wait3A_171, %dma_wait3A_172] : memref<160x2x128xi32, #tpu.memory_space<hbm>> -> memref<1x2x128xi32, #tpu.memory_space<hbm>>
        %dma_wait3A_174 = tpu.memref_squeeze %dma_wait3A_173 : memref<1x2x128xi32, #tpu.memory_space<hbm>> -> memref<2x128xi32, #tpu.memory_space<hbm>>
        %dma_wait3A_175 = arith.constant 0 : i32
        %dma_wait3A_176 = arith.constant 0 : i32
        %dma_wait3A_177 = arith.constant 0 : i32
        %dma_wait3A_178 = tpu.memref_slice %arg3[%arg1, %dma_wait3A_175, %dma_wait3A_176, %dma_wait3A_177] : memref<16x160x2x128xi32, #tpu.memory_space<hbm>> -> memref<1x160x2x128xi32, #tpu.memory_space<hbm>>
        %dma_wait3A_179 = tpu.memref_squeeze %dma_wait3A_178 : memref<1x160x2x128xi32, #tpu.memory_space<hbm>> -> memref<160x2x128xi32, #tpu.memory_space<hbm>>
        %dma_wait3A_180 = arith.constant 0 : i32
        %dma_wait3A_181 = arith.constant 0 : i32
        %dma_wait3A_182 = tpu.memref_slice %dma_wait3A_179[%add3A_165, %dma_wait3A_180, %dma_wait3A_181] : memref<160x2x128xi32, #tpu.memory_space<hbm>> -> memref<1x2x128xi32, #tpu.memory_space<hbm>>
        %dma_wait3A_183 = tpu.memref_squeeze %dma_wait3A_182 : memref<1x2x128xi32, #tpu.memory_space<hbm>> -> memref<2x128xi32, #tpu.memory_space<hbm>>
        tpu.wait_dma2 semaphore(%arg12 : memref<!tpu.dma_semaphore, #tpu.memory_space<semaphore_mem>>) src(%dma_wait3A_183 : memref<2x128xi32, #tpu.memory_space<hbm>>) dst(%arg7 : memref<2x128xi32, #tpu.memory_space<vmem>>)
        %dma_start3A_184 = arith.constant 0 : i32
        %dma_start3A_185 = arith.constant 0 : i32
        %dma_start3A_186 = tpu.memref_slice %arg7[%dma_start3A_184, %dma_start3A_185] : memref<2x128xi32, #tpu.memory_space<vmem>> -> memref<1x128xi32, #tpu.memory_space<vmem>>
        %dma_start3A_187 = tpu.memref_squeeze %dma_start3A_186 : memref<1x128xi32, #tpu.memory_space<vmem>> -> memref<128xi32, #tpu.memory_space<vmem>>
        %dma_start3A_188 = arith.constant 0 : i32
        %dma_start3A_189 = arith.constant 0 : i32
        %dma_start3A_190 = tpu.memref_slice %arg2[%arg0, %dma_start3A_188, %dma_start3A_189] : memref<2x10240x128xf32, #tpu.memory_space<hbm>> -> memref<1x10240x128xf32, #tpu.memory_space<hbm>>
        %dma_start3A_191 = tpu.memref_squeeze %dma_start3A_190 : memref<1x10240x128xf32, #tpu.memory_space<hbm>> -> memref<10240x128xf32, #tpu.memory_space<hbm>>
        %dma_start3A_192 = arith.constant 0 : i32
        %dma_start3A_193 = arith.constant 0 : i32
        %dma_start3A_194 = tpu.memref_slice %dma_start3A_191[%dma_start3A_192, %dma_start3A_193] : memref<10240x128xf32, #tpu.memory_space<hbm>> -> memref<10240x128xf32, #tpu.memory_space<hbm>>
        tpu.enqueue_indirect_dma source(%dma_start3A_194 : memref<10240x128xf32, #tpu.memory_space<hbm>>) target(%arg9 : memref<128x128xf32, #tpu.memory_space<vmem>>) offsets(%dma_start3A_187 : memref<128xi32, #tpu.memory_space<vmem>>) semaphore(%arg14 : memref<!tpu.dma_semaphore, #tpu.memory_space<semaphore_mem>>)
      } else {
      }
    }
    %scan3A_100 = arith.constant 80 : i32
    %barrier3A_101 = arith.constant 0 : index
    tpu.barrier barrier_id(%barrier3A_101)
    %mul3A_102 = arith.constant 640 : i32
    %mul3A_103 = arith.muli %arg1, %mul3A_102 : i32
    %mul3A_104 = arith.constant 640 : i32
    %mul3A_105 = arith.muli %arg1, %mul3A_104 : i32
    "tpu.region"() ({
      %run_scoped3A = tpu.sem_alloc : memref<!tpu.dma_semaphore, #tpu.memory_space<semaphore_mem>>
      %dma_start3A_106 = arith.constant 0 : i32
      %dma_start3A_107 = arith.constant 0 : i32
      %dma_start3A_108 = tpu.memref_slice %arg5[%arg0, %dma_start3A_106, %dma_start3A_107] : memref<2x10240x128xf32, #tpu.memory_space<hbm>> -> memref<1x10240x128xf32, #tpu.memory_space<hbm>>
      %dma_start3A_109 = tpu.memref_squeeze %dma_start3A_108 : memref<1x10240x128xf32, #tpu.memory_space<hbm>> -> memref<10240x128xf32, #tpu.memory_space<hbm>>
      %dma_start3A_110 = arith.constant 0 : i32
      %dma_start3A_111 = tpu.memref_slice %dma_start3A_109[%mul3A_105, %dma_start3A_110] : memref<10240x128xf32, #tpu.memory_space<hbm>> -> memref<640x128xf32, #tpu.memory_space<hbm>>
      %dma_start3A_112 = arith.constant 0 : i32
      %dma_start3A_113 = tpu.memref_slice %arg10[%mul3A_103, %dma_start3A_112] : memref<10240x128xf32, #tpu.memory_space<vmem_shared>> -> memref<640x128xf32, #tpu.memory_space<vmem_shared>>
      tpu.enqueue_dma source(%dma_start3A_113 : memref<640x128xf32, #tpu.memory_space<vmem_shared>>) target(%dma_start3A_111 : memref<640x128xf32, #tpu.memory_space<hbm>>) target_semaphore(%run_scoped3A : memref<!tpu.dma_semaphore, #tpu.memory_space<semaphore_mem>>)
      %dma_wait3A_114 = arith.constant 0 : i32
      %dma_wait3A_115 = arith.constant 0 : i32
      %dma_wait3A_116 = tpu.memref_slice %arg5[%arg0, %dma_wait3A_114, %dma_wait3A_115] : memref<2x10240x128xf32, #tpu.memory_space<hbm>> -> memref<1x10240x128xf32, #tpu.memory_space<hbm>>
      %dma_wait3A_117 = tpu.memref_squeeze %dma_wait3A_116 : memref<1x10240x128xf32, #tpu.memory_space<hbm>> -> memref<10240x128xf32, #tpu.memory_space<hbm>>
      %dma_wait3A_118 = arith.constant 0 : i32
      %dma_wait3A_119 = tpu.memref_slice %dma_wait3A_117[%mul3A_105, %dma_wait3A_118] : memref<10240x128xf32, #tpu.memory_space<hbm>> -> memref<640x128xf32, #tpu.memory_space<hbm>>
      %dma_wait3A_120 = arith.constant 0 : i32
      %dma_wait3A_121 = tpu.memref_slice %arg10[%mul3A_103, %dma_wait3A_120] : memref<10240x128xf32, #tpu.memory_space<vmem_shared>> -> memref<640x128xf32, #tpu.memory_space<vmem_shared>>
      tpu.wait_dma2 semaphore(%run_scoped3A : memref<!tpu.dma_semaphore, #tpu.memory_space<semaphore_mem>>) src(%dma_wait3A_121 : memref<640x128xf32, #tpu.memory_space<vmem_shared>>) dst(%dma_wait3A_119 : memref<640x128xf32, #tpu.memory_space<hbm>>)
      tpu.yield
    }) : () -> ()
    return
  }
}

#map = affine_map<(d0, d1) -> (0, 0, 0)>
#map1 = affine_map<(d0, d1) -> (0, 0, 0, 0)>
#map2 = affine_map<(d0, d1) -> (0, 0)>
module attributes {stable_mosaic.version = 14 : i64} {
  func.func @k(%arg0: i32, %arg1: i32, %arg2: memref<2x10240x128xf32, #tpu.memory_space<hbm>>, %arg3: memref<16x160x2x128xi32, #tpu.memory_space<hbm>>, %arg4: memref<640x128xf32, #tpu.memory_space<hbm>>, %arg5: memref<2x10240x128xf32, #tpu.memory_space<hbm>>, %arg6: memref<2x128xi32, #tpu.memory_space<vmem>>, %arg7: memref<2x128xi32, #tpu.memory_space<vmem>>, %arg8: memref<128x128xf32, #tpu.memory_space<vmem>>, %arg9: memref<128x128xf32, #tpu.memory_space<vmem>>, %arg10: memref<10240x128xf32, #tpu.memory_space<vmem_shared>>, %arg11: memref<!tpu.dma_semaphore, #tpu.memory_space<semaphore_mem>>, %arg12: memref<!tpu.dma_semaphore, #tpu.memory_space<semaphore_mem>>, %arg13: memref<!tpu.dma_semaphore, #tpu.memory_space<semaphore_mem>>, %arg14: memref<!tpu.dma_semaphore, #tpu.memory_space<semaphore_mem>>) attributes {dimension_semantics = [#tpu.dimension_semantics<core_parallel>, #tpu.dimension_semantics<subcore_parallel>], iteration_bounds = array<i64: 2, 16>, scalar_prefetch = 0 : i64, scratch_operands = 9 : i64, tpu.core_type = #tpu.core_type<sc_vector_subcore>, window_params = [{transform_indices = #map}, {transform_indices = #map1}, {transform_indices = #map2}, {transform_indices = #map}]} {
    %mul3A = arith.constant 640 : i32
    %mul3A_0 = arith.muli %arg1, %mul3A : i32
    "tpu.region"() ({
      %run_scoped3A = tpu.sem_alloc : memref<!tpu.dma_semaphore, #tpu.memory_space<semaphore_mem>>
      %dma_start3A_106 = arith.constant 0 : i32
      %dma_start3A_107 = tpu.memref_slice %arg10[%mul3A_0, %dma_start3A_106] : memref<10240x128xf32, #tpu.memory_space<vmem_shared>> -> memref<640x128xf32, #tpu.memory_space<vmem_shared>>
      tpu.enqueue_dma source(%arg4 : memref<640x128xf32, #tpu.memory_space<hbm>>) target(%dma_start3A_107 : memref<640x128xf32, #tpu.memory_space<vmem_shared>>) target_semaphore(%run_scoped3A : memref<!tpu.dma_semaphore, #tpu.memory_space<semaphore_mem>>)
      %dma_wait3A_108 = arith.constant 0 : i32
      %dma_wait3A_109 = tpu.memref_slice %arg10[%mul3A_0, %dma_wait3A_108] : memref<10240x128xf32, #tpu.memory_space<vmem_shared>> -> memref<640x128xf32, #tpu.memory_space<vmem_shared>>
      tpu.wait_dma2 semaphore(%run_scoped3A : memref<!tpu.dma_semaphore, #tpu.memory_space<semaphore_mem>>) src(%arg4 : memref<640x128xf32, #tpu.memory_space<hbm>>) dst(%dma_wait3A_109 : memref<640x128xf32, #tpu.memory_space<vmem_shared>>)
      tpu.yield
    }) : () -> ()
    %barrier3A = arith.constant 0 : index
    tpu.barrier barrier_id(%barrier3A)
    %dma_start3A = arith.constant 0 : i32
    %dma_start3A_1 = arith.constant 0 : i32
    %dma_start3A_2 = arith.constant 0 : i32
    %dma_start3A_3 = arith.constant 0 : i32
    %dma_start3A_4 = tpu.memref_slice %arg3[%arg1, %dma_start3A_1, %dma_start3A_2, %dma_start3A_3] : memref<16x160x2x128xi32, #tpu.memory_space<hbm>> -> memref<1x160x2x128xi32, #tpu.memory_space<hbm>>
    %dma_start3A_5 = tpu.memref_squeeze %dma_start3A_4 : memref<1x160x2x128xi32, #tpu.memory_space<hbm>> -> memref<160x2x128xi32, #tpu.memory_space<hbm>>
    %dma_start3A_6 = arith.constant 0 : i32
    %dma_start3A_7 = arith.constant 0 : i32
    %dma_start3A_8 = tpu.memref_slice %dma_start3A_5[%dma_start3A, %dma_start3A_6, %dma_start3A_7] : memref<160x2x128xi32, #tpu.memory_space<hbm>> -> memref<1x2x128xi32, #tpu.memory_space<hbm>>
    %dma_start3A_9 = tpu.memref_squeeze %dma_start3A_8 : memref<1x2x128xi32, #tpu.memory_space<hbm>> -> memref<2x128xi32, #tpu.memory_space<hbm>>
    %dma_start3A_10 = arith.constant 0 : i32
    %dma_start3A_11 = arith.constant 0 : i32
    %dma_start3A_12 = arith.constant 0 : i32
    %dma_start3A_13 = tpu.memref_slice %arg3[%arg1, %dma_start3A_10, %dma_start3A_11, %dma_start3A_12] : memref<16x160x2x128xi32, #tpu.memory_space<hbm>> -> memref<1x160x2x128xi32, #tpu.memory_space<hbm>>
    %dma_start3A_14 = tpu.memref_squeeze %dma_start3A_13 : memref<1x160x2x128xi32, #tpu.memory_space<hbm>> -> memref<160x2x128xi32, #tpu.memory_space<hbm>>
    %dma_start3A_15 = arith.constant 0 : i32
    %dma_start3A_16 = arith.constant 0 : i32
    %dma_start3A_17 = tpu.memref_slice %dma_start3A_14[%dma_start3A, %dma_start3A_15, %dma_start3A_16] : memref<160x2x128xi32, #tpu.memory_space<hbm>> -> memref<1x2x128xi32, #tpu.memory_space<hbm>>
    %dma_start3A_18 = tpu.memref_squeeze %dma_start3A_17 : memref<1x2x128xi32, #tpu.memory_space<hbm>> -> memref<2x128xi32, #tpu.memory_space<hbm>>
    tpu.enqueue_dma source(%dma_start3A_18 : memref<2x128xi32, #tpu.memory_space<hbm>>) target(%arg6 : memref<2x128xi32, #tpu.memory_space<vmem>>) target_semaphore(%arg11 : memref<!tpu.dma_semaphore, #tpu.memory_space<semaphore_mem>>)
    %dma_start3A_19 = arith.constant 1 : i32
    %dma_start3A_20 = arith.constant 0 : i32
    %dma_start3A_21 = arith.constant 0 : i32
    %dma_start3A_22 = arith.constant 0 : i32
    %dma_start3A_23 = tpu.memref_slice %arg3[%arg1, %dma_start3A_20, %dma_start3A_21, %dma_start3A_22] : memref<16x160x2x128xi32, #tpu.memory_space<hbm>> -> memref<1x160x2x128xi32, #tpu.memory_space<hbm>>
    %dma_start3A_24 = tpu.memref_squeeze %dma_start3A_23 : memref<1x160x2x128xi32, #tpu.memory_space<hbm>> -> memref<160x2x128xi32, #tpu.memory_space<hbm>>
    %dma_start3A_25 = arith.constant 0 : i32
    %dma_start3A_26 = arith.constant 0 : i32
    %dma_start3A_27 = tpu.memref_slice %dma_start3A_24[%dma_start3A_19, %dma_start3A_25, %dma_start3A_26] : memref<160x2x128xi32, #tpu.memory_space<hbm>> -> memref<1x2x128xi32, #tpu.memory_space<hbm>>
    %dma_start3A_28 = tpu.memref_squeeze %dma_start3A_27 : memref<1x2x128xi32, #tpu.memory_space<hbm>> -> memref<2x128xi32, #tpu.memory_space<hbm>>
    %dma_start3A_29 = arith.constant 0 : i32
    %dma_start3A_30 = arith.constant 0 : i32
    %dma_start3A_31 = arith.constant 0 : i32
    %dma_start3A_32 = tpu.memref_slice %arg3[%arg1, %dma_start3A_29, %dma_start3A_30, %dma_start3A_31] : memref<16x160x2x128xi32, #tpu.memory_space<hbm>> -> memref<1x160x2x128xi32, #tpu.memory_space<hbm>>
    %dma_start3A_33 = tpu.memref_squeeze %dma_start3A_32 : memref<1x160x2x128xi32, #tpu.memory_space<hbm>> -> memref<160x2x128xi32, #tpu.memory_space<hbm>>
    %dma_start3A_34 = arith.constant 0 : i32
    %dma_start3A_35 = arith.constant 0 : i32
    %dma_start3A_36 = tpu.memref_slice %dma_start3A_33[%dma_start3A_19, %dma_start3A_34, %dma_start3A_35] : memref<160x2x128xi32, #tpu.memory_space<hbm>> -> memref<1x2x128xi32, #tpu.memory_space<hbm>>
    %dma_start3A_37 = tpu.memref_squeeze %dma_start3A_36 : memref<1x2x128xi32, #tpu.memory_space<hbm>> -> memref<2x128xi32, #tpu.memory_space<hbm>>
    tpu.enqueue_dma source(%dma_start3A_37 : memref<2x128xi32, #tpu.memory_space<hbm>>) target(%arg7 : memref<2x128xi32, #tpu.memory_space<vmem>>) target_semaphore(%arg12 : memref<!tpu.dma_semaphore, #tpu.memory_space<semaphore_mem>>)
    %dma_wait3A = arith.constant 0 : i32
    %dma_wait3A_38 = arith.constant 0 : i32
    %dma_wait3A_39 = arith.constant 0 : i32
    %dma_wait3A_40 = arith.constant 0 : i32
    %dma_wait3A_41 = tpu.memref_slice %arg3[%arg1, %dma_wait3A_38, %dma_wait3A_39, %dma_wait3A_40] : memref<16x160x2x128xi32, #tpu.memory_space<hbm>> -> memref<1x160x2x128xi32, #tpu.memory_space<hbm>>
    %dma_wait3A_42 = tpu.memref_squeeze %dma_wait3A_41 : memref<1x160x2x128xi32, #tpu.memory_space<hbm>> -> memref<160x2x128xi32, #tpu.memory_space<hbm>>
    %dma_wait3A_43 = arith.constant 0 : i32
    %dma_wait3A_44 = arith.constant 0 : i32
    %dma_wait3A_45 = tpu.memref_slice %dma_wait3A_42[%dma_wait3A, %dma_wait3A_43, %dma_wait3A_44] : memref<160x2x128xi32, #tpu.memory_space<hbm>> -> memref<1x2x128xi32, #tpu.memory_space<hbm>>
    %dma_wait3A_46 = tpu.memref_squeeze %dma_wait3A_45 : memref<1x2x128xi32, #tpu.memory_space<hbm>> -> memref<2x128xi32, #tpu.memory_space<hbm>>
    %dma_wait3A_47 = arith.constant 0 : i32
    %dma_wait3A_48 = arith.constant 0 : i32
    %dma_wait3A_49 = arith.constant 0 : i32
    %dma_wait3A_50 = tpu.memref_slice %arg3[%arg1, %dma_wait3A_47, %dma_wait3A_48, %dma_wait3A_49] : memref<16x160x2x128xi32, #tpu.memory_space<hbm>> -> memref<1x160x2x128xi32, #tpu.memory_space<hbm>>
    %dma_wait3A_51 = tpu.memref_squeeze %dma_wait3A_50 : memref<1x160x2x128xi32, #tpu.memory_space<hbm>> -> memref<160x2x128xi32, #tpu.memory_space<hbm>>
    %dma_wait3A_52 = arith.constant 0 : i32
    %dma_wait3A_53 = arith.constant 0 : i32
    %dma_wait3A_54 = tpu.memref_slice %dma_wait3A_51[%dma_wait3A, %dma_wait3A_52, %dma_wait3A_53] : memref<160x2x128xi32, #tpu.memory_space<hbm>> -> memref<1x2x128xi32, #tpu.memory_space<hbm>>
    %dma_wait3A_55 = tpu.memref_squeeze %dma_wait3A_54 : memref<1x2x128xi32, #tpu.memory_space<hbm>> -> memref<2x128xi32, #tpu.memory_space<hbm>>
    tpu.wait_dma2 semaphore(%arg11 : memref<!tpu.dma_semaphore, #tpu.memory_space<semaphore_mem>>) src(%dma_wait3A_55 : memref<2x128xi32, #tpu.memory_space<hbm>>) dst(%arg6 : memref<2x128xi32, #tpu.memory_space<vmem>>)
    %dma_start3A_56 = arith.constant 0 : i32
    %dma_start3A_57 = arith.constant 0 : i32
    %dma_start3A_58 = tpu.memref_slice %arg6[%dma_start3A_56, %dma_start3A_57] : memref<2x128xi32, #tpu.memory_space<vmem>> -> memref<1x128xi32, #tpu.memory_space<vmem>>
    %dma_start3A_59 = tpu.memref_squeeze %dma_start3A_58 : memref<1x128xi32, #tpu.memory_space<vmem>> -> memref<128xi32, #tpu.memory_space<vmem>>
    %dma_start3A_60 = arith.constant 0 : i32
    %dma_start3A_61 = arith.constant 0 : i32
    %dma_start3A_62 = tpu.memref_slice %arg2[%arg0, %dma_start3A_60, %dma_start3A_61] : memref<2x10240x128xf32, #tpu.memory_space<hbm>> -> memref<1x10240x128xf32, #tpu.memory_space<hbm>>
    %dma_start3A_63 = tpu.memref_squeeze %dma_start3A_62 : memref<1x10240x128xf32, #tpu.memory_space<hbm>> -> memref<10240x128xf32, #tpu.memory_space<hbm>>
    %dma_start3A_64 = arith.constant 0 : i32
    %dma_start3A_65 = arith.constant 0 : i32
    %dma_start3A_66 = tpu.memref_slice %dma_start3A_63[%dma_start3A_64, %dma_start3A_65] : memref<10240x128xf32, #tpu.memory_space<hbm>> -> memref<10240x128xf32, #tpu.memory_space<hbm>>
    tpu.enqueue_indirect_dma source(%dma_start3A_66 : memref<10240x128xf32, #tpu.memory_space<hbm>>) target(%arg8 : memref<128x128xf32, #tpu.memory_space<vmem>>) offsets(%dma_start3A_59 : memref<128xi32, #tpu.memory_space<vmem>>) semaphore(%arg13 : memref<!tpu.dma_semaphore, #tpu.memory_space<semaphore_mem>>)
    %dma_wait3A_67 = arith.constant 1 : i32
    %dma_wait3A_68 = arith.constant 0 : i32
    %dma_wait3A_69 = arith.constant 0 : i32
    %dma_wait3A_70 = arith.constant 0 : i32
    %dma_wait3A_71 = tpu.memref_slice %arg3[%arg1, %dma_wait3A_68, %dma_wait3A_69, %dma_wait3A_70] : memref<16x160x2x128xi32, #tpu.memory_space<hbm>> -> memref<1x160x2x128xi32, #tpu.memory_space<hbm>>
    %dma_wait3A_72 = tpu.memref_squeeze %dma_wait3A_71 : memref<1x160x2x128xi32, #tpu.memory_space<hbm>> -> memref<160x2x128xi32, #tpu.memory_space<hbm>>
    %dma_wait3A_73 = arith.constant 0 : i32
    %dma_wait3A_74 = arith.constant 0 : i32
    %dma_wait3A_75 = tpu.memref_slice %dma_wait3A_72[%dma_wait3A_67, %dma_wait3A_73, %dma_wait3A_74] : memref<160x2x128xi32, #tpu.memory_space<hbm>> -> memref<1x2x128xi32, #tpu.memory_space<hbm>>
    %dma_wait3A_76 = tpu.memref_squeeze %dma_wait3A_75 : memref<1x2x128xi32, #tpu.memory_space<hbm>> -> memref<2x128xi32, #tpu.memory_space<hbm>>
    %dma_wait3A_77 = arith.constant 0 : i32
    %dma_wait3A_78 = arith.constant 0 : i32
    %dma_wait3A_79 = arith.constant 0 : i32
    %dma_wait3A_80 = tpu.memref_slice %arg3[%arg1, %dma_wait3A_77, %dma_wait3A_78, %dma_wait3A_79] : memref<16x160x2x128xi32, #tpu.memory_space<hbm>> -> memref<1x160x2x128xi32, #tpu.memory_space<hbm>>
    %dma_wait3A_81 = tpu.memref_squeeze %dma_wait3A_80 : memref<1x160x2x128xi32, #tpu.memory_space<hbm>> -> memref<160x2x128xi32, #tpu.memory_space<hbm>>
    %dma_wait3A_82 = arith.constant 0 : i32
    %dma_wait3A_83 = arith.constant 0 : i32
    %dma_wait3A_84 = tpu.memref_slice %dma_wait3A_81[%dma_wait3A_67, %dma_wait3A_82, %dma_wait3A_83] : memref<160x2x128xi32, #tpu.memory_space<hbm>> -> memref<1x2x128xi32, #tpu.memory_space<hbm>>
    %dma_wait3A_85 = tpu.memref_squeeze %dma_wait3A_84 : memref<1x2x128xi32, #tpu.memory_space<hbm>> -> memref<2x128xi32, #tpu.memory_space<hbm>>
    tpu.wait_dma2 semaphore(%arg12 : memref<!tpu.dma_semaphore, #tpu.memory_space<semaphore_mem>>) src(%dma_wait3A_85 : memref<2x128xi32, #tpu.memory_space<hbm>>) dst(%arg7 : memref<2x128xi32, #tpu.memory_space<vmem>>)
    %dma_start3A_86 = arith.constant 0 : i32
    %dma_start3A_87 = arith.constant 0 : i32
    %dma_start3A_88 = tpu.memref_slice %arg7[%dma_start3A_86, %dma_start3A_87] : memref<2x128xi32, #tpu.memory_space<vmem>> -> memref<1x128xi32, #tpu.memory_space<vmem>>
    %dma_start3A_89 = tpu.memref_squeeze %dma_start3A_88 : memref<1x128xi32, #tpu.memory_space<vmem>> -> memref<128xi32, #tpu.memory_space<vmem>>
    %dma_start3A_90 = arith.constant 0 : i32
    %dma_start3A_91 = arith.constant 0 : i32
    %dma_start3A_92 = tpu.memref_slice %arg2[%arg0, %dma_start3A_90, %dma_start3A_91] : memref<2x10240x128xf32, #tpu.memory_space<hbm>> -> memref<1x10240x128xf32, #tpu.memory_space<hbm>>
    %dma_start3A_93 = tpu.memref_squeeze %dma_start3A_92 : memref<1x10240x128xf32, #tpu.memory_space<hbm>> -> memref<10240x128xf32, #tpu.memory_space<hbm>>
    %dma_start3A_94 = arith.constant 0 : i32
    %dma_start3A_95 = arith.constant 0 : i32
    %dma_start3A_96 = tpu.memref_slice %dma_start3A_93[%dma_start3A_94, %dma_start3A_95] : memref<10240x128xf32, #tpu.memory_space<hbm>> -> memref<10240x128xf32, #tpu.memory_space<hbm>>
    tpu.enqueue_indirect_dma source(%dma_start3A_96 : memref<10240x128xf32, #tpu.memory_space<hbm>>) target(%arg9 : memref<128x128xf32, #tpu.memory_space<vmem>>) offsets(%dma_start3A_89 : memref<128xi32, #tpu.memory_space<vmem>>) semaphore(%arg14 : memref<!tpu.dma_semaphore, #tpu.memory_space<semaphore_mem>>)
    %scan3A = arith.constant 0 : i32
    %scan3A_97 = arith.constant 80 : i32
    %scan3A_98 = arith.addi %scan3A, %scan3A_97 : i32
    %scan3A_99 = arith.constant 1 : i32
    scf.for %scan3A_106 = %scan3A to %scan3A_98 step %scan3A_99  : i32 {
      %mul3A_107 = arith.constant 1 : i32
      %mul3A_108 = arith.muli %scan3A_106, %mul3A_107 : i32
      %add3A = arith.constant 0 : i32
      %add3A_109 = arith.addi %add3A, %mul3A_108 : i32
      %mul3A_110 = arith.constant 2 : i32
      %mul3A_111 = arith.muli %mul3A_110, %add3A_109 : i32
      %add3A_112 = arith.constant 0 : i32
      %add3A_113 = arith.addi %add3A_112, %mul3A_111 : i32
      %add3A_114 = arith.constant 1 : i32
      %add3A_115 = arith.addi %add3A_113, %add3A_114 : i32
      %dma_wait3A_116 = arith.constant 0 : i32
      %dma_wait3A_117 = arith.constant 0 : i32
      %dma_wait3A_118 = tpu.memref_slice %arg6[%dma_wait3A_116, %dma_wait3A_117] : memref<2x128xi32, #tpu.memory_space<vmem>> -> memref<1x128xi32, #tpu.memory_space<vmem>>
      %dma_wait3A_119 = tpu.memref_squeeze %dma_wait3A_118 : memref<1x128xi32, #tpu.memory_space<vmem>> -> memref<128xi32, #tpu.memory_space<vmem>>
      %dma_wait3A_120 = arith.constant 0 : i32
      %dma_wait3A_121 = arith.constant 0 : i32
      %dma_wait3A_122 = tpu.memref_slice %arg2[%arg0, %dma_wait3A_120, %dma_wait3A_121] : memref<2x10240x128xf32, #tpu.memory_space<hbm>> -> memref<1x10240x128xf32, #tpu.memory_space<hbm>>
      %dma_wait3A_123 = tpu.memref_squeeze %dma_wait3A_122 : memref<1x10240x128xf32, #tpu.memory_space<hbm>> -> memref<10240x128xf32, #tpu.memory_space<hbm>>
      %dma_wait3A_124 = arith.constant 0 : i32
      %dma_wait3A_125 = arith.constant 0 : i32
      %dma_wait3A_126 = tpu.memref_slice %dma_wait3A_123[%dma_wait3A_124, %dma_wait3A_125] : memref<10240x128xf32, #tpu.memory_space<hbm>> -> memref<10240x128xf32, #tpu.memory_space<hbm>>
      tpu.wait_indirect_dma semaphore(%arg13 : memref<!tpu.dma_semaphore, #tpu.memory_space<semaphore_mem>>) src(%dma_wait3A_126 : memref<10240x128xf32, #tpu.memory_space<hbm>>) dst(%arg8 : memref<128x128xf32, #tpu.memory_space<vmem>>)
      %run_scoped3A = arith.constant 1 : i32
      "tpu.region"() ({
        %run_scoped3A_164 = tpu.sem_alloc : memref<!tpu.dma_semaphore, #tpu.memory_space<semaphore_mem>>
        %dma_start3A_165 = arith.constant 0 : i32
        %dma_start3A_166 = tpu.memref_slice %arg6[%run_scoped3A, %dma_start3A_165] : memref<2x128xi32, #tpu.memory_space<vmem>> -> memref<1x128xi32, #tpu.memory_space<vmem>>
        %dma_start3A_167 = tpu.memref_squeeze %dma_start3A_166 : memref<1x128xi32, #tpu.memory_space<vmem>> -> memref<128xi32, #tpu.memory_space<vmem>>
        %dma_start3A_168 = arith.constant 0 : i32
        %dma_start3A_169 = arith.constant 0 : i32
        %dma_start3A_170 = tpu.memref_slice %arg10[%dma_start3A_168, %dma_start3A_169] : memref<10240x128xf32, #tpu.memory_space<vmem_shared>> -> memref<10240x128xf32, #tpu.memory_space<vmem_shared>>
        tpu.enqueue_indirect_dma source(%arg8 : memref<128x128xf32, #tpu.memory_space<vmem>>) target(%dma_start3A_170 : memref<10240x128xf32, #tpu.memory_space<vmem_shared>>) offsets(%dma_start3A_167 : memref<128xi32, #tpu.memory_space<vmem>>) semaphore(%run_scoped3A_164 : memref<!tpu.dma_semaphore, #tpu.memory_space<semaphore_mem>>) {add = true}
        %dma_wait3A_171 = arith.constant 0 : i32
        %dma_wait3A_172 = tpu.memref_slice %arg6[%run_scoped3A, %dma_wait3A_171] : memref<2x128xi32, #tpu.memory_space<vmem>> -> memref<1x128xi32, #tpu.memory_space<vmem>>
        %dma_wait3A_173 = tpu.memref_squeeze %dma_wait3A_172 : memref<1x128xi32, #tpu.memory_space<vmem>> -> memref<128xi32, #tpu.memory_space<vmem>>
        %dma_wait3A_174 = arith.constant 0 : i32
        %dma_wait3A_175 = arith.constant 0 : i32
        %dma_wait3A_176 = tpu.memref_slice %arg10[%dma_wait3A_174, %dma_wait3A_175] : memref<10240x128xf32, #tpu.memory_space<vmem_shared>> -> memref<10240x128xf32, #tpu.memory_space<vmem_shared>>
        tpu.wait_indirect_dma semaphore(%run_scoped3A_164 : memref<!tpu.dma_semaphore, #tpu.memory_space<semaphore_mem>>) src(%arg8 : memref<128x128xf32, #tpu.memory_space<vmem>>) dst(%dma_wait3A_176 : memref<10240x128xf32, #tpu.memory_space<vmem_shared>>)
        tpu.yield
      }) : () -> ()
      %add3A_127 = arith.constant 2 : i32
      %add3A_128 = arith.addi %add3A_113, %add3A_127 : i32
      %lt3A = arith.constant 160 : i32
      %lt3A_129 = arith.cmpi slt, %add3A_128, %lt3A : i32
      %convert_element_type3A = arith.extui %lt3A_129 : i1 to i32
      %cond3A = arith.constant 0 : i32
      %cond3A_130 = arith.cmpi ne, %convert_element_type3A, %cond3A : i32
      scf.if %cond3A_130 {
        %add3A_164 = arith.constant 2 : i32
        %add3A_165 = arith.addi %add3A_113, %add3A_164 : i32
        %dma_start3A_166 = arith.constant 0 : i32
        %dma_start3A_167 = arith.constant 0 : i32
        %dma_start3A_168 = arith.constant 0 : i32
        %dma_start3A_169 = tpu.memref_slice %arg3[%arg1, %dma_start3A_166, %dma_start3A_167, %dma_start3A_168] : memref<16x160x2x128xi32, #tpu.memory_space<hbm>> -> memref<1x160x2x128xi32, #tpu.memory_space<hbm>>
        %dma_start3A_170 = tpu.memref_squeeze %dma_start3A_169 : memref<1x160x2x128xi32, #tpu.memory_space<hbm>> -> memref<160x2x128xi32, #tpu.memory_space<hbm>>
        %dma_start3A_171 = arith.constant 0 : i32
        %dma_start3A_172 = arith.constant 0 : i32
        %dma_start3A_173 = tpu.memref_slice %dma_start3A_170[%add3A_165, %dma_start3A_171, %dma_start3A_172] : memref<160x2x128xi32, #tpu.memory_space<hbm>> -> memref<1x2x128xi32, #tpu.memory_space<hbm>>
        %dma_start3A_174 = tpu.memref_squeeze %dma_start3A_173 : memref<1x2x128xi32, #tpu.memory_space<hbm>> -> memref<2x128xi32, #tpu.memory_space<hbm>>
        %dma_start3A_175 = arith.constant 0 : i32
        %dma_start3A_176 = arith.constant 0 : i32
        %dma_start3A_177 = arith.constant 0 : i32
        %dma_start3A_178 = tpu.memref_slice %arg3[%arg1, %dma_start3A_175, %dma_start3A_176, %dma_start3A_177] : memref<16x160x2x128xi32, #tpu.memory_space<hbm>> -> memref<1x160x2x128xi32, #tpu.memory_space<hbm>>
        %dma_start3A_179 = tpu.memref_squeeze %dma_start3A_178 : memref<1x160x2x128xi32, #tpu.memory_space<hbm>> -> memref<160x2x128xi32, #tpu.memory_space<hbm>>
        %dma_start3A_180 = arith.constant 0 : i32
        %dma_start3A_181 = arith.constant 0 : i32
        %dma_start3A_182 = tpu.memref_slice %dma_start3A_179[%add3A_165, %dma_start3A_180, %dma_start3A_181] : memref<160x2x128xi32, #tpu.memory_space<hbm>> -> memref<1x2x128xi32, #tpu.memory_space<hbm>>
        %dma_start3A_183 = tpu.memref_squeeze %dma_start3A_182 : memref<1x2x128xi32, #tpu.memory_space<hbm>> -> memref<2x128xi32, #tpu.memory_space<hbm>>
        tpu.enqueue_dma source(%dma_start3A_183 : memref<2x128xi32, #tpu.memory_space<hbm>>) target(%arg6 : memref<2x128xi32, #tpu.memory_space<vmem>>) target_semaphore(%arg11 : memref<!tpu.dma_semaphore, #tpu.memory_space<semaphore_mem>>)
      } else {
      }
      %dma_wait3A_131 = arith.constant 0 : i32
      %dma_wait3A_132 = arith.constant 0 : i32
      %dma_wait3A_133 = tpu.memref_slice %arg7[%dma_wait3A_131, %dma_wait3A_132] : memref<2x128xi32, #tpu.memory_space<vmem>> -> memref<1x128xi32, #tpu.memory_space<vmem>>
      %dma_wait3A_134 = tpu.memref_squeeze %dma_wait3A_133 : memref<1x128xi32, #tpu.memory_space<vmem>> -> memref<128xi32, #tpu.memory_space<vmem>>
      %dma_wait3A_135 = arith.constant 0 : i32
      %dma_wait3A_136 = arith.constant 0 : i32
      %dma_wait3A_137 = tpu.memref_slice %arg2[%arg0, %dma_wait3A_135, %dma_wait3A_136] : memref<2x10240x128xf32, #tpu.memory_space<hbm>> -> memref<1x10240x128xf32, #tpu.memory_space<hbm>>
      %dma_wait3A_138 = tpu.memref_squeeze %dma_wait3A_137 : memref<1x10240x128xf32, #tpu.memory_space<hbm>> -> memref<10240x128xf32, #tpu.memory_space<hbm>>
      %dma_wait3A_139 = arith.constant 0 : i32
      %dma_wait3A_140 = arith.constant 0 : i32
      %dma_wait3A_141 = tpu.memref_slice %dma_wait3A_138[%dma_wait3A_139, %dma_wait3A_140] : memref<10240x128xf32, #tpu.memory_space<hbm>> -> memref<10240x128xf32, #tpu.memory_space<hbm>>
      tpu.wait_indirect_dma semaphore(%arg14 : memref<!tpu.dma_semaphore, #tpu.memory_space<semaphore_mem>>) src(%dma_wait3A_141 : memref<10240x128xf32, #tpu.memory_space<hbm>>) dst(%arg9 : memref<128x128xf32, #tpu.memory_space<vmem>>)
      %run_scoped3A_142 = arith.constant 1 : i32
      "tpu.region"() ({
        %run_scoped3A_164 = tpu.sem_alloc : memref<!tpu.dma_semaphore, #tpu.memory_space<semaphore_mem>>
        %dma_start3A_165 = arith.constant 0 : i32
        %dma_start3A_166 = tpu.memref_slice %arg7[%run_scoped3A_142, %dma_start3A_165] : memref<2x128xi32, #tpu.memory_space<vmem>> -> memref<1x128xi32, #tpu.memory_space<vmem>>
        %dma_start3A_167 = tpu.memref_squeeze %dma_start3A_166 : memref<1x128xi32, #tpu.memory_space<vmem>> -> memref<128xi32, #tpu.memory_space<vmem>>
        %dma_start3A_168 = arith.constant 0 : i32
        %dma_start3A_169 = arith.constant 0 : i32
        %dma_start3A_170 = tpu.memref_slice %arg10[%dma_start3A_168, %dma_start3A_169] : memref<10240x128xf32, #tpu.memory_space<vmem_shared>> -> memref<10240x128xf32, #tpu.memory_space<vmem_shared>>
        tpu.enqueue_indirect_dma source(%arg9 : memref<128x128xf32, #tpu.memory_space<vmem>>) target(%dma_start3A_170 : memref<10240x128xf32, #tpu.memory_space<vmem_shared>>) offsets(%dma_start3A_167 : memref<128xi32, #tpu.memory_space<vmem>>) semaphore(%run_scoped3A_164 : memref<!tpu.dma_semaphore, #tpu.memory_space<semaphore_mem>>) {add = true}
        %dma_wait3A_171 = arith.constant 0 : i32
        %dma_wait3A_172 = tpu.memref_slice %arg7[%run_scoped3A_142, %dma_wait3A_171] : memref<2x128xi32, #tpu.memory_space<vmem>> -> memref<1x128xi32, #tpu.memory_space<vmem>>
        %dma_wait3A_173 = tpu.memref_squeeze %dma_wait3A_172 : memref<1x128xi32, #tpu.memory_space<vmem>> -> memref<128xi32, #tpu.memory_space<vmem>>
        %dma_wait3A_174 = arith.constant 0 : i32
        %dma_wait3A_175 = arith.constant 0 : i32
        %dma_wait3A_176 = tpu.memref_slice %arg10[%dma_wait3A_174, %dma_wait3A_175] : memref<10240x128xf32, #tpu.memory_space<vmem_shared>> -> memref<10240x128xf32, #tpu.memory_space<vmem_shared>>
        tpu.wait_indirect_dma semaphore(%run_scoped3A_164 : memref<!tpu.dma_semaphore, #tpu.memory_space<semaphore_mem>>) src(%arg9 : memref<128x128xf32, #tpu.memory_space<vmem>>) dst(%dma_wait3A_176 : memref<10240x128xf32, #tpu.memory_space<vmem_shared>>)
        tpu.yield
      }) : () -> ()
      %add3A_143 = arith.constant 2 : i32
      %add3A_144 = arith.addi %add3A_115, %add3A_143 : i32
      %lt3A_145 = arith.constant 160 : i32
      %lt3A_146 = arith.cmpi slt, %add3A_144, %lt3A_145 : i32
      %convert_element_type3A_147 = arith.extui %lt3A_146 : i1 to i32
      %cond3A_148 = arith.constant 0 : i32
      %cond3A_149 = arith.cmpi ne, %convert_element_type3A_147, %cond3A_148 : i32
      scf.if %cond3A_149 {
        %add3A_164 = arith.constant 2 : i32
        %add3A_165 = arith.addi %add3A_115, %add3A_164 : i32
        %dma_start3A_166 = arith.constant 0 : i32
        %dma_start3A_167 = arith.constant 0 : i32
        %dma_start3A_168 = arith.constant 0 : i32
        %dma_start3A_169 = tpu.memref_slice %arg3[%arg1, %dma_start3A_166, %dma_start3A_167, %dma_start3A_168] : memref<16x160x2x128xi32, #tpu.memory_space<hbm>> -> memref<1x160x2x128xi32, #tpu.memory_space<hbm>>
        %dma_start3A_170 = tpu.memref_squeeze %dma_start3A_169 : memref<1x160x2x128xi32, #tpu.memory_space<hbm>> -> memref<160x2x128xi32, #tpu.memory_space<hbm>>
        %dma_start3A_171 = arith.constant 0 : i32
        %dma_start3A_172 = arith.constant 0 : i32
        %dma_start3A_173 = tpu.memref_slice %dma_start3A_170[%add3A_165, %dma_start3A_171, %dma_start3A_172] : memref<160x2x128xi32, #tpu.memory_space<hbm>> -> memref<1x2x128xi32, #tpu.memory_space<hbm>>
        %dma_start3A_174 = tpu.memref_squeeze %dma_start3A_173 : memref<1x2x128xi32, #tpu.memory_space<hbm>> -> memref<2x128xi32, #tpu.memory_space<hbm>>
        %dma_start3A_175 = arith.constant 0 : i32
        %dma_start3A_176 = arith.constant 0 : i32
        %dma_start3A_177 = arith.constant 0 : i32
        %dma_start3A_178 = tpu.memref_slice %arg3[%arg1, %dma_start3A_175, %dma_start3A_176, %dma_start3A_177] : memref<16x160x2x128xi32, #tpu.memory_space<hbm>> -> memref<1x160x2x128xi32, #tpu.memory_space<hbm>>
        %dma_start3A_179 = tpu.memref_squeeze %dma_start3A_178 : memref<1x160x2x128xi32, #tpu.memory_space<hbm>> -> memref<160x2x128xi32, #tpu.memory_space<hbm>>
        %dma_start3A_180 = arith.constant 0 : i32
        %dma_start3A_181 = arith.constant 0 : i32
        %dma_start3A_182 = tpu.memref_slice %dma_start3A_179[%add3A_165, %dma_start3A_180, %dma_start3A_181] : memref<160x2x128xi32, #tpu.memory_space<hbm>> -> memref<1x2x128xi32, #tpu.memory_space<hbm>>
        %dma_start3A_183 = tpu.memref_squeeze %dma_start3A_182 : memref<1x2x128xi32, #tpu.memory_space<hbm>> -> memref<2x128xi32, #tpu.memory_space<hbm>>
        tpu.enqueue_dma source(%dma_start3A_183 : memref<2x128xi32, #tpu.memory_space<hbm>>) target(%arg7 : memref<2x128xi32, #tpu.memory_space<vmem>>) target_semaphore(%arg12 : memref<!tpu.dma_semaphore, #tpu.memory_space<semaphore_mem>>)
      } else {
      }
      %add3A_150 = arith.constant 2 : i32
      %add3A_151 = arith.addi %add3A_113, %add3A_150 : i32
      %lt3A_152 = arith.constant 160 : i32
      %lt3A_153 = arith.cmpi slt, %add3A_151, %lt3A_152 : i32
      %convert_element_type3A_154 = arith.extui %lt3A_153 : i1 to i32
      %cond3A_155 = arith.constant 0 : i32
      %cond3A_156 = arith.cmpi ne, %convert_element_type3A_154, %cond3A_155 : i32
      scf.if %cond3A_156 {
        %add3A_164 = arith.constant 2 : i32
        %add3A_165 = arith.addi %add3A_113, %add3A_164 : i32
        %dma_wait3A_166 = arith.constant 0 : i32
        %dma_wait3A_167 = arith.constant 0 : i32
        %dma_wait3A_168 = arith.constant 0 : i32
        %dma_wait3A_169 = tpu.memref_slice %arg3[%arg1, %dma_wait3A_166, %dma_wait3A_167, %dma_wait3A_168] : memref<16x160x2x128xi32, #tpu.memory_space<hbm>> -> memref<1x160x2x128xi32, #tpu.memory_space<hbm>>
        %dma_wait3A_170 = tpu.memref_squeeze %dma_wait3A_169 : memref<1x160x2x128xi32, #tpu.memory_space<hbm>> -> memref<160x2x128xi32, #tpu.memory_space<hbm>>
        %dma_wait3A_171 = arith.constant 0 : i32
        %dma_wait3A_172 = arith.constant 0 : i32
        %dma_wait3A_173 = tpu.memref_slice %dma_wait3A_170[%add3A_165, %dma_wait3A_171, %dma_wait3A_172] : memref<160x2x128xi32, #tpu.memory_space<hbm>> -> memref<1x2x128xi32, #tpu.memory_space<hbm>>
        %dma_wait3A_174 = tpu.memref_squeeze %dma_wait3A_173 : memref<1x2x128xi32, #tpu.memory_space<hbm>> -> memref<2x128xi32, #tpu.memory_space<hbm>>
        %dma_wait3A_175 = arith.constant 0 : i32
        %dma_wait3A_176 = arith.constant 0 : i32
        %dma_wait3A_177 = arith.constant 0 : i32
        %dma_wait3A_178 = tpu.memref_slice %arg3[%arg1, %dma_wait3A_175, %dma_wait3A_176, %dma_wait3A_177] : memref<16x160x2x128xi32, #tpu.memory_space<hbm>> -> memref<1x160x2x128xi32, #tpu.memory_space<hbm>>
        %dma_wait3A_179 = tpu.memref_squeeze %dma_wait3A_178 : memref<1x160x2x128xi32, #tpu.memory_space<hbm>> -> memref<160x2x128xi32, #tpu.memory_space<hbm>>
        %dma_wait3A_180 = arith.constant 0 : i32
        %dma_wait3A_181 = arith.constant 0 : i32
        %dma_wait3A_182 = tpu.memref_slice %dma_wait3A_179[%add3A_165, %dma_wait3A_180, %dma_wait3A_181] : memref<160x2x128xi32, #tpu.memory_space<hbm>> -> memref<1x2x128xi32, #tpu.memory_space<hbm>>
        %dma_wait3A_183 = tpu.memref_squeeze %dma_wait3A_182 : memref<1x2x128xi32, #tpu.memory_space<hbm>> -> memref<2x128xi32, #tpu.memory_space<hbm>>
        tpu.wait_dma2 semaphore(%arg11 : memref<!tpu.dma_semaphore, #tpu.memory_space<semaphore_mem>>) src(%dma_wait3A_183 : memref<2x128xi32, #tpu.memory_space<hbm>>) dst(%arg6 : memref<2x128xi32, #tpu.memory_space<vmem>>)
        %dma_start3A_184 = arith.constant 0 : i32
        %dma_start3A_185 = arith.constant 0 : i32
        %dma_start3A_186 = tpu.memref_slice %arg6[%dma_start3A_184, %dma_start3A_185] : memref<2x128xi32, #tpu.memory_space<vmem>> -> memref<1x128xi32, #tpu.memory_space<vmem>>
        %dma_start3A_187 = tpu.memref_squeeze %dma_start3A_186 : memref<1x128xi32, #tpu.memory_space<vmem>> -> memref<128xi32, #tpu.memory_space<vmem>>
        %dma_start3A_188 = arith.constant 0 : i32
        %dma_start3A_189 = arith.constant 0 : i32
        %dma_start3A_190 = tpu.memref_slice %arg2[%arg0, %dma_start3A_188, %dma_start3A_189] : memref<2x10240x128xf32, #tpu.memory_space<hbm>> -> memref<1x10240x128xf32, #tpu.memory_space<hbm>>
        %dma_start3A_191 = tpu.memref_squeeze %dma_start3A_190 : memref<1x10240x128xf32, #tpu.memory_space<hbm>> -> memref<10240x128xf32, #tpu.memory_space<hbm>>
        %dma_start3A_192 = arith.constant 0 : i32
        %dma_start3A_193 = arith.constant 0 : i32
        %dma_start3A_194 = tpu.memref_slice %dma_start3A_191[%dma_start3A_192, %dma_start3A_193] : memref<10240x128xf32, #tpu.memory_space<hbm>> -> memref<10240x128xf32, #tpu.memory_space<hbm>>
        tpu.enqueue_indirect_dma source(%dma_start3A_194 : memref<10240x128xf32, #tpu.memory_space<hbm>>) target(%arg8 : memref<128x128xf32, #tpu.memory_space<vmem>>) offsets(%dma_start3A_187 : memref<128xi32, #tpu.memory_space<vmem>>) semaphore(%arg13 : memref<!tpu.dma_semaphore, #tpu.memory_space<semaphore_mem>>)
      } else {
      }
      %add3A_157 = arith.constant 2 : i32
      %add3A_158 = arith.addi %add3A_115, %add3A_157 : i32
      %lt3A_159 = arith.constant 160 : i32
      %lt3A_160 = arith.cmpi slt, %add3A_158, %lt3A_159 : i32
      %convert_element_type3A_161 = arith.extui %lt3A_160 : i1 to i32
      %cond3A_162 = arith.constant 0 : i32
      %cond3A_163 = arith.cmpi ne, %convert_element_type3A_161, %cond3A_162 : i32
      scf.if %cond3A_163 {
        %add3A_164 = arith.constant 2 : i32
        %add3A_165 = arith.addi %add3A_115, %add3A_164 : i32
        %dma_wait3A_166 = arith.constant 0 : i32
        %dma_wait3A_167 = arith.constant 0 : i32
        %dma_wait3A_168 = arith.constant 0 : i32
        %dma_wait3A_169 = tpu.memref_slice %arg3[%arg1, %dma_wait3A_166, %dma_wait3A_167, %dma_wait3A_168] : memref<16x160x2x128xi32, #tpu.memory_space<hbm>> -> memref<1x160x2x128xi32, #tpu.memory_space<hbm>>
        %dma_wait3A_170 = tpu.memref_squeeze %dma_wait3A_169 : memref<1x160x2x128xi32, #tpu.memory_space<hbm>> -> memref<160x2x128xi32, #tpu.memory_space<hbm>>
        %dma_wait3A_171 = arith.constant 0 : i32
        %dma_wait3A_172 = arith.constant 0 : i32
        %dma_wait3A_173 = tpu.memref_slice %dma_wait3A_170[%add3A_165, %dma_wait3A_171, %dma_wait3A_172] : memref<160x2x128xi32, #tpu.memory_space<hbm>> -> memref<1x2x128xi32, #tpu.memory_space<hbm>>
        %dma_wait3A_174 = tpu.memref_squeeze %dma_wait3A_173 : memref<1x2x128xi32, #tpu.memory_space<hbm>> -> memref<2x128xi32, #tpu.memory_space<hbm>>
        %dma_wait3A_175 = arith.constant 0 : i32
        %dma_wait3A_176 = arith.constant 0 : i32
        %dma_wait3A_177 = arith.constant 0 : i32
        %dma_wait3A_178 = tpu.memref_slice %arg3[%arg1, %dma_wait3A_175, %dma_wait3A_176, %dma_wait3A_177] : memref<16x160x2x128xi32, #tpu.memory_space<hbm>> -> memref<1x160x2x128xi32, #tpu.memory_space<hbm>>
        %dma_wait3A_179 = tpu.memref_squeeze %dma_wait3A_178 : memref<1x160x2x128xi32, #tpu.memory_space<hbm>> -> memref<160x2x128xi32, #tpu.memory_space<hbm>>
        %dma_wait3A_180 = arith.constant 0 : i32
        %dma_wait3A_181 = arith.constant 0 : i32
        %dma_wait3A_182 = tpu.memref_slice %dma_wait3A_179[%add3A_165, %dma_wait3A_180, %dma_wait3A_181] : memref<160x2x128xi32, #tpu.memory_space<hbm>> -> memref<1x2x128xi32, #tpu.memory_space<hbm>>
        %dma_wait3A_183 = tpu.memref_squeeze %dma_wait3A_182 : memref<1x2x128xi32, #tpu.memory_space<hbm>> -> memref<2x128xi32, #tpu.memory_space<hbm>>
        tpu.wait_dma2 semaphore(%arg12 : memref<!tpu.dma_semaphore, #tpu.memory_space<semaphore_mem>>) src(%dma_wait3A_183 : memref<2x128xi32, #tpu.memory_space<hbm>>) dst(%arg7 : memref<2x128xi32, #tpu.memory_space<vmem>>)
        %dma_start3A_184 = arith.constant 0 : i32
        %dma_start3A_185 = arith.constant 0 : i32
        %dma_start3A_186 = tpu.memref_slice %arg7[%dma_start3A_184, %dma_start3A_185] : memref<2x128xi32, #tpu.memory_space<vmem>> -> memref<1x128xi32, #tpu.memory_space<vmem>>
        %dma_start3A_187 = tpu.memref_squeeze %dma_start3A_186 : memref<1x128xi32, #tpu.memory_space<vmem>> -> memref<128xi32, #tpu.memory_space<vmem>>
        %dma_start3A_188 = arith.constant 0 : i32
        %dma_start3A_189 = arith.constant 0 : i32
        %dma_start3A_190 = tpu.memref_slice %arg2[%arg0, %dma_start3A_188, %dma_start3A_189] : memref<2x10240x128xf32, #tpu.memory_space<hbm>> -> memref<1x10240x128xf32, #tpu.memory_space<hbm>>
        %dma_start3A_191 = tpu.memref_squeeze %dma_start3A_190 : memref<1x10240x128xf32, #tpu.memory_space<hbm>> -> memref<10240x128xf32, #tpu.memory_space<hbm>>
        %dma_start3A_192 = arith.constant 0 : i32
        %dma_start3A_193 = arith.constant 0 : i32
        %dma_start3A_194 = tpu.memref_slice %dma_start3A_191[%dma_start3A_192, %dma_start3A_193] : memref<10240x128xf32, #tpu.memory_space<hbm>> -> memref<10240x128xf32, #tpu.memory_space<hbm>>
        tpu.enqueue_indirect_dma source(%dma_start3A_194 : memref<10240x128xf32, #tpu.memory_space<hbm>>) target(%arg9 : memref<128x128xf32, #tpu.memory_space<vmem>>) offsets(%dma_start3A_187 : memref<128xi32, #tpu.memory_space<vmem>>) semaphore(%arg14 : memref<!tpu.dma_semaphore, #tpu.memory_space<semaphore_mem>>)
      } else {
      }
    }
    %scan3A_100 = arith.constant 80 : i32
    %barrier3A_101 = arith.constant 0 : index
    tpu.barrier barrier_id(%barrier3A_101)
    %mul3A_102 = arith.constant 640 : i32
    %mul3A_103 = arith.muli %arg1, %mul3A_102 : i32
    %mul3A_104 = arith.constant 640 : i32
    %mul3A_105 = arith.muli %arg1, %mul3A_104 : i32
    "tpu.region"() ({
      %run_scoped3A = tpu.sem_alloc : memref<!tpu.dma_semaphore, #tpu.memory_space<semaphore_mem>>
      %dma_start3A_106 = arith.constant 0 : i32
      %dma_start3A_107 = arith.constant 0 : i32
      %dma_start3A_108 = tpu.memref_slice %arg5[%arg0, %dma_start3A_106, %dma_start3A_107] : memref<2x10240x128xf32, #tpu.memory_space<hbm>> -> memref<1x10240x128xf32, #tpu.memory_space<hbm>>
      %dma_start3A_109 = tpu.memref_squeeze %dma_start3A_108 : memref<1x10240x128xf32, #tpu.memory_space<hbm>> -> memref<10240x128xf32, #tpu.memory_space<hbm>>
      %dma_start3A_110 = arith.constant 0 : i32
      %dma_start3A_111 = tpu.memref_slice %dma_start3A_109[%mul3A_105, %dma_start3A_110] : memref<10240x128xf32, #tpu.memory_space<hbm>> -> memref<640x128xf32, #tpu.memory_space<hbm>>
      %dma_start3A_112 = arith.constant 0 : i32
      %dma_start3A_113 = tpu.memref_slice %arg10[%mul3A_103, %dma_start3A_112] : memref<10240x128xf32, #tpu.memory_space<vmem_shared>> -> memref<640x128xf32, #tpu.memory_space<vmem_shared>>
      tpu.enqueue_dma source(%dma_start3A_113 : memref<640x128xf32, #tpu.memory_space<vmem_shared>>) target(%dma_start3A_111 : memref<640x128xf32, #tpu.memory_space<hbm>>) target_semaphore(%run_scoped3A : memref<!tpu.dma_semaphore, #tpu.memory_space<semaphore_mem>>)
      %dma_wait3A_114 = arith.constant 0 : i32
      %dma_wait3A_115 = arith.constant 0 : i32
      %dma_wait3A_116 = tpu.memref_slice %arg5[%arg0, %dma_wait3A_114, %dma_wait3A_115] : memref<2x10240x128xf32, #tpu.memory_space<hbm>> -> memref<1x10240x128xf32, #tpu.memory_space<hbm>>
      %dma_wait3A_117 = tpu.memref_squeeze %dma_wait3A_116 : memref<1x10240x128xf32, #tpu.memory_space<hbm>> -> memref<10240x128xf32, #tpu.memory_space<hbm>>
      %dma_wait3A_118 = arith.constant 0 : i32
      %dma_wait3A_119 = tpu.memref_slice %dma_wait3A_117[%mul3A_105, %dma_wait3A_118] : memref<10240x128xf32, #tpu.memory_space<hbm>> -> memref<640x128xf32, #tpu.memory_space<hbm>>
      %dma_wait3A_120 = arith.constant 0 : i32
      %dma_wait3A_121 = tpu.memref_slice %arg10[%mul3A_103, %dma_wait3A_120] : memref<10240x128xf32, #tpu.memory_space<vmem_shared>> -> memref<640x128xf32, #tpu.memory_space<vmem_shared>>
      tpu.wait_dma2 semaphore(%run_scoped3A : memref<!tpu.dma_semaphore, #tpu.memory_space<semaphore_mem>>) src(%dma_wait3A_121 : memref<640x128xf32, #tpu.memory_space<vmem_shared>>) dst(%dma_wait3A_119 : memref<640x128xf32, #tpu.memory_space<hbm>>)
      tpu.yield
    }) : () -> ()
    return
  }
}

module attributes {stable_mosaic.version = 14 : i64} {
  func.func @body(%arg0: i32, %arg1: memref<2x256x128xf32, #tpu.memory_space<vmem>>, %arg2: memref<256x128xf32, #tpu.memory_space<vmem>>, %arg3: memref<128x256xf32, #tpu.memory_space<vmem>>, %arg4: memref<128x256xf32, #tpu.memory_space<vmem>>, %arg5: memref<1x256xf32, #tpu.memory_space<vmem>>, %arg6: memref<2x256x128xf32, #tpu.memory_space<vmem>>) attributes {dimension_semantics = [#tpu.dimension_semantics<arbitrary>], iteration_bounds = array<i64: 40>, scalar_prefetch = 0 : i64, scratch_operands = 0 : i64, tpu.core_type = #tpu.core_type<tc>, window_params = [{transform_indices = @transform_0, window_bounds = array<i64: 2, 256, 128>}, {transform_indices = @transform_1, window_bounds = array<i64: 256, 128>}, {pipeline_mode = #tpu.pipeline_mode<synchronous>, transform_indices = @transform_2, window_bounds = array<i64: 128, 256>}, {pipeline_mode = #tpu.pipeline_mode<synchronous>, transform_indices = @transform_3, window_bounds = array<i64: 128, 256>}, {pipeline_mode = #tpu.pipeline_mode<synchronous>, transform_indices = @transform_4, window_bounds = array<i64: 1, 256>}, {transform_indices = @transform_5, window_bounds = array<i64: 2, 256, 128>}]} {
    %get3A = arith.constant 0 : index
    %get3A_0 = arith.constant 0 : index
    %get3A_1 = arith.constant 0 : index
    %get3A_2 = vector.load %arg1[%get3A, %get3A_0, %get3A_1] : memref<2x256x128xf32, #tpu.memory_space<vmem>>, vector<1x256x128xf32>
    %get3A_3 = vector.shape_cast %get3A_2 : vector<1x256x128xf32> to vector<256x128xf32>
    %get3A_4 = arith.constant 1 : index
    %get3A_5 = arith.constant 0 : index
    %get3A_6 = arith.constant 0 : index
    %get3A_7 = vector.load %arg1[%get3A_4, %get3A_5, %get3A_6] : memref<2x256x128xf32, #tpu.memory_space<vmem>>, vector<1x256x128xf32>
    %get3A_8 = vector.shape_cast %get3A_7 : vector<1x256x128xf32> to vector<256x128xf32>
    %add3A = arith.addf %get3A_3, %get3A_8 : vector<256x128xf32>
    %get3A_9 = arith.constant 0 : index
    %get3A_10 = arith.constant 0 : index
    %get3A_11 = vector.load %arg3[%get3A_9, %get3A_10] : memref<128x256xf32, #tpu.memory_space<vmem>>, vector<128x256xf32>
    %dot_general3A = arith.constant dense<0.000000e+00> : vector<256x256xf32>
    %dot_general3A_12 = tpu.matmul %add3A, %get3A_11, %dot_general3A {dimension_numbers = #tpu.dot_dimension_numbers<[1], [0], [0], [1], [0, 0, 1, 1], [], []>, transpose_lhs_hint = false} : vector<256x128xf32>, vector<128x256xf32>, vector<256x256xf32> -> vector<256x256xf32>
    %get3A_13 = arith.constant 0 : index
    %get3A_14 = arith.constant 0 : index
    %get3A_15 = vector.load %arg5[%get3A_13, %get3A_14] : memref<1x256xf32, #tpu.memory_space<vmem>>, vector<1x256xf32>
    %add3A_16 = vector.broadcast %get3A_15 : vector<1x256xf32> to vector<256x256xf32>
    %add3A_17 = arith.addf %dot_general3A_12, %add3A_16 : vector<256x256xf32>
    %get3A_18 = arith.constant 0 : index
    %get3A_19 = arith.constant 0 : index
    %get3A_20 = vector.load %arg2[%get3A_18, %get3A_19] : memref<256x128xf32, #tpu.memory_space<vmem>>, vector<256x128xf32>
    %get3A_21 = arith.constant 0 : index
    %get3A_22 = arith.constant 0 : index
    %get3A_23 = vector.load %arg4[%get3A_21, %get3A_22] : memref<128x256xf32, #tpu.memory_space<vmem>>, vector<128x256xf32>
    %dot_general3A_24 = arith.constant dense<0.000000e+00> : vector<256x256xf32>
    %dot_general3A_25 = tpu.matmul %get3A_20, %get3A_23, %dot_general3A_24 {dimension_numbers = #tpu.dot_dimension_numbers<[1], [0], [0], [1], [0, 0, 1, 1], [], []>, transpose_lhs_hint = false} : vector<256x128xf32>, vector<128x256xf32>, vector<256x256xf32> -> vector<256x256xf32>
    %add3A_26 = arith.addf %add3A_17, %dot_general3A_25 : vector<256x256xf32>
    %max3A = arith.constant 0.000000e+00 : f32
    %max3A_27 = vector.broadcast %max3A : f32 to vector<256x256xf32>
    %max3A_28 = arith.maximumf %add3A_26, %max3A_27 : vector<256x256xf32>
    %slice3A = vector.extract_strided_slice %max3A_28 {offsets = [0, 0], sizes = [256, 128], strides = [1, 1]} : vector<256x256xf32> to vector<256x128xf32>
    %swap3A = arith.constant 0 : index
    %swap3A_29 = arith.constant 0 : index
    %swap3A_30 = arith.constant 0 : index
    %swap3A_31 = vector.load %arg6[%swap3A, %swap3A_29, %swap3A_30] : memref<2x256x128xf32, #tpu.memory_space<vmem>>, vector<1x256x128xf32>
    %swap3A_32 = vector.shape_cast %swap3A_31 : vector<1x256x128xf32> to vector<256x128xf32>
    %swap3A_33 = vector.shape_cast %slice3A : vector<256x128xf32> to vector<1x256x128xf32>
    tpu.vector_store %arg6[%swap3A, %swap3A_29, %swap3A_30], %swap3A_33 {strides = array<i32>} : memref<2x256x128xf32, #tpu.memory_space<vmem>>, vector<1x256x128xf32>,
    %slice3A_34 = vector.extract_strided_slice %max3A_28 {offsets = [0, 128], sizes = [256, 128], strides = [1, 1]} : vector<256x256xf32> to vector<256x128xf32>
    %swap3A_35 = arith.constant 1 : index
    %swap3A_36 = arith.constant 0 : index
    %swap3A_37 = arith.constant 0 : index
    %swap3A_38 = vector.load %arg6[%swap3A_35, %swap3A_36, %swap3A_37] : memref<2x256x128xf32, #tpu.memory_space<vmem>>, vector<1x256x128xf32>
    %swap3A_39 = vector.shape_cast %swap3A_38 : vector<1x256x128xf32> to vector<256x128xf32>
    %swap3A_40 = vector.shape_cast %slice3A_34 : vector<256x128xf32> to vector<1x256x128xf32>
    tpu.vector_store %arg6[%swap3A_35, %swap3A_36, %swap3A_37], %swap3A_40 {strides = array<i32>} : memref<2x256x128xf32, #tpu.memory_space<vmem>>, vector<1x256x128xf32>,
    return
  }
  func.func @transform_0(%arg0: i32) -> (i32, i32, i32) {
    %c0_i32 = arith.constant 0 : i32
    %c0_i32_0 = arith.constant 0 : i32
    %c0_i32_1 = arith.constant 0 : i32
    return %c0_i32, %arg0, %c0_i32_0 : i32, i32, i32
  }
  func.func @transform_1(%arg0: i32) -> (i32, i32) {
    %c0_i32 = arith.constant 0 : i32
    %c0_i32_0 = arith.constant 0 : i32
    return %arg0, %c0_i32 : i32, i32
  }
  func.func @transform_2(%arg0: i32) -> (i32, i32) {
    %c0_i32 = arith.constant 0 : i32
    %c0_i32_0 = arith.constant 0 : i32
    %c0_i32_1 = arith.constant 0 : i32
    return %c0_i32, %c0_i32_0 : i32, i32
  }
  func.func @transform_3(%arg0: i32) -> (i32, i32) {
    %c0_i32 = arith.constant 0 : i32
    %c0_i32_0 = arith.constant 0 : i32
    %c0_i32_1 = arith.constant 0 : i32
    return %c0_i32, %c0_i32_0 : i32, i32
  }
  func.func @transform_4(%arg0: i32) -> (i32, i32) {
    %c0_i32 = arith.constant 0 : i32
    %c0_i32_0 = arith.constant 0 : i32
    %c0_i32_1 = arith.constant 0 : i32
    return %c0_i32, %c0_i32_0 : i32, i32
  }
  func.func @transform_5(%arg0: i32) -> (i32, i32, i32) {
    %c0_i32 = arith.constant 0 : i32
    %c0_i32_0 = arith.constant 0 : i32
    %c0_i32_1 = arith.constant 0 : i32
    return %c0_i32, %arg0, %c0_i32_0 : i32, i32, i32
  }
}

module attributes {stable_mosaic.version = 14 : i64} {
  func.func @body(%arg0: i32, %arg1: memref<2x256x128xf32, #tpu.memory_space<vmem>>, %arg2: memref<2x256x128xf32, #tpu.memory_space<vmem>>, %arg3: memref<256x256xf32, #tpu.memory_space<vmem>>, %arg4: memref<256x256xf32, #tpu.memory_space<vmem>>, %arg5: memref<1x256xf32, #tpu.memory_space<vmem>>, %arg6: memref<2x256x128xf32, #tpu.memory_space<vmem>>) attributes {dimension_semantics = [#tpu.dimension_semantics<arbitrary>], iteration_bounds = array<i64: 40>, scalar_prefetch = 0 : i64, scratch_operands = 0 : i64, tpu.core_type = #tpu.core_type<tc>, window_params = [{transform_indices = @transform_0, window_bounds = array<i64: 2, 256, 128>}, {transform_indices = @transform_1, window_bounds = array<i64: 2, 256, 128>}, {pipeline_mode = #tpu.pipeline_mode<synchronous>, transform_indices = @transform_2, window_bounds = array<i64: 256, 256>}, {pipeline_mode = #tpu.pipeline_mode<synchronous>, transform_indices = @transform_3, window_bounds = array<i64: 256, 256>}, {pipeline_mode = #tpu.pipeline_mode<synchronous>, transform_indices = @transform_4, window_bounds = array<i64: 1, 256>}, {transform_indices = @transform_5, window_bounds = array<i64: 2, 256, 128>}]} {
    %get3A = arith.constant 0 : index
    %get3A_0 = arith.constant 0 : index
    %get3A_1 = arith.constant 0 : index
    %get3A_2 = vector.load %arg1[%get3A, %get3A_0, %get3A_1] : memref<2x256x128xf32, #tpu.memory_space<vmem>>, vector<1x256x128xf32>
    %get3A_3 = vector.shape_cast %get3A_2 : vector<1x256x128xf32> to vector<256x128xf32>
    %get3A_4 = arith.constant 1 : index
    %get3A_5 = arith.constant 0 : index
    %get3A_6 = arith.constant 0 : index
    %get3A_7 = vector.load %arg1[%get3A_4, %get3A_5, %get3A_6] : memref<2x256x128xf32, #tpu.memory_space<vmem>>, vector<1x256x128xf32>
    %get3A_8 = vector.shape_cast %get3A_7 : vector<1x256x128xf32> to vector<256x128xf32>
    %concatenate3A = tpu.concatenate %get3A_3, %get3A_8 in 1 : vector<256x128xf32>, vector<256x128xf32> -> vector<256x256xf32>
    %get3A_9 = arith.constant 0 : index
    %get3A_10 = arith.constant 0 : index
    %get3A_11 = arith.constant 0 : index
    %get3A_12 = vector.load %arg2[%get3A_9, %get3A_10, %get3A_11] : memref<2x256x128xf32, #tpu.memory_space<vmem>>, vector<1x256x128xf32>
    %get3A_13 = vector.shape_cast %get3A_12 : vector<1x256x128xf32> to vector<256x128xf32>
    %get3A_14 = arith.constant 1 : index
    %get3A_15 = arith.constant 0 : index
    %get3A_16 = arith.constant 0 : index
    %get3A_17 = vector.load %arg2[%get3A_14, %get3A_15, %get3A_16] : memref<2x256x128xf32, #tpu.memory_space<vmem>>, vector<1x256x128xf32>
    %get3A_18 = vector.shape_cast %get3A_17 : vector<1x256x128xf32> to vector<256x128xf32>
    %concatenate3A_19 = tpu.concatenate %get3A_13, %get3A_18 in 1 : vector<256x128xf32>, vector<256x128xf32> -> vector<256x256xf32>
    %get3A_20 = arith.constant 0 : index
    %get3A_21 = arith.constant 0 : index
    %get3A_22 = vector.load %arg3[%get3A_20, %get3A_21] : memref<256x256xf32, #tpu.memory_space<vmem>>, vector<256x256xf32>
    %dot_general3A = arith.constant dense<0.000000e+00> : vector<256x256xf32>
    %dot_general3A_23 = tpu.matmul %concatenate3A, %get3A_22, %dot_general3A {dimension_numbers = #tpu.dot_dimension_numbers<[1], [0], [0], [1], [0, 0, 1, 1], [], []>, transpose_lhs_hint = false} : vector<256x256xf32>, vector<256x256xf32>, vector<256x256xf32> -> vector<256x256xf32>
    %get3A_24 = arith.constant 0 : index
    %get3A_25 = arith.constant 0 : index
    %get3A_26 = vector.load %arg5[%get3A_24, %get3A_25] : memref<1x256xf32, #tpu.memory_space<vmem>>, vector<1x256xf32>
    %add3A = vector.broadcast %get3A_26 : vector<1x256xf32> to vector<256x256xf32>
    %add3A_27 = arith.addf %dot_general3A_23, %add3A : vector<256x256xf32>
    %get3A_28 = arith.constant 0 : index
    %get3A_29 = arith.constant 0 : index
    %get3A_30 = vector.load %arg4[%get3A_28, %get3A_29] : memref<256x256xf32, #tpu.memory_space<vmem>>, vector<256x256xf32>
    %dot_general3A_31 = arith.constant dense<0.000000e+00> : vector<256x256xf32>
    %dot_general3A_32 = tpu.matmul %concatenate3A_19, %get3A_30, %dot_general3A_31 {dimension_numbers = #tpu.dot_dimension_numbers<[1], [0], [0], [1], [0, 0, 1, 1], [], []>, transpose_lhs_hint = false} : vector<256x256xf32>, vector<256x256xf32>, vector<256x256xf32> -> vector<256x256xf32>
    %add3A_33 = arith.addf %add3A_27, %dot_general3A_32 : vector<256x256xf32>
    %slice3A = vector.extract_strided_slice %add3A_33 {offsets = [0, 0], sizes = [256, 128], strides = [1, 1]} : vector<256x256xf32> to vector<256x128xf32>
    %swap3A = arith.constant 0 : index
    %swap3A_34 = arith.constant 0 : index
    %swap3A_35 = arith.constant 0 : index
    %swap3A_36 = vector.load %arg6[%swap3A, %swap3A_34, %swap3A_35] : memref<2x256x128xf32, #tpu.memory_space<vmem>>, vector<1x256x128xf32>
    %swap3A_37 = vector.shape_cast %swap3A_36 : vector<1x256x128xf32> to vector<256x128xf32>
    %swap3A_38 = vector.shape_cast %slice3A : vector<256x128xf32> to vector<1x256x128xf32>
    tpu.vector_store %arg6[%swap3A, %swap3A_34, %swap3A_35], %swap3A_38 {strides = array<i32>} : memref<2x256x128xf32, #tpu.memory_space<vmem>>, vector<1x256x128xf32>,
    %slice3A_39 = vector.extract_strided_slice %add3A_33 {offsets = [0, 128], sizes = [256, 128], strides = [1, 1]} : vector<256x256xf32> to vector<256x128xf32>
    %swap3A_40 = arith.constant 1 : index
    %swap3A_41 = arith.constant 0 : index
    %swap3A_42 = arith.constant 0 : index
    %swap3A_43 = vector.load %arg6[%swap3A_40, %swap3A_41, %swap3A_42] : memref<2x256x128xf32, #tpu.memory_space<vmem>>, vector<1x256x128xf32>
    %swap3A_44 = vector.shape_cast %swap3A_43 : vector<1x256x128xf32> to vector<256x128xf32>
    %swap3A_45 = vector.shape_cast %slice3A_39 : vector<256x128xf32> to vector<1x256x128xf32>
    tpu.vector_store %arg6[%swap3A_40, %swap3A_41, %swap3A_42], %swap3A_45 {strides = array<i32>} : memref<2x256x128xf32, #tpu.memory_space<vmem>>, vector<1x256x128xf32>,
    return
  }
  func.func @transform_0(%arg0: i32) -> (i32, i32, i32) {
    %c0_i32 = arith.constant 0 : i32
    %c0_i32_0 = arith.constant 0 : i32
    %c0_i32_1 = arith.constant 0 : i32
    return %c0_i32, %arg0, %c0_i32_0 : i32, i32, i32
  }
  func.func @transform_1(%arg0: i32) -> (i32, i32, i32) {
    %c0_i32 = arith.constant 0 : i32
    %c0_i32_0 = arith.constant 0 : i32
    %c0_i32_1 = arith.constant 0 : i32
    return %c0_i32, %arg0, %c0_i32_0 : i32, i32, i32
  }
  func.func @transform_2(%arg0: i32) -> (i32, i32) {
    %c0_i32 = arith.constant 0 : i32
    %c0_i32_0 = arith.constant 0 : i32
    %c0_i32_1 = arith.constant 0 : i32
    return %c0_i32, %c0_i32_0 : i32, i32
  }
  func.func @transform_3(%arg0: i32) -> (i32, i32) {
    %c0_i32 = arith.constant 0 : i32
    %c0_i32_0 = arith.constant 0 : i32
    %c0_i32_1 = arith.constant 0 : i32
    return %c0_i32, %c0_i32_0 : i32, i32
  }
  func.func @transform_4(%arg0: i32) -> (i32, i32) {
    %c0_i32 = arith.constant 0 : i32
    %c0_i32_0 = arith.constant 0 : i32
    %c0_i32_1 = arith.constant 0 : i32
    return %c0_i32, %c0_i32_0 : i32, i32
  }
  func.func @transform_5(%arg0: i32) -> (i32, i32, i32) {
    %c0_i32 = arith.constant 0 : i32
    %c0_i32_0 = arith.constant 0 : i32
    %c0_i32_1 = arith.constant 0 : i32
    return %c0_i32, %arg0, %c0_i32_0 : i32, i32, i32
  }
}

module attributes {stable_mosaic.version = 14 : i64} {
  func.func @body(%arg0: i32, %arg1: memref<2x256x128xf32, #tpu.memory_space<vmem>>, %arg2: memref<2x256x128xf32, #tpu.memory_space<vmem>>, %arg3: memref<256x256xf32, #tpu.memory_space<vmem>>, %arg4: memref<256x256xf32, #tpu.memory_space<vmem>>, %arg5: memref<1x256xf32, #tpu.memory_space<vmem>>, %arg6: memref<2x256x128xf32, #tpu.memory_space<vmem>>) attributes {dimension_semantics = [#tpu.dimension_semantics<arbitrary>], iteration_bounds = array<i64: 40>, scalar_prefetch = 0 : i64, scratch_operands = 0 : i64, tpu.core_type = #tpu.core_type<tc>, window_params = [{transform_indices = @transform_0, window_bounds = array<i64: 2, 256, 128>}, {transform_indices = @transform_1, window_bounds = array<i64: 2, 256, 128>}, {pipeline_mode = #tpu.pipeline_mode<synchronous>, transform_indices = @transform_2, window_bounds = array<i64: 256, 256>}, {pipeline_mode = #tpu.pipeline_mode<synchronous>, transform_indices = @transform_3, window_bounds = array<i64: 256, 256>}, {pipeline_mode = #tpu.pipeline_mode<synchronous>, transform_indices = @transform_4, window_bounds = array<i64: 1, 256>}, {transform_indices = @transform_5, window_bounds = array<i64: 2, 256, 128>}]} {
    %get3A = arith.constant 0 : index
    %get3A_0 = arith.constant 0 : index
    %get3A_1 = arith.constant 0 : index
    %get3A_2 = vector.load %arg1[%get3A, %get3A_0, %get3A_1] : memref<2x256x128xf32, #tpu.memory_space<vmem>>, vector<1x256x128xf32>
    %get3A_3 = vector.shape_cast %get3A_2 : vector<1x256x128xf32> to vector<256x128xf32>
    %get3A_4 = arith.constant 1 : index
    %get3A_5 = arith.constant 0 : index
    %get3A_6 = arith.constant 0 : index
    %get3A_7 = vector.load %arg1[%get3A_4, %get3A_5, %get3A_6] : memref<2x256x128xf32, #tpu.memory_space<vmem>>, vector<1x256x128xf32>
    %get3A_8 = vector.shape_cast %get3A_7 : vector<1x256x128xf32> to vector<256x128xf32>
    %concatenate3A = tpu.concatenate %get3A_3, %get3A_8 in 1 : vector<256x128xf32>, vector<256x128xf32> -> vector<256x256xf32>
    %get3A_9 = arith.constant 0 : index
    %get3A_10 = arith.constant 0 : index
    %get3A_11 = arith.constant 0 : index
    %get3A_12 = vector.load %arg2[%get3A_9, %get3A_10, %get3A_11] : memref<2x256x128xf32, #tpu.memory_space<vmem>>, vector<1x256x128xf32>
    %get3A_13 = vector.shape_cast %get3A_12 : vector<1x256x128xf32> to vector<256x128xf32>
    %get3A_14 = arith.constant 1 : index
    %get3A_15 = arith.constant 0 : index
    %get3A_16 = arith.constant 0 : index
    %get3A_17 = vector.load %arg2[%get3A_14, %get3A_15, %get3A_16] : memref<2x256x128xf32, #tpu.memory_space<vmem>>, vector<1x256x128xf32>
    %get3A_18 = vector.shape_cast %get3A_17 : vector<1x256x128xf32> to vector<256x128xf32>
    %concatenate3A_19 = tpu.concatenate %get3A_13, %get3A_18 in 1 : vector<256x128xf32>, vector<256x128xf32> -> vector<256x256xf32>
    %get3A_20 = arith.constant 0 : index
    %get3A_21 = arith.constant 0 : index
    %get3A_22 = vector.load %arg3[%get3A_20, %get3A_21] : memref<256x256xf32, #tpu.memory_space<vmem>>, vector<256x256xf32>
    %dot_general3A = arith.constant dense<0.000000e+00> : vector<256x256xf32>
    %dot_general3A_23 = tpu.matmul %concatenate3A, %get3A_22, %dot_general3A {dimension_numbers = #tpu.dot_dimension_numbers<[1], [0], [0], [1], [0, 0, 1, 1], [], []>, transpose_lhs_hint = false} : vector<256x256xf32>, vector<256x256xf32>, vector<256x256xf32> -> vector<256x256xf32>
    %get3A_24 = arith.constant 0 : index
    %get3A_25 = arith.constant 0 : index
    %get3A_26 = vector.load %arg5[%get3A_24, %get3A_25] : memref<1x256xf32, #tpu.memory_space<vmem>>, vector<1x256xf32>
    %add3A = vector.broadcast %get3A_26 : vector<1x256xf32> to vector<256x256xf32>
    %add3A_27 = arith.addf %dot_general3A_23, %add3A : vector<256x256xf32>
    %get3A_28 = arith.constant 0 : index
    %get3A_29 = arith.constant 0 : index
    %get3A_30 = vector.load %arg4[%get3A_28, %get3A_29] : memref<256x256xf32, #tpu.memory_space<vmem>>, vector<256x256xf32>
    %dot_general3A_31 = arith.constant dense<0.000000e+00> : vector<256x256xf32>
    %dot_general3A_32 = tpu.matmul %concatenate3A_19, %get3A_30, %dot_general3A_31 {dimension_numbers = #tpu.dot_dimension_numbers<[1], [0], [0], [1], [0, 0, 1, 1], [], []>, transpose_lhs_hint = false} : vector<256x256xf32>, vector<256x256xf32>, vector<256x256xf32> -> vector<256x256xf32>
    %add3A_33 = arith.addf %add3A_27, %dot_general3A_32 : vector<256x256xf32>
    %max3A = arith.constant 0.000000e+00 : f32
    %max3A_34 = vector.broadcast %max3A : f32 to vector<256x256xf32>
    %max3A_35 = arith.maximumf %add3A_33, %max3A_34 : vector<256x256xf32>
    %slice3A = vector.extract_strided_slice %max3A_35 {offsets = [0, 0], sizes = [256, 128], strides = [1, 1]} : vector<256x256xf32> to vector<256x128xf32>
    %swap3A = arith.constant 0 : index
    %swap3A_36 = arith.constant 0 : index
    %swap3A_37 = arith.constant 0 : index
    %swap3A_38 = vector.load %arg6[%swap3A, %swap3A_36, %swap3A_37] : memref<2x256x128xf32, #tpu.memory_space<vmem>>, vector<1x256x128xf32>
    %swap3A_39 = vector.shape_cast %swap3A_38 : vector<1x256x128xf32> to vector<256x128xf32>
    %swap3A_40 = vector.shape_cast %slice3A : vector<256x128xf32> to vector<1x256x128xf32>
    tpu.vector_store %arg6[%swap3A, %swap3A_36, %swap3A_37], %swap3A_40 {strides = array<i32>} : memref<2x256x128xf32, #tpu.memory_space<vmem>>, vector<1x256x128xf32>,
    %slice3A_41 = vector.extract_strided_slice %max3A_35 {offsets = [0, 128], sizes = [256, 128], strides = [1, 1]} : vector<256x256xf32> to vector<256x128xf32>
    %swap3A_42 = arith.constant 1 : index
    %swap3A_43 = arith.constant 0 : index
    %swap3A_44 = arith.constant 0 : index
    %swap3A_45 = vector.load %arg6[%swap3A_42, %swap3A_43, %swap3A_44] : memref<2x256x128xf32, #tpu.memory_space<vmem>>, vector<1x256x128xf32>
    %swap3A_46 = vector.shape_cast %swap3A_45 : vector<1x256x128xf32> to vector<256x128xf32>
    %swap3A_47 = vector.shape_cast %slice3A_41 : vector<256x128xf32> to vector<1x256x128xf32>
    tpu.vector_store %arg6[%swap3A_42, %swap3A_43, %swap3A_44], %swap3A_47 {strides = array<i32>} : memref<2x256x128xf32, #tpu.memory_space<vmem>>, vector<1x256x128xf32>,
    return
  }
  func.func @transform_0(%arg0: i32) -> (i32, i32, i32) {
    %c0_i32 = arith.constant 0 : i32
    %c0_i32_0 = arith.constant 0 : i32
    %c0_i32_1 = arith.constant 0 : i32
    return %c0_i32, %arg0, %c0_i32_0 : i32, i32, i32
  }
  func.func @transform_1(%arg0: i32) -> (i32, i32, i32) {
    %c0_i32 = arith.constant 0 : i32
    %c0_i32_0 = arith.constant 0 : i32
    %c0_i32_1 = arith.constant 0 : i32
    return %c0_i32, %arg0, %c0_i32_0 : i32, i32, i32
  }
  func.func @transform_2(%arg0: i32) -> (i32, i32) {
    %c0_i32 = arith.constant 0 : i32
    %c0_i32_0 = arith.constant 0 : i32
    %c0_i32_1 = arith.constant 0 : i32
    return %c0_i32, %c0_i32_0 : i32, i32
  }
  func.func @transform_3(%arg0: i32) -> (i32, i32) {
    %c0_i32 = arith.constant 0 : i32
    %c0_i32_0 = arith.constant 0 : i32
    %c0_i32_1 = arith.constant 0 : i32
    return %c0_i32, %c0_i32_0 : i32, i32
  }
  func.func @transform_4(%arg0: i32) -> (i32, i32) {
    %c0_i32 = arith.constant 0 : i32
    %c0_i32_0 = arith.constant 0 : i32
    %c0_i32_1 = arith.constant 0 : i32
    return %c0_i32, %c0_i32_0 : i32, i32
  }
  func.func @transform_5(%arg0: i32) -> (i32, i32, i32) {
    %c0_i32 = arith.constant 0 : i32
    %c0_i32_0 = arith.constant 0 : i32
    %c0_i32_1 = arith.constant 0 : i32
    return %c0_i32, %arg0, %c0_i32_0 : i32, i32, i32
  }
}

module attributes {stable_mosaic.version = 14 : i64} {
  func.func @body(%arg0: i32, %arg1: memref<2x256x128xf32, #tpu.memory_space<vmem>>, %arg2: memref<1x1x256xi32, #tpu.memory_space<vmem>>, %arg3: memref<1x256xf32, #tpu.memory_space<vmem>>, %arg4: memref<1x1xf32, #tpu.memory_space<vmem>>, %arg5: memref<64x1xf32, #tpu.memory_space<vmem>>, %arg6: memref<64x256xf32, #tpu.memory_space<vmem>>, %arg7: memref<64x128xf32, #tpu.memory_space<vmem>>) attributes {dimension_semantics = [#tpu.dimension_semantics<arbitrary>], iteration_bounds = array<i64: 40>, scalar_prefetch = 0 : i64, scratch_operands = 2 : i64, tpu.core_type = #tpu.core_type<tc>, window_params = [{transform_indices = @transform_0, window_bounds = array<i64: 2, 256, 128>}, {transform_indices = @transform_1, window_bounds = array<i64: 1, 1, 256>}, {pipeline_mode = #tpu.pipeline_mode<synchronous>, transform_indices = @transform_2, window_bounds = array<i64: 1, 256>}, {pipeline_mode = #tpu.pipeline_mode<synchronous>, transform_indices = @transform_3, window_bounds = array<i64: 1, 1>}, {pipeline_mode = #tpu.pipeline_mode<synchronous>, transform_indices = @transform_4, window_bounds = array<i64: 64, 1>}]} {
    %eq3A = arith.constant 0 : i32
    %eq3A_0 = arith.cmpi eq, %arg0, %eq3A : i32
    %convert_element_type3A = arith.extui %eq3A_0 : i1 to i32
    %cond3A = arith.constant 0 : i32
    %cond3A_1 = arith.cmpi ne, %convert_element_type3A, %cond3A : i32
    scf.if %cond3A_1 {
      %broadcast_in_dim3A_41 = arith.constant 0.000000e+00 : f32
      %broadcast_in_dim3A_42 = vector.broadcast %broadcast_in_dim3A_41 : f32 to vector<64x256xf32>
      %swap3A_43 = arith.constant 0 : index
      %swap3A_44 = arith.constant 0 : index
      %swap3A_45 = vector.load %arg6[%swap3A_43, %swap3A_44] : memref<64x256xf32, #tpu.memory_space<vmem>>, vector<64x256xf32>
      tpu.vector_store %arg6[%swap3A_43, %swap3A_44], %broadcast_in_dim3A_42 {strides = array<i32>} : memref<64x256xf32, #tpu.memory_space<vmem>>, vector<64x256xf32>,
      %broadcast_in_dim3A_46 = arith.constant 0.000000e+00 : f32
      %broadcast_in_dim3A_47 = vector.broadcast %broadcast_in_dim3A_46 : f32 to vector<64x128xf32>
      %swap3A_48 = arith.constant 0 : index
      %swap3A_49 = arith.constant 0 : index
      %swap3A_50 = vector.load %arg7[%swap3A_48, %swap3A_49] : memref<64x128xf32, #tpu.memory_space<vmem>>, vector<64x128xf32>
      tpu.vector_store %arg7[%swap3A_48, %swap3A_49], %broadcast_in_dim3A_47 {strides = array<i32>} : memref<64x128xf32, #tpu.memory_space<vmem>>, vector<64x128xf32>,
    } else {
    }
    %get3A = arith.constant 0 : index
    %get3A_2 = arith.constant 0 : index
    %get3A_3 = arith.constant 0 : index
    %get3A_4 = vector.load %arg1[%get3A, %get3A_2, %get3A_3] : memref<2x256x128xf32, #tpu.memory_space<vmem>>, vector<1x256x128xf32>
    %get3A_5 = vector.shape_cast %get3A_4 : vector<1x256x128xf32> to vector<256x128xf32>
    %get3A_6 = arith.constant 1 : index
    %get3A_7 = arith.constant 0 : index
    %get3A_8 = arith.constant 0 : index
    %get3A_9 = vector.load %arg1[%get3A_6, %get3A_7, %get3A_8] : memref<2x256x128xf32, #tpu.memory_space<vmem>>, vector<1x256x128xf32>
    %get3A_10 = vector.shape_cast %get3A_9 : vector<1x256x128xf32> to vector<256x128xf32>
    %concatenate3A = tpu.concatenate %get3A_5, %get3A_10 in 1 : vector<256x128xf32>, vector<256x128xf32> -> vector<256x256xf32>
    %get3A_11 = arith.constant 0 : index
    %get3A_12 = arith.constant 0 : index
    %get3A_13 = arith.constant 0 : index
    %get3A_14 = vector.load %arg2[%get3A_11, %get3A_12, %get3A_13] : memref<1x1x256xi32, #tpu.memory_space<vmem>>, vector<1x1x256xi32>
    %get3A_15 = vector.shape_cast %get3A_14 : vector<1x1x256xi32> to vector<256xi32>
    %iota3A = tpu.iota {dimensions = array<i32: 0>} : vector<64x256xi32>
    %broadcast_in_dim3A = vector.shape_cast %get3A_15 : vector<256xi32> to vector<1x256xi32>
    %eq3A_16 = vector.broadcast %broadcast_in_dim3A : vector<1x256xi32> to vector<64x256xi32>
    %eq3A_17 = arith.cmpi eq, %iota3A, %eq3A_16 : vector<64x256xi32>
    %convert_element_type3A_18 = arith.extui %eq3A_17 : vector<64x256xi1> to vector<64x256xi32>
    %convert_element_type3A_19 = arith.sitofp %convert_element_type3A_18 : vector<64x256xi32> to vector<64x256xf32>
    %get3A_20 = arith.constant 0 : index
    %get3A_21 = arith.constant 0 : index
    %get3A_22 = vector.load %arg6[%get3A_20, %get3A_21] : memref<64x256xf32, #tpu.memory_space<vmem>>, vector<64x256xf32>
    %dot_general3A = arith.constant dense<0.000000e+00> : vector<64x256xf32>
    %dot_general3A_23 = tpu.matmul %convert_element_type3A_19, %concatenate3A, %dot_general3A {dimension_numbers = #tpu.dot_dimension_numbers<[1], [0], [0], [1], [0, 0, 1, 1], [], []>, precision = #tpu.contract_precision<fp32>, transpose_lhs_hint = false} : vector<64x256xf32>, vector<256x256xf32>, vector<64x256xf32> -> vector<64x256xf32>
    %add3A = arith.addf %get3A_22, %dot_general3A_23 : vector<64x256xf32>
    %swap3A = arith.constant 0 : index
    %swap3A_24 = arith.constant 0 : index
    %swap3A_25 = vector.load %arg6[%swap3A, %swap3A_24] : memref<64x256xf32, #tpu.memory_space<vmem>>, vector<64x256xf32>
    tpu.vector_store %arg6[%swap3A, %swap3A_24], %add3A {strides = array<i32>} : memref<64x256xf32, #tpu.memory_space<vmem>>, vector<64x256xf32>,
    %get3A_26 = arith.constant 0 : index
    %get3A_27 = arith.constant 0 : index
    %get3A_28 = vector.load %arg7[%get3A_26, %get3A_27] : memref<64x128xf32, #tpu.memory_space<vmem>>, vector<64x128xf32>
    %reduce_sum3A = arith.constant dense<0.000000e+00> : vector<64xf32>
    %reduce_sum3A_29 = vector.multi_reduction <add>, %convert_element_type3A_19, %reduce_sum3A [1] : vector<64x256xf32> to vector<64xf32>
    %broadcast_in_dim3A_30 = vector.shape_cast %reduce_sum3A_29 : vector<64xf32> to vector<64x1xf32>
    %add3A_31 = vector.broadcast %broadcast_in_dim3A_30 : vector<64x1xf32> to vector<64x128xf32>
    %add3A_32 = arith.addf %get3A_28, %add3A_31 : vector<64x128xf32>
    %swap3A_33 = arith.constant 0 : index
    %swap3A_34 = arith.constant 0 : index
    %swap3A_35 = vector.load %arg7[%swap3A_33, %swap3A_34] : memref<64x128xf32, #tpu.memory_space<vmem>>, vector<64x128xf32>
    tpu.vector_store %arg7[%swap3A_33, %swap3A_34], %add3A_32 {strides = array<i32>} : memref<64x128xf32, #tpu.memory_space<vmem>>, vector<64x128xf32>,
    %eq3A_36 = arith.constant 39 : i32
    %eq3A_37 = arith.cmpi eq, %arg0, %eq3A_36 : i32
    %convert_element_type3A_38 = arith.extui %eq3A_37 : i1 to i32
    %cond3A_39 = arith.constant 0 : i32
    %cond3A_40 = arith.cmpi ne, %convert_element_type3A_38, %cond3A_39 : i32
    scf.if %cond3A_40 {
      %get3A_41 = arith.constant 0 : index
      %get3A_42 = arith.constant 0 : index
      %get3A_43 = vector.load %arg7[%get3A_41, %get3A_42] : memref<64x128xf32, #tpu.memory_space<vmem>>, vector<64x1xf32>
      %max3A = arith.constant 1.000000e+00 : f32
      %max3A_44 = vector.broadcast %max3A : f32 to vector<64x1xf32>
      %max3A_45 = arith.maximumf %get3A_43, %max3A_44 : vector<64x1xf32>
      %get3A_46 = arith.constant 0 : index
      %get3A_47 = arith.constant 0 : index
      %get3A_48 = vector.load %arg6[%get3A_46, %get3A_47] : memref<64x256xf32, #tpu.memory_space<vmem>>, vector<64x256xf32>
      %div3A = vector.broadcast %max3A_45 : vector<64x1xf32> to vector<64x256xf32>
      %div3A_49 = arith.divf %get3A_48, %div3A : vector<64x256xf32>
      %convert_element_type3A_50 = arith.truncf %div3A_49 : vector<64x256xf32> to vector<64x256xbf16>
      %convert_element_type3A_51 = arith.extf %convert_element_type3A_50 : vector<64x256xbf16> to vector<64x256xf32>
      %get3A_52 = arith.constant 0 : index
      %get3A_53 = arith.constant 0 : index
      %get3A_54 = vector.load %arg3[%get3A_52, %get3A_53] : memref<1x256xf32, #tpu.memory_space<vmem>>, vector<1x256xf32>
      %convert_element_type3A_55 = arith.truncf %get3A_54 : vector<1x256xf32> to vector<1x256xbf16>
      %convert_element_type3A_56 = arith.extf %convert_element_type3A_55 : vector<1x256xbf16> to vector<1x256xf32>
      %mul3A = vector.broadcast %convert_element_type3A_56 : vector<1x256xf32> to vector<64x256xf32>
      %mul3A_57 = arith.mulf %convert_element_type3A_51, %mul3A : vector<64x256xf32>
      %reduce_sum3A_58 = arith.constant dense<0.000000e+00> : vector<64xf32>
      %reduce_sum3A_59 = vector.multi_reduction <add>, %mul3A_57, %reduce_sum3A_58 [1] : vector<64x256xf32> to vector<64xf32>
      %broadcast_in_dim3A_60 = vector.shape_cast %reduce_sum3A_59 : vector<64xf32> to vector<64x1xf32>
      %get3A_61 = arith.constant 0 : index
      %get3A_62 = arith.constant 0 : index
      %get3A_63 = vector.load %arg4[%get3A_61, %get3A_62] : memref<1x1xf32, #tpu.memory_space<vmem>>, vector<1x1xf32>
      %add3A_64 = vector.broadcast %get3A_63 : vector<1x1xf32> to vector<64x1xf32>
      %add3A_65 = arith.addf %broadcast_in_dim3A_60, %add3A_64 : vector<64x1xf32>
      %swap3A_66 = arith.constant 0 : index
      %swap3A_67 = arith.constant 0 : index
      %swap3A_68 = vector.load %arg5[%swap3A_66, %swap3A_67] : memref<64x1xf32, #tpu.memory_space<vmem>>, vector<64x1xf32>
      tpu.vector_store %arg5[%swap3A_66, %swap3A_67], %add3A_65 {strides = array<i32>} : memref<64x1xf32, #tpu.memory_space<vmem>>, vector<64x1xf32>,
    } else {
    }
    return
  }
  func.func @transform_0(%arg0: i32) -> (i32, i32, i32) {
    %c0_i32 = arith.constant 0 : i32
    %c0_i32_0 = arith.constant 0 : i32
    %c0_i32_1 = arith.constant 0 : i32
    return %c0_i32, %arg0, %c0_i32_0 : i32, i32, i32
  }
  func.func @transform_1(%arg0: i32) -> (i32, i32, i32) {
    %c0_i32 = arith.constant 0 : i32
    %c0_i32_0 = arith.constant 0 : i32
    %c0_i32_1 = arith.constant 0 : i32
    return %arg0, %c0_i32, %c0_i32_0 : i32, i32, i32
  }
  func.func @transform_2(%arg0: i32) -> (i32, i32) {
    %c0_i32 = arith.constant 0 : i32
    %c0_i32_0 = arith.constant 0 : i32
    %c0_i32_1 = arith.constant 0 : i32
    return %c0_i32, %c0_i32_0 : i32, i32
  }
  func.func @transform_3(%arg0: i32) -> (i32, i32) {
    %c0_i32 = arith.constant 0 : i32
    %c0_i32_0 = arith.constant 0 : i32
    %c0_i32_1 = arith.constant 0 : i32
    return %c0_i32, %c0_i32_0 : i32, i32
  }
  func.func @transform_4(%arg0: i32) -> (i32, i32) {
    %c0_i32 = arith.constant 0 : i32
    %c0_i32_0 = arith.constant 0 : i32
    %c0_i32_1 = arith.constant 0 : i32
    return %c0_i32, %c0_i32_0 : i32, i32
  }
}

</mosaic_0001>

<sc_bundles>
// kernel: kernel.17.cloned.1.call-start
scs
__scs_entry_jumppad:
0x0: {  	(pc) =	sbr.rel $0x88, $3  }
0x1: {  	(tag) =	ssettag $0x0;
	lr =	simm.s32 $0x1  }
0x2: {  	[smem:$0x3F87] =	sst lr;
	_ =	strace $0xD0000000  }
0x3: {  	_ = 	snop  }
0x4: {  	_ = 	snop  }
0x5: {  	_ = 	snop  }
0x6: {  	_ = 	snop  }
0x7: {  	_ = 	snop  }
__scs_overlays_trampoline_lowered:
0x8: {  	[smem:$0x3F96] =	sst s0  }
0x9: {  	[smem:$0x3F97] =	sst s1  }
0xa: {  	[smem:$0x3F98] =	sst s2  }
0xb: {  	[smem:$0x3F99] =	sst s3  }
0xc: {  	[smem:$0x3F9A] =	sst s4  }
0xd: {  	[smem:$0x3F9B] =	sst s5  }
0xe: {  	[smem:$0x3F9C] =	sst s6  }
0xf: {  	[smem:$0x3F9D] =	sst s7  }
0x10: {  	[smem:$0x3F9E] =	sst s8  }
0x11: {  	[smem:$0x3F9F] =	sst s9;
	s0 =	simm.s32 @!p0 $0x0  }
0x12: {  	s1 =	sld [smem:$0x3F85];
	s0 =	simm.s32 @p0 $0x1  }
0x13: {  	[smem:$0x3FA0] =	sst s0;
	s0 =	simm.s32 @!p1 $0x0  }
0x14: {  	s2 =	sld [smem:$0x3F84];
	s0 =	simm.s32 @p1 $0x1  }
0x15: {  	[smem:$0x3FA1] =	sst s0;
	s0 =	simm.s32 @!p2 $0x0  }
0x16: {  	s3 =	sld [smem:$0x3FDB];
	s0 =	simm.s32 @p2 $0x1  }
0x17: {  	s4 =	simm.s32 $0x1BF5;
	[smem:$0x3FA3] =	sst s0  }
0x18: {  	s0 =	sld [smem:$0x3F86];
	_ =	swait.ge [sflag:s4], $0x0  }
0x19: {  	s7 =	sld [smem:$0x3F87]  }
0x1a: {  	s8 =	sadd.s32 $0xFFFFE003, lr  }
0x1b: {  	s9 =	sadd.s32 $0xFFFFFEF7, lr;
	s5 =	simm.s32 $0xFFFFFFFF;
	p2 =	slt.u32 s8, $0xFFFFF086  }
0x1c: {  	p1 =	slt.u32 s9, $0xF7A;
	s5 =	simm.s32 @!p2 $0x0  }
0x1d: {  	s5 =	simm.s32 @p1 $0x1;
	p0 =	seq.s32 s7, s2  }
0x1e: {  	s7 =	smul.u32 @!p0 $0xF7A, s2;
	p2 =	seq.s32 @!p0 s5, $0x0  }
0x1f: {  	s9 =	smul.u32 $0xF7A, s1;
	s8 =	simm.s32 @!p0 $0x1BF5;
	p2 =	por !p2, p0  }
0x20: {  	[sflag:s8] =	ssyncset.s32 @!p0 $0xFFFFF086;
	s6 =	sadd.s32 @!p0 s3, s7;
	s7 =	simm.s32 @!p0 $0x108  }
0x21: {  	s3 =	sadd.s32 s3, s9;
	s6 =	sadd.s32 @!p0 $0x88, s6;
	s7 =	simm.s32 @p2 $0x1082  }
0x22: {  	[simem:s7], [sflag:s8] =	dma.local @!p0 [hbm:s6], $0xF7A  }
0x23: {  	s9 =	sor.u32 $0xD0000000, s2;
	s6 =	simm.s32 $0x108;
	_ =	swait.ge @!p0 [sflag:s8], $0x0  }
0x24: {  	s3 =	sadd.s32 $0x88, s3;
	s6 =	simm.s32 @!p1 $0x1082;
	[sflag:s4] =	ssyncset.s32 $0xFFFFF086  }
0x25: {  	[simem:s6], [sflag:s4] =	dma.local [hbm:s3], $0xF7A  }
0x26: {  	[smem:$0x3F87] =	sst s1;
	(tag) =	ssettag s2;
	_ =	strace s9  }
0x27: {  	s1 =	sld [smem:$0x3F97]  }
0x28: {  	s2 =	sld [smem:$0x3F98]  }
0x29: {  	s4 =	sld [smem:$0x3F9A]  }
0x2a: {  	p0 =	seq.s32 s5, $0x0;
	s5 =	sld [smem:$0x3F9B]  }
0x2b: {  	s6 =	sld [smem:$0x3F9C]  }
0x2c: {  	s7 =	sld [smem:$0x3F9D]  }
0x2d: {  	s3 =	simm.s32 $0x108;
	s8 =	sld [smem:$0x3F9E]  }
0x2e: {  	s3 =	simm.s32 @!p0 $0x1082;
	s9 =	sld [smem:$0x3F9F]  }
0x2f: {  	lr =	sadd.s32 s0, s3;
	s0 =	sld [smem:$0x3F96]  }
0x30: {  	s3 =	sld [smem:$0x3F99]  }
0x31: {  	[smem:$0x3FA2] =	sst s10  }
0x32: {  	s10 =	sld [smem:$0x3FA0];
	_ =	sdelay $0x3  }
0x33: {  	p0 =	seq.s32 s10, $0x1;
	s10 =	sld [smem:$0x3FA2];
	_ =	sdelay $0x3  }
0x34: {  	[smem:$0x3FA2] =	sst s10  }
0x35: {  	s10 =	sld [smem:$0x3FA1];
	_ =	sdelay $0x3  }
0x36: {  	p1 =	seq.s32 s10, $0x1;
	s10 =	sld [smem:$0x3FA2];
	_ =	sdelay $0x3  }
0x37: {  	[smem:$0x3FA2] =	sst s10  }
0x38: {  	s10 =	sld [smem:$0x3FA3]  }
0x39: {  	_ = 	snop;
	(pc) =	sbr.ind lr, $3  }
0x3a: {  	_ = 	snop  }
0x3b: {  	_ = 	snop  }
0x3c: {  	p2 =	seq.s32 s10, $0x1;
	s10 =	sld [smem:$0x3FA2]  }
0x3d: {  	_ =	shalt  }
0x3e: {  	_ =	shalt  }
0x3f: {  	_ =	shalt  }
0x40: {  	_ =	shalt  }
0x41: {  	_ =	shalt  }
0x42: {  	_ =	shalt  }
0x43: {  	_ =	shalt  }
0x44: {  	_ =	shalt  }
0x45: {  	_ =	shalt  }
0x46: {  	_ =	shalt  }
0x47: {  	_ =	shalt  }
0x48: {  	_ =	shalt  }
0x49: {  	_ =	shalt  }
0x4a: {  	_ =	shalt  }
0x4b: {  	_ =	shalt  }
0x4c: {  	_ =	shalt  }
0x4d: {  	_ =	shalt  }
0x4e: {  	_ =	shalt  }
0x4f: {  	_ =	shalt  }
0x50: {  	_ =	shalt  }
0x51: {  	_ =	shalt  }
0x52: {  	_ =	shalt  }
0x53: {  	_ =	shalt  }
0x54: {  	_ =	shalt  }
0x55: {  	_ =	shalt  }
0x56: {  	_ =	shalt  }
0x57: {  	_ =	shalt  }
0x58: {  	_ =	shalt  }
0x59: {  	_ =	shalt  }
0x5a: {  	_ =	shalt  }
0x5b: {  	_ =	shalt  }
0x5c: {  	_ =	shalt  }
0x5d: {  	_ =	shalt  }
0x5e: {  	_ =	shalt  }
0x5f: {  	_ =	shalt  }
0x60: {  	_ =	shalt  }
0x61: {  	_ =	shalt  }
0x62: {  	_ =	shalt  }
0x63: {  	_ =	shalt  }
0x64: {  	_ =	shalt  }
0x65: {  	_ =	shalt  }
0x66: {  	_ =	shalt  }
0x67: {  	_ =	shalt  }
0x68: {  	_ =	shalt  }
0x69: {  	_ =	shalt  }
0x6a: {  	_ =	shalt  }
0x6b: {  	_ =	shalt  }
0x6c: {  	_ =	shalt  }
0x6d: {  	_ =	shalt  }
0x6e: {  	_ =	shalt  }
0x6f: {  	_ =	shalt  }
0x70: {  	_ =	shalt  }
0x71: {  	_ =	shalt  }
0x72: {  	_ =	shalt  }
0x73: {  	_ =	shalt  }
0x74: {  	_ =	shalt  }
0x75: {  	_ =	shalt  }
0x76: {  	_ =	shalt  }
0x77: {  	_ =	shalt  }
0x78: {  	_ =	shalt  }
0x79: {  	_ =	shalt  }
0x7a: {  	_ =	shalt  }
0x7b: {  	_ =	shalt  }
0x7c: {  	_ =	shalt  }
0x7d: {  	_ =	shalt  }
0x7e: {  	_ =	shalt  }
0x7f: {  	_ =	shalt  }
0x80: {  	_ =	shalt  }
0x81: {  	_ =	shalt  }
0x82: {  	_ =	shalt  }
0x83: {  	_ =	shalt  }
0x84: {  	_ =	shalt  }
0x85: {  	_ =	shalt  }
0x86: {  	_ =	shalt  }
0x87: {  	_ =	shalt  }
.Lfunc_end0:
.L_simem_size_0:
called_computation_lowered:
.L_overlay_start_0:
0x88: {  	s2 =	sld [smem:$0x3FD9]  }
0x89: {  	s3 =	sld [smem:$0x3FFE];
	_ =	sdelay $0x1  }
0x8a: {  	s1 =	srdreg.scid  }
0x8b: {  	s0 =	sand.u32 $0x1, s1  }
0x8c: {  	s16 =	sshll.u32 s0, $0xA;
	s2 =	sadd.s32 s3, s2  }
0x8d: {  	s2 =	sadd.s32 s2, s16  }
0x8e: {  	[smem:$0x3FAE] =	sst s2  }
0x8f: {  	_ = 	snop  }
0x90: {  	(tm) =	ssettm $0x1  }
0x91: {  	s17 =	sld [smem:$0x3FFB];
	_ =	sdelay $0x3  }
0x92: {  	_ =	strace s17  }
0x93: {  	s2 =	sld [smem:$0x3FFC];
	_ =	sdelay $0x3  }
0x94: {  	_ =	strace s2  }
0x95: {  	s2 =	sld [smem:$0x3FFD];
	_ =	sdelay $0x3  }
0x96: {  	_ =	strace s2  }
0x97: {  	_ =	strace $0x8FFFFFFF  }
0x98: {  	s18 =	sld [smem:$0x3FDB];
	_ =	sdelay $0x1  }
0x99: {  	s19 =	simm.s32 $_scs_section_size  }
0x9a: {  	s4 =	simm.s32 $_size__tile_overlayer_lowered;
	s5 =	simm.s32 $_tile_overlayer_lowered  }
0x9b: {  	s22 =	simm.s32 $0x1BFF;
	s21 =	sshll.u32 s5, $0x1;
	s2 =	sadd.s32 s19, s18  }
0x9c: {  	s6 =	simm.s32 $0x0;
	s20 =	sshll.u32 s4, $0x1;
	s4 =	sadd.s32 s21, s2  }
0x9d: {  	[timem:s6], [sflag:s22] =	dma.local [hbm:s4], s20  }
0x9e: {  	_ =	swait.ge [sflag:s22], s20  }
0x9f: {  	s3 =	ssub.s32 $0x0, s20;
	[sflag:s22] =	ssyncset.done $0x0  }
0xa0: {  	[sflag:s22] =	ssyncadd.s32 s3;
	_ =	sdelay $0x1  }
0xa1: {  	s23 =	simm.s32 $0x1B8B  }
0xa2: {  	_ =	swait.ge [sflag:s23], $0x1  }
0xa3: {  	[sflag:s23] =	ssyncset.done $0x0  }
0xa4: {  	s25 =	simm.s32 $0x1B8E;
	s24 =	sld [smem:$0x3FFE];
	[sflag:s23] =	ssyncadd.s32 $0xFFFFFFFF  }
0xa5: {  	s26 =	simm.s32 $execute0_lowered;
	[smem:$0x3FD2] =	sst s25  }
0xa6: {  	s4 =	sshll.u32 s26, $0x1;
	_ =	strace $0x80000046;
	[dreg:$0x1] =	wrdreg $0xFFFFFFFF  }
0xa7: {  	s28 =	simm.s32 $_size_execute0_lowered;
	s2 =	sadd.s32 s2, s4;
	[dreg:$0x0] =	wrdreg $0x0  }
0xa8: {  	s4 =	sshll.u32 s28, $0x1;
	[dreg:$0x2] =	wrdreg s2  }
0xa9: {  	[dreg:$0x3] =	wrdreg s4  }
0xaa: {  	[dreg:$0x4] =	wrdreg $0xC0  }
0xab: {  	_ =	task [dreg:s6], $0x5FFFF  }
0xac: {  	[dreg:$0x1] =	wrdreg $0xFFFFFFFF  }
0xad: {  	[dreg:$0x0] =	wrdreg $0x60  }
0xae: {  	[dreg:$0x2] =	wrdreg s24  }
0xaf: {  	[dreg:$0x3] =	wrdreg $0x82000  }
0xb0: {  	[dreg:$0x4] =	wrdreg $0x9  }
0xb1: {  	_ =	task.clear_ibuf [dreg:s6], $0x5FFFF;
	_ =	strace $0x90000046  }
0xb2: {  	s29 =	simm.s32 $0x9;
	_ =	strace $0x80000048  }
0xb3: {  	_ =	swait.ge [sflag:s29], $0x1  }
0xb4: {  	[sflag:s29] =	ssyncadd.s32 $0xFFFFFFFF  }
0xb5: {  	_ =	strace $0x90000048  }
0xb6: {  	_ =	sfence  }
0xb7: {  	s30 =	sld [smem:$0x0];
	_ =	sdelay $0x2  }
0xb8: {  	s31 =	sshll.u32 s1, $0xD;
	s1 =	sshrl.u32 s1, $0x2  }
0xb9: {  	s3 =	sand.u32 $0x4000, s31;
	s1 =	sadd.s32 s1, s30  }
0xba: {  	s0 =	sor.u32 s3, s0;
	s1 =	sshll.u32 s1, $0x11  }
0xbb: {  	s0 =	sor.u32 s1, s0  }
0xbc: {  	s0 =	sadd.s32 $0x8F2B, s0  }
0xbd: {  	[sflag:s0] =	ssyncadd.remote.s32 $0x1  }
0xbe: {  	_ =	sfence.sel $0xFFFF  }
0xbf: {  	[dreg:$0x0] =	wrdreg $0xFFFFFFFF;
	(pc) =	sbr.abs _section_cstart, $3  }
0xc0: {  	[dreg:$0x1] =	wrdreg $0xFFFFFFFF  }
0xc1: {  	_ =	task.clear_ibuf [dreg:s6], $0x2FFFF;
	_ =	strace $0x9FFFFFFF  }
0xc2: {  	(tm) =	ssettm $0x7FFFFFFF  }
0xc3: {  	_ =	shalt  }
tec
execute0_lowered:
.L_overlay_start_1:
0x0: {  	(tag) =	ssettag $0x1  }
0x1: {  	s0 =	rddreg [dreg:$0x0]  }
0x2: {  	s2 =	rddreg [dreg:$0x1];
	s3 =	simm.s32 $0x0  }
0x3: {  	s1 =	stileid.u32;
	s4 =	srdreg.scid;
	s14 =	simm.s32 $0x100  }
0x4: {  	s15 =	simm.s32 $0x1;
	s16 =	simm.s32 $0x80;
	s17 =	simm.s32 $0x200  }
0x5: {  	s18 =	simm.s32 $0x2;
	s19 =	simm.s32 $0x4200;
	s22 =	simm.s32 $0x4  }
0x6: {  	s23 =	simm.s32 $0x180;
	s25 =	simm.s32 $0x0;
	s5 =	smul.u32 $0x1400, s1  }
0x7: {  	[smem:$0x7FF] =	sst s3;
	s6 =	sand.u32 $0x1, s4;
	s10 =	smul.u32 $0x50000, s1  }
0x8: {  	s4 =	sadd.s32 $0x19E00, s0;
	s26 =	sadd.s32 $0x41E00, s0;
	s24 =	smul.u32 $0x2800, s1  }
0x9: {  	s31 =	sshll.u32 s1, $0x6;
	_ =	strace $0x80000047;
	s7 =	smul.u32 $0x28000, s6  }
0xa: {  	s9 =	ssub.s32 $0x2, s6;
	[dreg:$0x3] =	wrdreg s26;
	s30 =	smul.u32 $0x50, s6  }
0xb: {  	s20 =	smul.u32 $0xA00, s6;
	s6 =	sor.u32 $0x1C05, s31;
	s8 =	sadd.s32 s5, s0  }
0xc: {  	s28 =	sshrl.u32 s9, $0x1;
	s29 =	sshrl.u32 s10, $0x2;
	s0 =	sadd.s32 s7, s0  }
0xd: {  	s9 =	ssub.s32 s9, s28;
	s11 =	sadd.s32 s29, s2;
	s7 =	sadd.s32 $0x50, s30  }
0xe: {  	s21 =	sadd.s32 $0x5E00, s8;
	s13 =	sor.u32 $0x20, s20;
	s0 =	sadd.s32 $0x44600, s0  }
0xf: {  	s8 =	smax.u32 s9, $0x1;
	s9 =	sor.u32 $0x3, s30;
	s10 =	sshrl.u32 s11, $0x3  }
0x10: {  	s11 =	simm.s32 $0x5;
	s12 =	sadd.s32 s20, s21;
	s13 =	sadd.s32 s21, s13  }
0x11: {  	s20 =	sadd.s32 s21, s20;
	s21 =	simm.s32 $0x3;
	s24 =	sadd.s32 s24, s0  }
.LBB2_1:
0x12: {  	s0 =	rddreg [dreg:$0x3]  }
0x13: {  	[spmem:s10], [sflag:s6] =	dma.local [hbm:s0], $0x2800  }
0x14: {  	_ =	swait.ge [sflag:s11], $0x2800  }
0x15: {  	[sflag:s11] =	ssyncset.done $0x0  }
0x16: {  	[sflag:s11] =	ssyncadd.s32 $0xFFFFD800  }
0x17: {  	[bflag:$0x0] =	sbarrier.arrive $0xFFFF  }
0x18: {  	[tilespmem:s3], [sflag:$0x1] =	stream.linear.gather [hbm4b:s12+s3], $0x100, $0x38;
	[tilespmem:$0x1C200] =	vst v63  }
0x19: {  	_ = 	snop  }
0x1a: {  	[tilespmem:s14], [sflag:$0x2] =	stream.linear.gather [hbm4b:s13+s3], $0x100, $0x38;
	[tilespmem:$0x1C200] =	vst v63  }
0x1b: {  	_ =	swait.ge [sflag:s15], $0x100  }
0x1c: {  	[sflag:s15] =	ssyncset.done $0x0  }
0x1d: {  	[sflag:s15] =	ssyncadd.s32 $0xFFFFFF00  }
0x1e: {  	[tilespmem:s17], [sflag:$0x3] =	stream.indirect.gather [hbm4b:s4+s16], $0x80, s3, s16, $0xb8;
	[tilespmem:$0x1C200] =	vst v63  }
0x1f: {  	_ =	swait.ge [sflag:s18], $0x100  }
0x20: {  	[sflag:s18] =	ssyncset.done $0x0  }
0x21: {  	[sflag:s18] =	ssyncadd.s32 $0xFFFFFF00  }
0x22: {  	[tilespmem:s19], [sflag:$0x4] =	stream.indirect.gather [hbm4b:s4+s16], $0x80, s14, s16, $0xb8;
	[tilespmem:$0x1C200] =	vst v63  }
0x23: {  	_ =	swait.ge [sflag:s21], $0x4000  }
0x24: {  	[sflag:s21] =	ssyncset.done $0x0  }
0x25: {  	s26 =	sadd.s32 $0xFFFFFFFF, s9;
	[sflag:s21] =	ssyncadd.s32 $0xFFFFC000  }
0x26: {  	[spmem:s2] =	stream.indirect.scatter.add.f32 [tilespmem:s17], [sflag:$0x5], $0x80, s16, s16, $0xb8;
	[tilespmem:$0x1C200] =	vst v63  }
0x27: {  	p1 =	sge.u32 s26, s7;
	_ =	swait.ge [sflag:s11], $0x4000  }
0x28: {  	s0 =	sadd.s32 @!p1 $0xFFFFF640, s20;
	[sflag:s11] =	ssyncset.done $0x0  }
0x29: {  	s26 =	simm.s32 @!p1 $0x0;
	s0 =	sadd.s32 @!p1 $0xA00, s0;
	[sflag:s11] =	ssyncadd.s32 $0xFFFFC000  }
0x2a: {  	[tilespmem:s26], [sflag:$0x1] =	stream.linear.gather @!p1 [hbm4b:s0+s26], $0x100, $0x38;
	[tilespmem:$0x1C200] =	vst v63  }
0x2b: {  	_ =	swait.ge [sflag:s22], $0x4000  }
0x2c: {  	[sflag:s22] =	ssyncset.done $0x0  }
0x2d: {  	p0 =	sge.u32 s9, s7;
	[sflag:s22] =	ssyncadd.s32 $0xFFFFC000  }
0x2e: {  	[spmem:s2] =	stream.indirect.scatter.add.f32 [tilespmem:s19], [sflag:$0x5], $0x80, s23, s16, $0xb8;
	[tilespmem:$0x1C200] =	vst v63  }
0x2f: {  	s28 =	simm.s32 @!p0 $0x0;
	_ =	swait.ge [sflag:s11], $0x4000  }
0x30: {  	s29 =	simm.s32 @!p0 $0x100;
	s0 =	sadd.s32 @!p0 $0xFFFFF640, s20;
	[sflag:s11] =	ssyncset.done $0x0  }
0x31: {  	s30 =	simm.s32 @!p1 $0x1;
	s0 =	sadd.s32 @!p0 $0xA20, s0;
	[sflag:s11] =	ssyncadd.s32 $0xFFFFC000  }
0x32: {  	[tilespmem:s29], [sflag:$0x2] =	stream.linear.gather @!p0 [hbm4b:s0+s28], $0x100, $0x38;
	[tilespmem:$0x1C200] =	vst v63  }
0x33: {  	_ =	swait.ge @!p1 [sflag:s30], $0x100  }
0x34: {  	s0 =	simm.s32 @!p1 $0x200;
	[sflag:s30] =	ssyncset.done @!p1 $0x0  }
0x35: {  	s28 =	simm.s32 @!p1 $0x80;
	[sflag:s30] =	ssyncadd.s32 @!p1 $0xFFFFFF00;
	s30 =	simm.s32 @!p0 $0x2  }
0x36: {  	[tilespmem:s0], [sflag:$0x3] =	stream.indirect.gather @!p1 [hbm4b:s4+s28], $0x80, s26, s28, $0xb8;
	[tilespmem:$0x1C200] =	vst v63  }
0x37: {  	s31 =	simm.s32 @!p0 $0x80;
	s26 =	simm.s32 $0xFFFFF680;
	_ =	swait.ge @!p0 [sflag:s30], $0x100  }
0x38: {  	s0 =	simm.s32 @!p0 $0x4200;
	s28 =	smov.u32 s9;
	[sflag:s30] =	ssyncset.done @!p0 $0x0  }
.LBB2_2:
0x39: {  	[sflag:s30] =	ssyncadd.s32 @!p0 $0xFFFFFF00  }
0x3a: {  	s28 =	sadd.s32 $0x2, s28;
	s30 =	smov.u32 s26;
	s26 =	sadd.s32 $0x40, s26  }
0x3b: {  	[tilespmem:s0], [sflag:$0x4] =	stream.indirect.gather @!p0 [hbm4b:s4+s31], $0x80, s29, s31, $0xb8;
	[tilespmem:$0x1C200] =	vst v63  }
0x3c: {  	p1 =	sne.s32 s26, $0x0;
	_ =	swait.ge [sflag:s21], $0x4000  }
0x3d: {  	s0 =	sadd.s32 $0xFFFFFFFF, s28;
	[sflag:s21] =	ssyncset.done $0x0  }
0x3e: {  	p2 =	sge.u32 s0, s7;
	[sflag:s21] =	ssyncadd.s32 $0xFFFFC000  }
0x3f: {  	[spmem:s2] =	stream.indirect.scatter.add.f32 [tilespmem:s17], [sflag:$0x5], $0x80, s16, s16, $0xb8;
	[tilespmem:$0x1C200] =	vst v63  }
0x40: {  	s0 =	sadd.s32 @!p2 s30, s20;
	_ =	swait.ge [sflag:s11], $0x4000  }
0x41: {  	s31 =	simm.s32 @!p2 $0x0;
	s0 =	sadd.s32 @!p2 $0xA00, s0;
	[sflag:s11] =	ssyncset.done $0x0  }
0x42: {  	[sflag:s11] =	ssyncadd.s32 $0xFFFFC000  }
0x43: {  	[tilespmem:s31], [sflag:$0x1] =	stream.linear.gather @!p2 [hbm4b:s0+s31], $0x100, $0x38;
	[tilespmem:$0x1C200] =	vst v63  }
0x44: {  	_ =	swait.ge [sflag:s22], $0x4000  }
0x45: {  	[sflag:s22] =	ssyncset.done $0x0  }
0x46: {  	p0 =	sge.u32 s28, s7;
	[sflag:s22] =	ssyncadd.s32 $0xFFFFC000  }
0x47: {  	[spmem:s2] =	stream.indirect.scatter.add.f32 [tilespmem:s19], [sflag:$0x5], $0x80, s23, s16, $0xb8;
	[tilespmem:$0x1C200] =	vst v63  }
0x48: {  	s0 =	sadd.s32 @!p0 s30, s20;
	s30 =	simm.s32 @!p0 $0x0;
	_ =	swait.ge [sflag:s11], $0x4000  }
0x49: {  	s1 =	simm.s32 @!p2 $0x1;
	s0 =	sadd.s32 @!p0 $0xA20, s0;
	[sflag:s11] =	ssyncset.done $0x0  }
0x4a: {  	s29 =	simm.s32 @!p0 $0x100;
	[sflag:s11] =	ssyncadd.s32 $0xFFFFC000  }
0x4b: {  	[tilespmem:s29], [sflag:$0x2] =	stream.linear.gather @!p0 [hbm4b:s0+s30], $0x100, $0x38;
	[tilespmem:$0x1C200] =	vst v63  }
0x4c: {  	s0 =	simm.s32 @!p2 $0x200;
	_ =	swait.ge @!p2 [sflag:s1], $0x100  }
.Ltmp0:
0x4d: {  	s5 =	simm.s32 @!p2 $0x80;
	[sflag:s1] =	ssyncset.done @!p2 $0x0;
	(pc) =	sbr.rel @p1 .LBB2_2-.Ltmp0, $4  }
0x4e: {  	s30 =	simm.s32 @!p0 $0x2;
	[sflag:s1] =	ssyncadd.s32 @!p2 $0xFFFFFF00  }
0x4f: {  	[tilespmem:s0], [sflag:$0x3] =	stream.indirect.gather @!p2 [hbm4b:s4+s5], $0x80, s31, s5, $0xb8;
	[tilespmem:$0x1C200] =	vst v63  }
0x50: {  	_ =	swait.ge @!p0 [sflag:s30], $0x100  }
0x51: {  	s31 =	simm.s32 @!p0 $0x80;
	s0 =	simm.s32 @!p0 $0x4200;
	[sflag:s30] =	ssyncset.done @!p0 $0x0  }
0x52: {  	[sflag:s30] =	ssyncadd.s32 @!p0 $0xFFFFFF00  }
0x53: {  	[tilespmem:s0], [sflag:$0x4] =	stream.indirect.gather @!p0 [hbm4b:s4+s31], $0x80, s29, s31, $0xb8;
	[tilespmem:$0x1C200] =	vst v63  }
0x54: {  	_ =	swait.ge [sflag:s21], $0x4000  }
0x55: {  	[sflag:s21] =	ssyncset.done $0x0  }
0x56: {  	[sflag:s21] =	ssyncadd.s32 $0xFFFFC000  }
0x57: {  	[spmem:s2] =	stream.indirect.scatter.add.f32 [tilespmem:s17], [sflag:$0x5], $0x80, s16, s16, $0xb8;
	[tilespmem:$0x1C200] =	vst v63  }
0x58: {  	_ =	swait.ge [sflag:s11], $0x4000  }
0x59: {  	[sflag:s11] =	ssyncset.done $0x0  }
0x5a: {  	[sflag:s11] =	ssyncadd.s32 $0xFFFFC000  }
0x5b: {  	_ =	swait.ge [sflag:s22], $0x4000  }
0x5c: {  	[sflag:s22] =	ssyncset.done $0x0  }
0x5d: {  	[sflag:s22] =	ssyncadd.s32 $0xFFFFC000  }
0x5e: {  	[spmem:s2] =	stream.indirect.scatter.add.f32 [tilespmem:s19], [sflag:$0x5], $0x80, s23, s16, $0xb8;
	[tilespmem:$0x1C200] =	vst v63  }
0x5f: {  	_ =	swait.ge [sflag:s11], $0x4000  }
0x60: {  	s25 =	sadd.s32 $0x1, s25;
	[sflag:s11] =	ssyncset.done $0x0  }
0x61: {  	p0 =	sne.s32 s25, s8;
	[sflag:s11] =	ssyncadd.s32 $0xFFFFC000  }
.Ltmp1:
0x62: {  	[bflag:$0x0] =	sbarrier.arrive $0xFFFF;
	(pc) =	sbr.rel @p0 .LBB2_1-.Ltmp1, $4  }
0x63: {  	[hbm:s24], [sflag:s6] =	dma.local [spmem:s10], $0x2800  }
0x64: {  	_ =	swait.ge [sflag:s11], $0x2800  }
0x65: {  	[sflag:s11] =	ssyncset.done $0x0  }
0x66: {  	[sflag:s11] =	ssyncadd.s32 $0xFFFFD800  }
0x67: {  	_ =	sfence.sel $0x180000  }
0x68: {  	[bflag:$0x0] =	sbarrier.arrive $0xFFFF  }
0x69: {  	_ =	strace $0x90000047  }
0x6a: {  	s0 =	stileid.u32;
	[bflag:$0x2] =	sbarrier.arrive $0xFFFF  }
0x6b: {  	p0 =	sne.s32 s0, $0x0;
	s0 =	rddreg [dreg:$0x2]  }
0x6c: {  	s0 =	sadd.s32 @!p0 $0x100000, s0  }
0x6d: {  	[sflag:s0] =	ssyncadd.tile.s32 @!p0 $0x1;
	_ =	shalt  }
.Lfunc_end2:
_tile_overlayer_lowered:
.L_overlay_start_2:
0x6e: {  	(tag) =	ssettag $0x2  }
0x6f: {  	s0 =	rddreg [dreg:$0x0];
	s2 =	stileid.u32  }
0x70: {  	s1 =	rddreg [dreg:$0x1];
	p0 =	sne.s32 s2, $0x0  }
0x71: {  	s3 =	rddreg [dreg:$0x2];
	[bflag:$0x3] =	sbarrier.arrive $0xFFFF;
	s2 =	simm.s32 @!p0 $0x1C05  }
0x72: {  	[timem:s3], [sflag:s2] =	dma.local @!p0 [hbm:s0], s1  }
0x73: {  	s0 =	simm.s32 @!p0 $0x5  }
0x74: {  	_ =	swait.ge @!p0 [sflag:s0], s1  }
0x75: {  	s1 =	ssub.s32 @!p0 $0x0, s1;
	[sflag:s0] =	ssyncset.done @!p0 $0x0  }
0x76: {  	[sflag:s0] =	ssyncadd.s32 @!p0 s1  }
0x77: {  	[bflag:$0x3] =	sbarrier.arrive $0xFFFF  }
0x78: {  	_ =	shalt  }

// kernel: kernel.20.cloned.1.call-start
scs
__scs_entry_jumppad:
0x0: {  	(pc) =	sbr.rel $0x88, $3  }
0x1: {  	(tag) =	ssettag $0x0;
	lr =	simm.s32 $0x1  }
0x2: {  	[smem:$0x3F87] =	sst lr;
	_ =	strace $0xD0000000  }
0x3: {  	_ = 	snop  }
0x4: {  	_ = 	snop  }
0x5: {  	_ = 	snop  }
0x6: {  	_ = 	snop  }
0x7: {  	_ = 	snop  }
__scs_overlays_trampoline_lowered:
0x8: {  	[smem:$0x3F96] =	sst s0  }
0x9: {  	[smem:$0x3F97] =	sst s1  }
0xa: {  	[smem:$0x3F98] =	sst s2  }
0xb: {  	[smem:$0x3F99] =	sst s3  }
0xc: {  	[smem:$0x3F9A] =	sst s4  }
0xd: {  	[smem:$0x3F9B] =	sst s5  }
0xe: {  	[smem:$0x3F9C] =	sst s6  }
0xf: {  	[smem:$0x3F9D] =	sst s7  }
0x10: {  	[smem:$0x3F9E] =	sst s8  }
0x11: {  	[smem:$0x3F9F] =	sst s9;
	s0 =	simm.s32 @!p0 $0x0  }
0x12: {  	s1 =	sld [smem:$0x3F85];
	s0 =	simm.s32 @p0 $0x1  }
0x13: {  	[smem:$0x3FA0] =	sst s0;
	s0 =	simm.s32 @!p1 $0x0  }
0x14: {  	s2 =	sld [smem:$0x3F84];
	s0 =	simm.s32 @p1 $0x1  }
0x15: {  	[smem:$0x3FA1] =	sst s0;
	s0 =	simm.s32 @!p2 $0x0  }
0x16: {  	s3 =	sld [smem:$0x3FDB];
	s0 =	simm.s32 @p2 $0x1  }
0x17: {  	s4 =	simm.s32 $0x1BF5;
	[smem:$0x3FA3] =	sst s0  }
0x18: {  	s0 =	sld [smem:$0x3F86];
	_ =	swait.ge [sflag:s4], $0x0  }
0x19: {  	s7 =	sld [smem:$0x3F87]  }
0x1a: {  	s8 =	sadd.s32 $0xFFFFE003, lr  }
0x1b: {  	s9 =	sadd.s32 $0xFFFFFEF7, lr;
	s5 =	simm.s32 $0xFFFFFFFF;
	p2 =	slt.u32 s8, $0xFFFFF086  }
0x1c: {  	p1 =	slt.u32 s9, $0xF7A;
	s5 =	simm.s32 @!p2 $0x0  }
0x1d: {  	s5 =	simm.s32 @p1 $0x1;
	p0 =	seq.s32 s7, s2  }
0x1e: {  	s7 =	smul.u32 @!p0 $0xF7A, s2;
	p2 =	seq.s32 @!p0 s5, $0x0  }
0x1f: {  	s9 =	smul.u32 $0xF7A, s1;
	s8 =	simm.s32 @!p0 $0x1BF5;
	p2 =	por !p2, p0  }
0x20: {  	[sflag:s8] =	ssyncset.s32 @!p0 $0xFFFFF086;
	s6 =	sadd.s32 @!p0 s3, s7;
	s7 =	simm.s32 @!p0 $0x108  }
0x21: {  	s3 =	sadd.s32 s3, s9;
	s6 =	sadd.s32 @!p0 $0x88, s6;
	s7 =	simm.s32 @p2 $0x1082  }
0x22: {  	[simem:s7], [sflag:s8] =	dma.local @!p0 [hbm:s6], $0xF7A  }
0x23: {  	s9 =	sor.u32 $0xD0000000, s2;
	s6 =	simm.s32 $0x108;
	_ =	swait.ge @!p0 [sflag:s8], $0x0  }
0x24: {  	s3 =	sadd.s32 $0x88, s3;
	s6 =	simm.s32 @!p1 $0x1082;
	[sflag:s4] =	ssyncset.s32 $0xFFFFF086  }
0x25: {  	[simem:s6], [sflag:s4] =	dma.local [hbm:s3], $0xF7A  }
0x26: {  	[smem:$0x3F87] =	sst s1;
	(tag) =	ssettag s2;
	_ =	strace s9  }
0x27: {  	s1 =	sld [smem:$0x3F97]  }
0x28: {  	s2 =	sld [smem:$0x3F98]  }
0x29: {  	s4 =	sld [smem:$0x3F9A]  }
0x2a: {  	p0 =	seq.s32 s5, $0x0;
	s5 =	sld [smem:$0x3F9B]  }
0x2b: {  	s6 =	sld [smem:$0x3F9C]  }
0x2c: {  	s7 =	sld [smem:$0x3F9D]  }
0x2d: {  	s3 =	simm.s32 $0x108;
	s8 =	sld [smem:$0x3F9E]  }
0x2e: {  	s3 =	simm.s32 @!p0 $0x1082;
	s9 =	sld [smem:$0x3F9F]  }
0x2f: {  	lr =	sadd.s32 s0, s3;
	s0 =	sld [smem:$0x3F96]  }
0x30: {  	s3 =	sld [smem:$0x3F99]  }
0x31: {  	[smem:$0x3FA2] =	sst s10  }
0x32: {  	s10 =	sld [smem:$0x3FA0];
	_ =	sdelay $0x3  }
0x33: {  	p0 =	seq.s32 s10, $0x1;
	s10 =	sld [smem:$0x3FA2];
	_ =	sdelay $0x3  }
0x34: {  	[smem:$0x3FA2] =	sst s10  }
0x35: {  	s10 =	sld [smem:$0x3FA1];
	_ =	sdelay $0x3  }
0x36: {  	p1 =	seq.s32 s10, $0x1;
	s10 =	sld [smem:$0x3FA2];
	_ =	sdelay $0x3  }
0x37: {  	[smem:$0x3FA2] =	sst s10  }
0x38: {  	s10 =	sld [smem:$0x3FA3]  }
0x39: {  	_ = 	snop;
	(pc) =	sbr.ind lr, $3  }
0x3a: {  	_ = 	snop  }
0x3b: {  	_ = 	snop  }
0x3c: {  	p2 =	seq.s32 s10, $0x1;
	s10 =	sld [smem:$0x3FA2]  }
0x3d: {  	_ =	shalt  }
0x3e: {  	_ =	shalt  }
0x3f: {  	_ =	shalt  }
0x40: {  	_ =	shalt  }
0x41: {  	_ =	shalt  }
0x42: {  	_ =	shalt  }
0x43: {  	_ =	shalt  }
0x44: {  	_ =	shalt  }
0x45: {  	_ =	shalt  }
0x46: {  	_ =	shalt  }
0x47: {  	_ =	shalt  }
0x48: {  	_ =	shalt  }
0x49: {  	_ =	shalt  }
0x4a: {  	_ =	shalt  }
0x4b: {  	_ =	shalt  }
0x4c: {  	_ =	shalt  }
0x4d: {  	_ =	shalt  }
0x4e: {  	_ =	shalt  }
0x4f: {  	_ =	shalt  }
0x50: {  	_ =	shalt  }
0x51: {  	_ =	shalt  }
0x52: {  	_ =	shalt  }
0x53: {  	_ =	shalt  }
0x54: {  	_ =	shalt  }
0x55: {  	_ =	shalt  }
0x56: {  	_ =	shalt  }
0x57: {  	_ =	shalt  }
0x58: {  	_ =	shalt  }
0x59: {  	_ =	shalt  }
0x5a: {  	_ =	shalt  }
0x5b: {  	_ =	shalt  }
0x5c: {  	_ =	shalt  }
0x5d: {  	_ =	shalt  }
0x5e: {  	_ =	shalt  }
0x5f: {  	_ =	shalt  }
0x60: {  	_ =	shalt  }
0x61: {  	_ =	shalt  }
0x62: {  	_ =	shalt  }
0x63: {  	_ =	shalt  }
0x64: {  	_ =	shalt  }
0x65: {  	_ =	shalt  }
0x66: {  	_ =	shalt  }
0x67: {  	_ =	shalt  }
0x68: {  	_ =	shalt  }
0x69: {  	_ =	shalt  }
0x6a: {  	_ =	shalt  }
0x6b: {  	_ =	shalt  }
0x6c: {  	_ =	shalt  }
0x6d: {  	_ =	shalt  }
0x6e: {  	_ =	shalt  }
0x6f: {  	_ =	shalt  }
0x70: {  	_ =	shalt  }
0x71: {  	_ =	shalt  }
0x72: {  	_ =	shalt  }
0x73: {  	_ =	shalt  }
0x74: {  	_ =	shalt  }
0x75: {  	_ =	shalt  }
0x76: {  	_ =	shalt  }
0x77: {  	_ =	shalt  }
0x78: {  	_ =	shalt  }
0x79: {  	_ =	shalt  }
0x7a: {  	_ =	shalt  }
0x7b: {  	_ =	shalt  }
0x7c: {  	_ =	shalt  }
0x7d: {  	_ =	shalt  }
0x7e: {  	_ =	shalt  }
0x7f: {  	_ =	shalt  }
0x80: {  	_ =	shalt  }
0x81: {  	_ =	shalt  }
0x82: {  	_ =	shalt  }
0x83: {  	_ =	shalt  }
0x84: {  	_ =	shalt  }
0x85: {  	_ =	shalt  }
0x86: {  	_ =	shalt  }
0x87: {  	_ =	shalt  }
.Lfunc_end0:
.L_simem_size_0:
called_computation.1_lowered:
.L_overlay_start_0:
0x88: {  	s2 =	sld [smem:$0x3FD9]  }
0x89: {  	s3 =	sld [smem:$0x3FFE];
	_ =	sdelay $0x1  }
0x8a: {  	s1 =	srdreg.scid  }
0x8b: {  	s0 =	sand.u32 $0x1, s1  }
0x8c: {  	s16 =	sshll.u32 s0, $0xA;
	s2 =	sadd.s32 s3, s2  }
0x8d: {  	s2 =	sadd.s32 s2, s16  }
0x8e: {  	[smem:$0x3FAE] =	sst s2  }
0x8f: {  	_ = 	snop  }
0x90: {  	(tm) =	ssettm $0x1  }
0x91: {  	s17 =	sld [smem:$0x3FFB];
	_ =	sdelay $0x3  }
0x92: {  	_ =	strace s17  }
0x93: {  	s2 =	sld [smem:$0x3FFC];
	_ =	sdelay $0x3  }
0x94: {  	_ =	strace s2  }
0x95: {  	s2 =	sld [smem:$0x3FFD];
	_ =	sdelay $0x3  }
0x96: {  	_ =	strace s2  }
0x97: {  	_ =	strace $0x8FFFFFFF  }
0x98: {  	s18 =	sld [smem:$0x3FDB];
	_ =	sdelay $0x1  }
0x99: {  	s19 =	simm.s32 $_scs_section_size  }
0x9a: {  	s4 =	simm.s32 $_size__tile_overlayer_lowered;
	s5 =	simm.s32 $_tile_overlayer_lowered  }
0x9b: {  	s22 =	simm.s32 $0x1BFF;
	s21 =	sshll.u32 s5, $0x1;
	s2 =	sadd.s32 s19, s18  }
0x9c: {  	s6 =	simm.s32 $0x0;
	s20 =	sshll.u32 s4, $0x1;
	s4 =	sadd.s32 s21, s2  }
0x9d: {  	[timem:s6], [sflag:s22] =	dma.local [hbm:s4], s20  }
0x9e: {  	_ =	swait.ge [sflag:s22], s20  }
0x9f: {  	s3 =	ssub.s32 $0x0, s20;
	[sflag:s22] =	ssyncset.done $0x0  }
0xa0: {  	[sflag:s22] =	ssyncadd.s32 s3;
	_ =	sdelay $0x1  }
0xa1: {  	s23 =	simm.s32 $0x1B8B  }
0xa2: {  	_ =	swait.ge [sflag:s23], $0x1  }
0xa3: {  	[sflag:s23] =	ssyncset.done $0x0  }
0xa4: {  	s25 =	simm.s32 $0x1B8E;
	s24 =	sld [smem:$0x3FFE];
	[sflag:s23] =	ssyncadd.s32 $0xFFFFFFFF  }
0xa5: {  	s26 =	simm.s32 $execute0_lowered;
	[smem:$0x3FD2] =	sst s25  }
0xa6: {  	s4 =	sshll.u32 s26, $0x1;
	_ =	strace $0x80000049;
	[dreg:$0x1] =	wrdreg $0xFFFFFFFF  }
0xa7: {  	s28 =	simm.s32 $_size_execute0_lowered;
	s2 =	sadd.s32 s2, s4;
	[dreg:$0x0] =	wrdreg $0x0  }
0xa8: {  	s4 =	sshll.u32 s28, $0x1;
	[dreg:$0x2] =	wrdreg s2  }
0xa9: {  	[dreg:$0x3] =	wrdreg s4  }
0xaa: {  	[dreg:$0x4] =	wrdreg $0xC0  }
0xab: {  	_ =	task [dreg:s6], $0x5FFFF  }
0xac: {  	[dreg:$0x1] =	wrdreg $0xFFFFFFFF  }
0xad: {  	[dreg:$0x0] =	wrdreg $0x60  }
0xae: {  	[dreg:$0x2] =	wrdreg s24  }
0xaf: {  	[dreg:$0x3] =	wrdreg $0x82000  }
0xb0: {  	[dreg:$0x4] =	wrdreg $0x9  }
0xb1: {  	_ =	task.clear_ibuf [dreg:s6], $0x5FFFF;
	_ =	strace $0x90000049  }
0xb2: {  	s29 =	simm.s32 $0x9;
	_ =	strace $0x8000004B  }
0xb3: {  	_ =	swait.ge [sflag:s29], $0x1  }
0xb4: {  	[sflag:s29] =	ssyncadd.s32 $0xFFFFFFFF  }
0xb5: {  	_ =	strace $0x9000004B  }
0xb6: {  	_ =	sfence  }
0xb7: {  	s30 =	sld [smem:$0x0];
	_ =	sdelay $0x2  }
0xb8: {  	s31 =	sshll.u32 s1, $0xD;
	s1 =	sshrl.u32 s1, $0x2  }
0xb9: {  	s3 =	sand.u32 $0x4000, s31;
	s1 =	sadd.s32 s1, s30  }
0xba: {  	s0 =	sor.u32 s3, s0;
	s1 =	sshll.u32 s1, $0x11  }
0xbb: {  	s0 =	sor.u32 s1, s0  }
0xbc: {  	s0 =	sadd.s32 $0x8F2B, s0  }
0xbd: {  	[sflag:s0] =	ssyncadd.remote.s32 $0x1  }
0xbe: {  	_ =	sfence.sel $0xFFFF  }
0xbf: {  	[dreg:$0x0] =	wrdreg $0xFFFFFFFF;
	(pc) =	sbr.abs _section_cstart, $3  }
0xc0: {  	[dreg:$0x1] =	wrdreg $0xFFFFFFFF  }
0xc1: {  	_ =	task.clear_ibuf [dreg:s6], $0x2FFFF;
	_ =	strace $0x9FFFFFFF  }
0xc2: {  	(tm) =	ssettm $0x7FFFFFFF  }
0xc3: {  	_ =	shalt  }
tec
execute0_lowered:
.L_overlay_start_1:
0x0: {  	(tag) =	ssettag $0x1  }
0x1: {  	s5 =	rddreg [dreg:$0x0]  }
0x2: {  	s2 =	rddreg [dreg:$0x1]  }
0x3: {  	s0 =	rddreg [dreg:$0x2];
	s3 =	simm.s32 $0x0;
	s1 =	stileid.u32  }
0x4: {  	s4 =	srdreg.scid;
	s12 =	simm.s32 $0x100;
	s13 =	simm.s32 $0x1  }
0x5: {  	s14 =	simm.s32 $0x80;
	s15 =	simm.s32 $0x200;
	s16 =	simm.s32 $0x2  }
0x6: {  	s17 =	simm.s32 $0x4200;
	s18 =	simm.s32 $0x3;
	s6 =	smul.u32 $0x1400, s1  }
0x7: {  	s19 =	simm.s32 $0x4;
	s20 =	simm.s32 $0x180;
	s9 =	smul.u32 $0x50000, s1  }
0x8: {  	[smem:$0x7FF] =	sst s3;
	s4 =	sand.u32 $0x1, s4;
	s22 =	smul.u32 $0x2800, s1  }
0x9: {  	s31 =	sshll.u32 s1, $0x6;
	_ =	strace $0x8000004A;
	s7 =	smul.u32 $0x28000, s4  }
0xa: {  	s8 =	ssub.s32 $0x2, s4;
	s4 =	sadd.s32 $0x41E00, s5;
	s6 =	sadd.s32 s6, s5  }
0xb: {  	s29 =	sshrl.u32 s8, $0x1;
	s30 =	sshrl.u32 s9, $0x2;
	s10 =	sadd.s32 s7, s5  }
0xc: {  	s8 =	ssub.s32 s8, s29;
	s9 =	sadd.s32 s30, s2;
	s5 =	sor.u32 $0x1C05, s31  }
0xd: {  	s6 =	sadd.s32 $0x5E00, s6;
	s7 =	sadd.s32 $0x44600, s10;
	s21 =	sadd.s32 $0x94600, s10  }
0xe: {  	s8 =	smax.u32 s8, $0x1;
	s9 =	sshrl.u32 s9, $0x3;
	s10 =	simm.s32 $0x5  }
0xf: {  	s11 =	sadd.s32 $0x20, s6;
	s21 =	sadd.s32 s22, s21;
	s22 =	simm.s32 $0x0  }
.LBB2_1:
0x10: {  	[spmem:s9], [sflag:s5] =	dma.local [hbm:s4], $0x2800  }
0x11: {  	_ =	swait.ge [sflag:s10], $0x2800  }
0x12: {  	[sflag:s10] =	ssyncset.done $0x0  }
0x13: {  	[sflag:s10] =	ssyncadd.s32 $0xFFFFD800  }
0x14: {  	[bflag:$0x0] =	sbarrier.arrive $0xFFFF  }
0x15: {  	[tilespmem:s3], [sflag:$0x1] =	stream.linear.gather [hbm4b:s6+s3], $0x100, $0x38;
	[tilespmem:$0x1C200] =	vst v63  }
0x16: {  	_ = 	snop  }
0x17: {  	[tilespmem:s12], [sflag:$0x2] =	stream.linear.gather [hbm4b:s11+s3], $0x100, $0x38;
	[tilespmem:$0x1C200] =	vst v63  }
0x18: {  	_ =	swait.ge [sflag:s13], $0x100  }
0x19: {  	[sflag:s13] =	ssyncset.done $0x0  }
0x1a: {  	[sflag:s13] =	ssyncadd.s32 $0xFFFFFF00  }
0x1b: {  	[tilespmem:s15], [sflag:$0x3] =	stream.indirect.gather [hbm4b:s7+s14], $0x80, s3, s14, $0xb8;
	[tilespmem:$0x1C200] =	vst v63  }
0x1c: {  	_ =	swait.ge [sflag:s16], $0x100  }
0x1d: {  	[sflag:s16] =	ssyncset.done $0x0  }
0x1e: {  	[sflag:s16] =	ssyncadd.s32 $0xFFFFFF00  }
0x1f: {  	[tilespmem:s17], [sflag:$0x4] =	stream.indirect.gather [hbm4b:s7+s14], $0x80, s12, s14, $0xb8;
	[tilespmem:$0x1C200] =	vst v63  }
0x20: {  	_ =	swait.ge [sflag:s18], $0x4000  }
0x21: {  	[sflag:s18] =	ssyncset.done $0x0  }
0x22: {  	[sflag:s18] =	ssyncadd.s32 $0xFFFFC000  }
0x23: {  	[spmem:s2] =	stream.indirect.scatter.add.f32 [tilespmem:s15], [sflag:$0x5], $0x80, s14, s14, $0xb8;
	[tilespmem:$0x1C200] =	vst v63  }
0x24: {  	_ =	swait.ge [sflag:s10], $0x4000  }
0x25: {  	s23 =	sadd.s32 $0xFFFFEC40, s6;
	[sflag:s10] =	ssyncset.done $0x0  }
0x26: {  	s24 =	sadd.s32 $0x1400, s23;
	[sflag:s10] =	ssyncadd.s32 $0xFFFFC000  }
0x27: {  	[tilespmem:s3], [sflag:$0x1] =	stream.linear.gather [hbm4b:s24+s3], $0x100, $0x38;
	[tilespmem:$0x1C200] =	vst v63  }
0x28: {  	_ =	swait.ge [sflag:s19], $0x4000  }
0x29: {  	[sflag:s19] =	ssyncset.done $0x0  }
0x2a: {  	[sflag:s19] =	ssyncadd.s32 $0xFFFFC000  }
0x2b: {  	[spmem:s2] =	stream.indirect.scatter.add.f32 [tilespmem:s17], [sflag:$0x5], $0x80, s20, s14, $0xb8;
	[tilespmem:$0x1C200] =	vst v63  }
0x2c: {  	_ =	swait.ge [sflag:s10], $0x4000  }
0x2d: {  	[sflag:s10] =	ssyncset.done $0x0  }
0x2e: {  	s23 =	sadd.s32 $0x1420, s23;
	[sflag:s10] =	ssyncadd.s32 $0xFFFFC000  }
0x2f: {  	[tilespmem:s12], [sflag:$0x2] =	stream.linear.gather [hbm4b:s23+s3], $0x100, $0x38;
	[tilespmem:$0x1C200] =	vst v63  }
0x30: {  	_ =	swait.ge [sflag:s13], $0x100  }
0x31: {  	[sflag:s13] =	ssyncset.done $0x0  }
0x32: {  	[sflag:s13] =	ssyncadd.s32 $0xFFFFFF00  }
0x33: {  	[tilespmem:s15], [sflag:$0x3] =	stream.indirect.gather [hbm4b:s7+s14], $0x80, s3, s14, $0xb8;
	[tilespmem:$0x1C200] =	vst v63  }
0x34: {  	_ =	swait.ge [sflag:s16], $0x100  }
0x35: {  	[sflag:s16] =	ssyncset.done $0x0  }
0x36: {  	s23 =	simm.s32 $0xFFFFEC80;
	[sflag:s16] =	ssyncadd.s32 $0xFFFFFF00  }
.LBB2_2:
0x37: {  	[tilespmem:s17], [sflag:$0x4] =	stream.indirect.gather [hbm4b:s7+s14], $0x80, s12, s14, $0xb8;
	[tilespmem:$0x1C200] =	vst v63  }
0x38: {  	s24 =	smov.u32 s23  }
0x39: {  	p0 =	sne.s32 s23, $0xFFFFFFC0;
	s23 =	sadd.s32 $0x40, s23;
	_ =	swait.ge [sflag:s18], $0x4000  }
0x3a: {  	[sflag:s18] =	ssyncset.done $0x0  }
0x3b: {  	[sflag:s18] =	ssyncadd.s32 $0xFFFFC000  }
0x3c: {  	[spmem:s2] =	stream.indirect.scatter.add.f32 [tilespmem:s15], [sflag:$0x5], $0x80, s14, s14, $0xb8;
	[tilespmem:$0x1C200] =	vst v63  }
0x3d: {  	_ =	swait.ge [sflag:s10], $0x4000  }
0x3e: {  	s24 =	sadd.s32 s24, s6;
	[sflag:s10] =	ssyncset.done $0x0  }
0x3f: {  	s25 =	sadd.s32 $0x1400, s24;
	[sflag:s10] =	ssyncadd.s32 $0xFFFFC000  }
0x40: {  	[tilespmem:s3], [sflag:$0x1] =	stream.linear.gather [hbm4b:s25+s3], $0x100, $0x38;
	[tilespmem:$0x1C200] =	vst v63  }
0x41: {  	_ =	swait.ge [sflag:s19], $0x4000  }
0x42: {  	[sflag:s19] =	ssyncset.done $0x0  }
0x43: {  	[sflag:s19] =	ssyncadd.s32 $0xFFFFC000  }
0x44: {  	[spmem:s2] =	stream.indirect.scatter.add.f32 [tilespmem:s17], [sflag:$0x5], $0x80, s20, s14, $0xb8;
	[tilespmem:$0x1C200] =	vst v63  }
0x45: {  	_ =	swait.ge [sflag:s10], $0x4000  }
0x46: {  	[sflag:s10] =	ssyncset.done $0x0  }
0x47: {  	s24 =	sadd.s32 $0x1420, s24;
	[sflag:s10] =	ssyncadd.s32 $0xFFFFC000  }
0x48: {  	[tilespmem:s12], [sflag:$0x2] =	stream.linear.gather [hbm4b:s24+s3], $0x100, $0x38;
	[tilespmem:$0x1C200] =	vst v63  }
0x49: {  	_ =	swait.ge [sflag:s13], $0x100  }
0x4a: {  	[sflag:s13] =	ssyncset.done $0x0  }
.Ltmp0:
0x4b: {  	[sflag:s13] =	ssyncadd.s32 $0xFFFFFF00;
	(pc) =	sbr.rel @p0 .LBB2_2-.Ltmp0, $4  }
0x4c: {  	[tilespmem:s15], [sflag:$0x3] =	stream.indirect.gather [hbm4b:s7+s14], $0x80, s3, s14, $0xb8;
	[tilespmem:$0x1C200] =	vst v63  }
0x4d: {  	_ =	swait.ge [sflag:s16], $0x100  }
0x4e: {  	[sflag:s16] =	ssyncset.done $0x0  }
0x4f: {  	[sflag:s16] =	ssyncadd.s32 $0xFFFFFF00  }
0x50: {  	[tilespmem:s17], [sflag:$0x4] =	stream.indirect.gather [hbm4b:s7+s14], $0x80, s12, s14, $0xb8;
	[tilespmem:$0x1C200] =	vst v63  }
0x51: {  	_ =	swait.ge [sflag:s18], $0x4000  }
0x52: {  	[sflag:s18] =	ssyncset.done $0x0  }
0x53: {  	[sflag:s18] =	ssyncadd.s32 $0xFFFFC000  }
0x54: {  	[spmem:s2] =	stream.indirect.scatter.add.f32 [tilespmem:s15], [sflag:$0x5], $0x80, s14, s14, $0xb8;
	[tilespmem:$0x1C200] =	vst v63  }
0x55: {  	_ =	swait.ge [sflag:s10], $0x4000  }
0x56: {  	[sflag:s10] =	ssyncset.done $0x0  }
0x57: {  	[sflag:s10] =	ssyncadd.s32 $0xFFFFC000  }
0x58: {  	_ =	swait.ge [sflag:s19], $0x4000  }
0x59: {  	[sflag:s19] =	ssyncset.done $0x0  }
0x5a: {  	[sflag:s19] =	ssyncadd.s32 $0xFFFFC000  }
0x5b: {  	[spmem:s2] =	stream.indirect.scatter.add.f32 [tilespmem:s17], [sflag:$0x5], $0x80, s20, s14, $0xb8;
	[tilespmem:$0x1C200] =	vst v63  }
0x5c: {  	_ =	swait.ge [sflag:s10], $0x4000  }
0x5d: {  	s22 =	sadd.s32 $0x1, s22;
	[sflag:s10] =	ssyncset.done $0x0  }
0x5e: {  	p0 =	sne.s32 s22, s8;
	[sflag:s10] =	ssyncadd.s32 $0xFFFFC000  }
.Ltmp1:
0x5f: {  	[bflag:$0x0] =	sbarrier.arrive $0xFFFF;
	(pc) =	sbr.rel @p0 .LBB2_1-.Ltmp1, $4  }
0x60: {  	[hbm:s21], [sflag:s5] =	dma.local [spmem:s9], $0x2800  }
0x61: {  	_ =	swait.ge [sflag:s10], $0x2800  }
0x62: {  	[sflag:s10] =	ssyncset.done $0x0  }
0x63: {  	[sflag:s10] =	ssyncadd.s32 $0xFFFFD800  }
0x64: {  	_ =	sfence.sel $0x180000  }
0x65: {  	[bflag:$0x0] =	sbarrier.arrive $0xFFFF  }
0x66: {  	p0 =	sne.s32 s1, $0x0;
	_ =	strace $0x9000004A  }
0x67: {  	s0 =	sadd.s32 @!p0 $0x100000, s0;
	[bflag:$0x2] =	sbarrier.arrive $0xFFFF  }
0x68: {  	[sflag:s0] =	ssyncadd.tile.s32 @!p0 $0x1;
	_ =	shalt  }
.Lfunc_end2:
_tile_overlayer_lowered:
.L_overlay_start_2:
0x69: {  	(tag) =	ssettag $0x2  }
0x6a: {  	s0 =	rddreg [dreg:$0x0];
	s2 =	stileid.u32  }
0x6b: {  	s1 =	rddreg [dreg:$0x1];
	p0 =	sne.s32 s2, $0x0  }
0x6c: {  	s3 =	rddreg [dreg:$0x2];
	[bflag:$0x3] =	sbarrier.arrive $0xFFFF;
	s2 =	simm.s32 @!p0 $0x1C05  }
0x6d: {  	[timem:s3], [sflag:s2] =	dma.local @!p0 [hbm:s0], s1  }
0x6e: {  	s0 =	simm.s32 @!p0 $0x5  }
0x6f: {  	_ =	swait.ge @!p0 [sflag:s0], s1  }
0x70: {  	s1 =	ssub.s32 @!p0 $0x0, s1;
	[sflag:s0] =	ssyncset.done @!p0 $0x0  }
0x71: {  	[sflag:s0] =	ssyncadd.s32 @!p0 s1  }
0x72: {  	[bflag:$0x3] =	sbarrier.arrive $0xFFFF  }
0x73: {  	_ =	shalt  }

// kernel: kernel.23.cloned.1.call-start
scs
__scs_entry_jumppad:
0x0: {  	(pc) =	sbr.rel $0x88, $3  }
0x1: {  	(tag) =	ssettag $0x0;
	lr =	simm.s32 $0x1  }
0x2: {  	[smem:$0x3F87] =	sst lr;
	_ =	strace $0xD0000000  }
0x3: {  	_ = 	snop  }
0x4: {  	_ = 	snop  }
0x5: {  	_ = 	snop  }
0x6: {  	_ = 	snop  }
0x7: {  	_ = 	snop  }
__scs_overlays_trampoline_lowered:
0x8: {  	[smem:$0x3F96] =	sst s0  }
0x9: {  	[smem:$0x3F97] =	sst s1  }
0xa: {  	[smem:$0x3F98] =	sst s2  }
0xb: {  	[smem:$0x3F99] =	sst s3  }
0xc: {  	[smem:$0x3F9A] =	sst s4  }
0xd: {  	[smem:$0x3F9B] =	sst s5  }
0xe: {  	[smem:$0x3F9C] =	sst s6  }
0xf: {  	[smem:$0x3F9D] =	sst s7  }
0x10: {  	[smem:$0x3F9E] =	sst s8  }
0x11: {  	[smem:$0x3F9F] =	sst s9;
	s0 =	simm.s32 @!p0 $0x0  }
0x12: {  	s1 =	sld [smem:$0x3F85];
	s0 =	simm.s32 @p0 $0x1  }
0x13: {  	[smem:$0x3FA0] =	sst s0;
	s0 =	simm.s32 @!p1 $0x0  }
0x14: {  	s2 =	sld [smem:$0x3F84];
	s0 =	simm.s32 @p1 $0x1  }
0x15: {  	[smem:$0x3FA1] =	sst s0;
	s0 =	simm.s32 @!p2 $0x0  }
0x16: {  	s3 =	sld [smem:$0x3FDB];
	s0 =	simm.s32 @p2 $0x1  }
0x17: {  	s4 =	simm.s32 $0x1BF5;
	[smem:$0x3FA3] =	sst s0  }
0x18: {  	s0 =	sld [smem:$0x3F86];
	_ =	swait.ge [sflag:s4], $0x0  }
0x19: {  	s7 =	sld [smem:$0x3F87]  }
0x1a: {  	s8 =	sadd.s32 $0xFFFFE003, lr  }
0x1b: {  	s9 =	sadd.s32 $0xFFFFFEF7, lr;
	s5 =	simm.s32 $0xFFFFFFFF;
	p2 =	slt.u32 s8, $0xFFFFF086  }
0x1c: {  	p1 =	slt.u32 s9, $0xF7A;
	s5 =	simm.s32 @!p2 $0x0  }
0x1d: {  	s5 =	simm.s32 @p1 $0x1;
	p0 =	seq.s32 s7, s2  }
0x1e: {  	s7 =	smul.u32 @!p0 $0xF7A, s2;
	p2 =	seq.s32 @!p0 s5, $0x0  }
0x1f: {  	s9 =	smul.u32 $0xF7A, s1;
	s8 =	simm.s32 @!p0 $0x1BF5;
	p2 =	por !p2, p0  }
0x20: {  	[sflag:s8] =	ssyncset.s32 @!p0 $0xFFFFF086;
	s6 =	sadd.s32 @!p0 s3, s7;
	s7 =	simm.s32 @!p0 $0x108  }
0x21: {  	s3 =	sadd.s32 s3, s9;
	s6 =	sadd.s32 @!p0 $0x88, s6;
	s7 =	simm.s32 @p2 $0x1082  }
0x22: {  	[simem:s7], [sflag:s8] =	dma.local @!p0 [hbm:s6], $0xF7A  }
0x23: {  	s9 =	sor.u32 $0xD0000000, s2;
	s6 =	simm.s32 $0x108;
	_ =	swait.ge @!p0 [sflag:s8], $0x0  }
0x24: {  	s3 =	sadd.s32 $0x88, s3;
	s6 =	simm.s32 @!p1 $0x1082;
	[sflag:s4] =	ssyncset.s32 $0xFFFFF086  }
0x25: {  	[simem:s6], [sflag:s4] =	dma.local [hbm:s3], $0xF7A  }
0x26: {  	[smem:$0x3F87] =	sst s1;
	(tag) =	ssettag s2;
	_ =	strace s9  }
0x27: {  	s1 =	sld [smem:$0x3F97]  }
0x28: {  	s2 =	sld [smem:$0x3F98]  }
0x29: {  	s4 =	sld [smem:$0x3F9A]  }
0x2a: {  	p0 =	seq.s32 s5, $0x0;
	s5 =	sld [smem:$0x3F9B]  }
0x2b: {  	s6 =	sld [smem:$0x3F9C]  }
0x2c: {  	s7 =	sld [smem:$0x3F9D]  }
0x2d: {  	s3 =	simm.s32 $0x108;
	s8 =	sld [smem:$0x3F9E]  }
0x2e: {  	s3 =	simm.s32 @!p0 $0x1082;
	s9 =	sld [smem:$0x3F9F]  }
0x2f: {  	lr =	sadd.s32 s0, s3;
	s0 =	sld [smem:$0x3F96]  }
0x30: {  	s3 =	sld [smem:$0x3F99]  }
0x31: {  	[smem:$0x3FA2] =	sst s10  }
0x32: {  	s10 =	sld [smem:$0x3FA0];
	_ =	sdelay $0x3  }
0x33: {  	p0 =	seq.s32 s10, $0x1;
	s10 =	sld [smem:$0x3FA2];
	_ =	sdelay $0x3  }
0x34: {  	[smem:$0x3FA2] =	sst s10  }
0x35: {  	s10 =	sld [smem:$0x3FA1];
	_ =	sdelay $0x3  }
0x36: {  	p1 =	seq.s32 s10, $0x1;
	s10 =	sld [smem:$0x3FA2];
	_ =	sdelay $0x3  }
0x37: {  	[smem:$0x3FA2] =	sst s10  }
0x38: {  	s10 =	sld [smem:$0x3FA3]  }
0x39: {  	_ = 	snop;
	(pc) =	sbr.ind lr, $3  }
0x3a: {  	_ = 	snop  }
0x3b: {  	_ = 	snop  }
0x3c: {  	p2 =	seq.s32 s10, $0x1;
	s10 =	sld [smem:$0x3FA2]  }
0x3d: {  	_ =	shalt  }
0x3e: {  	_ =	shalt  }
0x3f: {  	_ =	shalt  }
0x40: {  	_ =	shalt  }
0x41: {  	_ =	shalt  }
0x42: {  	_ =	shalt  }
0x43: {  	_ =	shalt  }
0x44: {  	_ =	shalt  }
0x45: {  	_ =	shalt  }
0x46: {  	_ =	shalt  }
0x47: {  	_ =	shalt  }
0x48: {  	_ =	shalt  }
0x49: {  	_ =	shalt  }
0x4a: {  	_ =	shalt  }
0x4b: {  	_ =	shalt  }
0x4c: {  	_ =	shalt  }
0x4d: {  	_ =	shalt  }
0x4e: {  	_ =	shalt  }
0x4f: {  	_ =	shalt  }
0x50: {  	_ =	shalt  }
0x51: {  	_ =	shalt  }
0x52: {  	_ =	shalt  }
0x53: {  	_ =	shalt  }
0x54: {  	_ =	shalt  }
0x55: {  	_ =	shalt  }
0x56: {  	_ =	shalt  }
0x57: {  	_ =	shalt  }
0x58: {  	_ =	shalt  }
0x59: {  	_ =	shalt  }
0x5a: {  	_ =	shalt  }
0x5b: {  	_ =	shalt  }
0x5c: {  	_ =	shalt  }
0x5d: {  	_ =	shalt  }
0x5e: {  	_ =	shalt  }
0x5f: {  	_ =	shalt  }
0x60: {  	_ =	shalt  }
0x61: {  	_ =	shalt  }
0x62: {  	_ =	shalt  }
0x63: {  	_ =	shalt  }
0x64: {  	_ =	shalt  }
0x65: {  	_ =	shalt  }
0x66: {  	_ =	shalt  }
0x67: {  	_ =	shalt  }
0x68: {  	_ =	shalt  }
0x69: {  	_ =	shalt  }
0x6a: {  	_ =	shalt  }
0x6b: {  	_ =	shalt  }
0x6c: {  	_ =	shalt  }
0x6d: {  	_ =	shalt  }
0x6e: {  	_ =	shalt  }
0x6f: {  	_ =	shalt  }
0x70: {  	_ =	shalt  }
0x71: {  	_ =	shalt  }
0x72: {  	_ =	shalt  }
0x73: {  	_ =	shalt  }
0x74: {  	_ =	shalt  }
0x75: {  	_ =	shalt  }
0x76: {  	_ =	shalt  }
0x77: {  	_ =	shalt  }
0x78: {  	_ =	shalt  }
0x79: {  	_ =	shalt  }
0x7a: {  	_ =	shalt  }
0x7b: {  	_ =	shalt  }
0x7c: {  	_ =	shalt  }
0x7d: {  	_ =	shalt  }
0x7e: {  	_ =	shalt  }
0x7f: {  	_ =	shalt  }
0x80: {  	_ =	shalt  }
0x81: {  	_ =	shalt  }
0x82: {  	_ =	shalt  }
0x83: {  	_ =	shalt  }
0x84: {  	_ =	shalt  }
0x85: {  	_ =	shalt  }
0x86: {  	_ =	shalt  }
0x87: {  	_ =	shalt  }
.Lfunc_end0:
.L_simem_size_0:
called_computation.2_lowered:
.L_overlay_start_0:
0x88: {  	s2 =	sld [smem:$0x3FD9]  }
0x89: {  	s3 =	sld [smem:$0x3FFE];
	_ =	sdelay $0x1  }
0x8a: {  	s1 =	srdreg.scid  }
0x8b: {  	s0 =	sand.u32 $0x1, s1  }
0x8c: {  	s16 =	sshll.u32 s0, $0xA;
	s2 =	sadd.s32 s3, s2  }
0x8d: {  	s2 =	sadd.s32 s2, s16  }
0x8e: {  	[smem:$0x3FAE] =	sst s2  }
0x8f: {  	_ = 	snop  }
0x90: {  	(tm) =	ssettm $0x1  }
0x91: {  	s17 =	sld [smem:$0x3FFB];
	_ =	sdelay $0x3  }
0x92: {  	_ =	strace s17  }
0x93: {  	s2 =	sld [smem:$0x3FFC];
	_ =	sdelay $0x3  }
0x94: {  	_ =	strace s2  }
0x95: {  	s2 =	sld [smem:$0x3FFD];
	_ =	sdelay $0x3  }
0x96: {  	_ =	strace s2  }
0x97: {  	_ =	strace $0x8FFFFFFF  }
0x98: {  	s18 =	sld [smem:$0x3FDB];
	_ =	sdelay $0x1  }
0x99: {  	s19 =	simm.s32 $_scs_section_size  }
0x9a: {  	s4 =	simm.s32 $_size__tile_overlayer_lowered;
	s5 =	simm.s32 $_tile_overlayer_lowered  }
0x9b: {  	s22 =	simm.s32 $0x1BFF;
	s21 =	sshll.u32 s5, $0x1;
	s2 =	sadd.s32 s19, s18  }
0x9c: {  	s6 =	simm.s32 $0x0;
	s20 =	sshll.u32 s4, $0x1;
	s4 =	sadd.s32 s21, s2  }
0x9d: {  	[timem:s6], [sflag:s22] =	dma.local [hbm:s4], s20  }
0x9e: {  	_ =	swait.ge [sflag:s22], s20  }
0x9f: {  	s3 =	ssub.s32 $0x0, s20;
	[sflag:s22] =	ssyncset.done $0x0  }
0xa0: {  	[sflag:s22] =	ssyncadd.s32 s3;
	_ =	sdelay $0x1  }
0xa1: {  	s23 =	simm.s32 $0x1B8B  }
0xa2: {  	_ =	swait.ge [sflag:s23], $0x1  }
0xa3: {  	[sflag:s23] =	ssyncset.done $0x0  }
0xa4: {  	s25 =	simm.s32 $0x1B8E;
	s24 =	sld [smem:$0x3FFE];
	[sflag:s23] =	ssyncadd.s32 $0xFFFFFFFF  }
0xa5: {  	s26 =	simm.s32 $execute0_lowered;
	[smem:$0x3FD2] =	sst s25  }
0xa6: {  	s4 =	sshll.u32 s26, $0x1;
	_ =	strace $0x8000004C;
	[dreg:$0x1] =	wrdreg $0xFFFFFFFF  }
0xa7: {  	s28 =	simm.s32 $_size_execute0_lowered;
	s2 =	sadd.s32 s2, s4;
	[dreg:$0x0] =	wrdreg $0x0  }
0xa8: {  	s4 =	sshll.u32 s28, $0x1;
	[dreg:$0x2] =	wrdreg s2  }
0xa9: {  	[dreg:$0x3] =	wrdreg s4  }
0xaa: {  	[dreg:$0x4] =	wrdreg $0xC0  }
0xab: {  	_ =	task [dreg:s6], $0x5FFFF  }
0xac: {  	[dreg:$0x1] =	wrdreg $0xFFFFFFFF  }
0xad: {  	[dreg:$0x0] =	wrdreg $0x60  }
0xae: {  	[dreg:$0x2] =	wrdreg s24  }
0xaf: {  	[dreg:$0x3] =	wrdreg $0x82000  }
0xb0: {  	[dreg:$0x4] =	wrdreg $0x9  }
0xb1: {  	_ =	task.clear_ibuf [dreg:s6], $0x5FFFF;
	_ =	strace $0x9000004C  }
0xb2: {  	s29 =	simm.s32 $0x9;
	_ =	strace $0x8000004E  }
0xb3: {  	_ =	swait.ge [sflag:s29], $0x1  }
0xb4: {  	[sflag:s29] =	ssyncadd.s32 $0xFFFFFFFF  }
0xb5: {  	_ =	strace $0x9000004E  }
0xb6: {  	_ =	sfence  }
0xb7: {  	s30 =	sld [smem:$0x0];
	_ =	sdelay $0x2  }
0xb8: {  	s31 =	sshll.u32 s1, $0xD;
	s1 =	sshrl.u32 s1, $0x2  }
0xb9: {  	s3 =	sand.u32 $0x4000, s31;
	s1 =	sadd.s32 s1, s30  }
0xba: {  	s0 =	sor.u32 s3, s0;
	s1 =	sshll.u32 s1, $0x11  }
0xbb: {  	s0 =	sor.u32 s1, s0  }
0xbc: {  	s0 =	sadd.s32 $0x8F2B, s0  }
0xbd: {  	[sflag:s0] =	ssyncadd.remote.s32 $0x1  }
0xbe: {  	_ =	sfence.sel $0xFFFF  }
0xbf: {  	[dreg:$0x0] =	wrdreg $0xFFFFFFFF;
	(pc) =	sbr.abs _section_cstart, $3  }
0xc0: {  	[dreg:$0x1] =	wrdreg $0xFFFFFFFF  }
0xc1: {  	_ =	task.clear_ibuf [dreg:s6], $0x2FFFF;
	_ =	strace $0x9FFFFFFF  }
0xc2: {  	(tm) =	ssettm $0x7FFFFFFF  }
0xc3: {  	_ =	shalt  }
tec
execute0_lowered:
.L_overlay_start_1:
0x0: {  	(tag) =	ssettag $0x1  }
0x1: {  	s5 =	rddreg [dreg:$0x0]  }
0x2: {  	s2 =	rddreg [dreg:$0x1]  }
0x3: {  	s0 =	rddreg [dreg:$0x2];
	s3 =	simm.s32 $0x0;
	s1 =	stileid.u32  }
0x4: {  	s4 =	srdreg.scid;
	s12 =	simm.s32 $0x100;
	s13 =	simm.s32 $0x1  }
0x5: {  	s14 =	simm.s32 $0x80;
	s15 =	simm.s32 $0x200;
	s16 =	simm.s32 $0x2  }
0x6: {  	s17 =	simm.s32 $0x4200;
	s18 =	simm.s32 $0x3;
	s6 =	smul.u32 $0x1400, s1  }
0x7: {  	s19 =	simm.s32 $0x4;
	s20 =	simm.s32 $0x180;
	s9 =	smul.u32 $0x50000, s1  }
0x8: {  	[smem:$0x7FF] =	sst s3;
	s4 =	sand.u32 $0x1, s4;
	s22 =	smul.u32 $0x2800, s1  }
0x9: {  	s31 =	sshll.u32 s1, $0x6;
	_ =	strace $0x8000004D;
	s7 =	smul.u32 $0x28000, s4  }
0xa: {  	s8 =	ssub.s32 $0x2, s4;
	s4 =	sadd.s32 $0x41E00, s5;
	s6 =	sadd.s32 s6, s5  }
0xb: {  	s29 =	sshrl.u32 s8, $0x1;
	s30 =	sshrl.u32 s9, $0x2;
	s10 =	sadd.s32 s7, s5  }
0xc: {  	s8 =	ssub.s32 s8, s29;
	s9 =	sadd.s32 s30, s2;
	s5 =	sor.u32 $0x1C05, s31  }
0xd: {  	s6 =	sadd.s32 $0x5E00, s6;
	s7 =	sadd.s32 $0x44600, s10;
	s21 =	sadd.s32 $0x94600, s10  }
0xe: {  	s8 =	smax.u32 s8, $0x1;
	s9 =	sshrl.u32 s9, $0x3;
	s10 =	simm.s32 $0x5  }
0xf: {  	s11 =	sadd.s32 $0x20, s6;
	s21 =	sadd.s32 s22, s21;
	s22 =	simm.s32 $0x0  }
.LBB2_1:
0x10: {  	[spmem:s9], [sflag:s5] =	dma.local [hbm:s4], $0x2800  }
0x11: {  	_ =	swait.ge [sflag:s10], $0x2800  }
0x12: {  	[sflag:s10] =	ssyncset.done $0x0  }
0x13: {  	[sflag:s10] =	ssyncadd.s32 $0xFFFFD800  }
0x14: {  	[bflag:$0x0] =	sbarrier.arrive $0xFFFF  }
0x15: {  	[tilespmem:s3], [sflag:$0x1] =	stream.linear.gather [hbm4b:s6+s3], $0x100, $0x38;
	[tilespmem:$0x1C200] =	vst v63  }
0x16: {  	_ = 	snop  }
0x17: {  	[tilespmem:s12], [sflag:$0x2] =	stream.linear.gather [hbm4b:s11+s3], $0x100, $0x38;
	[tilespmem:$0x1C200] =	vst v63  }
0x18: {  	_ =	swait.ge [sflag:s13], $0x100  }
0x19: {  	[sflag:s13] =	ssyncset.done $0x0  }
0x1a: {  	[sflag:s13] =	ssyncadd.s32 $0xFFFFFF00  }
0x1b: {  	[tilespmem:s15], [sflag:$0x3] =	stream.indirect.gather [hbm4b:s7+s14], $0x80, s3, s14, $0xb8;
	[tilespmem:$0x1C200] =	vst v63  }
0x1c: {  	_ =	swait.ge [sflag:s16], $0x100  }
0x1d: {  	[sflag:s16] =	ssyncset.done $0x0  }
0x1e: {  	[sflag:s16] =	ssyncadd.s32 $0xFFFFFF00  }
0x1f: {  	[tilespmem:s17], [sflag:$0x4] =	stream.indirect.gather [hbm4b:s7+s14], $0x80, s12, s14, $0xb8;
	[tilespmem:$0x1C200] =	vst v63  }
0x20: {  	_ =	swait.ge [sflag:s18], $0x4000  }
0x21: {  	[sflag:s18] =	ssyncset.done $0x0  }
0x22: {  	[sflag:s18] =	ssyncadd.s32 $0xFFFFC000  }
0x23: {  	[spmem:s2] =	stream.indirect.scatter.add.f32 [tilespmem:s15], [sflag:$0x5], $0x80, s14, s14, $0xb8;
	[tilespmem:$0x1C200] =	vst v63  }
0x24: {  	_ =	swait.ge [sflag:s10], $0x4000  }
0x25: {  	s23 =	sadd.s32 $0xFFFFEC40, s6;
	[sflag:s10] =	ssyncset.done $0x0  }
0x26: {  	s24 =	sadd.s32 $0x1400, s23;
	[sflag:s10] =	ssyncadd.s32 $0xFFFFC000  }
0x27: {  	[tilespmem:s3], [sflag:$0x1] =	stream.linear.gather [hbm4b:s24+s3], $0x100, $0x38;
	[tilespmem:$0x1C200] =	vst v63  }
0x28: {  	_ =	swait.ge [sflag:s19], $0x4000  }
0x29: {  	[sflag:s19] =	ssyncset.done $0x0  }
0x2a: {  	[sflag:s19] =	ssyncadd.s32 $0xFFFFC000  }
0x2b: {  	[spmem:s2] =	stream.indirect.scatter.add.f32 [tilespmem:s17], [sflag:$0x5], $0x80, s20, s14, $0xb8;
	[tilespmem:$0x1C200] =	vst v63  }
0x2c: {  	_ =	swait.ge [sflag:s10], $0x4000  }
0x2d: {  	[sflag:s10] =	ssyncset.done $0x0  }
0x2e: {  	s23 =	sadd.s32 $0x1420, s23;
	[sflag:s10] =	ssyncadd.s32 $0xFFFFC000  }
0x2f: {  	[tilespmem:s12], [sflag:$0x2] =	stream.linear.gather [hbm4b:s23+s3], $0x100, $0x38;
	[tilespmem:$0x1C200] =	vst v63  }
0x30: {  	_ =	swait.ge [sflag:s13], $0x100  }
0x31: {  	[sflag:s13] =	ssyncset.done $0x0  }
0x32: {  	[sflag:s13] =	ssyncadd.s32 $0xFFFFFF00  }
0x33: {  	[tilespmem:s15], [sflag:$0x3] =	stream.indirect.gather [hbm4b:s7+s14], $0x80, s3, s14, $0xb8;
	[tilespmem:$0x1C200] =	vst v63  }
0x34: {  	_ =	swait.ge [sflag:s16], $0x100  }
0x35: {  	[sflag:s16] =	ssyncset.done $0x0  }
0x36: {  	s23 =	simm.s32 $0xFFFFEC80;
	[sflag:s16] =	ssyncadd.s32 $0xFFFFFF00  }
.LBB2_2:
0x37: {  	[tilespmem:s17], [sflag:$0x4] =	stream.indirect.gather [hbm4b:s7+s14], $0x80, s12, s14, $0xb8;
	[tilespmem:$0x1C200] =	vst v63  }
0x38: {  	s24 =	smov.u32 s23  }
0x39: {  	p0 =	sne.s32 s23, $0xFFFFFFC0;
	s23 =	sadd.s32 $0x40, s23;
	_ =	swait.ge [sflag:s18], $0x4000  }
0x3a: {  	[sflag:s18] =	ssyncset.done $0x0  }
0x3b: {  	[sflag:s18] =	ssyncadd.s32 $0xFFFFC000  }
0x3c: {  	[spmem:s2] =	stream.indirect.scatter.add.f32 [tilespmem:s15], [sflag:$0x5], $0x80, s14, s14, $0xb8;
	[tilespmem:$0x1C200] =	vst v63  }
0x3d: {  	_ =	swait.ge [sflag:s10], $0x4000  }
0x3e: {  	s24 =	sadd.s32 s24, s6;
	[sflag:s10] =	ssyncset.done $0x0  }
0x3f: {  	s25 =	sadd.s32 $0x1400, s24;
	[sflag:s10] =	ssyncadd.s32 $0xFFFFC000  }
0x40: {  	[tilespmem:s3], [sflag:$0x1] =	stream.linear.gather [hbm4b:s25+s3], $0x100, $0x38;
	[tilespmem:$0x1C200] =	vst v63  }
0x41: {  	_ =	swait.ge [sflag:s19], $0x4000  }
0x42: {  	[sflag:s19] =	ssyncset.done $0x0  }
0x43: {  	[sflag:s19] =	ssyncadd.s32 $0xFFFFC000  }
0x44: {  	[spmem:s2] =	stream.indirect.scatter.add.f32 [tilespmem:s17], [sflag:$0x5], $0x80, s20, s14, $0xb8;
	[tilespmem:$0x1C200] =	vst v63  }
0x45: {  	_ =	swait.ge [sflag:s10], $0x4000  }
0x46: {  	[sflag:s10] =	ssyncset.done $0x0  }
0x47: {  	s24 =	sadd.s32 $0x1420, s24;
	[sflag:s10] =	ssyncadd.s32 $0xFFFFC000  }
0x48: {  	[tilespmem:s12], [sflag:$0x2] =	stream.linear.gather [hbm4b:s24+s3], $0x100, $0x38;
	[tilespmem:$0x1C200] =	vst v63  }
0x49: {  	_ =	swait.ge [sflag:s13], $0x100  }
0x4a: {  	[sflag:s13] =	ssyncset.done $0x0  }
.Ltmp0:
0x4b: {  	[sflag:s13] =	ssyncadd.s32 $0xFFFFFF00;
	(pc) =	sbr.rel @p0 .LBB2_2-.Ltmp0, $4  }
0x4c: {  	[tilespmem:s15], [sflag:$0x3] =	stream.indirect.gather [hbm4b:s7+s14], $0x80, s3, s14, $0xb8;
	[tilespmem:$0x1C200] =	vst v63  }
0x4d: {  	_ =	swait.ge [sflag:s16], $0x100  }
0x4e: {  	[sflag:s16] =	ssyncset.done $0x0  }
0x4f: {  	[sflag:s16] =	ssyncadd.s32 $0xFFFFFF00  }
0x50: {  	[tilespmem:s17], [sflag:$0x4] =	stream.indirect.gather [hbm4b:s7+s14], $0x80, s12, s14, $0xb8;
	[tilespmem:$0x1C200] =	vst v63  }
0x51: {  	_ =	swait.ge [sflag:s18], $0x4000  }
0x52: {  	[sflag:s18] =	ssyncset.done $0x0  }
0x53: {  	[sflag:s18] =	ssyncadd.s32 $0xFFFFC000  }
0x54: {  	[spmem:s2] =	stream.indirect.scatter.add.f32 [tilespmem:s15], [sflag:$0x5], $0x80, s14, s14, $0xb8;
	[tilespmem:$0x1C200] =	vst v63  }
0x55: {  	_ =	swait.ge [sflag:s10], $0x4000  }
0x56: {  	[sflag:s10] =	ssyncset.done $0x0  }
0x57: {  	[sflag:s10] =	ssyncadd.s32 $0xFFFFC000  }
0x58: {  	_ =	swait.ge [sflag:s19], $0x4000  }
0x59: {  	[sflag:s19] =	ssyncset.done $0x0  }
0x5a: {  	[sflag:s19] =	ssyncadd.s32 $0xFFFFC000  }
0x5b: {  	[spmem:s2] =	stream.indirect.scatter.add.f32 [tilespmem:s17], [sflag:$0x5], $0x80, s20, s14, $0xb8;
	[tilespmem:$0x1C200] =	vst v63  }
0x5c: {  	_ =	swait.ge [sflag:s10], $0x4000  }
0x5d: {  	s22 =	sadd.s32 $0x1, s22;
	[sflag:s10] =	ssyncset.done $0x0  }
0x5e: {  	p0 =	sne.s32 s22, s8;
	[sflag:s10] =	ssyncadd.s32 $0xFFFFC000  }
.Ltmp1:
0x5f: {  	[bflag:$0x0] =	sbarrier.arrive $0xFFFF;
	(pc) =	sbr.rel @p0 .LBB2_1-.Ltmp1, $4  }
0x60: {  	[hbm:s21], [sflag:s5] =	dma.local [spmem:s9], $0x2800  }
0x61: {  	_ =	swait.ge [sflag:s10], $0x2800  }
0x62: {  	[sflag:s10] =	ssyncset.done $0x0  }
0x63: {  	[sflag:s10] =	ssyncadd.s32 $0xFFFFD800  }
0x64: {  	_ =	sfence.sel $0x180000  }
0x65: {  	[bflag:$0x0] =	sbarrier.arrive $0xFFFF  }
0x66: {  	p0 =	sne.s32 s1, $0x0;
	_ =	strace $0x9000004D  }
0x67: {  	s0 =	sadd.s32 @!p0 $0x100000, s0;
	[bflag:$0x2] =	sbarrier.arrive $0xFFFF  }
0x68: {  	[sflag:s0] =	ssyncadd.tile.s32 @!p0 $0x1;
	_ =	shalt  }
.Lfunc_end2:
_tile_overlayer_lowered:
.L_overlay_start_2:
0x69: {  	(tag) =	ssettag $0x2  }
0x6a: {  	s0 =	rddreg [dreg:$0x0];
	s2 =	stileid.u32  }
0x6b: {  	s1 =	rddreg [dreg:$0x1];
	p0 =	sne.s32 s2, $0x0  }
0x6c: {  	s3 =	rddreg [dreg:$0x2];
	[bflag:$0x3] =	sbarrier.arrive $0xFFFF;
	s2 =	simm.s32 @!p0 $0x1C05  }
0x6d: {  	[timem:s3], [sflag:s2] =	dma.local @!p0 [hbm:s0], s1  }
0x6e: {  	s0 =	simm.s32 @!p0 $0x5  }
0x6f: {  	_ =	swait.ge @!p0 [sflag:s0], s1  }
0x70: {  	s1 =	ssub.s32 @!p0 $0x0, s1;
	[sflag:s0] =	ssyncset.done @!p0 $0x0  }
0x71: {  	[sflag:s0] =	ssyncadd.s32 @!p0 s1  }
0x72: {  	[bflag:$0x3] =	sbarrier.arrive $0xFFFF  }
0x73: {  	_ =	shalt  }

// kernel: kernel.26.cloned.1.call-start
scs
__scs_entry_jumppad:
0x0: {  	(pc) =	sbr.rel $0x88, $3  }
0x1: {  	(tag) =	ssettag $0x0;
	lr =	simm.s32 $0x1  }
0x2: {  	[smem:$0x3F87] =	sst lr;
	_ =	strace $0xD0000000  }
0x3: {  	_ = 	snop  }
0x4: {  	_ = 	snop  }
0x5: {  	_ = 	snop  }
0x6: {  	_ = 	snop  }
0x7: {  	_ = 	snop  }
__scs_overlays_trampoline_lowered:
0x8: {  	[smem:$0x3F96] =	sst s0  }
0x9: {  	[smem:$0x3F97] =	sst s1  }
0xa: {  	[smem:$0x3F98] =	sst s2  }
0xb: {  	[smem:$0x3F99] =	sst s3  }
0xc: {  	[smem:$0x3F9A] =	sst s4  }
0xd: {  	[smem:$0x3F9B] =	sst s5  }
0xe: {  	[smem:$0x3F9C] =	sst s6  }
0xf: {  	[smem:$0x3F9D] =	sst s7  }
0x10: {  	[smem:$0x3F9E] =	sst s8  }
0x11: {  	[smem:$0x3F9F] =	sst s9;
	s0 =	simm.s32 @!p0 $0x0  }
0x12: {  	s1 =	sld [smem:$0x3F85];
	s0 =	simm.s32 @p0 $0x1  }
0x13: {  	[smem:$0x3FA0] =	sst s0;
	s0 =	simm.s32 @!p1 $0x0  }
0x14: {  	s2 =	sld [smem:$0x3F84];
	s0 =	simm.s32 @p1 $0x1  }
0x15: {  	[smem:$0x3FA1] =	sst s0;
	s0 =	simm.s32 @!p2 $0x0  }
0x16: {  	s3 =	sld [smem:$0x3FDB];
	s0 =	simm.s32 @p2 $0x1  }
0x17: {  	s4 =	simm.s32 $0x1BF5;
	[smem:$0x3FA3] =	sst s0  }
0x18: {  	s0 =	sld [smem:$0x3F86];
	_ =	swait.ge [sflag:s4], $0x0  }
0x19: {  	s7 =	sld [smem:$0x3F87]  }
0x1a: {  	s8 =	sadd.s32 $0xFFFFE003, lr  }
0x1b: {  	s9 =	sadd.s32 $0xFFFFFEF7, lr;
	s5 =	simm.s32 $0xFFFFFFFF;
	p2 =	slt.u32 s8, $0xFFFFF086  }
0x1c: {  	p1 =	slt.u32 s9, $0xF7A;
	s5 =	simm.s32 @!p2 $0x0  }
0x1d: {  	s5 =	simm.s32 @p1 $0x1;
	p0 =	seq.s32 s7, s2  }
0x1e: {  	s7 =	smul.u32 @!p0 $0xF7A, s2;
	p2 =	seq.s32 @!p0 s5, $0x0  }
0x1f: {  	s9 =	smul.u32 $0xF7A, s1;
	s8 =	simm.s32 @!p0 $0x1BF5;
	p2 =	por !p2, p0  }
0x20: {  	[sflag:s8] =	ssyncset.s32 @!p0 $0xFFFFF086;
	s6 =	sadd.s32 @!p0 s3, s7;
	s7 =	simm.s32 @!p0 $0x108  }
0x21: {  	s3 =	sadd.s32 s3, s9;
	s6 =	sadd.s32 @!p0 $0x88, s6;
	s7 =	simm.s32 @p2 $0x1082  }
0x22: {  	[simem:s7], [sflag:s8] =	dma.local @!p0 [hbm:s6], $0xF7A  }
0x23: {  	s9 =	sor.u32 $0xD0000000, s2;
	s6 =	simm.s32 $0x108;
	_ =	swait.ge @!p0 [sflag:s8], $0x0  }
0x24: {  	s3 =	sadd.s32 $0x88, s3;
	s6 =	simm.s32 @!p1 $0x1082;
	[sflag:s4] =	ssyncset.s32 $0xFFFFF086  }
0x25: {  	[simem:s6], [sflag:s4] =	dma.local [hbm:s3], $0xF7A  }
0x26: {  	[smem:$0x3F87] =	sst s1;
	(tag) =	ssettag s2;
	_ =	strace s9  }
0x27: {  	s1 =	sld [smem:$0x3F97]  }
0x28: {  	s2 =	sld [smem:$0x3F98]  }
0x29: {  	s4 =	sld [smem:$0x3F9A]  }
0x2a: {  	p0 =	seq.s32 s5, $0x0;
	s5 =	sld [smem:$0x3F9B]  }
0x2b: {  	s6 =	sld [smem:$0x3F9C]  }
0x2c: {  	s7 =	sld [smem:$0x3F9D]  }
0x2d: {  	s3 =	simm.s32 $0x108;
	s8 =	sld [smem:$0x3F9E]  }
0x2e: {  	s3 =	simm.s32 @!p0 $0x1082;
	s9 =	sld [smem:$0x3F9F]  }
0x2f: {  	lr =	sadd.s32 s0, s3;
	s0 =	sld [smem:$0x3F96]  }
0x30: {  	s3 =	sld [smem:$0x3F99]  }
0x31: {  	[smem:$0x3FA2] =	sst s10  }
0x32: {  	s10 =	sld [smem:$0x3FA0];
	_ =	sdelay $0x3  }
0x33: {  	p0 =	seq.s32 s10, $0x1;
	s10 =	sld [smem:$0x3FA2];
	_ =	sdelay $0x3  }
0x34: {  	[smem:$0x3FA2] =	sst s10  }
0x35: {  	s10 =	sld [smem:$0x3FA1];
	_ =	sdelay $0x3  }
0x36: {  	p1 =	seq.s32 s10, $0x1;
	s10 =	sld [smem:$0x3FA2];
	_ =	sdelay $0x3  }
0x37: {  	[smem:$0x3FA2] =	sst s10  }
0x38: {  	s10 =	sld [smem:$0x3FA3]  }
0x39: {  	_ = 	snop;
	(pc) =	sbr.ind lr, $3  }
0x3a: {  	_ = 	snop  }
0x3b: {  	_ = 	snop  }
0x3c: {  	p2 =	seq.s32 s10, $0x1;
	s10 =	sld [smem:$0x3FA2]  }
0x3d: {  	_ =	shalt  }
0x3e: {  	_ =	shalt  }
0x3f: {  	_ =	shalt  }
0x40: {  	_ =	shalt  }
0x41: {  	_ =	shalt  }
0x42: {  	_ =	shalt  }
0x43: {  	_ =	shalt  }
0x44: {  	_ =	shalt  }
0x45: {  	_ =	shalt  }
0x46: {  	_ =	shalt  }
0x47: {  	_ =	shalt  }
0x48: {  	_ =	shalt  }
0x49: {  	_ =	shalt  }
0x4a: {  	_ =	shalt  }
0x4b: {  	_ =	shalt  }
0x4c: {  	_ =	shalt  }
0x4d: {  	_ =	shalt  }
0x4e: {  	_ =	shalt  }
0x4f: {  	_ =	shalt  }
0x50: {  	_ =	shalt  }
0x51: {  	_ =	shalt  }
0x52: {  	_ =	shalt  }
0x53: {  	_ =	shalt  }
0x54: {  	_ =	shalt  }
0x55: {  	_ =	shalt  }
0x56: {  	_ =	shalt  }
0x57: {  	_ =	shalt  }
0x58: {  	_ =	shalt  }
0x59: {  	_ =	shalt  }
0x5a: {  	_ =	shalt  }
0x5b: {  	_ =	shalt  }
0x5c: {  	_ =	shalt  }
0x5d: {  	_ =	shalt  }
0x5e: {  	_ =	shalt  }
0x5f: {  	_ =	shalt  }
0x60: {  	_ =	shalt  }
0x61: {  	_ =	shalt  }
0x62: {  	_ =	shalt  }
0x63: {  	_ =	shalt  }
0x64: {  	_ =	shalt  }
0x65: {  	_ =	shalt  }
0x66: {  	_ =	shalt  }
0x67: {  	_ =	shalt  }
0x68: {  	_ =	shalt  }
0x69: {  	_ =	shalt  }
0x6a: {  	_ =	shalt  }
0x6b: {  	_ =	shalt  }
0x6c: {  	_ =	shalt  }
0x6d: {  	_ =	shalt  }
0x6e: {  	_ =	shalt  }
0x6f: {  	_ =	shalt  }
0x70: {  	_ =	shalt  }
0x71: {  	_ =	shalt  }
0x72: {  	_ =	shalt  }
0x73: {  	_ =	shalt  }
0x74: {  	_ =	shalt  }
0x75: {  	_ =	shalt  }
0x76: {  	_ =	shalt  }
0x77: {  	_ =	shalt  }
0x78: {  	_ =	shalt  }
0x79: {  	_ =	shalt  }
0x7a: {  	_ =	shalt  }
0x7b: {  	_ =	shalt  }
0x7c: {  	_ =	shalt  }
0x7d: {  	_ =	shalt  }
0x7e: {  	_ =	shalt  }
0x7f: {  	_ =	shalt  }
0x80: {  	_ =	shalt  }
0x81: {  	_ =	shalt  }
0x82: {  	_ =	shalt  }
0x83: {  	_ =	shalt  }
0x84: {  	_ =	shalt  }
0x85: {  	_ =	shalt  }
0x86: {  	_ =	shalt  }
0x87: {  	_ =	shalt  }
.Lfunc_end0:
.L_simem_size_0:
called_computation.3_lowered:
.L_overlay_start_0:
0x88: {  	s2 =	sld [smem:$0x3FD9]  }
0x89: {  	s3 =	sld [smem:$0x3FFE];
	_ =	sdelay $0x1  }
0x8a: {  	s1 =	srdreg.scid  }
0x8b: {  	s0 =	sand.u32 $0x1, s1  }
0x8c: {  	s16 =	sshll.u32 s0, $0xA;
	s2 =	sadd.s32 s3, s2  }
0x8d: {  	s2 =	sadd.s32 s2, s16  }
0x8e: {  	[smem:$0x3FAE] =	sst s2  }
0x8f: {  	_ = 	snop  }
0x90: {  	(tm) =	ssettm $0x1  }
0x91: {  	s17 =	sld [smem:$0x3FFB];
	_ =	sdelay $0x3  }
0x92: {  	_ =	strace s17  }
0x93: {  	s2 =	sld [smem:$0x3FFC];
	_ =	sdelay $0x3  }
0x94: {  	_ =	strace s2  }
0x95: {  	s2 =	sld [smem:$0x3FFD];
	_ =	sdelay $0x3  }
0x96: {  	_ =	strace s2  }
0x97: {  	_ =	strace $0x8FFFFFFF  }
0x98: {  	s18 =	sld [smem:$0x3FDB];
	_ =	sdelay $0x1  }
0x99: {  	s19 =	simm.s32 $_scs_section_size  }
0x9a: {  	s4 =	simm.s32 $_size__tile_overlayer_lowered;
	s5 =	simm.s32 $_tile_overlayer_lowered  }
0x9b: {  	s22 =	simm.s32 $0x1BFF;
	s21 =	sshll.u32 s5, $0x1;
	s2 =	sadd.s32 s19, s18  }
0x9c: {  	s6 =	simm.s32 $0x0;
	s20 =	sshll.u32 s4, $0x1;
	s4 =	sadd.s32 s21, s2  }
0x9d: {  	[timem:s6], [sflag:s22] =	dma.local [hbm:s4], s20  }
0x9e: {  	_ =	swait.ge [sflag:s22], s20  }
0x9f: {  	s3 =	ssub.s32 $0x0, s20;
	[sflag:s22] =	ssyncset.done $0x0  }
0xa0: {  	[sflag:s22] =	ssyncadd.s32 s3;
	_ =	sdelay $0x1  }
0xa1: {  	s23 =	simm.s32 $0x1B8B  }
0xa2: {  	_ =	swait.ge [sflag:s23], $0x1  }
0xa3: {  	[sflag:s23] =	ssyncset.done $0x0  }
0xa4: {  	s25 =	simm.s32 $0x1B8E;
	s24 =	sld [smem:$0x3FFE];
	[sflag:s23] =	ssyncadd.s32 $0xFFFFFFFF  }
0xa5: {  	s26 =	simm.s32 $execute0_lowered;
	[smem:$0x3FD2] =	sst s25  }
0xa6: {  	s4 =	sshll.u32 s26, $0x1;
	_ =	strace $0x8000004F;
	[dreg:$0x1] =	wrdreg $0xFFFFFFFF  }
0xa7: {  	s28 =	simm.s32 $_size_execute0_lowered;
	s2 =	sadd.s32 s2, s4;
	[dreg:$0x0] =	wrdreg $0x0  }
0xa8: {  	s4 =	sshll.u32 s28, $0x1;
	[dreg:$0x2] =	wrdreg s2  }
0xa9: {  	[dreg:$0x3] =	wrdreg s4  }
0xaa: {  	[dreg:$0x4] =	wrdreg $0xC0  }
0xab: {  	_ =	task [dreg:s6], $0x5FFFF  }
0xac: {  	[dreg:$0x1] =	wrdreg $0xFFFFFFFF  }
0xad: {  	[dreg:$0x0] =	wrdreg $0x60  }
0xae: {  	[dreg:$0x2] =	wrdreg s24  }
0xaf: {  	[dreg:$0x3] =	wrdreg $0x82000  }
0xb0: {  	[dreg:$0x4] =	wrdreg $0x9  }
0xb1: {  	_ =	task.clear_ibuf [dreg:s6], $0x5FFFF;
	_ =	strace $0x9000004F  }
0xb2: {  	s29 =	simm.s32 $0x9;
	_ =	strace $0x80000051  }
0xb3: {  	_ =	swait.ge [sflag:s29], $0x1  }
0xb4: {  	[sflag:s29] =	ssyncadd.s32 $0xFFFFFFFF  }
0xb5: {  	_ =	strace $0x90000051  }
0xb6: {  	_ =	sfence  }
0xb7: {  	s30 =	sld [smem:$0x0];
	_ =	sdelay $0x2  }
0xb8: {  	s31 =	sshll.u32 s1, $0xD;
	s1 =	sshrl.u32 s1, $0x2  }
0xb9: {  	s3 =	sand.u32 $0x4000, s31;
	s1 =	sadd.s32 s1, s30  }
0xba: {  	s0 =	sor.u32 s3, s0;
	s1 =	sshll.u32 s1, $0x11  }
0xbb: {  	s0 =	sor.u32 s1, s0  }
0xbc: {  	s0 =	sadd.s32 $0x8F2B, s0  }
0xbd: {  	[sflag:s0] =	ssyncadd.remote.s32 $0x1  }
0xbe: {  	_ =	sfence.sel $0xFFFF  }
0xbf: {  	[dreg:$0x0] =	wrdreg $0xFFFFFFFF;
	(pc) =	sbr.abs _section_cstart, $3  }
0xc0: {  	[dreg:$0x1] =	wrdreg $0xFFFFFFFF  }
0xc1: {  	_ =	task.clear_ibuf [dreg:s6], $0x2FFFF;
	_ =	strace $0x9FFFFFFF  }
0xc2: {  	(tm) =	ssettm $0x7FFFFFFF  }
0xc3: {  	_ =	shalt  }
tec
execute0_lowered:
.L_overlay_start_1:
0x0: {  	(tag) =	ssettag $0x1  }
0x1: {  	s5 =	rddreg [dreg:$0x0]  }
0x2: {  	s2 =	rddreg [dreg:$0x1]  }
0x3: {  	s0 =	rddreg [dreg:$0x2];
	s3 =	simm.s32 $0x0;
	s1 =	stileid.u32  }
0x4: {  	s4 =	srdreg.scid;
	s12 =	simm.s32 $0x100;
	s13 =	simm.s32 $0x1  }
0x5: {  	s14 =	simm.s32 $0x80;
	s15 =	simm.s32 $0x200;
	s16 =	simm.s32 $0x2  }
0x6: {  	s17 =	simm.s32 $0x4200;
	s18 =	simm.s32 $0x3;
	s6 =	smul.u32 $0x1400, s1  }
0x7: {  	s19 =	simm.s32 $0x4;
	s20 =	simm.s32 $0x180;
	s9 =	smul.u32 $0x50000, s1  }
0x8: {  	[smem:$0x7FF] =	sst s3;
	s4 =	sand.u32 $0x1, s4;
	s22 =	smul.u32 $0x2800, s1  }
0x9: {  	s31 =	sshll.u32 s1, $0x6;
	_ =	strace $0x80000050;
	s7 =	smul.u32 $0x28000, s4  }
0xa: {  	s8 =	ssub.s32 $0x2, s4;
	s4 =	sadd.s32 $0x41E00, s5;
	s6 =	sadd.s32 s6, s5  }
0xb: {  	s29 =	sshrl.u32 s8, $0x1;
	s30 =	sshrl.u32 s9, $0x2;
	s10 =	sadd.s32 s7, s5  }
0xc: {  	s8 =	ssub.s32 s8, s29;
	s9 =	sadd.s32 s30, s2;
	s5 =	sor.u32 $0x1C05, s31  }
0xd: {  	s6 =	sadd.s32 $0x5E00, s6;
	s7 =	sadd.s32 $0x44600, s10;
	s21 =	sadd.s32 $0x94600, s10  }
0xe: {  	s8 =	smax.u32 s8, $0x1;
	s9 =	sshrl.u32 s9, $0x3;
	s10 =	simm.s32 $0x5  }
0xf: {  	s11 =	sadd.s32 $0x20, s6;
	s21 =	sadd.s32 s22, s21;
	s22 =	simm.s32 $0x0  }
.LBB2_1:
0x10: {  	[spmem:s9], [sflag:s5] =	dma.local [hbm:s4], $0x2800  }
0x11: {  	_ =	swait.ge [sflag:s10], $0x2800  }
0x12: {  	[sflag:s10] =	ssyncset.done $0x0  }
0x13: {  	[sflag:s10] =	ssyncadd.s32 $0xFFFFD800  }
0x14: {  	[bflag:$0x0] =	sbarrier.arrive $0xFFFF  }
0x15: {  	[tilespmem:s3], [sflag:$0x1] =	stream.linear.gather [hbm4b:s6+s3], $0x100, $0x38;
	[tilespmem:$0x1C200] =	vst v63  }
0x16: {  	_ = 	snop  }
0x17: {  	[tilespmem:s12], [sflag:$0x2] =	stream.linear.gather [hbm4b:s11+s3], $0x100, $0x38;
	[tilespmem:$0x1C200] =	vst v63  }
0x18: {  	_ =	swait.ge [sflag:s13], $0x100  }
0x19: {  	[sflag:s13] =	ssyncset.done $0x0  }
0x1a: {  	[sflag:s13] =	ssyncadd.s32 $0xFFFFFF00  }
0x1b: {  	[tilespmem:s15], [sflag:$0x3] =	stream.indirect.gather [hbm4b:s7+s14], $0x80, s3, s14, $0xb8;
	[tilespmem:$0x1C200] =	vst v63  }
0x1c: {  	_ =	swait.ge [sflag:s16], $0x100  }
0x1d: {  	[sflag:s16] =	ssyncset.done $0x0  }
0x1e: {  	[sflag:s16] =	ssyncadd.s32 $0xFFFFFF00  }
0x1f: {  	[tilespmem:s17], [sflag:$0x4] =	stream.indirect.gather [hbm4b:s7+s14], $0x80, s12, s14, $0xb8;
	[tilespmem:$0x1C200] =	vst v63  }
0x20: {  	_ =	swait.ge [sflag:s18], $0x4000  }
0x21: {  	[sflag:s18] =	ssyncset.done $0x0  }
0x22: {  	[sflag:s18] =	ssyncadd.s32 $0xFFFFC000  }
0x23: {  	[spmem:s2] =	stream.indirect.scatter.add.f32 [tilespmem:s15], [sflag:$0x5], $0x80, s14, s14, $0xb8;
	[tilespmem:$0x1C200] =	vst v63  }
0x24: {  	_ =	swait.ge [sflag:s10], $0x4000  }
0x25: {  	s23 =	sadd.s32 $0xFFFFEC40, s6;
	[sflag:s10] =	ssyncset.done $0x0  }
0x26: {  	s24 =	sadd.s32 $0x1400, s23;
	[sflag:s10] =	ssyncadd.s32 $0xFFFFC000  }
0x27: {  	[tilespmem:s3], [sflag:$0x1] =	stream.linear.gather [hbm4b:s24+s3], $0x100, $0x38;
	[tilespmem:$0x1C200] =	vst v63  }
0x28: {  	_ =	swait.ge [sflag:s19], $0x4000  }
0x29: {  	[sflag:s19] =	ssyncset.done $0x0  }
0x2a: {  	[sflag:s19] =	ssyncadd.s32 $0xFFFFC000  }
0x2b: {  	[spmem:s2] =	stream.indirect.scatter.add.f32 [tilespmem:s17], [sflag:$0x5], $0x80, s20, s14, $0xb8;
	[tilespmem:$0x1C200] =	vst v63  }
0x2c: {  	_ =	swait.ge [sflag:s10], $0x4000  }
0x2d: {  	[sflag:s10] =	ssyncset.done $0x0  }
0x2e: {  	s23 =	sadd.s32 $0x1420, s23;
	[sflag:s10] =	ssyncadd.s32 $0xFFFFC000  }
0x2f: {  	[tilespmem:s12], [sflag:$0x2] =	stream.linear.gather [hbm4b:s23+s3], $0x100, $0x38;
	[tilespmem:$0x1C200] =	vst v63  }
0x30: {  	_ =	swait.ge [sflag:s13], $0x100  }
0x31: {  	[sflag:s13] =	ssyncset.done $0x0  }
0x32: {  	[sflag:s13] =	ssyncadd.s32 $0xFFFFFF00  }
0x33: {  	[tilespmem:s15], [sflag:$0x3] =	stream.indirect.gather [hbm4b:s7+s14], $0x80, s3, s14, $0xb8;
	[tilespmem:$0x1C200] =	vst v63  }
0x34: {  	_ =	swait.ge [sflag:s16], $0x100  }
0x35: {  	[sflag:s16] =	ssyncset.done $0x0  }
0x36: {  	s23 =	simm.s32 $0xFFFFEC80;
	[sflag:s16] =	ssyncadd.s32 $0xFFFFFF00  }
.LBB2_2:
0x37: {  	[tilespmem:s17], [sflag:$0x4] =	stream.indirect.gather [hbm4b:s7+s14], $0x80, s12, s14, $0xb8;
	[tilespmem:$0x1C200] =	vst v63  }
0x38: {  	s24 =	smov.u32 s23  }
0x39: {  	p0 =	sne.s32 s23, $0xFFFFFFC0;
	s23 =	sadd.s32 $0x40, s23;
	_ =	swait.ge [sflag:s18], $0x4000  }
0x3a: {  	[sflag:s18] =	ssyncset.done $0x0  }
0x3b: {  	[sflag:s18] =	ssyncadd.s32 $0xFFFFC000  }
0x3c: {  	[spmem:s2] =	stream.indirect.scatter.add.f32 [tilespmem:s15], [sflag:$0x5], $0x80, s14, s14, $0xb8;
	[tilespmem:$0x1C200] =	vst v63  }
0x3d: {  	_ =	swait.ge [sflag:s10], $0x4000  }
0x3e: {  	s24 =	sadd.s32 s24, s6;
	[sflag:s10] =	ssyncset.done $0x0  }
0x3f: {  	s25 =	sadd.s32 $0x1400, s24;
	[sflag:s10] =	ssyncadd.s32 $0xFFFFC000  }
0x40: {  	[tilespmem:s3], [sflag:$0x1] =	stream.linear.gather [hbm4b:s25+s3], $0x100, $0x38;
	[tilespmem:$0x1C200] =	vst v63  }
0x41: {  	_ =	swait.ge [sflag:s19], $0x4000  }
0x42: {  	[sflag:s19] =	ssyncset.done $0x0  }
0x43: {  	[sflag:s19] =	ssyncadd.s32 $0xFFFFC000  }
0x44: {  	[spmem:s2] =	stream.indirect.scatter.add.f32 [tilespmem:s17], [sflag:$0x5], $0x80, s20, s14, $0xb8;
	[tilespmem:$0x1C200] =	vst v63  }
0x45: {  	_ =	swait.ge [sflag:s10], $0x4000  }
0x46: {  	[sflag:s10] =	ssyncset.done $0x0  }
0x47: {  	s24 =	sadd.s32 $0x1420, s24;
	[sflag:s10] =	ssyncadd.s32 $0xFFFFC000  }
0x48: {  	[tilespmem:s12], [sflag:$0x2] =	stream.linear.gather [hbm4b:s24+s3], $0x100, $0x38;
	[tilespmem:$0x1C200] =	vst v63  }
0x49: {  	_ =	swait.ge [sflag:s13], $0x100  }
0x4a: {  	[sflag:s13] =	ssyncset.done $0x0  }
.Ltmp0:
0x4b: {  	[sflag:s13] =	ssyncadd.s32 $0xFFFFFF00;
	(pc) =	sbr.rel @p0 .LBB2_2-.Ltmp0, $4  }
0x4c: {  	[tilespmem:s15], [sflag:$0x3] =	stream.indirect.gather [hbm4b:s7+s14], $0x80, s3, s14, $0xb8;
	[tilespmem:$0x1C200] =	vst v63  }
0x4d: {  	_ =	swait.ge [sflag:s16], $0x100  }
0x4e: {  	[sflag:s16] =	ssyncset.done $0x0  }
0x4f: {  	[sflag:s16] =	ssyncadd.s32 $0xFFFFFF00  }
0x50: {  	[tilespmem:s17], [sflag:$0x4] =	stream.indirect.gather [hbm4b:s7+s14], $0x80, s12, s14, $0xb8;
	[tilespmem:$0x1C200] =	vst v63  }
0x51: {  	_ =	swait.ge [sflag:s18], $0x4000  }
0x52: {  	[sflag:s18] =	ssyncset.done $0x0  }
0x53: {  	[sflag:s18] =	ssyncadd.s32 $0xFFFFC000  }
0x54: {  	[spmem:s2] =	stream.indirect.scatter.add.f32 [tilespmem:s15], [sflag:$0x5], $0x80, s14, s14, $0xb8;
	[tilespmem:$0x1C200] =	vst v63  }
0x55: {  	_ =	swait.ge [sflag:s10], $0x4000  }
0x56: {  	[sflag:s10] =	ssyncset.done $0x0  }
0x57: {  	[sflag:s10] =	ssyncadd.s32 $0xFFFFC000  }
0x58: {  	_ =	swait.ge [sflag:s19], $0x4000  }
0x59: {  	[sflag:s19] =	ssyncset.done $0x0  }
0x5a: {  	[sflag:s19] =	ssyncadd.s32 $0xFFFFC000  }
0x5b: {  	[spmem:s2] =	stream.indirect.scatter.add.f32 [tilespmem:s17], [sflag:$0x5], $0x80, s20, s14, $0xb8;
	[tilespmem:$0x1C200] =	vst v63  }
0x5c: {  	_ =	swait.ge [sflag:s10], $0x4000  }
0x5d: {  	s22 =	sadd.s32 $0x1, s22;
	[sflag:s10] =	ssyncset.done $0x0  }
0x5e: {  	p0 =	sne.s32 s22, s8;
	[sflag:s10] =	ssyncadd.s32 $0xFFFFC000  }
.Ltmp1:
0x5f: {  	[bflag:$0x0] =	sbarrier.arrive $0xFFFF;
	(pc) =	sbr.rel @p0 .LBB2_1-.Ltmp1, $4  }
0x60: {  	[hbm:s21], [sflag:s5] =	dma.local [spmem:s9], $0x2800  }
0x61: {  	_ =	swait.ge [sflag:s10], $0x2800  }
0x62: {  	[sflag:s10] =	ssyncset.done $0x0  }
0x63: {  	[sflag:s10] =	ssyncadd.s32 $0xFFFFD800  }
0x64: {  	_ =	sfence.sel $0x180000  }
0x65: {  	[bflag:$0x0] =	sbarrier.arrive $0xFFFF  }
0x66: {  	p0 =	sne.s32 s1, $0x0;
	_ =	strace $0x90000050  }
0x67: {  	s0 =	sadd.s32 @!p0 $0x100000, s0;
	[bflag:$0x2] =	sbarrier.arrive $0xFFFF  }
0x68: {  	[sflag:s0] =	ssyncadd.tile.s32 @!p0 $0x1;
	_ =	shalt  }
.Lfunc_end2:
_tile_overlayer_lowered:
.L_overlay_start_2:
0x69: {  	(tag) =	ssettag $0x2  }
0x6a: {  	s0 =	rddreg [dreg:$0x0];
	s2 =	stileid.u32  }
0x6b: {  	s1 =	rddreg [dreg:$0x1];
	p0 =	sne.s32 s2, $0x0  }
0x6c: {  	s3 =	rddreg [dreg:$0x2];
	[bflag:$0x3] =	sbarrier.arrive $0xFFFF;
	s2 =	simm.s32 @!p0 $0x1C05  }
0x6d: {  	[timem:s3], [sflag:s2] =	dma.local @!p0 [hbm:s0], s1  }
0x6e: {  	s0 =	simm.s32 @!p0 $0x5  }
0x6f: {  	_ =	swait.ge @!p0 [sflag:s0], s1  }
0x70: {  	s1 =	ssub.s32 @!p0 $0x0, s1;
	[sflag:s0] =	ssyncset.done @!p0 $0x0  }
0x71: {  	[sflag:s0] =	ssyncadd.s32 @!p0 s1  }
0x72: {  	[bflag:$0x3] =	sbarrier.arrive $0xFFFF  }
0x73: {  	_ =	shalt  }

// kernel: kernel.29.cloned.1.call-start
scs
__scs_entry_jumppad:
0x0: {  	(pc) =	sbr.rel $0x88, $3  }
0x1: {  	(tag) =	ssettag $0x0;
	lr =	simm.s32 $0x1  }
0x2: {  	[smem:$0x3F87] =	sst lr;
	_ =	strace $0xD0000000  }
0x3: {  	_ = 	snop  }
0x4: {  	_ = 	snop  }
0x5: {  	_ = 	snop  }
0x6: {  	_ = 	snop  }
0x7: {  	_ = 	snop  }
__scs_overlays_trampoline_lowered:
0x8: {  	[smem:$0x3F96] =	sst s0  }
0x9: {  	[smem:$0x3F97] =	sst s1  }
0xa: {  	[smem:$0x3F98] =	sst s2  }
0xb: {  	[smem:$0x3F99] =	sst s3  }
0xc: {  	[smem:$0x3F9A] =	sst s4  }
0xd: {  	[smem:$0x3F9B] =	sst s5  }
0xe: {  	[smem:$0x3F9C] =	sst s6  }
0xf: {  	[smem:$0x3F9D] =	sst s7  }
0x10: {  	[smem:$0x3F9E] =	sst s8  }
0x11: {  	[smem:$0x3F9F] =	sst s9;
	s0 =	simm.s32 @!p0 $0x0  }
0x12: {  	s1 =	sld [smem:$0x3F85];
	s0 =	simm.s32 @p0 $0x1  }
0x13: {  	[smem:$0x3FA0] =	sst s0;
	s0 =	simm.s32 @!p1 $0x0  }
0x14: {  	s2 =	sld [smem:$0x3F84];
	s0 =	simm.s32 @p1 $0x1  }
0x15: {  	[smem:$0x3FA1] =	sst s0;
	s0 =	simm.s32 @!p2 $0x0  }
0x16: {  	s3 =	sld [smem:$0x3FDB];
	s0 =	simm.s32 @p2 $0x1  }
0x17: {  	s4 =	simm.s32 $0x1BF5;
	[smem:$0x3FA3] =	sst s0  }
0x18: {  	s0 =	sld [smem:$0x3F86];
	_ =	swait.ge [sflag:s4], $0x0  }
0x19: {  	s7 =	sld [smem:$0x3F87]  }
0x1a: {  	s8 =	sadd.s32 $0xFFFFE003, lr  }
0x1b: {  	s9 =	sadd.s32 $0xFFFFFEF7, lr;
	s5 =	simm.s32 $0xFFFFFFFF;
	p2 =	slt.u32 s8, $0xFFFFF086  }
0x1c: {  	p1 =	slt.u32 s9, $0xF7A;
	s5 =	simm.s32 @!p2 $0x0  }
0x1d: {  	s5 =	simm.s32 @p1 $0x1;
	p0 =	seq.s32 s7, s2  }
0x1e: {  	s7 =	smul.u32 @!p0 $0xF7A, s2;
	p2 =	seq.s32 @!p0 s5, $0x0  }
0x1f: {  	s9 =	smul.u32 $0xF7A, s1;
	s8 =	simm.s32 @!p0 $0x1BF5;
	p2 =	por !p2, p0  }
0x20: {  	[sflag:s8] =	ssyncset.s32 @!p0 $0xFFFFF086;
	s6 =	sadd.s32 @!p0 s3, s7;
	s7 =	simm.s32 @!p0 $0x108  }
0x21: {  	s3 =	sadd.s32 s3, s9;
	s6 =	sadd.s32 @!p0 $0x88, s6;
	s7 =	simm.s32 @p2 $0x1082  }
0x22: {  	[simem:s7], [sflag:s8] =	dma.local @!p0 [hbm:s6], $0xF7A  }
0x23: {  	s9 =	sor.u32 $0xD0000000, s2;
	s6 =	simm.s32 $0x108;
	_ =	swait.ge @!p0 [sflag:s8], $0x0  }
0x24: {  	s3 =	sadd.s32 $0x88, s3;
	s6 =	simm.s32 @!p1 $0x1082;
	[sflag:s4] =	ssyncset.s32 $0xFFFFF086  }
0x25: {  	[simem:s6], [sflag:s4] =	dma.local [hbm:s3], $0xF7A  }
0x26: {  	[smem:$0x3F87] =	sst s1;
	(tag) =	ssettag s2;
	_ =	strace s9  }
0x27: {  	s1 =	sld [smem:$0x3F97]  }
0x28: {  	s2 =	sld [smem:$0x3F98]  }
0x29: {  	s4 =	sld [smem:$0x3F9A]  }
0x2a: {  	p0 =	seq.s32 s5, $0x0;
	s5 =	sld [smem:$0x3F9B]  }
0x2b: {  	s6 =	sld [smem:$0x3F9C]  }
0x2c: {  	s7 =	sld [smem:$0x3F9D]  }
0x2d: {  	s3 =	simm.s32 $0x108;
	s8 =	sld [smem:$0x3F9E]  }
0x2e: {  	s3 =	simm.s32 @!p0 $0x1082;
	s9 =	sld [smem:$0x3F9F]  }
0x2f: {  	lr =	sadd.s32 s0, s3;
	s0 =	sld [smem:$0x3F96]  }
0x30: {  	s3 =	sld [smem:$0x3F99]  }
0x31: {  	[smem:$0x3FA2] =	sst s10  }
0x32: {  	s10 =	sld [smem:$0x3FA0];
	_ =	sdelay $0x3  }
0x33: {  	p0 =	seq.s32 s10, $0x1;
	s10 =	sld [smem:$0x3FA2];
	_ =	sdelay $0x3  }
0x34: {  	[smem:$0x3FA2] =	sst s10  }
0x35: {  	s10 =	sld [smem:$0x3FA1];
	_ =	sdelay $0x3  }
0x36: {  	p1 =	seq.s32 s10, $0x1;
	s10 =	sld [smem:$0x3FA2];
	_ =	sdelay $0x3  }
0x37: {  	[smem:$0x3FA2] =	sst s10  }
0x38: {  	s10 =	sld [smem:$0x3FA3]  }
0x39: {  	_ = 	snop;
	(pc) =	sbr.ind lr, $3  }
0x3a: {  	_ = 	snop  }
0x3b: {  	_ = 	snop  }
0x3c: {  	p2 =	seq.s32 s10, $0x1;
	s10 =	sld [smem:$0x3FA2]  }
0x3d: {  	_ =	shalt  }
0x3e: {  	_ =	shalt  }
0x3f: {  	_ =	shalt  }
0x40: {  	_ =	shalt  }
0x41: {  	_ =	shalt  }
0x42: {  	_ =	shalt  }
0x43: {  	_ =	shalt  }
0x44: {  	_ =	shalt  }
0x45: {  	_ =	shalt  }
0x46: {  	_ =	shalt  }
0x47: {  	_ =	shalt  }
0x48: {  	_ =	shalt  }
0x49: {  	_ =	shalt  }
0x4a: {  	_ =	shalt  }
0x4b: {  	_ =	shalt  }
0x4c: {  	_ =	shalt  }
0x4d: {  	_ =	shalt  }
0x4e: {  	_ =	shalt  }
0x4f: {  	_ =	shalt  }
0x50: {  	_ =	shalt  }
0x51: {  	_ =	shalt  }
0x52: {  	_ =	shalt  }
0x53: {  	_ =	shalt  }
0x54: {  	_ =	shalt  }
0x55: {  	_ =	shalt  }
0x56: {  	_ =	shalt  }
0x57: {  	_ =	shalt  }
0x58: {  	_ =	shalt  }
0x59: {  	_ =	shalt  }
0x5a: {  	_ =	shalt  }
0x5b: {  	_ =	shalt  }
0x5c: {  	_ =	shalt  }
0x5d: {  	_ =	shalt  }
0x5e: {  	_ =	shalt  }
0x5f: {  	_ =	shalt  }
0x60: {  	_ =	shalt  }
0x61: {  	_ =	shalt  }
0x62: {  	_ =	shalt  }
0x63: {  	_ =	shalt  }
0x64: {  	_ =	shalt  }
0x65: {  	_ =	shalt  }
0x66: {  	_ =	shalt  }
0x67: {  	_ =	shalt  }
0x68: {  	_ =	shalt  }
0x69: {  	_ =	shalt  }
0x6a: {  	_ =	shalt  }
0x6b: {  	_ =	shalt  }
0x6c: {  	_ =	shalt  }
0x6d: {  	_ =	shalt  }
0x6e: {  	_ =	shalt  }
0x6f: {  	_ =	shalt  }
0x70: {  	_ =	shalt  }
0x71: {  	_ =	shalt  }
0x72: {  	_ =	shalt  }
0x73: {  	_ =	shalt  }
0x74: {  	_ =	shalt  }
0x75: {  	_ =	shalt  }
0x76: {  	_ =	shalt  }
0x77: {  	_ =	shalt  }
0x78: {  	_ =	shalt  }
0x79: {  	_ =	shalt  }
0x7a: {  	_ =	shalt  }
0x7b: {  	_ =	shalt  }
0x7c: {  	_ =	shalt  }
0x7d: {  	_ =	shalt  }
0x7e: {  	_ =	shalt  }
0x7f: {  	_ =	shalt  }
0x80: {  	_ =	shalt  }
0x81: {  	_ =	shalt  }
0x82: {  	_ =	shalt  }
0x83: {  	_ =	shalt  }
0x84: {  	_ =	shalt  }
0x85: {  	_ =	shalt  }
0x86: {  	_ =	shalt  }
0x87: {  	_ =	shalt  }
.Lfunc_end0:
.L_simem_size_0:
called_computation.4_lowered:
.L_overlay_start_0:
0x88: {  	s2 =	sld [smem:$0x3FD9]  }
0x89: {  	s3 =	sld [smem:$0x3FFE];
	_ =	sdelay $0x1  }
0x8a: {  	s1 =	srdreg.scid  }
0x8b: {  	s0 =	sand.u32 $0x1, s1  }
0x8c: {  	s16 =	sshll.u32 s0, $0xA;
	s2 =	sadd.s32 s3, s2  }
0x8d: {  	s2 =	sadd.s32 s2, s16  }
0x8e: {  	[smem:$0x3FAE] =	sst s2  }
0x8f: {  	_ = 	snop  }
0x90: {  	(tm) =	ssettm $0x1  }
0x91: {  	s17 =	sld [smem:$0x3FFB];
	_ =	sdelay $0x3  }
0x92: {  	_ =	strace s17  }
0x93: {  	s2 =	sld [smem:$0x3FFC];
	_ =	sdelay $0x3  }
0x94: {  	_ =	strace s2  }
0x95: {  	s2 =	sld [smem:$0x3FFD];
	_ =	sdelay $0x3  }
0x96: {  	_ =	strace s2  }
0x97: {  	_ =	strace $0x8FFFFFFF  }
0x98: {  	s18 =	sld [smem:$0x3FDB];
	_ =	sdelay $0x1  }
0x99: {  	s19 =	simm.s32 $_scs_section_size  }
0x9a: {  	s4 =	simm.s32 $_size__tile_overlayer_lowered;
	s5 =	simm.s32 $_tile_overlayer_lowered  }
0x9b: {  	s22 =	simm.s32 $0x1BFF;
	s21 =	sshll.u32 s5, $0x1;
	s2 =	sadd.s32 s19, s18  }
0x9c: {  	s6 =	simm.s32 $0x0;
	s20 =	sshll.u32 s4, $0x1;
	s4 =	sadd.s32 s21, s2  }
0x9d: {  	[timem:s6], [sflag:s22] =	dma.local [hbm:s4], s20  }
0x9e: {  	_ =	swait.ge [sflag:s22], s20  }
0x9f: {  	s3 =	ssub.s32 $0x0, s20;
	[sflag:s22] =	ssyncset.done $0x0  }
0xa0: {  	[sflag:s22] =	ssyncadd.s32 s3;
	_ =	sdelay $0x1  }
0xa1: {  	s23 =	simm.s32 $0x1B8B  }
0xa2: {  	_ =	swait.ge [sflag:s23], $0x1  }
0xa3: {  	[sflag:s23] =	ssyncset.done $0x0  }
0xa4: {  	s25 =	simm.s32 $0x1B8E;
	s24 =	sld [smem:$0x3FFE];
	[sflag:s23] =	ssyncadd.s32 $0xFFFFFFFF  }
0xa5: {  	s26 =	simm.s32 $execute0_lowered;
	[smem:$0x3FD2] =	sst s25  }
0xa6: {  	s4 =	sshll.u32 s26, $0x1;
	_ =	strace $0x80000052;
	[dreg:$0x1] =	wrdreg $0xFFFFFFFF  }
0xa7: {  	s28 =	simm.s32 $_size_execute0_lowered;
	s2 =	sadd.s32 s2, s4;
	[dreg:$0x0] =	wrdreg $0x0  }
0xa8: {  	s4 =	sshll.u32 s28, $0x1;
	[dreg:$0x2] =	wrdreg s2  }
0xa9: {  	[dreg:$0x3] =	wrdreg s4  }
0xaa: {  	[dreg:$0x4] =	wrdreg $0xC0  }
0xab: {  	_ =	task [dreg:s6], $0x5FFFF  }
0xac: {  	[dreg:$0x1] =	wrdreg $0xFFFFFFFF  }
0xad: {  	[dreg:$0x0] =	wrdreg $0x60  }
0xae: {  	[dreg:$0x2] =	wrdreg s24  }
0xaf: {  	[dreg:$0x3] =	wrdreg $0x82000  }
0xb0: {  	[dreg:$0x4] =	wrdreg $0x9  }
0xb1: {  	_ =	task.clear_ibuf [dreg:s6], $0x5FFFF;
	_ =	strace $0x90000052  }
0xb2: {  	s29 =	simm.s32 $0x9;
	_ =	strace $0x80000054  }
0xb3: {  	_ =	swait.ge [sflag:s29], $0x1  }
0xb4: {  	[sflag:s29] =	ssyncadd.s32 $0xFFFFFFFF  }
0xb5: {  	_ =	strace $0x90000054  }
0xb6: {  	_ =	sfence  }
0xb7: {  	s30 =	sld [smem:$0x0];
	_ =	sdelay $0x2  }
0xb8: {  	s31 =	sshll.u32 s1, $0xD;
	s1 =	sshrl.u32 s1, $0x2  }
0xb9: {  	s3 =	sand.u32 $0x4000, s31;
	s1 =	sadd.s32 s1, s30  }
0xba: {  	s0 =	sor.u32 s3, s0;
	s1 =	sshll.u32 s1, $0x11  }
0xbb: {  	s0 =	sor.u32 s1, s0  }
0xbc: {  	s0 =	sadd.s32 $0x8F2B, s0  }
0xbd: {  	[sflag:s0] =	ssyncadd.remote.s32 $0x1  }
0xbe: {  	_ =	sfence.sel $0xFFFF  }
0xbf: {  	[dreg:$0x0] =	wrdreg $0xFFFFFFFF;
	(pc) =	sbr.abs _section_cstart, $3  }
0xc0: {  	[dreg:$0x1] =	wrdreg $0xFFFFFFFF  }
0xc1: {  	_ =	task.clear_ibuf [dreg:s6], $0x2FFFF;
	_ =	strace $0x9FFFFFFF  }
0xc2: {  	(tm) =	ssettm $0x7FFFFFFF  }
0xc3: {  	_ =	shalt  }
tec
execute0_lowered:
.L_overlay_start_1:
0x0: {  	(tag) =	ssettag $0x1  }
0x1: {  	s5 =	rddreg [dreg:$0x0]  }
0x2: {  	s2 =	rddreg [dreg:$0x1]  }
0x3: {  	s0 =	rddreg [dreg:$0x2];
	s3 =	simm.s32 $0x0;
	s1 =	stileid.u32  }
0x4: {  	s4 =	srdreg.scid;
	s12 =	simm.s32 $0x100;
	s13 =	simm.s32 $0x1  }
0x5: {  	s14 =	simm.s32 $0x80;
	s15 =	simm.s32 $0x200;
	s16 =	simm.s32 $0x2  }
0x6: {  	s17 =	simm.s32 $0x4200;
	s18 =	simm.s32 $0x3;
	s6 =	smul.u32 $0x1400, s1  }
0x7: {  	s19 =	simm.s32 $0x4;
	s20 =	simm.s32 $0x180;
	s9 =	smul.u32 $0x50000, s1  }
0x8: {  	[smem:$0x7FF] =	sst s3;
	s4 =	sand.u32 $0x1, s4;
	s22 =	smul.u32 $0x2800, s1  }
0x9: {  	s31 =	sshll.u32 s1, $0x6;
	_ =	strace $0x80000053;
	s7 =	smul.u32 $0x28000, s4  }
0xa: {  	s8 =	ssub.s32 $0x2, s4;
	s4 =	sadd.s32 $0x41E00, s5;
	s6 =	sadd.s32 s6, s5  }
0xb: {  	s29 =	sshrl.u32 s8, $0x1;
	s30 =	sshrl.u32 s9, $0x2;
	s10 =	sadd.s32 s7, s5  }
0xc: {  	s8 =	ssub.s32 s8, s29;
	s9 =	sadd.s32 s30, s2;
	s5 =	sor.u32 $0x1C05, s31  }
0xd: {  	s6 =	sadd.s32 $0x5E00, s6;
	s7 =	sadd.s32 $0x44600, s10;
	s21 =	sadd.s32 $0x94600, s10  }
0xe: {  	s8 =	smax.u32 s8, $0x1;
	s9 =	sshrl.u32 s9, $0x3;
	s10 =	simm.s32 $0x5  }
0xf: {  	s11 =	sadd.s32 $0x20, s6;
	s21 =	sadd.s32 s22, s21;
	s22 =	simm.s32 $0x0  }
.LBB2_1:
0x10: {  	[spmem:s9], [sflag:s5] =	dma.local [hbm:s4], $0x2800  }
0x11: {  	_ =	swait.ge [sflag:s10], $0x2800  }
0x12: {  	[sflag:s10] =	ssyncset.done $0x0  }
0x13: {  	[sflag:s10] =	ssyncadd.s32 $0xFFFFD800  }
0x14: {  	[bflag:$0x0] =	sbarrier.arrive $0xFFFF  }
0x15: {  	[tilespmem:s3], [sflag:$0x1] =	stream.linear.gather [hbm4b:s6+s3], $0x100, $0x38;
	[tilespmem:$0x1C200] =	vst v63  }
0x16: {  	_ = 	snop  }
0x17: {  	[tilespmem:s12], [sflag:$0x2] =	stream.linear.gather [hbm4b:s11+s3], $0x100, $0x38;
	[tilespmem:$0x1C200] =	vst v63  }
0x18: {  	_ =	swait.ge [sflag:s13], $0x100  }
0x19: {  	[sflag:s13] =	ssyncset.done $0x0  }
0x1a: {  	[sflag:s13] =	ssyncadd.s32 $0xFFFFFF00  }
0x1b: {  	[tilespmem:s15], [sflag:$0x3] =	stream.indirect.gather [hbm4b:s7+s14], $0x80, s3, s14, $0xb8;
	[tilespmem:$0x1C200] =	vst v63  }
0x1c: {  	_ =	swait.ge [sflag:s16], $0x100  }
0x1d: {  	[sflag:s16] =	ssyncset.done $0x0  }
0x1e: {  	[sflag:s16] =	ssyncadd.s32 $0xFFFFFF00  }
0x1f: {  	[tilespmem:s17], [sflag:$0x4] =	stream.indirect.gather [hbm4b:s7+s14], $0x80, s12, s14, $0xb8;
	[tilespmem:$0x1C200] =	vst v63  }
0x20: {  	_ =	swait.ge [sflag:s18], $0x4000  }
0x21: {  	[sflag:s18] =	ssyncset.done $0x0  }
0x22: {  	[sflag:s18] =	ssyncadd.s32 $0xFFFFC000  }
0x23: {  	[spmem:s2] =	stream.indirect.scatter.add.f32 [tilespmem:s15], [sflag:$0x5], $0x80, s14, s14, $0xb8;
	[tilespmem:$0x1C200] =	vst v63  }
0x24: {  	_ =	swait.ge [sflag:s10], $0x4000  }
0x25: {  	s23 =	sadd.s32 $0xFFFFEC40, s6;
	[sflag:s10] =	ssyncset.done $0x0  }
0x26: {  	s24 =	sadd.s32 $0x1400, s23;
	[sflag:s10] =	ssyncadd.s32 $0xFFFFC000  }
0x27: {  	[tilespmem:s3], [sflag:$0x1] =	stream.linear.gather [hbm4b:s24+s3], $0x100, $0x38;
	[tilespmem:$0x1C200] =	vst v63  }
0x28: {  	_ =	swait.ge [sflag:s19], $0x4000  }
0x29: {  	[sflag:s19] =	ssyncset.done $0x0  }
0x2a: {  	[sflag:s19] =	ssyncadd.s32 $0xFFFFC000  }
0x2b: {  	[spmem:s2] =	stream.indirect.scatter.add.f32 [tilespmem:s17], [sflag:$0x5], $0x80, s20, s14, $0xb8;
	[tilespmem:$0x1C200] =	vst v63  }
0x2c: {  	_ =	swait.ge [sflag:s10], $0x4000  }
0x2d: {  	[sflag:s10] =	ssyncset.done $0x0  }
0x2e: {  	s23 =	sadd.s32 $0x1420, s23;
	[sflag:s10] =	ssyncadd.s32 $0xFFFFC000  }
0x2f: {  	[tilespmem:s12], [sflag:$0x2] =	stream.linear.gather [hbm4b:s23+s3], $0x100, $0x38;
	[tilespmem:$0x1C200] =	vst v63  }
0x30: {  	_ =	swait.ge [sflag:s13], $0x100  }
0x31: {  	[sflag:s13] =	ssyncset.done $0x0  }
0x32: {  	[sflag:s13] =	ssyncadd.s32 $0xFFFFFF00  }
0x33: {  	[tilespmem:s15], [sflag:$0x3] =	stream.indirect.gather [hbm4b:s7+s14], $0x80, s3, s14, $0xb8;
	[tilespmem:$0x1C200] =	vst v63  }
0x34: {  	_ =	swait.ge [sflag:s16], $0x100  }
0x35: {  	[sflag:s16] =	ssyncset.done $0x0  }
0x36: {  	s23 =	simm.s32 $0xFFFFEC80;
	[sflag:s16] =	ssyncadd.s32 $0xFFFFFF00  }
.LBB2_2:
0x37: {  	[tilespmem:s17], [sflag:$0x4] =	stream.indirect.gather [hbm4b:s7+s14], $0x80, s12, s14, $0xb8;
	[tilespmem:$0x1C200] =	vst v63  }
0x38: {  	s24 =	smov.u32 s23  }
0x39: {  	p0 =	sne.s32 s23, $0xFFFFFFC0;
	s23 =	sadd.s32 $0x40, s23;
	_ =	swait.ge [sflag:s18], $0x4000  }
0x3a: {  	[sflag:s18] =	ssyncset.done $0x0  }
0x3b: {  	[sflag:s18] =	ssyncadd.s32 $0xFFFFC000  }
0x3c: {  	[spmem:s2] =	stream.indirect.scatter.add.f32 [tilespmem:s15], [sflag:$0x5], $0x80, s14, s14, $0xb8;
	[tilespmem:$0x1C200] =	vst v63  }
0x3d: {  	_ =	swait.ge [sflag:s10], $0x4000  }
0x3e: {  	s24 =	sadd.s32 s24, s6;
	[sflag:s10] =	ssyncset.done $0x0  }
0x3f: {  	s25 =	sadd.s32 $0x1400, s24;
	[sflag:s10] =	ssyncadd.s32 $0xFFFFC000  }
0x40: {  	[tilespmem:s3], [sflag:$0x1] =	stream.linear.gather [hbm4b:s25+s3], $0x100, $0x38;
	[tilespmem:$0x1C200] =	vst v63  }
0x41: {  	_ =	swait.ge [sflag:s19], $0x4000  }
0x42: {  	[sflag:s19] =	ssyncset.done $0x0  }
0x43: {  	[sflag:s19] =	ssyncadd.s32 $0xFFFFC000  }
0x44: {  	[spmem:s2] =	stream.indirect.scatter.add.f32 [tilespmem:s17], [sflag:$0x5], $0x80, s20, s14, $0xb8;
	[tilespmem:$0x1C200] =	vst v63  }
0x45: {  	_ =	swait.ge [sflag:s10], $0x4000  }
0x46: {  	[sflag:s10] =	ssyncset.done $0x0  }
0x47: {  	s24 =	sadd.s32 $0x1420, s24;
	[sflag:s10] =	ssyncadd.s32 $0xFFFFC000  }
0x48: {  	[tilespmem:s12], [sflag:$0x2] =	stream.linear.gather [hbm4b:s24+s3], $0x100, $0x38;
	[tilespmem:$0x1C200] =	vst v63  }
0x49: {  	_ =	swait.ge [sflag:s13], $0x100  }
0x4a: {  	[sflag:s13] =	ssyncset.done $0x0  }
.Ltmp0:
0x4b: {  	[sflag:s13] =	ssyncadd.s32 $0xFFFFFF00;
	(pc) =	sbr.rel @p0 .LBB2_2-.Ltmp0, $4  }
0x4c: {  	[tilespmem:s15], [sflag:$0x3] =	stream.indirect.gather [hbm4b:s7+s14], $0x80, s3, s14, $0xb8;
	[tilespmem:$0x1C200] =	vst v63  }
0x4d: {  	_ =	swait.ge [sflag:s16], $0x100  }
0x4e: {  	[sflag:s16] =	ssyncset.done $0x0  }
0x4f: {  	[sflag:s16] =	ssyncadd.s32 $0xFFFFFF00  }
0x50: {  	[tilespmem:s17], [sflag:$0x4] =	stream.indirect.gather [hbm4b:s7+s14], $0x80, s12, s14, $0xb8;
	[tilespmem:$0x1C200] =	vst v63  }
0x51: {  	_ =	swait.ge [sflag:s18], $0x4000  }
0x52: {  	[sflag:s18] =	ssyncset.done $0x0  }
0x53: {  	[sflag:s18] =	ssyncadd.s32 $0xFFFFC000  }
0x54: {  	[spmem:s2] =	stream.indirect.scatter.add.f32 [tilespmem:s15], [sflag:$0x5], $0x80, s14, s14, $0xb8;
	[tilespmem:$0x1C200] =	vst v63  }
0x55: {  	_ =	swait.ge [sflag:s10], $0x4000  }
0x56: {  	[sflag:s10] =	ssyncset.done $0x0  }
0x57: {  	[sflag:s10] =	ssyncadd.s32 $0xFFFFC000  }
0x58: {  	_ =	swait.ge [sflag:s19], $0x4000  }
0x59: {  	[sflag:s19] =	ssyncset.done $0x0  }
0x5a: {  	[sflag:s19] =	ssyncadd.s32 $0xFFFFC000  }
0x5b: {  	[spmem:s2] =	stream.indirect.scatter.add.f32 [tilespmem:s17], [sflag:$0x5], $0x80, s20, s14, $0xb8;
	[tilespmem:$0x1C200] =	vst v63  }
0x5c: {  	_ =	swait.ge [sflag:s10], $0x4000  }
0x5d: {  	s22 =	sadd.s32 $0x1, s22;
	[sflag:s10] =	ssyncset.done $0x0  }
0x5e: {  	p0 =	sne.s32 s22, s8;
	[sflag:s10] =	ssyncadd.s32 $0xFFFFC000  }
.Ltmp1:
0x5f: {  	[bflag:$0x0] =	sbarrier.arrive $0xFFFF;
	(pc) =	sbr.rel @p0 .LBB2_1-.Ltmp1, $4  }
0x60: {  	[hbm:s21], [sflag:s5] =	dma.local [spmem:s9], $0x2800  }
0x61: {  	_ =	swait.ge [sflag:s10], $0x2800  }
0x62: {  	[sflag:s10] =	ssyncset.done $0x0  }
0x63: {  	[sflag:s10] =	ssyncadd.s32 $0xFFFFD800  }
0x64: {  	_ =	sfence.sel $0x180000  }
0x65: {  	[bflag:$0x0] =	sbarrier.arrive $0xFFFF  }
0x66: {  	p0 =	sne.s32 s1, $0x0;
	_ =	strace $0x90000053  }
0x67: {  	s0 =	sadd.s32 @!p0 $0x100000, s0;
	[bflag:$0x2] =	sbarrier.arrive $0xFFFF  }
0x68: {  	[sflag:s0] =	ssyncadd.tile.s32 @!p0 $0x1;
	_ =	shalt  }
.Lfunc_end2:
_tile_overlayer_lowered:
.L_overlay_start_2:
0x69: {  	(tag) =	ssettag $0x2  }
0x6a: {  	s0 =	rddreg [dreg:$0x0];
	s2 =	stileid.u32  }
0x6b: {  	s1 =	rddreg [dreg:$0x1];
	p0 =	sne.s32 s2, $0x0  }
0x6c: {  	s3 =	rddreg [dreg:$0x2];
	[bflag:$0x3] =	sbarrier.arrive $0xFFFF;
	s2 =	simm.s32 @!p0 $0x1C05  }
0x6d: {  	[timem:s3], [sflag:s2] =	dma.local @!p0 [hbm:s0], s1  }
0x6e: {  	s0 =	simm.s32 @!p0 $0x5  }
0x6f: {  	_ =	swait.ge @!p0 [sflag:s0], s1  }
0x70: {  	s1 =	ssub.s32 @!p0 $0x0, s1;
	[sflag:s0] =	ssyncset.done @!p0 $0x0  }
0x71: {  	[sflag:s0] =	ssyncadd.s32 @!p0 s1  }
0x72: {  	[bflag:$0x3] =	sbarrier.arrive $0xFFFF  }
0x73: {  	_ =	shalt  }

// kernel: kernel.32.cloned.1.call-start
scs
__scs_entry_jumppad:
0x0: {  	(pc) =	sbr.rel $0x88, $3  }
0x1: {  	(tag) =	ssettag $0x0;
	lr =	simm.s32 $0x1  }
0x2: {  	[smem:$0x3F87] =	sst lr;
	_ =	strace $0xD0000000  }
0x3: {  	_ = 	snop  }
0x4: {  	_ = 	snop  }
0x5: {  	_ = 	snop  }
0x6: {  	_ = 	snop  }
0x7: {  	_ = 	snop  }
__scs_overlays_trampoline_lowered:
0x8: {  	[smem:$0x3F96] =	sst s0  }
0x9: {  	[smem:$0x3F97] =	sst s1  }
0xa: {  	[smem:$0x3F98] =	sst s2  }
0xb: {  	[smem:$0x3F99] =	sst s3  }
0xc: {  	[smem:$0x3F9A] =	sst s4  }
0xd: {  	[smem:$0x3F9B] =	sst s5  }
0xe: {  	[smem:$0x3F9C] =	sst s6  }
0xf: {  	[smem:$0x3F9D] =	sst s7  }
0x10: {  	[smem:$0x3F9E] =	sst s8  }
0x11: {  	[smem:$0x3F9F] =	sst s9;
	s0 =	simm.s32 @!p0 $0x0  }
0x12: {  	s1 =	sld [smem:$0x3F85];
	s0 =	simm.s32 @p0 $0x1  }
0x13: {  	[smem:$0x3FA0] =	sst s0;
	s0 =	simm.s32 @!p1 $0x0  }
0x14: {  	s2 =	sld [smem:$0x3F84];
	s0 =	simm.s32 @p1 $0x1  }
0x15: {  	[smem:$0x3FA1] =	sst s0;
	s0 =	simm.s32 @!p2 $0x0  }
0x16: {  	s3 =	sld [smem:$0x3FDB];
	s0 =	simm.s32 @p2 $0x1  }
0x17: {  	s4 =	simm.s32 $0x1BF5;
	[smem:$0x3FA3] =	sst s0  }
0x18: {  	s0 =	sld [smem:$0x3F86];
	_ =	swait.ge [sflag:s4], $0x0  }
0x19: {  	s7 =	sld [smem:$0x3F87]  }
0x1a: {  	s8 =	sadd.s32 $0xFFFFE003, lr  }
0x1b: {  	s9 =	sadd.s32 $0xFFFFFEF7, lr;
	s5 =	simm.s32 $0xFFFFFFFF;
	p2 =	slt.u32 s8, $0xFFFFF086  }
0x1c: {  	p1 =	slt.u32 s9, $0xF7A;
	s5 =	simm.s32 @!p2 $0x0  }
0x1d: {  	s5 =	simm.s32 @p1 $0x1;
	p0 =	seq.s32 s7, s2  }
0x1e: {  	s7 =	smul.u32 @!p0 $0xF7A, s2;
	p2 =	seq.s32 @!p0 s5, $0x0  }
0x1f: {  	s9 =	smul.u32 $0xF7A, s1;
	s8 =	simm.s32 @!p0 $0x1BF5;
	p2 =	por !p2, p0  }
0x20: {  	[sflag:s8] =	ssyncset.s32 @!p0 $0xFFFFF086;
	s6 =	sadd.s32 @!p0 s3, s7;
	s7 =	simm.s32 @!p0 $0x108  }
0x21: {  	s3 =	sadd.s32 s3, s9;
	s6 =	sadd.s32 @!p0 $0x88, s6;
	s7 =	simm.s32 @p2 $0x1082  }
0x22: {  	[simem:s7], [sflag:s8] =	dma.local @!p0 [hbm:s6], $0xF7A  }
0x23: {  	s9 =	sor.u32 $0xD0000000, s2;
	s6 =	simm.s32 $0x108;
	_ =	swait.ge @!p0 [sflag:s8], $0x0  }
0x24: {  	s3 =	sadd.s32 $0x88, s3;
	s6 =	simm.s32 @!p1 $0x1082;
	[sflag:s4] =	ssyncset.s32 $0xFFFFF086  }
0x25: {  	[simem:s6], [sflag:s4] =	dma.local [hbm:s3], $0xF7A  }
0x26: {  	[smem:$0x3F87] =	sst s1;
	(tag) =	ssettag s2;
	_ =	strace s9  }
0x27: {  	s1 =	sld [smem:$0x3F97]  }
0x28: {  	s2 =	sld [smem:$0x3F98]  }
0x29: {  	s4 =	sld [smem:$0x3F9A]  }
0x2a: {  	p0 =	seq.s32 s5, $0x0;
	s5 =	sld [smem:$0x3F9B]  }
0x2b: {  	s6 =	sld [smem:$0x3F9C]  }
0x2c: {  	s7 =	sld [smem:$0x3F9D]  }
0x2d: {  	s3 =	simm.s32 $0x108;
	s8 =	sld [smem:$0x3F9E]  }
0x2e: {  	s3 =	simm.s32 @!p0 $0x1082;
	s9 =	sld [smem:$0x3F9F]  }
0x2f: {  	lr =	sadd.s32 s0, s3;
	s0 =	sld [smem:$0x3F96]  }
0x30: {  	s3 =	sld [smem:$0x3F99]  }
0x31: {  	[smem:$0x3FA2] =	sst s10  }
0x32: {  	s10 =	sld [smem:$0x3FA0];
	_ =	sdelay $0x3  }
0x33: {  	p0 =	seq.s32 s10, $0x1;
	s10 =	sld [smem:$0x3FA2];
	_ =	sdelay $0x3  }
0x34: {  	[smem:$0x3FA2] =	sst s10  }
0x35: {  	s10 =	sld [smem:$0x3FA1];
	_ =	sdelay $0x3  }
0x36: {  	p1 =	seq.s32 s10, $0x1;
	s10 =	sld [smem:$0x3FA2];
	_ =	sdelay $0x3  }
0x37: {  	[smem:$0x3FA2] =	sst s10  }
0x38: {  	s10 =	sld [smem:$0x3FA3]  }
0x39: {  	_ = 	snop;
	(pc) =	sbr.ind lr, $3  }
0x3a: {  	_ = 	snop  }
0x3b: {  	_ = 	snop  }
0x3c: {  	p2 =	seq.s32 s10, $0x1;
	s10 =	sld [smem:$0x3FA2]  }
0x3d: {  	_ =	shalt  }
0x3e: {  	_ =	shalt  }
0x3f: {  	_ =	shalt  }
0x40: {  	_ =	shalt  }
0x41: {  	_ =	shalt  }
0x42: {  	_ =	shalt  }
0x43: {  	_ =	shalt  }
0x44: {  	_ =	shalt  }
0x45: {  	_ =	shalt  }
0x46: {  	_ =	shalt  }
0x47: {  	_ =	shalt  }
0x48: {  	_ =	shalt  }
0x49: {  	_ =	shalt  }
0x4a: {  	_ =	shalt  }
0x4b: {  	_ =	shalt  }
0x4c: {  	_ =	shalt  }
0x4d: {  	_ =	shalt  }
0x4e: {  	_ =	shalt  }
0x4f: {  	_ =	shalt  }
0x50: {  	_ =	shalt  }
0x51: {  	_ =	shalt  }
0x52: {  	_ =	shalt  }
0x53: {  	_ =	shalt  }
0x54: {  	_ =	shalt  }
0x55: {  	_ =	shalt  }
0x56: {  	_ =	shalt  }
0x57: {  	_ =	shalt  }
0x58: {  	_ =	shalt  }
0x59: {  	_ =	shalt  }
0x5a: {  	_ =	shalt  }
0x5b: {  	_ =	shalt  }
0x5c: {  	_ =	shalt  }
0x5d: {  	_ =	shalt  }
0x5e: {  	_ =	shalt  }
0x5f: {  	_ =	shalt  }
0x60: {  	_ =	shalt  }
0x61: {  	_ =	shalt  }
0x62: {  	_ =	shalt  }
0x63: {  	_ =	shalt  }
0x64: {  	_ =	shalt  }
0x65: {  	_ =	shalt  }
0x66: {  	_ =	shalt  }
0x67: {  	_ =	shalt  }
0x68: {  	_ =	shalt  }
0x69: {  	_ =	shalt  }
0x6a: {  	_ =	shalt  }
0x6b: {  	_ =	shalt  }
0x6c: {  	_ =	shalt  }
0x6d: {  	_ =	shalt  }
0x6e: {  	_ =	shalt  }
0x6f: {  	_ =	shalt  }
0x70: {  	_ =	shalt  }
0x71: {  	_ =	shalt  }
0x72: {  	_ =	shalt  }
0x73: {  	_ =	shalt  }
0x74: {  	_ =	shalt  }
0x75: {  	_ =	shalt  }
0x76: {  	_ =	shalt  }
0x77: {  	_ =	shalt  }
0x78: {  	_ =	shalt  }
0x79: {  	_ =	shalt  }
0x7a: {  	_ =	shalt  }
0x7b: {  	_ =	shalt  }
0x7c: {  	_ =	shalt  }
0x7d: {  	_ =	shalt  }
0x7e: {  	_ =	shalt  }
0x7f: {  	_ =	shalt  }
0x80: {  	_ =	shalt  }
0x81: {  	_ =	shalt  }
0x82: {  	_ =	shalt  }
0x83: {  	_ =	shalt  }
0x84: {  	_ =	shalt  }
0x85: {  	_ =	shalt  }
0x86: {  	_ =	shalt  }
0x87: {  	_ =	shalt  }
.Lfunc_end0:
.L_simem_size_0:
called_computation.5_lowered:
.L_overlay_start_0:
0x88: {  	s2 =	sld [smem:$0x3FD9]  }
0x89: {  	s3 =	sld [smem:$0x3FFE];
	_ =	sdelay $0x1  }
0x8a: {  	s1 =	srdreg.scid  }
0x8b: {  	s0 =	sand.u32 $0x1, s1  }
0x8c: {  	s16 =	sshll.u32 s0, $0xA;
	s2 =	sadd.s32 s3, s2  }
0x8d: {  	s2 =	sadd.s32 s2, s16  }
0x8e: {  	[smem:$0x3FAE] =	sst s2  }
0x8f: {  	_ = 	snop  }
0x90: {  	(tm) =	ssettm $0x1  }
0x91: {  	s17 =	sld [smem:$0x3FFB];
	_ =	sdelay $0x3  }
0x92: {  	_ =	strace s17  }
0x93: {  	s2 =	sld [smem:$0x3FFC];
	_ =	sdelay $0x3  }
0x94: {  	_ =	strace s2  }
0x95: {  	s2 =	sld [smem:$0x3FFD];
	_ =	sdelay $0x3  }
0x96: {  	_ =	strace s2  }
0x97: {  	_ =	strace $0x8FFFFFFF  }
0x98: {  	s18 =	sld [smem:$0x3FDB];
	_ =	sdelay $0x1  }
0x99: {  	s19 =	simm.s32 $_scs_section_size  }
0x9a: {  	s4 =	simm.s32 $_size__tile_overlayer_lowered;
	s5 =	simm.s32 $_tile_overlayer_lowered  }
0x9b: {  	s22 =	simm.s32 $0x1BFF;
	s21 =	sshll.u32 s5, $0x1;
	s2 =	sadd.s32 s19, s18  }
0x9c: {  	s6 =	simm.s32 $0x0;
	s20 =	sshll.u32 s4, $0x1;
	s4 =	sadd.s32 s21, s2  }
0x9d: {  	[timem:s6], [sflag:s22] =	dma.local [hbm:s4], s20  }
0x9e: {  	_ =	swait.ge [sflag:s22], s20  }
0x9f: {  	s3 =	ssub.s32 $0x0, s20;
	[sflag:s22] =	ssyncset.done $0x0  }
0xa0: {  	[sflag:s22] =	ssyncadd.s32 s3;
	_ =	sdelay $0x1  }
0xa1: {  	s23 =	simm.s32 $0x1B8B  }
0xa2: {  	_ =	swait.ge [sflag:s23], $0x1  }
0xa3: {  	[sflag:s23] =	ssyncset.done $0x0  }
0xa4: {  	s25 =	simm.s32 $0x1B8E;
	s24 =	sld [smem:$0x3FFE];
	[sflag:s23] =	ssyncadd.s32 $0xFFFFFFFF  }
0xa5: {  	s26 =	simm.s32 $execute0_lowered;
	[smem:$0x3FD2] =	sst s25  }
0xa6: {  	s4 =	sshll.u32 s26, $0x1;
	_ =	strace $0x80000055;
	[dreg:$0x1] =	wrdreg $0xFFFFFFFF  }
0xa7: {  	s28 =	simm.s32 $_size_execute0_lowered;
	s2 =	sadd.s32 s2, s4;
	[dreg:$0x0] =	wrdreg $0x0  }
0xa8: {  	s4 =	sshll.u32 s28, $0x1;
	[dreg:$0x2] =	wrdreg s2  }
0xa9: {  	[dreg:$0x3] =	wrdreg s4  }
0xaa: {  	[dreg:$0x4] =	wrdreg $0xC0  }
0xab: {  	_ =	task [dreg:s6], $0x5FFFF  }
0xac: {  	[dreg:$0x1] =	wrdreg $0xFFFFFFFF  }
0xad: {  	[dreg:$0x0] =	wrdreg $0x60  }
0xae: {  	[dreg:$0x2] =	wrdreg s24  }
0xaf: {  	[dreg:$0x3] =	wrdreg $0x82000  }
0xb0: {  	[dreg:$0x4] =	wrdreg $0x9  }
0xb1: {  	_ =	task.clear_ibuf [dreg:s6], $0x5FFFF;
	_ =	strace $0x90000055  }
0xb2: {  	s29 =	simm.s32 $0x9;
	_ =	strace $0x80000057  }
0xb3: {  	_ =	swait.ge [sflag:s29], $0x1  }
0xb4: {  	[sflag:s29] =	ssyncadd.s32 $0xFFFFFFFF  }
0xb5: {  	_ =	strace $0x90000057  }
0xb6: {  	_ =	sfence  }
0xb7: {  	s30 =	sld [smem:$0x0];
	_ =	sdelay $0x2  }
0xb8: {  	s31 =	sshll.u32 s1, $0xD;
	s1 =	sshrl.u32 s1, $0x2  }
0xb9: {  	s3 =	sand.u32 $0x4000, s31;
	s1 =	sadd.s32 s1, s30  }
0xba: {  	s0 =	sor.u32 s3, s0;
	s1 =	sshll.u32 s1, $0x11  }
0xbb: {  	s0 =	sor.u32 s1, s0  }
0xbc: {  	s0 =	sadd.s32 $0x8F2B, s0  }
0xbd: {  	[sflag:s0] =	ssyncadd.remote.s32 $0x1  }
0xbe: {  	_ =	sfence.sel $0xFFFF  }
0xbf: {  	[dreg:$0x0] =	wrdreg $0xFFFFFFFF;
	(pc) =	sbr.abs _section_cstart, $3  }
0xc0: {  	[dreg:$0x1] =	wrdreg $0xFFFFFFFF  }
0xc1: {  	_ =	task.clear_ibuf [dreg:s6], $0x2FFFF;
	_ =	strace $0x9FFFFFFF  }
0xc2: {  	(tm) =	ssettm $0x7FFFFFFF  }
0xc3: {  	_ =	shalt  }
tec
execute0_lowered:
.L_overlay_start_1:
0x0: {  	(tag) =	ssettag $0x1  }
0x1: {  	s5 =	rddreg [dreg:$0x0]  }
0x2: {  	s2 =	rddreg [dreg:$0x1]  }
0x3: {  	s0 =	rddreg [dreg:$0x2];
	s3 =	simm.s32 $0x0;
	s1 =	stileid.u32  }
0x4: {  	s4 =	srdreg.scid;
	s12 =	simm.s32 $0x100;
	s13 =	simm.s32 $0x1  }
0x5: {  	s14 =	simm.s32 $0x80;
	s15 =	simm.s32 $0x200;
	s16 =	simm.s32 $0x2  }
0x6: {  	s17 =	simm.s32 $0x4200;
	s18 =	simm.s32 $0x3;
	s6 =	smul.u32 $0x1400, s1  }
0x7: {  	s19 =	simm.s32 $0x4;
	s20 =	simm.s32 $0x180;
	s9 =	smul.u32 $0x50000, s1  }
0x8: {  	[smem:$0x7FF] =	sst s3;
	s4 =	sand.u32 $0x1, s4;
	s22 =	smul.u32 $0x2800, s1  }
0x9: {  	s31 =	sshll.u32 s1, $0x6;
	_ =	strace $0x80000056;
	s7 =	smul.u32 $0x28000, s4  }
0xa: {  	s8 =	ssub.s32 $0x2, s4;
	s4 =	sadd.s32 $0x41E00, s5;
	s6 =	sadd.s32 s6, s5  }
0xb: {  	s29 =	sshrl.u32 s8, $0x1;
	s30 =	sshrl.u32 s9, $0x2;
	s10 =	sadd.s32 s7, s5  }
0xc: {  	s8 =	ssub.s32 s8, s29;
	s9 =	sadd.s32 s30, s2;
	s5 =	sor.u32 $0x1C05, s31  }
0xd: {  	s6 =	sadd.s32 $0x5E00, s6;
	s7 =	sadd.s32 $0x44600, s10;
	s21 =	sadd.s32 $0x94600, s10  }
0xe: {  	s8 =	smax.u32 s8, $0x1;
	s9 =	sshrl.u32 s9, $0x3;
	s10 =	simm.s32 $0x5  }
0xf: {  	s11 =	sadd.s32 $0x20, s6;
	s21 =	sadd.s32 s22, s21;
	s22 =	simm.s32 $0x0  }
.LBB2_1:
0x10: {  	[spmem:s9], [sflag:s5] =	dma.local [hbm:s4], $0x2800  }
0x11: {  	_ =	swait.ge [sflag:s10], $0x2800  }
0x12: {  	[sflag:s10] =	ssyncset.done $0x0  }
0x13: {  	[sflag:s10] =	ssyncadd.s32 $0xFFFFD800  }
0x14: {  	[bflag:$0x0] =	sbarrier.arrive $0xFFFF  }
0x15: {  	[tilespmem:s3], [sflag:$0x1] =	stream.linear.gather [hbm4b:s6+s3], $0x100, $0x38;
	[tilespmem:$0x1C200] =	vst v63  }
0x16: {  	_ = 	snop  }
0x17: {  	[tilespmem:s12], [sflag:$0x2] =	stream.linear.gather [hbm4b:s11+s3], $0x100, $0x38;
	[tilespmem:$0x1C200] =	vst v63  }
0x18: {  	_ =	swait.ge [sflag:s13], $0x100  }
0x19: {  	[sflag:s13] =	ssyncset.done $0x0  }
0x1a: {  	[sflag:s13] =	ssyncadd.s32 $0xFFFFFF00  }
0x1b: {  	[tilespmem:s15], [sflag:$0x3] =	stream.indirect.gather [hbm4b:s7+s14], $0x80, s3, s14, $0xb8;
	[tilespmem:$0x1C200] =	vst v63  }
0x1c: {  	_ =	swait.ge [sflag:s16], $0x100  }
0x1d: {  	[sflag:s16] =	ssyncset.done $0x0  }
0x1e: {  	[sflag:s16] =	ssyncadd.s32 $0xFFFFFF00  }
0x1f: {  	[tilespmem:s17], [sflag:$0x4] =	stream.indirect.gather [hbm4b:s7+s14], $0x80, s12, s14, $0xb8;
	[tilespmem:$0x1C200] =	vst v63  }
0x20: {  	_ =	swait.ge [sflag:s18], $0x4000  }
0x21: {  	[sflag:s18] =	ssyncset.done $0x0  }
0x22: {  	[sflag:s18] =	ssyncadd.s32 $0xFFFFC000  }
0x23: {  	[spmem:s2] =	stream.indirect.scatter.add.f32 [tilespmem:s15], [sflag:$0x5], $0x80, s14, s14, $0xb8;
	[tilespmem:$0x1C200] =	vst v63  }
0x24: {  	_ =	swait.ge [sflag:s10], $0x4000  }
0x25: {  	s23 =	sadd.s32 $0xFFFFEC40, s6;
	[sflag:s10] =	ssyncset.done $0x0  }
0x26: {  	s24 =	sadd.s32 $0x1400, s23;
	[sflag:s10] =	ssyncadd.s32 $0xFFFFC000  }
0x27: {  	[tilespmem:s3], [sflag:$0x1] =	stream.linear.gather [hbm4b:s24+s3], $0x100, $0x38;
	[tilespmem:$0x1C200] =	vst v63  }
0x28: {  	_ =	swait.ge [sflag:s19], $0x4000  }
0x29: {  	[sflag:s19] =	ssyncset.done $0x0  }
0x2a: {  	[sflag:s19] =	ssyncadd.s32 $0xFFFFC000  }
0x2b: {  	[spmem:s2] =	stream.indirect.scatter.add.f32 [tilespmem:s17], [sflag:$0x5], $0x80, s20, s14, $0xb8;
	[tilespmem:$0x1C200] =	vst v63  }
0x2c: {  	_ =	swait.ge [sflag:s10], $0x4000  }
0x2d: {  	[sflag:s10] =	ssyncset.done $0x0  }
0x2e: {  	s23 =	sadd.s32 $0x1420, s23;
	[sflag:s10] =	ssyncadd.s32 $0xFFFFC000  }
0x2f: {  	[tilespmem:s12], [sflag:$0x2] =	stream.linear.gather [hbm4b:s23+s3], $0x100, $0x38;
	[tilespmem:$0x1C200] =	vst v63  }
0x30: {  	_ =	swait.ge [sflag:s13], $0x100  }
0x31: {  	[sflag:s13] =	ssyncset.done $0x0  }
0x32: {  	[sflag:s13] =	ssyncadd.s32 $0xFFFFFF00  }
0x33: {  	[tilespmem:s15], [sflag:$0x3] =	stream.indirect.gather [hbm4b:s7+s14], $0x80, s3, s14, $0xb8;
	[tilespmem:$0x1C200] =	vst v63  }
0x34: {  	_ =	swait.ge [sflag:s16], $0x100  }
0x35: {  	[sflag:s16] =	ssyncset.done $0x0  }
0x36: {  	s23 =	simm.s32 $0xFFFFEC80;
	[sflag:s16] =	ssyncadd.s32 $0xFFFFFF00  }
.LBB2_2:
0x37: {  	[tilespmem:s17], [sflag:$0x4] =	stream.indirect.gather [hbm4b:s7+s14], $0x80, s12, s14, $0xb8;
	[tilespmem:$0x1C200] =	vst v63  }
0x38: {  	s24 =	smov.u32 s23  }
0x39: {  	p0 =	sne.s32 s23, $0xFFFFFFC0;
	s23 =	sadd.s32 $0x40, s23;
	_ =	swait.ge [sflag:s18], $0x4000  }
0x3a: {  	[sflag:s18] =	ssyncset.done $0x0  }
0x3b: {  	[sflag:s18] =	ssyncadd.s32 $0xFFFFC000  }
0x3c: {  	[spmem:s2] =	stream.indirect.scatter.add.f32 [tilespmem:s15], [sflag:$0x5], $0x80, s14, s14, $0xb8;
	[tilespmem:$0x1C200] =	vst v63  }
0x3d: {  	_ =	swait.ge [sflag:s10], $0x4000  }
0x3e: {  	s24 =	sadd.s32 s24, s6;
	[sflag:s10] =	ssyncset.done $0x0  }
0x3f: {  	s25 =	sadd.s32 $0x1400, s24;
	[sflag:s10] =	ssyncadd.s32 $0xFFFFC000  }
0x40: {  	[tilespmem:s3], [sflag:$0x1] =	stream.linear.gather [hbm4b:s25+s3], $0x100, $0x38;
	[tilespmem:$0x1C200] =	vst v63  }
0x41: {  	_ =	swait.ge [sflag:s19], $0x4000  }
0x42: {  	[sflag:s19] =	ssyncset.done $0x0  }
0x43: {  	[sflag:s19] =	ssyncadd.s32 $0xFFFFC000  }
0x44: {  	[spmem:s2] =	stream.indirect.scatter.add.f32 [tilespmem:s17], [sflag:$0x5], $0x80, s20, s14, $0xb8;
	[tilespmem:$0x1C200] =	vst v63  }
0x45: {  	_ =	swait.ge [sflag:s10], $0x4000  }
0x46: {  	[sflag:s10] =	ssyncset.done $0x0  }
0x47: {  	s24 =	sadd.s32 $0x1420, s24;
	[sflag:s10] =	ssyncadd.s32 $0xFFFFC000  }
0x48: {  	[tilespmem:s12], [sflag:$0x2] =	stream.linear.gather [hbm4b:s24+s3], $0x100, $0x38;
	[tilespmem:$0x1C200] =	vst v63  }
0x49: {  	_ =	swait.ge [sflag:s13], $0x100  }
0x4a: {  	[sflag:s13] =	ssyncset.done $0x0  }
.Ltmp0:
0x4b: {  	[sflag:s13] =	ssyncadd.s32 $0xFFFFFF00;
	(pc) =	sbr.rel @p0 .LBB2_2-.Ltmp0, $4  }
0x4c: {  	[tilespmem:s15], [sflag:$0x3] =	stream.indirect.gather [hbm4b:s7+s14], $0x80, s3, s14, $0xb8;
	[tilespmem:$0x1C200] =	vst v63  }
0x4d: {  	_ =	swait.ge [sflag:s16], $0x100  }
0x4e: {  	[sflag:s16] =	ssyncset.done $0x0  }
0x4f: {  	[sflag:s16] =	ssyncadd.s32 $0xFFFFFF00  }
0x50: {  	[tilespmem:s17], [sflag:$0x4] =	stream.indirect.gather [hbm4b:s7+s14], $0x80, s12, s14, $0xb8;
	[tilespmem:$0x1C200] =	vst v63  }
0x51: {  	_ =	swait.ge [sflag:s18], $0x4000  }
0x52: {  	[sflag:s18] =	ssyncset.done $0x0  }
0x53: {  	[sflag:s18] =	ssyncadd.s32 $0xFFFFC000  }
0x54: {  	[spmem:s2] =	stream.indirect.scatter.add.f32 [tilespmem:s15], [sflag:$0x5], $0x80, s14, s14, $0xb8;
	[tilespmem:$0x1C200] =	vst v63  }
0x55: {  	_ =	swait.ge [sflag:s10], $0x4000  }
0x56: {  	[sflag:s10] =	ssyncset.done $0x0  }
0x57: {  	[sflag:s10] =	ssyncadd.s32 $0xFFFFC000  }
0x58: {  	_ =	swait.ge [sflag:s19], $0x4000  }
0x59: {  	[sflag:s19] =	ssyncset.done $0x0  }
0x5a: {  	[sflag:s19] =	ssyncadd.s32 $0xFFFFC000  }
0x5b: {  	[spmem:s2] =	stream.indirect.scatter.add.f32 [tilespmem:s17], [sflag:$0x5], $0x80, s20, s14, $0xb8;
	[tilespmem:$0x1C200] =	vst v63  }
0x5c: {  	_ =	swait.ge [sflag:s10], $0x4000  }
0x5d: {  	s22 =	sadd.s32 $0x1, s22;
	[sflag:s10] =	ssyncset.done $0x0  }
0x5e: {  	p0 =	sne.s32 s22, s8;
	[sflag:s10] =	ssyncadd.s32 $0xFFFFC000  }
.Ltmp1:
0x5f: {  	[bflag:$0x0] =	sbarrier.arrive $0xFFFF;
	(pc) =	sbr.rel @p0 .LBB2_1-.Ltmp1, $4  }
0x60: {  	[hbm:s21], [sflag:s5] =	dma.local [spmem:s9], $0x2800  }
0x61: {  	_ =	swait.ge [sflag:s10], $0x2800  }
0x62: {  	[sflag:s10] =	ssyncset.done $0x0  }
0x63: {  	[sflag:s10] =	ssyncadd.s32 $0xFFFFD800  }
0x64: {  	_ =	sfence.sel $0x180000  }
0x65: {  	[bflag:$0x0] =	sbarrier.arrive $0xFFFF  }
0x66: {  	p0 =	sne.s32 s1, $0x0;
	_ =	strace $0x90000056  }
0x67: {  	s0 =	sadd.s32 @!p0 $0x100000, s0;
	[bflag:$0x2] =	sbarrier.arrive $0xFFFF  }
0x68: {  	[sflag:s0] =	ssyncadd.tile.s32 @!p0 $0x1;
	_ =	shalt  }
.Lfunc_end2:
_tile_overlayer_lowered:
.L_overlay_start_2:
0x69: {  	(tag) =	ssettag $0x2  }
0x6a: {  	s0 =	rddreg [dreg:$0x0];
	s2 =	stileid.u32  }
0x6b: {  	s1 =	rddreg [dreg:$0x1];
	p0 =	sne.s32 s2, $0x0  }
0x6c: {  	s3 =	rddreg [dreg:$0x2];
	[bflag:$0x3] =	sbarrier.arrive $0xFFFF;
	s2 =	simm.s32 @!p0 $0x1C05  }
0x6d: {  	[timem:s3], [sflag:s2] =	dma.local @!p0 [hbm:s0], s1  }
0x6e: {  	s0 =	simm.s32 @!p0 $0x5  }
0x6f: {  	_ =	swait.ge @!p0 [sflag:s0], s1  }
0x70: {  	s1 =	ssub.s32 @!p0 $0x0, s1;
	[sflag:s0] =	ssyncset.done @!p0 $0x0  }
0x71: {  	[sflag:s0] =	ssyncadd.s32 @!p0 s1  }
0x72: {  	[bflag:$0x3] =	sbarrier.arrive $0xFFFF  }
0x73: {  	_ =	shalt  }

// kernel: kernel.35.cloned.1.call-start
scs
__scs_entry_jumppad:
0x0: {  	(pc) =	sbr.rel $0x88, $3  }
0x1: {  	(tag) =	ssettag $0x0;
	lr =	simm.s32 $0x1  }
0x2: {  	[smem:$0x3F87] =	sst lr;
	_ =	strace $0xD0000000  }
0x3: {  	_ = 	snop  }
0x4: {  	_ = 	snop  }
0x5: {  	_ = 	snop  }
0x6: {  	_ = 	snop  }
0x7: {  	_ = 	snop  }
__scs_overlays_trampoline_lowered:
0x8: {  	[smem:$0x3F96] =	sst s0  }
0x9: {  	[smem:$0x3F97] =	sst s1  }
0xa: {  	[smem:$0x3F98] =	sst s2  }
0xb: {  	[smem:$0x3F99] =	sst s3  }
0xc: {  	[smem:$0x3F9A] =	sst s4  }
0xd: {  	[smem:$0x3F9B] =	sst s5  }
0xe: {  	[smem:$0x3F9C] =	sst s6  }
0xf: {  	[smem:$0x3F9D] =	sst s7  }
0x10: {  	[smem:$0x3F9E] =	sst s8  }
0x11: {  	[smem:$0x3F9F] =	sst s9;
	s0 =	simm.s32 @!p0 $0x0  }
0x12: {  	s1 =	sld [smem:$0x3F85];
	s0 =	simm.s32 @p0 $0x1  }
0x13: {  	[smem:$0x3FA0] =	sst s0;
	s0 =	simm.s32 @!p1 $0x0  }
0x14: {  	s2 =	sld [smem:$0x3F84];
	s0 =	simm.s32 @p1 $0x1  }
0x15: {  	[smem:$0x3FA1] =	sst s0;
	s0 =	simm.s32 @!p2 $0x0  }
0x16: {  	s3 =	sld [smem:$0x3FDB];
	s0 =	simm.s32 @p2 $0x1  }
0x17: {  	s4 =	simm.s32 $0x1BF5;
	[smem:$0x3FA3] =	sst s0  }
0x18: {  	s0 =	sld [smem:$0x3F86];
	_ =	swait.ge [sflag:s4], $0x0  }
0x19: {  	s7 =	sld [smem:$0x3F87]  }
0x1a: {  	s8 =	sadd.s32 $0xFFFFE003, lr  }
0x1b: {  	s9 =	sadd.s32 $0xFFFFFEF7, lr;
	s5 =	simm.s32 $0xFFFFFFFF;
	p2 =	slt.u32 s8, $0xFFFFF086  }
0x1c: {  	p1 =	slt.u32 s9, $0xF7A;
	s5 =	simm.s32 @!p2 $0x0  }
0x1d: {  	s5 =	simm.s32 @p1 $0x1;
	p0 =	seq.s32 s7, s2  }
0x1e: {  	s7 =	smul.u32 @!p0 $0xF7A, s2;
	p2 =	seq.s32 @!p0 s5, $0x0  }
0x1f: {  	s9 =	smul.u32 $0xF7A, s1;
	s8 =	simm.s32 @!p0 $0x1BF5;
	p2 =	por !p2, p0  }
0x20: {  	[sflag:s8] =	ssyncset.s32 @!p0 $0xFFFFF086;
	s6 =	sadd.s32 @!p0 s3, s7;
	s7 =	simm.s32 @!p0 $0x108  }
0x21: {  	s3 =	sadd.s32 s3, s9;
	s6 =	sadd.s32 @!p0 $0x88, s6;
	s7 =	simm.s32 @p2 $0x1082  }
0x22: {  	[simem:s7], [sflag:s8] =	dma.local @!p0 [hbm:s6], $0xF7A  }
0x23: {  	s9 =	sor.u32 $0xD0000000, s2;
	s6 =	simm.s32 $0x108;
	_ =	swait.ge @!p0 [sflag:s8], $0x0  }
0x24: {  	s3 =	sadd.s32 $0x88, s3;
	s6 =	simm.s32 @!p1 $0x1082;
	[sflag:s4] =	ssyncset.s32 $0xFFFFF086  }
0x25: {  	[simem:s6], [sflag:s4] =	dma.local [hbm:s3], $0xF7A  }
0x26: {  	[smem:$0x3F87] =	sst s1;
	(tag) =	ssettag s2;
	_ =	strace s9  }
0x27: {  	s1 =	sld [smem:$0x3F97]  }
0x28: {  	s2 =	sld [smem:$0x3F98]  }
0x29: {  	s4 =	sld [smem:$0x3F9A]  }
0x2a: {  	p0 =	seq.s32 s5, $0x0;
	s5 =	sld [smem:$0x3F9B]  }
0x2b: {  	s6 =	sld [smem:$0x3F9C]  }
0x2c: {  	s7 =	sld [smem:$0x3F9D]  }
0x2d: {  	s3 =	simm.s32 $0x108;
	s8 =	sld [smem:$0x3F9E]  }
0x2e: {  	s3 =	simm.s32 @!p0 $0x1082;
	s9 =	sld [smem:$0x3F9F]  }
0x2f: {  	lr =	sadd.s32 s0, s3;
	s0 =	sld [smem:$0x3F96]  }
0x30: {  	s3 =	sld [smem:$0x3F99]  }
0x31: {  	[smem:$0x3FA2] =	sst s10  }
0x32: {  	s10 =	sld [smem:$0x3FA0];
	_ =	sdelay $0x3  }
0x33: {  	p0 =	seq.s32 s10, $0x1;
	s10 =	sld [smem:$0x3FA2];
	_ =	sdelay $0x3  }
0x34: {  	[smem:$0x3FA2] =	sst s10  }
0x35: {  	s10 =	sld [smem:$0x3FA1];
	_ =	sdelay $0x3  }
0x36: {  	p1 =	seq.s32 s10, $0x1;
	s10 =	sld [smem:$0x3FA2];
	_ =	sdelay $0x3  }
0x37: {  	[smem:$0x3FA2] =	sst s10  }
0x38: {  	s10 =	sld [smem:$0x3FA3]  }
0x39: {  	_ = 	snop;
	(pc) =	sbr.ind lr, $3  }
0x3a: {  	_ = 	snop  }
0x3b: {  	_ = 	snop  }
0x3c: {  	p2 =	seq.s32 s10, $0x1;
	s10 =	sld [smem:$0x3FA2]  }
0x3d: {  	_ =	shalt  }
0x3e: {  	_ =	shalt  }
0x3f: {  	_ =	shalt  }
0x40: {  	_ =	shalt  }
0x41: {  	_ =	shalt  }
0x42: {  	_ =	shalt  }
0x43: {  	_ =	shalt  }
0x44: {  	_ =	shalt  }
0x45: {  	_ =	shalt  }
0x46: {  	_ =	shalt  }
0x47: {  	_ =	shalt  }
0x48: {  	_ =	shalt  }
0x49: {  	_ =	shalt  }
0x4a: {  	_ =	shalt  }
0x4b: {  	_ =	shalt  }
0x4c: {  	_ =	shalt  }
0x4d: {  	_ =	shalt  }
0x4e: {  	_ =	shalt  }
0x4f: {  	_ =	shalt  }
0x50: {  	_ =	shalt  }
0x51: {  	_ =	shalt  }
0x52: {  	_ =	shalt  }
0x53: {  	_ =	shalt  }
0x54: {  	_ =	shalt  }
0x55: {  	_ =	shalt  }
0x56: {  	_ =	shalt  }
0x57: {  	_ =	shalt  }
0x58: {  	_ =	shalt  }
0x59: {  	_ =	shalt  }
0x5a: {  	_ =	shalt  }
0x5b: {  	_ =	shalt  }
0x5c: {  	_ =	shalt  }
0x5d: {  	_ =	shalt  }
0x5e: {  	_ =	shalt  }
0x5f: {  	_ =	shalt  }
0x60: {  	_ =	shalt  }
0x61: {  	_ =	shalt  }
0x62: {  	_ =	shalt  }
0x63: {  	_ =	shalt  }
0x64: {  	_ =	shalt  }
0x65: {  	_ =	shalt  }
0x66: {  	_ =	shalt  }
0x67: {  	_ =	shalt  }
0x68: {  	_ =	shalt  }
0x69: {  	_ =	shalt  }
0x6a: {  	_ =	shalt  }
0x6b: {  	_ =	shalt  }
0x6c: {  	_ =	shalt  }
0x6d: {  	_ =	shalt  }
0x6e: {  	_ =	shalt  }
0x6f: {  	_ =	shalt  }
0x70: {  	_ =	shalt  }
0x71: {  	_ =	shalt  }
0x72: {  	_ =	shalt  }
0x73: {  	_ =	shalt  }
0x74: {  	_ =	shalt  }
0x75: {  	_ =	shalt  }
0x76: {  	_ =	shalt  }
0x77: {  	_ =	shalt  }
0x78: {  	_ =	shalt  }
0x79: {  	_ =	shalt  }
0x7a: {  	_ =	shalt  }
0x7b: {  	_ =	shalt  }
0x7c: {  	_ =	shalt  }
0x7d: {  	_ =	shalt  }
0x7e: {  	_ =	shalt  }
0x7f: {  	_ =	shalt  }
0x80: {  	_ =	shalt  }
0x81: {  	_ =	shalt  }
0x82: {  	_ =	shalt  }
0x83: {  	_ =	shalt  }
0x84: {  	_ =	shalt  }
0x85: {  	_ =	shalt  }
0x86: {  	_ =	shalt  }
0x87: {  	_ =	shalt  }
.Lfunc_end0:
.L_simem_size_0:
called_computation.6_lowered:
.L_overlay_start_0:
0x88: {  	s2 =	sld [smem:$0x3FD9]  }
0x89: {  	s3 =	sld [smem:$0x3FFE];
	_ =	sdelay $0x1  }
0x8a: {  	s1 =	srdreg.scid  }
0x8b: {  	s0 =	sand.u32 $0x1, s1  }
0x8c: {  	s16 =	sshll.u32 s0, $0xA;
	s2 =	sadd.s32 s3, s2  }
0x8d: {  	s2 =	sadd.s32 s2, s16  }
0x8e: {  	[smem:$0x3FAE] =	sst s2  }
0x8f: {  	_ = 	snop  }
0x90: {  	(tm) =	ssettm $0x1  }
0x91: {  	s17 =	sld [smem:$0x3FFB];
	_ =	sdelay $0x3  }
0x92: {  	_ =	strace s17  }
0x93: {  	s2 =	sld [smem:$0x3FFC];
	_ =	sdelay $0x3  }
0x94: {  	_ =	strace s2  }
0x95: {  	s2 =	sld [smem:$0x3FFD];
	_ =	sdelay $0x3  }
0x96: {  	_ =	strace s2  }
0x97: {  	_ =	strace $0x8FFFFFFF  }
0x98: {  	s18 =	sld [smem:$0x3FDB];
	_ =	sdelay $0x1  }
0x99: {  	s19 =	simm.s32 $_scs_section_size  }
0x9a: {  	s4 =	simm.s32 $_size__tile_overlayer_lowered;
	s5 =	simm.s32 $_tile_overlayer_lowered  }
0x9b: {  	s22 =	simm.s32 $0x1BFF;
	s21 =	sshll.u32 s5, $0x1;
	s2 =	sadd.s32 s19, s18  }
0x9c: {  	s6 =	simm.s32 $0x0;
	s20 =	sshll.u32 s4, $0x1;
	s4 =	sadd.s32 s21, s2  }
0x9d: {  	[timem:s6], [sflag:s22] =	dma.local [hbm:s4], s20  }
0x9e: {  	_ =	swait.ge [sflag:s22], s20  }
0x9f: {  	s3 =	ssub.s32 $0x0, s20;
	[sflag:s22] =	ssyncset.done $0x0  }
0xa0: {  	[sflag:s22] =	ssyncadd.s32 s3;
	_ =	sdelay $0x1  }
0xa1: {  	s23 =	simm.s32 $0x1B8B  }
0xa2: {  	_ =	swait.ge [sflag:s23], $0x1  }
0xa3: {  	[sflag:s23] =	ssyncset.done $0x0  }
0xa4: {  	s25 =	simm.s32 $0x1B8E;
	s24 =	sld [smem:$0x3FFE];
	[sflag:s23] =	ssyncadd.s32 $0xFFFFFFFF  }
0xa5: {  	s26 =	simm.s32 $execute0_lowered;
	[smem:$0x3FD2] =	sst s25  }
0xa6: {  	s4 =	sshll.u32 s26, $0x1;
	_ =	strace $0x80000058;
	[dreg:$0x1] =	wrdreg $0xFFFFFFFF  }
0xa7: {  	s28 =	simm.s32 $_size_execute0_lowered;
	s2 =	sadd.s32 s2, s4;
	[dreg:$0x0] =	wrdreg $0x0  }
0xa8: {  	s4 =	sshll.u32 s28, $0x1;
	[dreg:$0x2] =	wrdreg s2  }
0xa9: {  	[dreg:$0x3] =	wrdreg s4  }
0xaa: {  	[dreg:$0x4] =	wrdreg $0xC0  }
0xab: {  	_ =	task [dreg:s6], $0x5FFFF  }
0xac: {  	[dreg:$0x1] =	wrdreg $0xFFFFFFFF  }
0xad: {  	[dreg:$0x0] =	wrdreg $0x60  }
0xae: {  	[dreg:$0x2] =	wrdreg s24  }
0xaf: {  	[dreg:$0x3] =	wrdreg $0x82000  }
0xb0: {  	[dreg:$0x4] =	wrdreg $0x9  }
0xb1: {  	_ =	task.clear_ibuf [dreg:s6], $0x5FFFF;
	_ =	strace $0x90000058  }
0xb2: {  	s29 =	simm.s32 $0x9;
	_ =	strace $0x8000005A  }
0xb3: {  	_ =	swait.ge [sflag:s29], $0x1  }
0xb4: {  	[sflag:s29] =	ssyncadd.s32 $0xFFFFFFFF  }
0xb5: {  	_ =	strace $0x9000005A  }
0xb6: {  	_ =	sfence  }
0xb7: {  	s30 =	sld [smem:$0x0];
	_ =	sdelay $0x2  }
0xb8: {  	s31 =	sshll.u32 s1, $0xD;
	s1 =	sshrl.u32 s1, $0x2  }
0xb9: {  	s3 =	sand.u32 $0x4000, s31;
	s1 =	sadd.s32 s1, s30  }
0xba: {  	s0 =	sor.u32 s3, s0;
	s1 =	sshll.u32 s1, $0x11  }
0xbb: {  	s0 =	sor.u32 s1, s0  }
0xbc: {  	s0 =	sadd.s32 $0x8F2B, s0  }
0xbd: {  	[sflag:s0] =	ssyncadd.remote.s32 $0x1  }
0xbe: {  	_ =	sfence.sel $0xFFFF  }
0xbf: {  	[dreg:$0x0] =	wrdreg $0xFFFFFFFF;
	(pc) =	sbr.abs _section_cstart, $3  }
0xc0: {  	[dreg:$0x1] =	wrdreg $0xFFFFFFFF  }
0xc1: {  	_ =	task.clear_ibuf [dreg:s6], $0x2FFFF;
	_ =	strace $0x9FFFFFFF  }
0xc2: {  	(tm) =	ssettm $0x7FFFFFFF  }
0xc3: {  	_ =	shalt  }
tec
execute0_lowered:
.L_overlay_start_1:
0x0: {  	(tag) =	ssettag $0x1  }
0x1: {  	s5 =	rddreg [dreg:$0x0]  }
0x2: {  	s2 =	rddreg [dreg:$0x1]  }
0x3: {  	s0 =	rddreg [dreg:$0x2];
	s3 =	simm.s32 $0x0;
	s1 =	stileid.u32  }
0x4: {  	s4 =	srdreg.scid;
	s12 =	simm.s32 $0x100;
	s13 =	simm.s32 $0x1  }
0x5: {  	s14 =	simm.s32 $0x80;
	s15 =	simm.s32 $0x200;
	s16 =	simm.s32 $0x2  }
0x6: {  	s17 =	simm.s32 $0x4200;
	s18 =	simm.s32 $0x3;
	s6 =	smul.u32 $0x1400, s1  }
0x7: {  	s19 =	simm.s32 $0x4;
	s20 =	simm.s32 $0x180;
	s9 =	smul.u32 $0x50000, s1  }
0x8: {  	[smem:$0x7FF] =	sst s3;
	s4 =	sand.u32 $0x1, s4;
	s22 =	smul.u32 $0x2800, s1  }
0x9: {  	s31 =	sshll.u32 s1, $0x6;
	_ =	strace $0x80000059;
	s7 =	smul.u32 $0x28000, s4  }
0xa: {  	s8 =	ssub.s32 $0x2, s4;
	s4 =	sadd.s32 $0x41E00, s5;
	s6 =	sadd.s32 s6, s5  }
0xb: {  	s29 =	sshrl.u32 s8, $0x1;
	s30 =	sshrl.u32 s9, $0x2;
	s10 =	sadd.s32 s7, s5  }
0xc: {  	s8 =	ssub.s32 s8, s29;
	s9 =	sadd.s32 s30, s2;
	s5 =	sor.u32 $0x1C05, s31  }
0xd: {  	s6 =	sadd.s32 $0x5E00, s6;
	s7 =	sadd.s32 $0x44600, s10;
	s21 =	sadd.s32 $0x94600, s10  }
0xe: {  	s8 =	smax.u32 s8, $0x1;
	s9 =	sshrl.u32 s9, $0x3;
	s10 =	simm.s32 $0x5  }
0xf: {  	s11 =	sadd.s32 $0x20, s6;
	s21 =	sadd.s32 s22, s21;
	s22 =	simm.s32 $0x0  }
.LBB2_1:
0x10: {  	[spmem:s9], [sflag:s5] =	dma.local [hbm:s4], $0x2800  }
0x11: {  	_ =	swait.ge [sflag:s10], $0x2800  }
0x12: {  	[sflag:s10] =	ssyncset.done $0x0  }
0x13: {  	[sflag:s10] =	ssyncadd.s32 $0xFFFFD800  }
0x14: {  	[bflag:$0x0] =	sbarrier.arrive $0xFFFF  }
0x15: {  	[tilespmem:s3], [sflag:$0x1] =	stream.linear.gather [hbm4b:s6+s3], $0x100, $0x38;
	[tilespmem:$0x1C200] =	vst v63  }
0x16: {  	_ = 	snop  }
0x17: {  	[tilespmem:s12], [sflag:$0x2] =	stream.linear.gather [hbm4b:s11+s3], $0x100, $0x38;
	[tilespmem:$0x1C200] =	vst v63  }
0x18: {  	_ =	swait.ge [sflag:s13], $0x100  }
0x19: {  	[sflag:s13] =	ssyncset.done $0x0  }
0x1a: {  	[sflag:s13] =	ssyncadd.s32 $0xFFFFFF00  }
0x1b: {  	[tilespmem:s15], [sflag:$0x3] =	stream.indirect.gather [hbm4b:s7+s14], $0x80, s3, s14, $0xb8;
	[tilespmem:$0x1C200] =	vst v63  }
0x1c: {  	_ =	swait.ge [sflag:s16], $0x100  }
0x1d: {  	[sflag:s16] =	ssyncset.done $0x0  }
0x1e: {  	[sflag:s16] =	ssyncadd.s32 $0xFFFFFF00  }
0x1f: {  	[tilespmem:s17], [sflag:$0x4] =	stream.indirect.gather [hbm4b:s7+s14], $0x80, s12, s14, $0xb8;
	[tilespmem:$0x1C200] =	vst v63  }
0x20: {  	_ =	swait.ge [sflag:s18], $0x4000  }
0x21: {  	[sflag:s18] =	ssyncset.done $0x0  }
0x22: {  	[sflag:s18] =	ssyncadd.s32 $0xFFFFC000  }
0x23: {  	[spmem:s2] =	stream.indirect.scatter.add.f32 [tilespmem:s15], [sflag:$0x5], $0x80, s14, s14, $0xb8;
	[tilespmem:$0x1C200] =	vst v63  }
0x24: {  	_ =	swait.ge [sflag:s10], $0x4000  }
0x25: {  	s23 =	sadd.s32 $0xFFFFEC40, s6;
	[sflag:s10] =	ssyncset.done $0x0  }
0x26: {  	s24 =	sadd.s32 $0x1400, s23;
	[sflag:s10] =	ssyncadd.s32 $0xFFFFC000  }
0x27: {  	[tilespmem:s3], [sflag:$0x1] =	stream.linear.gather [hbm4b:s24+s3], $0x100, $0x38;
	[tilespmem:$0x1C200] =	vst v63  }
0x28: {  	_ =	swait.ge [sflag:s19], $0x4000  }
0x29: {  	[sflag:s19] =	ssyncset.done $0x0  }
0x2a: {  	[sflag:s19] =	ssyncadd.s32 $0xFFFFC000  }
0x2b: {  	[spmem:s2] =	stream.indirect.scatter.add.f32 [tilespmem:s17], [sflag:$0x5], $0x80, s20, s14, $0xb8;
	[tilespmem:$0x1C200] =	vst v63  }
0x2c: {  	_ =	swait.ge [sflag:s10], $0x4000  }
0x2d: {  	[sflag:s10] =	ssyncset.done $0x0  }
0x2e: {  	s23 =	sadd.s32 $0x1420, s23;
	[sflag:s10] =	ssyncadd.s32 $0xFFFFC000  }
0x2f: {  	[tilespmem:s12], [sflag:$0x2] =	stream.linear.gather [hbm4b:s23+s3], $0x100, $0x38;
	[tilespmem:$0x1C200] =	vst v63  }
0x30: {  	_ =	swait.ge [sflag:s13], $0x100  }
0x31: {  	[sflag:s13] =	ssyncset.done $0x0  }
0x32: {  	[sflag:s13] =	ssyncadd.s32 $0xFFFFFF00  }
0x33: {  	[tilespmem:s15], [sflag:$0x3] =	stream.indirect.gather [hbm4b:s7+s14], $0x80, s3, s14, $0xb8;
	[tilespmem:$0x1C200] =	vst v63  }
0x34: {  	_ =	swait.ge [sflag:s16], $0x100  }
0x35: {  	[sflag:s16] =	ssyncset.done $0x0  }
0x36: {  	s23 =	simm.s32 $0xFFFFEC80;
	[sflag:s16] =	ssyncadd.s32 $0xFFFFFF00  }
.LBB2_2:
0x37: {  	[tilespmem:s17], [sflag:$0x4] =	stream.indirect.gather [hbm4b:s7+s14], $0x80, s12, s14, $0xb8;
	[tilespmem:$0x1C200] =	vst v63  }
0x38: {  	s24 =	smov.u32 s23  }
0x39: {  	p0 =	sne.s32 s23, $0xFFFFFFC0;
	s23 =	sadd.s32 $0x40, s23;
	_ =	swait.ge [sflag:s18], $0x4000  }
0x3a: {  	[sflag:s18] =	ssyncset.done $0x0  }
0x3b: {  	[sflag:s18] =	ssyncadd.s32 $0xFFFFC000  }
0x3c: {  	[spmem:s2] =	stream.indirect.scatter.add.f32 [tilespmem:s15], [sflag:$0x5], $0x80, s14, s14, $0xb8;
	[tilespmem:$0x1C200] =	vst v63  }
0x3d: {  	_ =	swait.ge [sflag:s10], $0x4000  }
0x3e: {  	s24 =	sadd.s32 s24, s6;
	[sflag:s10] =	ssyncset.done $0x0  }
0x3f: {  	s25 =	sadd.s32 $0x1400, s24;
	[sflag:s10] =	ssyncadd.s32 $0xFFFFC000  }
0x40: {  	[tilespmem:s3], [sflag:$0x1] =	stream.linear.gather [hbm4b:s25+s3], $0x100, $0x38;
	[tilespmem:$0x1C200] =	vst v63  }
0x41: {  	_ =	swait.ge [sflag:s19], $0x4000  }
0x42: {  	[sflag:s19] =	ssyncset.done $0x0  }
0x43: {  	[sflag:s19] =	ssyncadd.s32 $0xFFFFC000  }
0x44: {  	[spmem:s2] =	stream.indirect.scatter.add.f32 [tilespmem:s17], [sflag:$0x5], $0x80, s20, s14, $0xb8;
	[tilespmem:$0x1C200] =	vst v63  }
0x45: {  	_ =	swait.ge [sflag:s10], $0x4000  }
0x46: {  	[sflag:s10] =	ssyncset.done $0x0  }
0x47: {  	s24 =	sadd.s32 $0x1420, s24;
	[sflag:s10] =	ssyncadd.s32 $0xFFFFC000  }
0x48: {  	[tilespmem:s12], [sflag:$0x2] =	stream.linear.gather [hbm4b:s24+s3], $0x100, $0x38;
	[tilespmem:$0x1C200] =	vst v63  }
0x49: {  	_ =	swait.ge [sflag:s13], $0x100  }
0x4a: {  	[sflag:s13] =	ssyncset.done $0x0  }
.Ltmp0:
0x4b: {  	[sflag:s13] =	ssyncadd.s32 $0xFFFFFF00;
	(pc) =	sbr.rel @p0 .LBB2_2-.Ltmp0, $4  }
0x4c: {  	[tilespmem:s15], [sflag:$0x3] =	stream.indirect.gather [hbm4b:s7+s14], $0x80, s3, s14, $0xb8;
	[tilespmem:$0x1C200] =	vst v63  }
0x4d: {  	_ =	swait.ge [sflag:s16], $0x100  }
0x4e: {  	[sflag:s16] =	ssyncset.done $0x0  }
0x4f: {  	[sflag:s16] =	ssyncadd.s32 $0xFFFFFF00  }
0x50: {  	[tilespmem:s17], [sflag:$0x4] =	stream.indirect.gather [hbm4b:s7+s14], $0x80, s12, s14, $0xb8;
	[tilespmem:$0x1C200] =	vst v63  }
0x51: {  	_ =	swait.ge [sflag:s18], $0x4000  }
0x52: {  	[sflag:s18] =	ssyncset.done $0x0  }
0x53: {  	[sflag:s18] =	ssyncadd.s32 $0xFFFFC000  }
0x54: {  	[spmem:s2] =	stream.indirect.scatter.add.f32 [tilespmem:s15], [sflag:$0x5], $0x80, s14, s14, $0xb8;
	[tilespmem:$0x1C200] =	vst v63  }
0x55: {  	_ =	swait.ge [sflag:s10], $0x4000  }
0x56: {  	[sflag:s10] =	ssyncset.done $0x0  }
0x57: {  	[sflag:s10] =	ssyncadd.s32 $0xFFFFC000  }
0x58: {  	_ =	swait.ge [sflag:s19], $0x4000  }
0x59: {  	[sflag:s19] =	ssyncset.done $0x0  }
0x5a: {  	[sflag:s19] =	ssyncadd.s32 $0xFFFFC000  }
0x5b: {  	[spmem:s2] =	stream.indirect.scatter.add.f32 [tilespmem:s17], [sflag:$0x5], $0x80, s20, s14, $0xb8;
	[tilespmem:$0x1C200] =	vst v63  }
0x5c: {  	_ =	swait.ge [sflag:s10], $0x4000  }
0x5d: {  	s22 =	sadd.s32 $0x1, s22;
	[sflag:s10] =	ssyncset.done $0x0  }
0x5e: {  	p0 =	sne.s32 s22, s8;
	[sflag:s10] =	ssyncadd.s32 $0xFFFFC000  }
.Ltmp1:
0x5f: {  	[bflag:$0x0] =	sbarrier.arrive $0xFFFF;
	(pc) =	sbr.rel @p0 .LBB2_1-.Ltmp1, $4  }
0x60: {  	[hbm:s21], [sflag:s5] =	dma.local [spmem:s9], $0x2800  }
0x61: {  	_ =	swait.ge [sflag:s10], $0x2800  }
0x62: {  	[sflag:s10] =	ssyncset.done $0x0  }
0x63: {  	[sflag:s10] =	ssyncadd.s32 $0xFFFFD800  }
0x64: {  	_ =	sfence.sel $0x180000  }
0x65: {  	[bflag:$0x0] =	sbarrier.arrive $0xFFFF  }
0x66: {  	p0 =	sne.s32 s1, $0x0;
	_ =	strace $0x90000059  }
0x67: {  	s0 =	sadd.s32 @!p0 $0x100000, s0;
	[bflag:$0x2] =	sbarrier.arrive $0xFFFF  }
0x68: {  	[sflag:s0] =	ssyncadd.tile.s32 @!p0 $0x1;
	_ =	shalt  }
.Lfunc_end2:
_tile_overlayer_lowered:
.L_overlay_start_2:
0x69: {  	(tag) =	ssettag $0x2  }
0x6a: {  	s0 =	rddreg [dreg:$0x0];
	s2 =	stileid.u32  }
0x6b: {  	s1 =	rddreg [dreg:$0x1];
	p0 =	sne.s32 s2, $0x0  }
0x6c: {  	s3 =	rddreg [dreg:$0x2];
	[bflag:$0x3] =	sbarrier.arrive $0xFFFF;
	s2 =	simm.s32 @!p0 $0x1C05  }
0x6d: {  	[timem:s3], [sflag:s2] =	dma.local @!p0 [hbm:s0], s1  }
0x6e: {  	s0 =	simm.s32 @!p0 $0x5  }
0x6f: {  	_ =	swait.ge @!p0 [sflag:s0], s1  }
0x70: {  	s1 =	ssub.s32 @!p0 $0x0, s1;
	[sflag:s0] =	ssyncset.done @!p0 $0x0  }
0x71: {  	[sflag:s0] =	ssyncadd.s32 @!p0 s1  }
0x72: {  	[bflag:$0x3] =	sbarrier.arrive $0xFFFF  }
0x73: {  	_ =	shalt  }

</sc_bundles>
